<compile_context>
chip_gen: v7x
topology: tpu7x:2x2x1
jax: 0.10.2.dev20260603
libtpu: 0.0.44.dev20260713+nightly
codegen_flags: <defaults>
</compile_context>

<pallas_src>
import jax
import jax.numpy as jnp
from jax import lax
from jax.experimental import pallas as pl
from jax.experimental.pallas import tpu as pltpu
from jax.experimental.pallas import tpu_sc as plsc

N = 10000
E = 320000
D_IN = 128
HID = 256
N_PAD = 10240
BLK = 1024

NC = 2
NS = 16
NW = NC * NS
EPW = E // NW
EB = 128
PADW = 10240
NB = PADW // EB
EB2 = 80
PADW2 = 10080
NB2 = PADW2 // EB2
BPS = 6
SB = NB2 // BPS
RPT = N_PAD // NS


def _mesh():
    return plsc.VectorSubcoreMesh(core_axis_name="c", subcore_axis_name="s")


_Z16 = lambda: jnp.zeros((16,), jnp.float32)

_GDN = lax.GatherDimensionNumbers(offset_dims=(), collapsed_slice_dims=(0,),
                                  start_index_map=(0,))


def _splat(w16, j):
    idx = jnp.full((16, 1), j, jnp.int32)
    return lax.gather(w16, idx, _GDN, slice_sizes=(1,),
                      mode=lax.GatherScatterMode.PROMISE_IN_BOUNDS)


def _dense_body(x_ref, wlinT_ref, blin_ref, wc0T_ref, wmlp_ref, bmlp_ref,
                dis_ref, g1_ref, mlp_ref):
    xl = jnp.dot(x_ref[...], wlinT_ref[...],
                 preferred_element_type=jnp.float32) + blin_ref[...]
    g1_ref[...] = dis_ref[...] * jnp.dot(xl, wc0T_ref[...],
                                         preferred_element_type=jnp.float32)
    mlp_ref[...] = jnp.sum(xl * wmlp_ref[...], axis=1, keepdims=True) \
        + bmlp_ref[...]


def _dense(x_pad, W_linT, b_lin2, W_c0T, w_mlp2, b_mlp2, dis2):
    return pl.pallas_call(
        _dense_body,
        grid=(N_PAD // BLK,),
        in_specs=[
            pl.BlockSpec((BLK, D_IN), lambda i: (i, 0)),
            pl.BlockSpec((D_IN, HID), lambda i: (0, 0)),
            pl.BlockSpec((1, HID), lambda i: (0, 0)),
            pl.BlockSpec((HID, D_IN), lambda i: (0, 0)),
            pl.BlockSpec((1, HID), lambda i: (0, 0)),
            pl.BlockSpec((1, 1), lambda i: (0, 0)),
            pl.BlockSpec((BLK, 1), lambda i: (i, 0)),
        ],
        out_specs=[
            pl.BlockSpec((BLK, D_IN), lambda i: (i, 0)),
            pl.BlockSpec((BLK, 1), lambda i: (i, 0)),
        ],
        out_shape=[
            jax.ShapeDtypeStruct((N_PAD, D_IN), jnp.float32),
            jax.ShapeDtypeStruct((N_PAD, 1), jnp.float32),
        ],
    )(x_pad, W_linT, b_lin2, W_c0T, w_mlp2, b_mlp2, dis2)


def _ew_body(xr_ref, m_ref, out_ref):
    out_ref[...] = jnp.dot(xr_ref[...], m_ref[...],
                           preferred_element_type=jnp.float32)


def _edge_mean(ef_rows, m):
    rows = ef_rows.shape[0]
    blk = rows // 8
    return pl.pallas_call(
        _ew_body,
        grid=(8,),
        in_specs=[
            pl.BlockSpec((blk, 128), lambda i: (i, 0)),
            pl.BlockSpec((128, 8), lambda i: (0, 0)),
        ],
        out_specs=pl.BlockSpec((blk, 8), lambda i: (i, 0)),
        out_shape=jax.ShapeDtypeStruct((rows, 8), jnp.float32),
    )(ef_rows, m)


def _post1_body(accp_ref, g1_ref, dis_ref, bc0_ref, wc1_ref, g2_ref):
    acc = accp_ref[0] + accp_ref[1]
    disb = dis_ref[...]
    xc1 = jnp.maximum(disb * (acc + g1_ref[...]) + bc0_ref[...], 0.0)
    h2 = jnp.sum(xc1 * wc1_ref[...], axis=1, keepdims=True)
    g2_ref[...] = disb * h2


def _post1(accp, h1, dis2, bc0, wc1):
    return pl.pallas_call(
        _post1_body,
        grid=(N_PAD // BLK,),
        in_specs=[
            pl.BlockSpec((NC, BLK, D_IN), lambda i: (0, i, 0)),
            pl.BlockSpec((BLK, D_IN), lambda i: (i, 0)),
            pl.BlockSpec((BLK, 1), lambda i: (i, 0)),
            pl.BlockSpec((1, D_IN), lambda i: (0, 0)),
            pl.BlockSpec((1, D_IN), lambda i: (0, 0)),
        ],
        out_specs=pl.BlockSpec((BLK, 1), lambda i: (i, 0)),
        out_shape=jax.ShapeDtypeStruct((N_PAD, 1), jnp.float32),
    )(accp, h1, dis2, bc0, wc1)


def _final_body(acc2p_ref, g2_ref, dis_ref, mlp_ref, bc1_ref, out_ref):
    a = acc2p_ref[0] + acc2p_ref[1]
    disb = dis_ref[...]
    xc2 = jnp.maximum(disb * (a + g2_ref[...]) + bc1_ref[...], 0.0)
    out_ref[...] = xc2 + mlp_ref[...]


def _final(acc2p3, g2, dis2, mlp, bc1):
    return pl.pallas_call(
        _final_body,
        grid=(N_PAD // BLK,),
        in_specs=[
            pl.BlockSpec((NC, BLK, 1), lambda i: (0, i, 0)),
            pl.BlockSpec((BLK, 1), lambda i: (i, 0)),
            pl.BlockSpec((BLK, 1), lambda i: (i, 0)),
            pl.BlockSpec((BLK, 1), lambda i: (i, 0)),
            pl.BlockSpec((1, 1), lambda i: (0, 0)),
        ],
        out_specs=pl.BlockSpec((BLK, 1), lambda i: (i, 0)),
        out_shape=jax.ShapeDtypeStruct((N_PAD, 1), jnp.float32),
    )(acc2p3, g2, dis2, mlp, bc1)


def _sc_deg_body(dst_hbm, ew_hbm, out_hbm, acc_sh, zbuf, dstv, ewv, sems):
    c = lax.axis_index("c")
    s = lax.axis_index("s")
    wid = c * NS + s

    def zero_body(i, carry):
        zbuf[pl.ds(i * 16, 16)] = _Z16()
        return carry

    lax.fori_loop(0, RPT // 16, zero_body, None)
    pltpu.sync_copy(zbuf, acc_sh.at[pl.ds(s * RPT, RPT)])
    plsc.subcore_barrier()

    pltpu.sync_copy(dst_hbm.at[wid], dstv)
    pltpu.sync_copy(ew_hbm.at[wid], ewv)

    def fire_body(b, carry):
        pltpu.async_copy(ewv.at[b], acc_sh.at[dstv.at[b]], sems, add=True)
        return carry

    lax.fori_loop(0, NB, fire_body, None)

    def drain_body(b, carry):
        pltpu.make_async_copy(ewv.at[b], acc_sh.at[dstv.at[b]], sems).wait()
        return carry

    lax.fori_loop(0, NB, drain_body, None)
    plsc.subcore_barrier()
    pltpu.sync_copy(acc_sh.at[pl.ds(s * RPT, RPT)],
                    out_hbm.at[c, pl.ds(s * RPT, RPT)])


def _sc_deg(dst3, ew3):
    f = pl.kernel(
        _sc_deg_body,
        out_type=jax.ShapeDtypeStruct((NC, N_PAD), jnp.float32),
        mesh=_mesh(),
        scratch_types=[
            pltpu.VMEM_SHARED((N_PAD,), jnp.float32),
            pltpu.VMEM((RPT,), jnp.float32),
            pltpu.VMEM((NB, EB), jnp.int32),
            pltpu.VMEM((NB, EB), jnp.float32),
            pltpu.SemaphoreType.DMA,
        ],
    )
    return f(dst3, ew3)


def _scale_rows(buf, ewv, b):

    def group_body(gi, carry):
        sl = pl.ds(gi * 16, 16)
        w16 = ewv[b, sl]
        for j in range(16):
            wj = _splat(w16, j)
            e = gi * 16 + j
            for q in range(D_IN // 16):
                qs = pl.ds(q * 16, 16)
                buf[e, qs] = buf[e, qs] * wj
        return carry

    lax.fori_loop(0, EB2 // 16, group_body, None)


def _sc_l1_body(g1_hbm, src_hbm, dst_hbm, ew_hbm, out_hbm,
                acc_sh, srcv, dstv, ewv, buf0, buf1, sem0, sem1):
    c = lax.axis_index("c")
    s = lax.axis_index("s")
    wid = c * NS + s

    def zero_body(i, carry):
        for q in range(D_IN // 16):
            buf0[i, pl.ds(q * 16, 16)] = _Z16()
        return carry

    lax.fori_loop(0, EB2, zero_body, None)
    for kk in range(RPT // EB2):
        pltpu.sync_copy(buf0, acc_sh.at[pl.ds(s * RPT + kk * EB2, EB2)])
    plsc.subcore_barrier()

    dummy = g1_hbm.at[pl.ds(0, EB2)]

    def super_body(sb, carry):
        pltpu.sync_copy(src_hbm.at[wid, sb], srcv)
        pltpu.sync_copy(dst_hbm.at[wid, sb], dstv)
        pltpu.sync_copy(ew_hbm.at[wid, sb], ewv)
        pltpu.async_copy(g1_hbm.at[srcv.at[0]], buf0, sem0)

        def pair_body(k, carry1):
            b0 = 2 * k
            b1 = b0 + 1
            pltpu.async_copy(g1_hbm.at[srcv.at[b1]], buf1, sem1)
            pltpu.make_async_copy(dummy, buf0, sem0).wait()
            _scale_rows(buf0, ewv, b0)
            pltpu.sync_copy(buf0, acc_sh.at[dstv.at[b0]], add=True)

            @pl.when(k < BPS // 2 - 1)
            def _():
                pltpu.async_copy(g1_hbm.at[srcv.at[b0 + 2]], buf0, sem0)

            pltpu.make_async_copy(dummy, buf1, sem1).wait()
            _scale_rows(buf1, ewv, b1)
            pltpu.sync_copy(buf1, acc_sh.at[dstv.at[b1]], add=True)
            return carry1

        lax.fori_loop(0, BPS // 2, pair_body, None)
        return carry

    lax.fori_loop(0, SB, super_body, None)
    plsc.subcore_barrier()
    pltpu.sync_copy(acc_sh.at[pl.ds(s * RPT, RPT)],
                    out_hbm.at[c, pl.ds(s * RPT, RPT)])


def _sc_l1(g1, src4, dst4, ew4):
    f = pl.kernel(
        _sc_l1_body,
        out_type=jax.ShapeDtypeStruct((NC, N_PAD, D_IN), jnp.float32),
        mesh=_mesh(),
        scratch_types=[
            pltpu.VMEM_SHARED((N_PAD, D_IN), jnp.float32),
            pltpu.VMEM((BPS, EB2), jnp.int32),
            pltpu.VMEM((BPS, EB2), jnp.int32),
            pltpu.VMEM((BPS, EB2), jnp.float32),
            pltpu.VMEM((EB2, D_IN), jnp.float32),
            pltpu.VMEM((EB2, D_IN), jnp.float32),
            pltpu.SemaphoreType.DMA,
            pltpu.SemaphoreType.DMA,
        ],
    )
    return f(g1, src4, dst4, ew4)


def _sc_l2_body(g2_hbm, src_hbm, dst_hbm, ew_hbm, out_hbm,
                acc_sh, zbuf, srcv, dstv, ewv, gvals, valv, semg, sems):
    c = lax.axis_index("c")
    s = lax.axis_index("s")
    wid = c * NS + s

    def zero_body(i, carry):
        zbuf[pl.ds(i * 16, 16)] = _Z16()
        return carry

    lax.fori_loop(0, RPT // 16, zero_body, None)
    pltpu.sync_copy(zbuf, acc_sh.at[pl.ds(s * RPT, RPT)])
    plsc.subcore_barrier()

    pltpu.sync_copy(src_hbm.at[wid], srcv)
    pltpu.sync_copy(dst_hbm.at[wid], dstv)
    pltpu.sync_copy(ew_hbm.at[wid], ewv)

    def fire_g(b, carry):
        pltpu.async_copy(g2_hbm.at[srcv.at[b]], gvals.at[b], semg)
        return carry

    lax.fori_loop(0, NB, fire_g, None)

    def drain_g(b, carry):
        pltpu.make_async_copy(g2_hbm.at[srcv.at[b]], gvals.at[b], semg).wait()
        return carry

    lax.fori_loop(0, NB, drain_g, None)

    def scale_b(b, carry):
        for q in range(EB // 16):
            sl = pl.ds(q * 16, 16)
            valv[b, sl] = gvals[b, sl] * ewv[b, sl]
        return carry

    lax.fori_loop(0, NB, scale_b, None)

    def fire_s(b, carry):
        pltpu.async_copy(valv.at[b], acc_sh.at[dstv.at[b]], sems, add=True)
        return carry

    lax.fori_loop(0, NB, fire_s, None)

    def drain_s(b, carry):
        pltpu.make_async_copy(valv.at[b], acc_sh.at[dstv.at[b]], sems).wait()
        return carry

    lax.fori_loop(0, NB, drain_s, None)
    plsc.subcore_barrier()
    pltpu.sync_copy(acc_sh.at[pl.ds(s * RPT, RPT)],
                    out_hbm.at[c, pl.ds(s * RPT, RPT)])


def _sc_l2(g2, src3, dst3, ew3):
    f = pl.kernel(
        _sc_l2_body,
        out_type=jax.ShapeDtypeStruct((NC, N_PAD), jnp.float32),
        mesh=_mesh(),
        scratch_types=[
            pltpu.VMEM_SHARED((N_PAD,), jnp.float32),
            pltpu.VMEM((RPT,), jnp.float32),
            pltpu.VMEM((NB, EB), jnp.int32),
            pltpu.VMEM((NB, EB), jnp.int32),
            pltpu.VMEM((NB, EB), jnp.float32),
            pltpu.VMEM((NB, EB), jnp.float32),
            pltpu.VMEM((NB, EB), jnp.float32),
            pltpu.SemaphoreType.DMA,
            pltpu.SemaphoreType.DMA,
        ],
    )
    return f(g2, src3, dst3, ew3)


def kernel(x, edge_index, edge_feature, W_lin, b_lin, W_c0, b_c0, W_c1, b_c1,
           W_m0, b_m0, W_m1, b_m1):
    src_w = edge_index[0].reshape(NW, EPW)
    dst_w = edge_index[1].reshape(NW, EPW)

    m = jnp.kron(jnp.eye(8, dtype=jnp.float32),
                 jnp.full((16, 1), 1.0 / 16, jnp.float32))
    ew_w = _edge_mean(edge_feature.reshape(E // 8, 128), m).reshape(NW, EPW)

    def _padded(a, pad_to, fill):
        fills = jnp.full((NW, pad_to - EPW), fill, a.dtype)
        return jnp.concatenate([a, fills], axis=1)

    src3 = _padded(src_w, PADW, N).reshape(NW, NB, EB)
    dst3 = _padded(dst_w, PADW, N).reshape(NW, NB, EB)
    ew3 = _padded(ew_w, PADW, 0).reshape(NW, NB, EB)
    src4 = _padded(src_w, PADW2, N).reshape(NW, SB, BPS, EB2)
    dst4 = _padded(dst_w, PADW2, N).reshape(NW, SB, BPS, EB2)
    ew4 = _padded(ew_w, PADW2, 0).reshape(NW, SB, BPS, EB2)

    w_mlp = (W_m1 @ W_m0)[0]
    b_mlp = (b_m1 + W_m1 @ b_m0)[0]

    degp = _sc_deg(dst3, ew3)
    dis = lax.rsqrt(degp[0] + degp[1] + 1.0)
    dis2 = dis[:, None]

    x_pad = jnp.pad(x, ((0, N_PAD - N), (0, 0)))
    g1, mlp = _dense(x_pad, W_lin.T, b_lin[None, :], W_c0.T,
                     w_mlp[None, :], b_mlp[None, None], dis2)

    acc1p = _sc_l1(g1, src4, dst4, ew4)
    g2 = _post1(acc1p, g1, dis2, b_c0[None, :], W_c1)

    acc2p = _sc_l2(g2.reshape(N_PAD), src3, dst3, ew3)

    out = _final(acc2p.reshape(NC, N_PAD, 1), g2, dis2, mlp,
                 b_c1[None, :])
    return out[:N, 0]

# --- scband reference (transcript-rebuilt; emitter-appended) ---
"""Pipeline reference for scband-tssnode-regressor-38096359916187 (READ-ONLY COPY).

The authoritative reference and input builder live on the scoring server;
editing this copy changes nothing except your own understanding.
"""

import jax, jax.numpy as jnp
import numpy as np

N = 10000
E = 320000
D_IN = 128
HID = 256
OUT = 1
D_EDGE = 16


def setup_inputs(seed: int = 0) -> dict:
    key = jax.random.key(seed)
    ks = jax.random.split(key, 16)
    x = jax.random.normal(ks[0], (N, D_IN), dtype=jnp.float32)
    edge_index = jax.random.randint(ks[1], (2, E), 0, N)
    edge_feature = jax.random.uniform(ks[2], (E, D_EDGE), dtype=jnp.float32)
    # learned parameters (torch Linear convention: W is [out, in])
    W_lin = jax.random.normal(ks[3], (HID, D_IN), dtype=jnp.float32) * 0.05
    b_lin = jnp.zeros((HID,), dtype=jnp.float32)
    W_c0 = jax.random.normal(ks[4], (HID // 2, HID), dtype=jnp.float32) * 0.05
    b_c0 = jnp.zeros((HID // 2,), dtype=jnp.float32)
    W_c1 = jax.random.normal(ks[5], (OUT, HID // 2), dtype=jnp.float32) * 0.05
    b_c1 = jnp.zeros((OUT,), dtype=jnp.float32)
    W_m0 = jax.random.normal(ks[6], (HID // 2, HID), dtype=jnp.float32) * 0.05
    b_m0 = jnp.zeros((HID // 2,), dtype=jnp.float32)
    W_m1 = jax.random.normal(ks[7], (OUT, HID // 2), dtype=jnp.float32) * 0.05
    b_m1 = jnp.zeros((OUT,), dtype=jnp.float32)
    return {"x": x, "edge_index": edge_index, "edge_feature": edge_feature,
            "W_lin": W_lin, "b_lin": b_lin, "W_c0": W_c0, "b_c0": b_c0,
            "W_c1": W_c1, "b_c1": b_c1, "W_m0": W_m0, "b_m0": b_m0,
            "W_m1": W_m1, "b_m1": b_m1}


def gcn_layer(x, W, b, src, dst, ew, n):
    # PyG GCNConv: h = x @ W^T; gcn_norm with added self-loops (weight 1);
    # out[dst] += norm * h[src]; out += bias
    h = x @ W.T
    loop = jnp.arange(n, dtype=src.dtype)
    s = jnp.concatenate([src, loop])
    d = jnp.concatenate([dst, loop])
    w = jnp.concatenate([ew, jnp.ones((n,), dtype=ew.dtype)])
    deg = jnp.zeros((n,), dtype=h.dtype).at[d].add(w)
    dis = jnp.where(deg > 0, deg ** -0.5, 0.0)
    norm = dis[s] * w * dis[d]
    out = jnp.zeros((n, h.shape[1]), dtype=h.dtype).at[d].add(norm[:, None] * h[s])
    return out + b


def reference(x, edge_index, edge_feature, W_lin, b_lin, W_c0, b_c0, W_c1, b_c1, W_m0, b_m0, W_m1, b_m1):
    # edge_feature_dim != 1 -> edge_weight = edge_feature.mean(dim=1)
    ew = edge_feature.mean(axis=1)
    src = edge_index[0]
    dst = edge_index[1]
    x_linear = x @ W_lin.T + b_lin
    # conv branch (dropout_rate=0 -> identity)
    x_conv = gcn_layer(x_linear, W_c0, b_c0, src, dst, ew, N)
    x_conv = jax.nn.relu(x_conv)
    x_conv = gcn_layer(x_conv, W_c1, b_c1, src, dst, ew, N)
    x_conv = jax.nn.relu(x_conv)
    # mlp branch
    x_mlp = x_linear @ W_m0.T + b_m0
    x_mlp = x_mlp @ W_m1.T + b_m1
    out = x_conv + x_mlp
    return jnp.squeeze(out, axis=1)

if __name__ == "__main__":
    import jax
    _d = setup_inputs()
    print(jax.jit(kernel)(*tuple(_d.values())))

</pallas_src>

<mosaic_0001>
#map = affine_map<(d0, d1) -> (0, 0, 0)>
#map1 = affine_map<(d0, d1) -> (0, 0)>
module attributes {stable_mosaic.version = 14 : i64} {
  func.func @_sc_deg_body(%arg0: i32, %arg1: i32, %arg2: memref<32x80x128xi32, #tpu.memory_space<hbm>>, %arg3: memref<32x80x128xf32, #tpu.memory_space<hbm>>, %arg4: memref<2x10240xf32, #tpu.memory_space<hbm>>, %arg5: memref<10240xf32, #tpu.memory_space<vmem_shared>>, %arg6: memref<640xf32, #tpu.memory_space<vmem>>, %arg7: memref<80x128xi32, #tpu.memory_space<vmem>>, %arg8: memref<80x128xf32, #tpu.memory_space<vmem>>, %arg9: memref<!tpu.dma_semaphore, #tpu.memory_space<semaphore_mem>>) attributes {dimension_semantics = [#tpu.dimension_semantics<core_parallel>, #tpu.dimension_semantics<subcore_parallel>], iteration_bounds = array<i64: 2, 16>, scalar_prefetch = 0 : i64, scratch_operands = 5 : i64, tpu.core_type = #tpu.core_type<sc_vector_subcore>, window_params = [{transform_indices = #map}, {transform_indices = #map}, {transform_indices = #map1}]} {
    %mul3A = arith.constant 16 : i32
    %mul3A_0 = arith.muli %arg0, %mul3A : i32
    %add3A = arith.addi %mul3A_0, %arg1 : i32
    %scan3A = arith.constant 0 : i32
    %scan3A_1 = arith.constant 40 : i32
    %scan3A_2 = arith.addi %scan3A, %scan3A_1 : i32
    %scan3A_3 = arith.constant 1 : i32
    scf.for %scan3A_22 = %scan3A to %scan3A_2 step %scan3A_3  : i32 {
      %broadcast_in_dim3A = arith.constant 0.000000e+00 : f32
      %broadcast_in_dim3A_23 = vector.broadcast %broadcast_in_dim3A : f32 to vector<16xf32>
      %mul3A_24 = arith.constant 16 : i32
      %mul3A_25 = arith.muli %scan3A_22, %mul3A_24 : i32
      %swap3A = arith.index_cast %mul3A_25 : i32 to index
      %swap3A_26 = tpu.vector_load %arg6[%swap3A] {strides = array<i32>} : memref<640xf32, #tpu.memory_space<vmem>>, vector<16xf32>,
      %swap3A_27 = vector.shape_cast %swap3A_26 : vector<16xf32> to vector<16xf32>
      %swap3A_28 = vector.shape_cast %broadcast_in_dim3A_23 : vector<16xf32> to vector<16xf32>
      tpu.vector_store %arg6[%swap3A], %swap3A_28 {strides = array<i32>} : memref<640xf32, #tpu.memory_space<vmem>>, vector<16xf32>,
    }
    %scan3A_4 = arith.constant 40 : i32
    %mul3A_5 = arith.constant 640 : i32
    %mul3A_6 = arith.muli %arg1, %mul3A_5 : i32
    "tpu.region"() ({
      %run_scoped3A = tpu.sem_alloc : memref<!tpu.dma_semaphore, #tpu.memory_space<semaphore_mem>>
      %dma_start3A = tpu.memref_slice %arg5[%mul3A_6] : memref<10240xf32, #tpu.memory_space<vmem_shared>> -> memref<640xf32, #tpu.memory_space<vmem_shared>>
      %dma_start3A_22 = tpu.memref_slice %arg5[%mul3A_6] : memref<10240xf32, #tpu.memory_space<vmem_shared>> -> memref<640xf32, #tpu.memory_space<vmem_shared>>
      tpu.enqueue_dma source(%arg6 : memref<640xf32, #tpu.memory_space<vmem>>) target(%dma_start3A_22 : memref<640xf32, #tpu.memory_space<vmem_shared>>) target_semaphore(%run_scoped3A : memref<!tpu.dma_semaphore, #tpu.memory_space<semaphore_mem>>)
      %dma_wait3A = tpu.memref_slice %arg5[%mul3A_6] : memref<10240xf32, #tpu.memory_space<vmem_shared>> -> memref<640xf32, #tpu.memory_space<vmem_shared>>
      %dma_wait3A_23 = tpu.memref_slice %arg5[%mul3A_6] : memref<10240xf32, #tpu.memory_space<vmem_shared>> -> memref<640xf32, #tpu.memory_space<vmem_shared>>
      tpu.wait_dma2 semaphore(%run_scoped3A : memref<!tpu.dma_semaphore, #tpu.memory_space<semaphore_mem>>) src(%arg6 : memref<640xf32, #tpu.memory_space<vmem>>) dst(%dma_wait3A_23 : memref<640xf32, #tpu.memory_space<vmem_shared>>)
      tpu.yield
    }) : () -> ()
    %barrier3A = arith.constant 0 : index
    tpu.barrier barrier_id(%barrier3A)
    "tpu.region"() ({
      %run_scoped3A = tpu.sem_alloc : memref<!tpu.dma_semaphore, #tpu.memory_space<semaphore_mem>>
      %dma_start3A = arith.constant 0 : i32
      %dma_start3A_22 = arith.constant 0 : i32
      %dma_start3A_23 = tpu.memref_slice %arg2[%add3A, %dma_start3A, %dma_start3A_22] : memref<32x80x128xi32, #tpu.memory_space<hbm>> -> memref<1x80x128xi32, #tpu.memory_space<hbm>>
      %dma_start3A_24 = tpu.memref_squeeze %dma_start3A_23 : memref<1x80x128xi32, #tpu.memory_space<hbm>> -> memref<80x128xi32, #tpu.memory_space<hbm>>
      %dma_start3A_25 = arith.constant 0 : i32
      %dma_start3A_26 = arith.constant 0 : i32
      %dma_start3A_27 = tpu.memref_slice %arg2[%add3A, %dma_start3A_25, %dma_start3A_26] : memref<32x80x128xi32, #tpu.memory_space<hbm>> -> memref<1x80x128xi32, #tpu.memory_space<hbm>>
      %dma_start3A_28 = tpu.memref_squeeze %dma_start3A_27 : memref<1x80x128xi32, #tpu.memory_space<hbm>> -> memref<80x128xi32, #tpu.memory_space<hbm>>
      tpu.enqueue_dma source(%dma_start3A_28 : memref<80x128xi32, #tpu.memory_space<hbm>>) target(%arg7 : memref<80x128xi32, #tpu.memory_space<vmem>>) target_semaphore(%run_scoped3A : memref<!tpu.dma_semaphore, #tpu.memory_space<semaphore_mem>>)
      %dma_wait3A = arith.constant 0 : i32
      %dma_wait3A_29 = arith.constant 0 : i32
      %dma_wait3A_30 = tpu.memref_slice %arg2[%add3A, %dma_wait3A, %dma_wait3A_29] : memref<32x80x128xi32, #tpu.memory_space<hbm>> -> memref<1x80x128xi32, #tpu.memory_space<hbm>>
      %dma_wait3A_31 = tpu.memref_squeeze %dma_wait3A_30 : memref<1x80x128xi32, #tpu.memory_space<hbm>> -> memref<80x128xi32, #tpu.memory_space<hbm>>
      %dma_wait3A_32 = arith.constant 0 : i32
      %dma_wait3A_33 = arith.constant 0 : i32
      %dma_wait3A_34 = tpu.memref_slice %arg2[%add3A, %dma_wait3A_32, %dma_wait3A_33] : memref<32x80x128xi32, #tpu.memory_space<hbm>> -> memref<1x80x128xi32, #tpu.memory_space<hbm>>
      %dma_wait3A_35 = tpu.memref_squeeze %dma_wait3A_34 : memref<1x80x128xi32, #tpu.memory_space<hbm>> -> memref<80x128xi32, #tpu.memory_space<hbm>>
      tpu.wait_dma2 semaphore(%run_scoped3A : memref<!tpu.dma_semaphore, #tpu.memory_space<semaphore_mem>>) src(%dma_wait3A_35 : memref<80x128xi32, #tpu.memory_space<hbm>>) dst(%arg7 : memref<80x128xi32, #tpu.memory_space<vmem>>)
      tpu.yield
    }) : () -> ()
    "tpu.region"() ({
      %run_scoped3A = tpu.sem_alloc : memref<!tpu.dma_semaphore, #tpu.memory_space<semaphore_mem>>
      %dma_start3A = arith.constant 0 : i32
      %dma_start3A_22 = arith.constant 0 : i32
      %dma_start3A_23 = tpu.memref_slice %arg3[%add3A, %dma_start3A, %dma_start3A_22] : memref<32x80x128xf32, #tpu.memory_space<hbm>> -> memref<1x80x128xf32, #tpu.memory_space<hbm>>
      %dma_start3A_24 = tpu.memref_squeeze %dma_start3A_23 : memref<1x80x128xf32, #tpu.memory_space<hbm>> -> memref<80x128xf32, #tpu.memory_space<hbm>>
      %dma_start3A_25 = arith.constant 0 : i32
      %dma_start3A_26 = arith.constant 0 : i32
      %dma_start3A_27 = tpu.memref_slice %arg3[%add3A, %dma_start3A_25, %dma_start3A_26] : memref<32x80x128xf32, #tpu.memory_space<hbm>> -> memref<1x80x128xf32, #tpu.memory_space<hbm>>
      %dma_start3A_28 = tpu.memref_squeeze %dma_start3A_27 : memref<1x80x128xf32, #tpu.memory_space<hbm>> -> memref<80x128xf32, #tpu.memory_space<hbm>>
      tpu.enqueue_dma source(%dma_start3A_28 : memref<80x128xf32, #tpu.memory_space<hbm>>) target(%arg8 : memref<80x128xf32, #tpu.memory_space<vmem>>) target_semaphore(%run_scoped3A : memref<!tpu.dma_semaphore, #tpu.memory_space<semaphore_mem>>)
      %dma_wait3A = arith.constant 0 : i32
      %dma_wait3A_29 = arith.constant 0 : i32
      %dma_wait3A_30 = tpu.memref_slice %arg3[%add3A, %dma_wait3A, %dma_wait3A_29] : memref<32x80x128xf32, #tpu.memory_space<hbm>> -> memref<1x80x128xf32, #tpu.memory_space<hbm>>
      %dma_wait3A_31 = tpu.memref_squeeze %dma_wait3A_30 : memref<1x80x128xf32, #tpu.memory_space<hbm>> -> memref<80x128xf32, #tpu.memory_space<hbm>>
      %dma_wait3A_32 = arith.constant 0 : i32
      %dma_wait3A_33 = arith.constant 0 : i32
      %dma_wait3A_34 = tpu.memref_slice %arg3[%add3A, %dma_wait3A_32, %dma_wait3A_33] : memref<32x80x128xf32, #tpu.memory_space<hbm>> -> memref<1x80x128xf32, #tpu.memory_space<hbm>>
      %dma_wait3A_35 = tpu.memref_squeeze %dma_wait3A_34 : memref<1x80x128xf32, #tpu.memory_space<hbm>> -> memref<80x128xf32, #tpu.memory_space<hbm>>
      tpu.wait_dma2 semaphore(%run_scoped3A : memref<!tpu.dma_semaphore, #tpu.memory_space<semaphore_mem>>) src(%dma_wait3A_35 : memref<80x128xf32, #tpu.memory_space<hbm>>) dst(%arg8 : memref<80x128xf32, #tpu.memory_space<vmem>>)
      tpu.yield
    }) : () -> ()
    %scan3A_7 = arith.constant 0 : i32
    %scan3A_8 = arith.constant 80 : i32
    %scan3A_9 = arith.addi %scan3A_7, %scan3A_8 : i32
    %scan3A_10 = arith.constant 1 : i32
    scf.for %scan3A_22 = %scan3A_7 to %scan3A_9 step %scan3A_10  : i32 {
      %dma_start3A = arith.constant 0 : i32
      %dma_start3A_23 = tpu.memref_slice %arg8[%scan3A_22, %dma_start3A] : memref<80x128xf32, #tpu.memory_space<vmem>> -> memref<1x128xf32, #tpu.memory_space<vmem>>
      %dma_start3A_24 = tpu.memref_squeeze %dma_start3A_23 : memref<1x128xf32, #tpu.memory_space<vmem>> -> memref<128xf32, #tpu.memory_space<vmem>>
      %dma_start3A_25 = arith.constant 0 : i32
      %dma_start3A_26 = tpu.memref_slice %arg7[%scan3A_22, %dma_start3A_25] : memref<80x128xi32, #tpu.memory_space<vmem>> -> memref<1x128xi32, #tpu.memory_space<vmem>>
      %dma_start3A_27 = tpu.memref_squeeze %dma_start3A_26 : memref<1x128xi32, #tpu.memory_space<vmem>> -> memref<128xi32, #tpu.memory_space<vmem>>
      %dma_start3A_28 = arith.constant 0 : i32
      %dma_start3A_29 = tpu.memref_slice %arg5[%dma_start3A_28] : memref<10240xf32, #tpu.memory_space<vmem_shared>> -> memref<10240xf32, #tpu.memory_space<vmem_shared>>
      tpu.enqueue_indirect_dma source(%dma_start3A_24 : memref<128xf32, #tpu.memory_space<vmem>>) target(%dma_start3A_29 : memref<10240xf32, #tpu.memory_space<vmem_shared>>) offsets(%dma_start3A_27 : memref<128xi32, #tpu.memory_space<vmem>>) semaphore(%arg9 : memref<!tpu.dma_semaphore, #tpu.memory_space<semaphore_mem>>) {add = true}
    }
    %scan3A_11 = arith.constant 80 : i32
    %scan3A_12 = arith.constant 0 : i32
    %scan3A_13 = arith.constant 80 : i32
    %scan3A_14 = arith.addi %scan3A_12, %scan3A_13 : i32
    %scan3A_15 = arith.constant 1 : i32
    scf.for %scan3A_22 = %scan3A_12 to %scan3A_14 step %scan3A_15  : i32 {
      %dma_wait3A = arith.constant 0 : i32
      %dma_wait3A_23 = tpu.memref_slice %arg8[%scan3A_22, %dma_wait3A] : memref<80x128xf32, #tpu.memory_space<vmem>> -> memref<1x128xf32, #tpu.memory_space<vmem>>
      %dma_wait3A_24 = tpu.memref_squeeze %dma_wait3A_23 : memref<1x128xf32, #tpu.memory_space<vmem>> -> memref<128xf32, #tpu.memory_space<vmem>>
      %dma_wait3A_25 = arith.constant 0 : i32
      %dma_wait3A_26 = tpu.memref_slice %arg7[%scan3A_22, %dma_wait3A_25] : memref<80x128xi32, #tpu.memory_space<vmem>> -> memref<1x128xi32, #tpu.memory_space<vmem>>
      %dma_wait3A_27 = tpu.memref_squeeze %dma_wait3A_26 : memref<1x128xi32, #tpu.memory_space<vmem>> -> memref<128xi32, #tpu.memory_space<vmem>>
      %dma_wait3A_28 = arith.constant 0 : i32
      %dma_wait3A_29 = tpu.memref_slice %arg5[%dma_wait3A_28] : memref<10240xf32, #tpu.memory_space<vmem_shared>> -> memref<10240xf32, #tpu.memory_space<vmem_shared>>
      tpu.wait_indirect_dma semaphore(%arg9 : memref<!tpu.dma_semaphore, #tpu.memory_space<semaphore_mem>>) src(%dma_wait3A_24 : memref<128xf32, #tpu.memory_space<vmem>>) dst(%dma_wait3A_29 : memref<10240xf32, #tpu.memory_space<vmem_shared>>)
    }
    %scan3A_16 = arith.constant 80 : i32
    %barrier3A_17 = arith.constant 0 : index
    tpu.barrier barrier_id(%barrier3A_17)
    %mul3A_18 = arith.constant 640 : i32
    %mul3A_19 = arith.muli %arg1, %mul3A_18 : i32
    %mul3A_20 = arith.constant 640 : i32
    %mul3A_21 = arith.muli %arg1, %mul3A_20 : i32
    "tpu.region"() ({
      %run_scoped3A = tpu.sem_alloc : memref<!tpu.dma_semaphore, #tpu.memory_space<semaphore_mem>>
      %dma_start3A = tpu.memref_slice %arg4[%arg0, %mul3A_21] : memref<2x10240xf32, #tpu.memory_space<hbm>> -> memref<1x640xf32, #tpu.memory_space<hbm>>
      %dma_start3A_22 = tpu.memref_squeeze %dma_start3A : memref<1x640xf32, #tpu.memory_space<hbm>> -> memref<640xf32, #tpu.memory_space<hbm>>
      %dma_start3A_23 = tpu.memref_slice %arg5[%mul3A_19] : memref<10240xf32, #tpu.memory_space<vmem_shared>> -> memref<640xf32, #tpu.memory_space<vmem_shared>>
      tpu.enqueue_dma source(%dma_start3A_23 : memref<640xf32, #tpu.memory_space<vmem_shared>>) target(%dma_start3A_22 : memref<640xf32, #tpu.memory_space<hbm>>) target_semaphore(%run_scoped3A : memref<!tpu.dma_semaphore, #tpu.memory_space<semaphore_mem>>)
      %dma_wait3A = tpu.memref_slice %arg4[%arg0, %mul3A_21] : memref<2x10240xf32, #tpu.memory_space<hbm>> -> memref<1x640xf32, #tpu.memory_space<hbm>>
      %dma_wait3A_24 = tpu.memref_squeeze %dma_wait3A : memref<1x640xf32, #tpu.memory_space<hbm>> -> memref<640xf32, #tpu.memory_space<hbm>>
      %dma_wait3A_25 = tpu.memref_slice %arg5[%mul3A_19] : memref<10240xf32, #tpu.memory_space<vmem_shared>> -> memref<640xf32, #tpu.memory_space<vmem_shared>>
      tpu.wait_dma2 semaphore(%run_scoped3A : memref<!tpu.dma_semaphore, #tpu.memory_space<semaphore_mem>>) src(%dma_wait3A_25 : memref<640xf32, #tpu.memory_space<vmem_shared>>) dst(%dma_wait3A_24 : memref<640xf32, #tpu.memory_space<hbm>>)
      tpu.yield
    }) : () -> ()
    return
  }
}

#map = affine_map<(d0, d1) -> (0, 0)>
#map1 = affine_map<(d0, d1) -> (0, 0, 0, 0)>
#map2 = affine_map<(d0, d1) -> (0, 0, 0)>
module attributes {stable_mosaic.version = 14 : i64} {
  func.func @_sc_l1_body(%arg0: i32, %arg1: i32, %arg2: memref<10240x128xf32, #tpu.memory_space<hbm>>, %arg3: memref<32x21x6x80xi32, #tpu.memory_space<hbm>>, %arg4: memref<32x21x6x80xi32, #tpu.memory_space<hbm>>, %arg5: memref<32x21x6x80xf32, #tpu.memory_space<hbm>>, %arg6: memref<2x10240x128xf32, #tpu.memory_space<hbm>>, %arg7: memref<10240x128xf32, #tpu.memory_space<vmem_shared>>, %arg8: memref<6x80xi32, #tpu.memory_space<vmem>>, %arg9: memref<6x80xi32, #tpu.memory_space<vmem>>, %arg10: memref<6x80xf32, #tpu.memory_space<vmem>>, %arg11: memref<80x128xf32, #tpu.memory_space<vmem>>, %arg12: memref<80x128xf32, #tpu.memory_space<vmem>>, %arg13: memref<!tpu.dma_semaphore, #tpu.memory_space<semaphore_mem>>, %arg14: memref<!tpu.dma_semaphore, #tpu.memory_space<semaphore_mem>>) attributes {dimension_semantics = [#tpu.dimension_semantics<core_parallel>, #tpu.dimension_semantics<subcore_parallel>], iteration_bounds = array<i64: 2, 16>, scalar_prefetch = 0 : i64, scratch_operands = 8 : i64, tpu.core_type = #tpu.core_type<sc_vector_subcore>, window_params = [{transform_indices = #map}, {transform_indices = #map1}, {transform_indices = #map1}, {transform_indices = #map1}, {transform_indices = #map2}]} {
    %mul3A = arith.constant 16 : i32
    %mul3A_0 = arith.muli %arg0, %mul3A : i32
    %add3A = arith.addi %mul3A_0, %arg1 : i32
    %scan3A = arith.constant 0 : i32
    %scan3A_1 = arith.constant 80 : i32
    %scan3A_2 = arith.addi %scan3A, %scan3A_1 : i32
    %scan3A_3 = arith.constant 1 : i32
    scf.for %scan3A_47 = %scan3A to %scan3A_2 step %scan3A_3  : i32 {
      %broadcast_in_dim3A = arith.constant 0.000000e+00 : f32
      %broadcast_in_dim3A_48 = vector.broadcast %broadcast_in_dim3A : f32 to vector<16xf32>
      %swap3A = arith.index_cast %scan3A_47 : i32 to index
      %swap3A_49 = arith.constant 0 : index
      %swap3A_50 = tpu.vector_load %arg11[%swap3A, %swap3A_49] {strides = array<i32>} : memref<80x128xf32, #tpu.memory_space<vmem>>, vector<1x16xf32>,
      %swap3A_51 = vector.shape_cast %swap3A_50 : vector<1x16xf32> to vector<16xf32>
      %swap3A_52 = vector.shape_cast %broadcast_in_dim3A_48 : vector<16xf32> to vector<1x16xf32>
      tpu.vector_store %arg11[%swap3A, %swap3A_49], %swap3A_52 {strides = array<i32>} : memref<80x128xf32, #tpu.memory_space<vmem>>, vector<1x16xf32>,
      %broadcast_in_dim3A_53 = arith.constant 0.000000e+00 : f32
      %broadcast_in_dim3A_54 = vector.broadcast %broadcast_in_dim3A_53 : f32 to vector<16xf32>
      %swap3A_55 = arith.index_cast %scan3A_47 : i32 to index
      %swap3A_56 = arith.constant 16 : index
      %swap3A_57 = tpu.vector_load %arg11[%swap3A_55, %swap3A_56] {strides = array<i32>} : memref<80x128xf32, #tpu.memory_space<vmem>>, vector<1x16xf32>,
      %swap3A_58 = vector.shape_cast %swap3A_57 : vector<1x16xf32> to vector<16xf32>
      %swap3A_59 = vector.shape_cast %broadcast_in_dim3A_54 : vector<16xf32> to vector<1x16xf32>
      tpu.vector_store %arg11[%swap3A_55, %swap3A_56], %swap3A_59 {strides = array<i32>} : memref<80x128xf32, #tpu.memory_space<vmem>>, vector<1x16xf32>,
      %broadcast_in_dim3A_60 = arith.constant 0.000000e+00 : f32
      %broadcast_in_dim3A_61 = vector.broadcast %broadcast_in_dim3A_60 : f32 to vector<16xf32>
      %swap3A_62 = arith.index_cast %scan3A_47 : i32 to index
      %swap3A_63 = arith.constant 32 : index
      %swap3A_64 = tpu.vector_load %arg11[%swap3A_62, %swap3A_63] {strides = array<i32>} : memref<80x128xf32, #tpu.memory_space<vmem>>, vector<1x16xf32>,
      %swap3A_65 = vector.shape_cast %swap3A_64 : vector<1x16xf32> to vector<16xf32>
      %swap3A_66 = vector.shape_cast %broadcast_in_dim3A_61 : vector<16xf32> to vector<1x16xf32>
      tpu.vector_store %arg11[%swap3A_62, %swap3A_63], %swap3A_66 {strides = array<i32>} : memref<80x128xf32, #tpu.memory_space<vmem>>, vector<1x16xf32>,
      %broadcast_in_dim3A_67 = arith.constant 0.000000e+00 : f32
      %broadcast_in_dim3A_68 = vector.broadcast %broadcast_in_dim3A_67 : f32 to vector<16xf32>
      %swap3A_69 = arith.index_cast %scan3A_47 : i32 to index
      %swap3A_70 = arith.constant 48 : index
      %swap3A_71 = tpu.vector_load %arg11[%swap3A_69, %swap3A_70] {strides = array<i32>} : memref<80x128xf32, #tpu.memory_space<vmem>>, vector<1x16xf32>,
      %swap3A_72 = vector.shape_cast %swap3A_71 : vector<1x16xf32> to vector<16xf32>
      %swap3A_73 = vector.shape_cast %broadcast_in_dim3A_68 : vector<16xf32> to vector<1x16xf32>
      tpu.vector_store %arg11[%swap3A_69, %swap3A_70], %swap3A_73 {strides = array<i32>} : memref<80x128xf32, #tpu.memory_space<vmem>>, vector<1x16xf32>,
      %broadcast_in_dim3A_74 = arith.constant 0.000000e+00 : f32
      %broadcast_in_dim3A_75 = vector.broadcast %broadcast_in_dim3A_74 : f32 to vector<16xf32>
      %swap3A_76 = arith.index_cast %scan3A_47 : i32 to index
      %swap3A_77 = arith.constant 64 : index
      %swap3A_78 = tpu.vector_load %arg11[%swap3A_76, %swap3A_77] {strides = array<i32>} : memref<80x128xf32, #tpu.memory_space<vmem>>, vector<1x16xf32>,
      %swap3A_79 = vector.shape_cast %swap3A_78 : vector<1x16xf32> to vector<16xf32>
      %swap3A_80 = vector.shape_cast %broadcast_in_dim3A_75 : vector<16xf32> to vector<1x16xf32>
      tpu.vector_store %arg11[%swap3A_76, %swap3A_77], %swap3A_80 {strides = array<i32>} : memref<80x128xf32, #tpu.memory_space<vmem>>, vector<1x16xf32>,
      %broadcast_in_dim3A_81 = arith.constant 0.000000e+00 : f32
      %broadcast_in_dim3A_82 = vector.broadcast %broadcast_in_dim3A_81 : f32 to vector<16xf32>
      %swap3A_83 = arith.index_cast %scan3A_47 : i32 to index
      %swap3A_84 = arith.constant 80 : index
      %swap3A_85 = tpu.vector_load %arg11[%swap3A_83, %swap3A_84] {strides = array<i32>} : memref<80x128xf32, #tpu.memory_space<vmem>>, vector<1x16xf32>,
      %swap3A_86 = vector.shape_cast %swap3A_85 : vector<1x16xf32> to vector<16xf32>
      %swap3A_87 = vector.shape_cast %broadcast_in_dim3A_82 : vector<16xf32> to vector<1x16xf32>
      tpu.vector_store %arg11[%swap3A_83, %swap3A_84], %swap3A_87 {strides = array<i32>} : memref<80x128xf32, #tpu.memory_space<vmem>>, vector<1x16xf32>,
      %broadcast_in_dim3A_88 = arith.constant 0.000000e+00 : f32
      %broadcast_in_dim3A_89 = vector.broadcast %broadcast_in_dim3A_88 : f32 to vector<16xf32>
      %swap3A_90 = arith.index_cast %scan3A_47 : i32 to index
      %swap3A_91 = arith.constant 96 : index
      %swap3A_92 = tpu.vector_load %arg11[%swap3A_90, %swap3A_91] {strides = array<i32>} : memref<80x128xf32, #tpu.memory_space<vmem>>, vector<1x16xf32>,
      %swap3A_93 = vector.shape_cast %swap3A_92 : vector<1x16xf32> to vector<16xf32>
      %swap3A_94 = vector.shape_cast %broadcast_in_dim3A_89 : vector<16xf32> to vector<1x16xf32>
      tpu.vector_store %arg11[%swap3A_90, %swap3A_91], %swap3A_94 {strides = array<i32>} : memref<80x128xf32, #tpu.memory_space<vmem>>, vector<1x16xf32>,
      %broadcast_in_dim3A_95 = arith.constant 0.000000e+00 : f32
      %broadcast_in_dim3A_96 = vector.broadcast %broadcast_in_dim3A_95 : f32 to vector<16xf32>
      %swap3A_97 = arith.index_cast %scan3A_47 : i32 to index
      %swap3A_98 = arith.constant 112 : index
      %swap3A_99 = tpu.vector_load %arg11[%swap3A_97, %swap3A_98] {strides = array<i32>} : memref<80x128xf32, #tpu.memory_space<vmem>>, vector<1x16xf32>,
      %swap3A_100 = vector.shape_cast %swap3A_99 : vector<1x16xf32> to vector<16xf32>
      %swap3A_101 = vector.shape_cast %broadcast_in_dim3A_96 : vector<16xf32> to vector<1x16xf32>
      tpu.vector_store %arg11[%swap3A_97, %swap3A_98], %swap3A_101 {strides = array<i32>} : memref<80x128xf32, #tpu.memory_space<vmem>>, vector<1x16xf32>,
    }
    %scan3A_4 = arith.constant 80 : i32
    %mul3A_5 = arith.constant 640 : i32
    %mul3A_6 = arith.muli %arg1, %mul3A_5 : i32
    %add3A_7 = arith.constant 0 : i32
    %add3A_8 = arith.addi %mul3A_6, %add3A_7 : i32
    "tpu.region"() ({
      %run_scoped3A = tpu.sem_alloc : memref<!tpu.dma_semaphore, #tpu.memory_space<semaphore_mem>>
      %dma_start3A = arith.constant 0 : i32
      %dma_start3A_47 = tpu.memref_slice %arg7[%add3A_8, %dma_start3A] : memref<10240x128xf32, #tpu.memory_space<vmem_shared>> -> memref<80x128xf32, #tpu.memory_space<vmem_shared>>
      %dma_start3A_48 = arith.constant 0 : i32
      %dma_start3A_49 = tpu.memref_slice %arg7[%add3A_8, %dma_start3A_48] : memref<10240x128xf32, #tpu.memory_space<vmem_shared>> -> memref<80x128xf32, #tpu.memory_space<vmem_shared>>
      tpu.enqueue_dma source(%arg11 : memref<80x128xf32, #tpu.memory_space<vmem>>) target(%dma_start3A_49 : memref<80x128xf32, #tpu.memory_space<vmem_shared>>) target_semaphore(%run_scoped3A : memref<!tpu.dma_semaphore, #tpu.memory_space<semaphore_mem>>)
      %dma_wait3A = arith.constant 0 : i32
      %dma_wait3A_50 = tpu.memref_slice %arg7[%add3A_8, %dma_wait3A] : memref<10240x128xf32, #tpu.memory_space<vmem_shared>> -> memref<80x128xf32, #tpu.memory_space<vmem_shared>>
      %dma_wait3A_51 = arith.constant 0 : i32
      %dma_wait3A_52 = tpu.memref_slice %arg7[%add3A_8, %dma_wait3A_51] : memref<10240x128xf32, #tpu.memory_space<vmem_shared>> -> memref<80x128xf32, #tpu.memory_space<vmem_shared>>
      tpu.wait_dma2 semaphore(%run_scoped3A : memref<!tpu.dma_semaphore, #tpu.memory_space<semaphore_mem>>) src(%arg11 : memref<80x128xf32, #tpu.memory_space<vmem>>) dst(%dma_wait3A_52 : memref<80x128xf32, #tpu.memory_space<vmem_shared>>)
      tpu.yield
    }) : () -> ()
    %mul3A_9 = arith.constant 640 : i32
    %mul3A_10 = arith.muli %arg1, %mul3A_9 : i32
    %add3A_11 = arith.constant 80 : i32
    %add3A_12 = arith.addi %mul3A_10, %add3A_11 : i32
    "tpu.region"() ({
      %run_scoped3A = tpu.sem_alloc : memref<!tpu.dma_semaphore, #tpu.memory_space<semaphore_mem>>
      %dma_start3A = arith.constant 0 : i32
      %dma_start3A_47 = tpu.memref_slice %arg7[%add3A_12, %dma_start3A] : memref<10240x128xf32, #tpu.memory_space<vmem_shared>> -> memref<80x128xf32, #tpu.memory_space<vmem_shared>>
      %dma_start3A_48 = arith.constant 0 : i32
      %dma_start3A_49 = tpu.memref_slice %arg7[%add3A_12, %dma_start3A_48] : memref<10240x128xf32, #tpu.memory_space<vmem_shared>> -> memref<80x128xf32, #tpu.memory_space<vmem_shared>>
      tpu.enqueue_dma source(%arg11 : memref<80x128xf32, #tpu.memory_space<vmem>>) target(%dma_start3A_49 : memref<80x128xf32, #tpu.memory_space<vmem_shared>>) target_semaphore(%run_scoped3A : memref<!tpu.dma_semaphore, #tpu.memory_space<semaphore_mem>>)
      %dma_wait3A = arith.constant 0 : i32
      %dma_wait3A_50 = tpu.memref_slice %arg7[%add3A_12, %dma_wait3A] : memref<10240x128xf32, #tpu.memory_space<vmem_shared>> -> memref<80x128xf32, #tpu.memory_space<vmem_shared>>
      %dma_wait3A_51 = arith.constant 0 : i32
      %dma_wait3A_52 = tpu.memref_slice %arg7[%add3A_12, %dma_wait3A_51] : memref<10240x128xf32, #tpu.memory_space<vmem_shared>> -> memref<80x128xf32, #tpu.memory_space<vmem_shared>>
      tpu.wait_dma2 semaphore(%run_scoped3A : memref<!tpu.dma_semaphore, #tpu.memory_space<semaphore_mem>>) src(%arg11 : memref<80x128xf32, #tpu.memory_space<vmem>>) dst(%dma_wait3A_52 : memref<80x128xf32, #tpu.memory_space<vmem_shared>>)
      tpu.yield
    }) : () -> ()
    %mul3A_13 = arith.constant 640 : i32
    %mul3A_14 = arith.muli %arg1, %mul3A_13 : i32
    %add3A_15 = arith.constant 160 : i32
    %add3A_16 = arith.addi %mul3A_14, %add3A_15 : i32
    "tpu.region"() ({
      %run_scoped3A = tpu.sem_alloc : memref<!tpu.dma_semaphore, #tpu.memory_space<semaphore_mem>>
      %dma_start3A = arith.constant 0 : i32
      %dma_start3A_47 = tpu.memref_slice %arg7[%add3A_16, %dma_start3A] : memref<10240x128xf32, #tpu.memory_space<vmem_shared>> -> memref<80x128xf32, #tpu.memory_space<vmem_shared>>
      %dma_start3A_48 = arith.constant 0 : i32
      %dma_start3A_49 = tpu.memref_slice %arg7[%add3A_16, %dma_start3A_48] : memref<10240x128xf32, #tpu.memory_space<vmem_shared>> -> memref<80x128xf32, #tpu.memory_space<vmem_shared>>
      tpu.enqueue_dma source(%arg11 : memref<80x128xf32, #tpu.memory_space<vmem>>) target(%dma_start3A_49 : memref<80x128xf32, #tpu.memory_space<vmem_shared>>) target_semaphore(%run_scoped3A : memref<!tpu.dma_semaphore, #tpu.memory_space<semaphore_mem>>)
      %dma_wait3A = arith.constant 0 : i32
      %dma_wait3A_50 = tpu.memref_slice %arg7[%add3A_16, %dma_wait3A] : memref<10240x128xf32, #tpu.memory_space<vmem_shared>> -> memref<80x128xf32, #tpu.memory_space<vmem_shared>>
      %dma_wait3A_51 = arith.constant 0 : i32
      %dma_wait3A_52 = tpu.memref_slice %arg7[%add3A_16, %dma_wait3A_51] : memref<10240x128xf32, #tpu.memory_space<vmem_shared>> -> memref<80x128xf32, #tpu.memory_space<vmem_shared>>
      tpu.wait_dma2 semaphore(%run_scoped3A : memref<!tpu.dma_semaphore, #tpu.memory_space<semaphore_mem>>) src(%arg11 : memref<80x128xf32, #tpu.memory_space<vmem>>) dst(%dma_wait3A_52 : memref<80x128xf32, #tpu.memory_space<vmem_shared>>)
      tpu.yield
    }) : () -> ()
    %mul3A_17 = arith.constant 640 : i32
    %mul3A_18 = arith.muli %arg1, %mul3A_17 : i32
    %add3A_19 = arith.constant 240 : i32
    %add3A_20 = arith.addi %mul3A_18, %add3A_19 : i32
    "tpu.region"() ({
      %run_scoped3A = tpu.sem_alloc : memref<!tpu.dma_semaphore, #tpu.memory_space<semaphore_mem>>
      %dma_start3A = arith.constant 0 : i32
      %dma_start3A_47 = tpu.memref_slice %arg7[%add3A_20, %dma_start3A] : memref<10240x128xf32, #tpu.memory_space<vmem_shared>> -> memref<80x128xf32, #tpu.memory_space<vmem_shared>>
      %dma_start3A_48 = arith.constant 0 : i32
      %dma_start3A_49 = tpu.memref_slice %arg7[%add3A_20, %dma_start3A_48] : memref<10240x128xf32, #tpu.memory_space<vmem_shared>> -> memref<80x128xf32, #tpu.memory_space<vmem_shared>>
      tpu.enqueue_dma source(%arg11 : memref<80x128xf32, #tpu.memory_space<vmem>>) target(%dma_start3A_49 : memref<80x128xf32, #tpu.memory_space<vmem_shared>>) target_semaphore(%run_scoped3A : memref<!tpu.dma_semaphore, #tpu.memory_space<semaphore_mem>>)
      %dma_wait3A = arith.constant 0 : i32
      %dma_wait3A_50 = tpu.memref_slice %arg7[%add3A_20, %dma_wait3A] : memref<10240x128xf32, #tpu.memory_space<vmem_shared>> -> memref<80x128xf32, #tpu.memory_space<vmem_shared>>
      %dma_wait3A_51 = arith.constant 0 : i32
      %dma_wait3A_52 = tpu.memref_slice %arg7[%add3A_20, %dma_wait3A_51] : memref<10240x128xf32, #tpu.memory_space<vmem_shared>> -> memref<80x128xf32, #tpu.memory_space<vmem_shared>>
      tpu.wait_dma2 semaphore(%run_scoped3A : memref<!tpu.dma_semaphore, #tpu.memory_space<semaphore_mem>>) src(%arg11 : memref<80x128xf32, #tpu.memory_space<vmem>>) dst(%dma_wait3A_52 : memref<80x128xf32, #tpu.memory_space<vmem_shared>>)
      tpu.yield
    }) : () -> ()
    %mul3A_21 = arith.constant 640 : i32
    %mul3A_22 = arith.muli %arg1, %mul3A_21 : i32
    %add3A_23 = arith.constant 320 : i32
    %add3A_24 = arith.addi %mul3A_22, %add3A_23 : i32
    "tpu.region"() ({
      %run_scoped3A = tpu.sem_alloc : memref<!tpu.dma_semaphore, #tpu.memory_space<semaphore_mem>>
      %dma_start3A = arith.constant 0 : i32
      %dma_start3A_47 = tpu.memref_slice %arg7[%add3A_24, %dma_start3A] : memref<10240x128xf32, #tpu.memory_space<vmem_shared>> -> memref<80x128xf32, #tpu.memory_space<vmem_shared>>
      %dma_start3A_48 = arith.constant 0 : i32
      %dma_start3A_49 = tpu.memref_slice %arg7[%add3A_24, %dma_start3A_48] : memref<10240x128xf32, #tpu.memory_space<vmem_shared>> -> memref<80x128xf32, #tpu.memory_space<vmem_shared>>
      tpu.enqueue_dma source(%arg11 : memref<80x128xf32, #tpu.memory_space<vmem>>) target(%dma_start3A_49 : memref<80x128xf32, #tpu.memory_space<vmem_shared>>) target_semaphore(%run_scoped3A : memref<!tpu.dma_semaphore, #tpu.memory_space<semaphore_mem>>)
      %dma_wait3A = arith.constant 0 : i32
      %dma_wait3A_50 = tpu.memref_slice %arg7[%add3A_24, %dma_wait3A] : memref<10240x128xf32, #tpu.memory_space<vmem_shared>> -> memref<80x128xf32, #tpu.memory_space<vmem_shared>>
      %dma_wait3A_51 = arith.constant 0 : i32
      %dma_wait3A_52 = tpu.memref_slice %arg7[%add3A_24, %dma_wait3A_51] : memref<10240x128xf32, #tpu.memory_space<vmem_shared>> -> memref<80x128xf32, #tpu.memory_space<vmem_shared>>
      tpu.wait_dma2 semaphore(%run_scoped3A : memref<!tpu.dma_semaphore, #tpu.memory_space<semaphore_mem>>) src(%arg11 : memref<80x128xf32, #tpu.memory_space<vmem>>) dst(%dma_wait3A_52 : memref<80x128xf32, #tpu.memory_space<vmem_shared>>)
      tpu.yield
    }) : () -> ()
    %mul3A_25 = arith.constant 640 : i32
    %mul3A_26 = arith.muli %arg1, %mul3A_25 : i32
    %add3A_27 = arith.constant 400 : i32
    %add3A_28 = arith.addi %mul3A_26, %add3A_27 : i32
    "tpu.region"() ({
      %run_scoped3A = tpu.sem_alloc : memref<!tpu.dma_semaphore, #tpu.memory_space<semaphore_mem>>
      %dma_start3A = arith.constant 0 : i32
      %dma_start3A_47 = tpu.memref_slice %arg7[%add3A_28, %dma_start3A] : memref<10240x128xf32, #tpu.memory_space<vmem_shared>> -> memref<80x128xf32, #tpu.memory_space<vmem_shared>>
      %dma_start3A_48 = arith.constant 0 : i32
      %dma_start3A_49 = tpu.memref_slice %arg7[%add3A_28, %dma_start3A_48] : memref<10240x128xf32, #tpu.memory_space<vmem_shared>> -> memref<80x128xf32, #tpu.memory_space<vmem_shared>>
      tpu.enqueue_dma source(%arg11 : memref<80x128xf32, #tpu.memory_space<vmem>>) target(%dma_start3A_49 : memref<80x128xf32, #tpu.memory_space<vmem_shared>>) target_semaphore(%run_scoped3A : memref<!tpu.dma_semaphore, #tpu.memory_space<semaphore_mem>>)
      %dma_wait3A = arith.constant 0 : i32
      %dma_wait3A_50 = tpu.memref_slice %arg7[%add3A_28, %dma_wait3A] : memref<10240x128xf32, #tpu.memory_space<vmem_shared>> -> memref<80x128xf32, #tpu.memory_space<vmem_shared>>
      %dma_wait3A_51 = arith.constant 0 : i32
      %dma_wait3A_52 = tpu.memref_slice %arg7[%add3A_28, %dma_wait3A_51] : memref<10240x128xf32, #tpu.memory_space<vmem_shared>> -> memref<80x128xf32, #tpu.memory_space<vmem_shared>>
      tpu.wait_dma2 semaphore(%run_scoped3A : memref<!tpu.dma_semaphore, #tpu.memory_space<semaphore_mem>>) src(%arg11 : memref<80x128xf32, #tpu.memory_space<vmem>>) dst(%dma_wait3A_52 : memref<80x128xf32, #tpu.memory_space<vmem_shared>>)
      tpu.yield
    }) : () -> ()
    %mul3A_29 = arith.constant 640 : i32
    %mul3A_30 = arith.muli %arg1, %mul3A_29 : i32
    %add3A_31 = arith.constant 480 : i32
    %add3A_32 = arith.addi %mul3A_30, %add3A_31 : i32
    "tpu.region"() ({
      %run_scoped3A = tpu.sem_alloc : memref<!tpu.dma_semaphore, #tpu.memory_space<semaphore_mem>>
      %dma_start3A = arith.constant 0 : i32
      %dma_start3A_47 = tpu.memref_slice %arg7[%add3A_32, %dma_start3A] : memref<10240x128xf32, #tpu.memory_space<vmem_shared>> -> memref<80x128xf32, #tpu.memory_space<vmem_shared>>
      %dma_start3A_48 = arith.constant 0 : i32
      %dma_start3A_49 = tpu.memref_slice %arg7[%add3A_32, %dma_start3A_48] : memref<10240x128xf32, #tpu.memory_space<vmem_shared>> -> memref<80x128xf32, #tpu.memory_space<vmem_shared>>
      tpu.enqueue_dma source(%arg11 : memref<80x128xf32, #tpu.memory_space<vmem>>) target(%dma_start3A_49 : memref<80x128xf32, #tpu.memory_space<vmem_shared>>) target_semaphore(%run_scoped3A : memref<!tpu.dma_semaphore, #tpu.memory_space<semaphore_mem>>)
      %dma_wait3A = arith.constant 0 : i32
      %dma_wait3A_50 = tpu.memref_slice %arg7[%add3A_32, %dma_wait3A] : memref<10240x128xf32, #tpu.memory_space<vmem_shared>> -> memref<80x128xf32, #tpu.memory_space<vmem_shared>>
      %dma_wait3A_51 = arith.constant 0 : i32
      %dma_wait3A_52 = tpu.memref_slice %arg7[%add3A_32, %dma_wait3A_51] : memref<10240x128xf32, #tpu.memory_space<vmem_shared>> -> memref<80x128xf32, #tpu.memory_space<vmem_shared>>
      tpu.wait_dma2 semaphore(%run_scoped3A : memref<!tpu.dma_semaphore, #tpu.memory_space<semaphore_mem>>) src(%arg11 : memref<80x128xf32, #tpu.memory_space<vmem>>) dst(%dma_wait3A_52 : memref<80x128xf32, #tpu.memory_space<vmem_shared>>)
      tpu.yield
    }) : () -> ()
    %mul3A_33 = arith.constant 640 : i32
    %mul3A_34 = arith.muli %arg1, %mul3A_33 : i32
    %add3A_35 = arith.constant 560 : i32
    %add3A_36 = arith.addi %mul3A_34, %add3A_35 : i32
    "tpu.region"() ({
      %run_scoped3A = tpu.sem_alloc : memref<!tpu.dma_semaphore, #tpu.memory_space<semaphore_mem>>
      %dma_start3A = arith.constant 0 : i32
      %dma_start3A_47 = tpu.memref_slice %arg7[%add3A_36, %dma_start3A] : memref<10240x128xf32, #tpu.memory_space<vmem_shared>> -> memref<80x128xf32, #tpu.memory_space<vmem_shared>>
      %dma_start3A_48 = arith.constant 0 : i32
      %dma_start3A_49 = tpu.memref_slice %arg7[%add3A_36, %dma_start3A_48] : memref<10240x128xf32, #tpu.memory_space<vmem_shared>> -> memref<80x128xf32, #tpu.memory_space<vmem_shared>>
      tpu.enqueue_dma source(%arg11 : memref<80x128xf32, #tpu.memory_space<vmem>>) target(%dma_start3A_49 : memref<80x128xf32, #tpu.memory_space<vmem_shared>>) target_semaphore(%run_scoped3A : memref<!tpu.dma_semaphore, #tpu.memory_space<semaphore_mem>>)
      %dma_wait3A = arith.constant 0 : i32
      %dma_wait3A_50 = tpu.memref_slice %arg7[%add3A_36, %dma_wait3A] : memref<10240x128xf32, #tpu.memory_space<vmem_shared>> -> memref<80x128xf32, #tpu.memory_space<vmem_shared>>
      %dma_wait3A_51 = arith.constant 0 : i32
      %dma_wait3A_52 = tpu.memref_slice %arg7[%add3A_36, %dma_wait3A_51] : memref<10240x128xf32, #tpu.memory_space<vmem_shared>> -> memref<80x128xf32, #tpu.memory_space<vmem_shared>>
      tpu.wait_dma2 semaphore(%run_scoped3A : memref<!tpu.dma_semaphore, #tpu.memory_space<semaphore_mem>>) src(%arg11 : memref<80x128xf32, #tpu.memory_space<vmem>>) dst(%dma_wait3A_52 : memref<80x128xf32, #tpu.memory_space<vmem_shared>>)
      tpu.yield
    }) : () -> ()
    %barrier3A = arith.constant 0 : index
    tpu.barrier barrier_id(%barrier3A)
    %scan3A_37 = arith.constant 0 : i32
    %scan3A_38 = arith.constant 21 : i32
    %scan3A_39 = arith.addi %scan3A_37, %scan3A_38 : i32
    %scan3A_40 = arith.constant 1 : i32
    scf.for %scan3A_47 = %scan3A_37 to %scan3A_39 step %scan3A_40  : i32 {
      "tpu.region"() ({
        %run_scoped3A = tpu.sem_alloc : memref<!tpu.dma_semaphore, #tpu.memory_space<semaphore_mem>>
        %dma_start3A_59 = arith.constant 0 : i32
        %dma_start3A_60 = arith.constant 0 : i32
        %dma_start3A_61 = tpu.memref_slice %arg3[%add3A, %scan3A_47, %dma_start3A_59, %dma_start3A_60] : memref<32x21x6x80xi32, #tpu.memory_space<hbm>> -> memref<1x1x6x80xi32, #tpu.memory_space<hbm>>
        %dma_start3A_62 = tpu.memref_squeeze %dma_start3A_61 : memref<1x1x6x80xi32, #tpu.memory_space<hbm>> -> memref<6x80xi32, #tpu.memory_space<hbm>>
        %dma_start3A_63 = arith.constant 0 : i32
        %dma_start3A_64 = arith.constant 0 : i32
        %dma_start3A_65 = tpu.memref_slice %arg3[%add3A, %scan3A_47, %dma_start3A_63, %dma_start3A_64] : memref<32x21x6x80xi32, #tpu.memory_space<hbm>> -> memref<1x1x6x80xi32, #tpu.memory_space<hbm>>
        %dma_start3A_66 = tpu.memref_squeeze %dma_start3A_65 : memref<1x1x6x80xi32, #tpu.memory_space<hbm>> -> memref<6x80xi32, #tpu.memory_space<hbm>>
        tpu.enqueue_dma source(%dma_start3A_66 : memref<6x80xi32, #tpu.memory_space<hbm>>) target(%arg8 : memref<6x80xi32, #tpu.memory_space<vmem>>) target_semaphore(%run_scoped3A : memref<!tpu.dma_semaphore, #tpu.memory_space<semaphore_mem>>)
        %dma_wait3A = arith.constant 0 : i32
        %dma_wait3A_67 = arith.constant 0 : i32
        %dma_wait3A_68 = tpu.memref_slice %arg3[%add3A, %scan3A_47, %dma_wait3A, %dma_wait3A_67] : memref<32x21x6x80xi32, #tpu.memory_space<hbm>> -> memref<1x1x6x80xi32, #tpu.memory_space<hbm>>
        %dma_wait3A_69 = tpu.memref_squeeze %dma_wait3A_68 : memref<1x1x6x80xi32, #tpu.memory_space<hbm>> -> memref<6x80xi32, #tpu.memory_space<hbm>>
        %dma_wait3A_70 = arith.constant 0 : i32
        %dma_wait3A_71 = arith.constant 0 : i32
        %dma_wait3A_72 = tpu.memref_slice %arg3[%add3A, %scan3A_47, %dma_wait3A_70, %dma_wait3A_71] : memref<32x21x6x80xi32, #tpu.memory_space<hbm>> -> memref<1x1x6x80xi32, #tpu.memory_space<hbm>>
        %dma_wait3A_73 = tpu.memref_squeeze %dma_wait3A_72 : memref<1x1x6x80xi32, #tpu.memory_space<hbm>> -> memref<6x80xi32, #tpu.memory_space<hbm>>
        tpu.wait_dma2 semaphore(%run_scoped3A : memref<!tpu.dma_semaphore, #tpu.memory_space<semaphore_mem>>) src(%dma_wait3A_73 : memref<6x80xi32, #tpu.memory_space<hbm>>) dst(%arg8 : memref<6x80xi32, #tpu.memory_space<vmem>>)
        tpu.yield
      }) : () -> ()
      "tpu.region"() ({
        %run_scoped3A = tpu.sem_alloc : memref<!tpu.dma_semaphore, #tpu.memory_space<semaphore_mem>>
        %dma_start3A_59 = arith.constant 0 : i32
        %dma_start3A_60 = arith.constant 0 : i32
        %dma_start3A_61 = tpu.memref_slice %arg4[%add3A, %scan3A_47, %dma_start3A_59, %dma_start3A_60] : memref<32x21x6x80xi32, #tpu.memory_space<hbm>> -> memref<1x1x6x80xi32, #tpu.memory_space<hbm>>
        %dma_start3A_62 = tpu.memref_squeeze %dma_start3A_61 : memref<1x1x6x80xi32, #tpu.memory_space<hbm>> -> memref<6x80xi32, #tpu.memory_space<hbm>>
        %dma_start3A_63 = arith.constant 0 : i32
        %dma_start3A_64 = arith.constant 0 : i32
        %dma_start3A_65 = tpu.memref_slice %arg4[%add3A, %scan3A_47, %dma_start3A_63, %dma_start3A_64] : memref<32x21x6x80xi32, #tpu.memory_space<hbm>> -> memref<1x1x6x80xi32, #tpu.memory_space<hbm>>
        %dma_start3A_66 = tpu.memref_squeeze %dma_start3A_65 : memref<1x1x6x80xi32, #tpu.memory_space<hbm>> -> memref<6x80xi32, #tpu.memory_space<hbm>>
        tpu.enqueue_dma source(%dma_start3A_66 : memref<6x80xi32, #tpu.memory_space<hbm>>) target(%arg9 : memref<6x80xi32, #tpu.memory_space<vmem>>) target_semaphore(%run_scoped3A : memref<!tpu.dma_semaphore, #tpu.memory_space<semaphore_mem>>)
        %dma_wait3A = arith.constant 0 : i32
        %dma_wait3A_67 = arith.constant 0 : i32
        %dma_wait3A_68 = tpu.memref_slice %arg4[%add3A, %scan3A_47, %dma_wait3A, %dma_wait3A_67] : memref<32x21x6x80xi32, #tpu.memory_space<hbm>> -> memref<1x1x6x80xi32, #tpu.memory_space<hbm>>
        %dma_wait3A_69 = tpu.memref_squeeze %dma_wait3A_68 : memref<1x1x6x80xi32, #tpu.memory_space<hbm>> -> memref<6x80xi32, #tpu.memory_space<hbm>>
        %dma_wait3A_70 = arith.constant 0 : i32
        %dma_wait3A_71 = arith.constant 0 : i32
        %dma_wait3A_72 = tpu.memref_slice %arg4[%add3A, %scan3A_47, %dma_wait3A_70, %dma_wait3A_71] : memref<32x21x6x80xi32, #tpu.memory_space<hbm>> -> memref<1x1x6x80xi32, #tpu.memory_space<hbm>>
        %dma_wait3A_73 = tpu.memref_squeeze %dma_wait3A_72 : memref<1x1x6x80xi32, #tpu.memory_space<hbm>> -> memref<6x80xi32, #tpu.memory_space<hbm>>
        tpu.wait_dma2 semaphore(%run_scoped3A : memref<!tpu.dma_semaphore, #tpu.memory_space<semaphore_mem>>) src(%dma_wait3A_73 : memref<6x80xi32, #tpu.memory_space<hbm>>) dst(%arg9 : memref<6x80xi32, #tpu.memory_space<vmem>>)
        tpu.yield
      }) : () -> ()
      "tpu.region"() ({
        %run_scoped3A = tpu.sem_alloc : memref<!tpu.dma_semaphore, #tpu.memory_space<semaphore_mem>>
        %dma_start3A_59 = arith.constant 0 : i32
        %dma_start3A_60 = arith.constant 0 : i32
        %dma_start3A_61 = tpu.memref_slice %arg5[%add3A, %scan3A_47, %dma_start3A_59, %dma_start3A_60] : memref<32x21x6x80xf32, #tpu.memory_space<hbm>> -> memref<1x1x6x80xf32, #tpu.memory_space<hbm>>
        %dma_start3A_62 = tpu.memref_squeeze %dma_start3A_61 : memref<1x1x6x80xf32, #tpu.memory_space<hbm>> -> memref<6x80xf32, #tpu.memory_space<hbm>>
        %dma_start3A_63 = arith.constant 0 : i32
        %dma_start3A_64 = arith.constant 0 : i32
        %dma_start3A_65 = tpu.memref_slice %arg5[%add3A, %scan3A_47, %dma_start3A_63, %dma_start3A_64] : memref<32x21x6x80xf32, #tpu.memory_space<hbm>> -> memref<1x1x6x80xf32, #tpu.memory_space<hbm>>
        %dma_start3A_66 = tpu.memref_squeeze %dma_start3A_65 : memref<1x1x6x80xf32, #tpu.memory_space<hbm>> -> memref<6x80xf32, #tpu.memory_space<hbm>>
        tpu.enqueue_dma source(%dma_start3A_66 : memref<6x80xf32, #tpu.memory_space<hbm>>) target(%arg10 : memref<6x80xf32, #tpu.memory_space<vmem>>) target_semaphore(%run_scoped3A : memref<!tpu.dma_semaphore, #tpu.memory_space<semaphore_mem>>)
        %dma_wait3A = arith.constant 0 : i32
        %dma_wait3A_67 = arith.constant 0 : i32
        %dma_wait3A_68 = tpu.memref_slice %arg5[%add3A, %scan3A_47, %dma_wait3A, %dma_wait3A_67] : memref<32x21x6x80xf32, #tpu.memory_space<hbm>> -> memref<1x1x6x80xf32, #tpu.memory_space<hbm>>
        %dma_wait3A_69 = tpu.memref_squeeze %dma_wait3A_68 : memref<1x1x6x80xf32, #tpu.memory_space<hbm>> -> memref<6x80xf32, #tpu.memory_space<hbm>>
        %dma_wait3A_70 = arith.constant 0 : i32
        %dma_wait3A_71 = arith.constant 0 : i32
        %dma_wait3A_72 = tpu.memref_slice %arg5[%add3A, %scan3A_47, %dma_wait3A_70, %dma_wait3A_71] : memref<32x21x6x80xf32, #tpu.memory_space<hbm>> -> memref<1x1x6x80xf32, #tpu.memory_space<hbm>>
        %dma_wait3A_73 = tpu.memref_squeeze %dma_wait3A_72 : memref<1x1x6x80xf32, #tpu.memory_space<hbm>> -> memref<6x80xf32, #tpu.memory_space<hbm>>
        tpu.wait_dma2 semaphore(%run_scoped3A : memref<!tpu.dma_semaphore, #tpu.memory_space<semaphore_mem>>) src(%dma_wait3A_73 : memref<6x80xf32, #tpu.memory_space<hbm>>) dst(%arg10 : memref<6x80xf32, #tpu.memory_space<vmem>>)
        tpu.yield
      }) : () -> ()
      %dma_start3A = arith.constant 0 : i32
      %dma_start3A_48 = arith.constant 0 : i32
      %dma_start3A_49 = tpu.memref_slice %arg8[%dma_start3A, %dma_start3A_48] : memref<6x80xi32, #tpu.memory_space<vmem>> -> memref<1x80xi32, #tpu.memory_space<vmem>>
      %dma_start3A_50 = tpu.memref_squeeze %dma_start3A_49 : memref<1x80xi32, #tpu.memory_space<vmem>> -> memref<80xi32, #tpu.memory_space<vmem>>
      %dma_start3A_51 = arith.constant 0 : i32
      %dma_start3A_52 = arith.constant 0 : i32
      %dma_start3A_53 = tpu.memref_slice %arg2[%dma_start3A_51, %dma_start3A_52] : memref<10240x128xf32, #tpu.memory_space<hbm>> -> memref<10240x128xf32, #tpu.memory_space<hbm>>
      tpu.enqueue_indirect_dma source(%dma_start3A_53 : memref<10240x128xf32, #tpu.memory_space<hbm>>) target(%arg11 : memref<80x128xf32, #tpu.memory_space<vmem>>) offsets(%dma_start3A_50 : memref<80xi32, #tpu.memory_space<vmem>>) semaphore(%arg13 : memref<!tpu.dma_semaphore, #tpu.memory_space<semaphore_mem>>)
      %scan3A_54 = arith.constant 0 : i32
      %scan3A_55 = arith.constant 3 : i32
      %scan3A_56 = arith.addi %scan3A_54, %scan3A_55 : i32
      %scan3A_57 = arith.constant 1 : i32
      scf.for %scan3A_59 = %scan3A_54 to %scan3A_56 step %scan3A_57  : i32 {
        %mul3A_60 = arith.constant 2 : i32
        %mul3A_61 = arith.muli %mul3A_60, %scan3A_59 : i32
        %add3A_62 = arith.constant 1 : i32
        %add3A_63 = arith.addi %mul3A_61, %add3A_62 : i32
        %dma_start3A_64 = arith.constant 0 : i32
        %dma_start3A_65 = tpu.memref_slice %arg8[%add3A_63, %dma_start3A_64] : memref<6x80xi32, #tpu.memory_space<vmem>> -> memref<1x80xi32, #tpu.memory_space<vmem>>
        %dma_start3A_66 = tpu.memref_squeeze %dma_start3A_65 : memref<1x80xi32, #tpu.memory_space<vmem>> -> memref<80xi32, #tpu.memory_space<vmem>>
        %dma_start3A_67 = arith.constant 0 : i32
        %dma_start3A_68 = arith.constant 0 : i32
        %dma_start3A_69 = tpu.memref_slice %arg2[%dma_start3A_67, %dma_start3A_68] : memref<10240x128xf32, #tpu.memory_space<hbm>> -> memref<10240x128xf32, #tpu.memory_space<hbm>>
        tpu.enqueue_indirect_dma source(%dma_start3A_69 : memref<10240x128xf32, #tpu.memory_space<hbm>>) target(%arg12 : memref<80x128xf32, #tpu.memory_space<vmem>>) offsets(%dma_start3A_66 : memref<80xi32, #tpu.memory_space<vmem>>) semaphore(%arg14 : memref<!tpu.dma_semaphore, #tpu.memory_space<semaphore_mem>>)
        %dma_wait3A = arith.constant 0 : i32
        %dma_wait3A_70 = arith.constant 0 : i32
        %dma_wait3A_71 = tpu.memref_slice %arg2[%dma_wait3A, %dma_wait3A_70] : memref<10240x128xf32, #tpu.memory_space<hbm>> -> memref<80x128xf32, #tpu.memory_space<hbm>>
        %dma_wait3A_72 = arith.constant 0 : i32
        %dma_wait3A_73 = arith.constant 0 : i32
        %dma_wait3A_74 = tpu.memref_slice %arg2[%dma_wait3A_72, %dma_wait3A_73] : memref<10240x128xf32, #tpu.memory_space<hbm>> -> memref<80x128xf32, #tpu.memory_space<hbm>>
        tpu.wait_dma2 semaphore(%arg13 : memref<!tpu.dma_semaphore, #tpu.memory_space<semaphore_mem>>) src(%dma_wait3A_74 : memref<80x128xf32, #tpu.memory_space<hbm>>) dst(%arg11 : memref<80x128xf32, #tpu.memory_space<vmem>>)
        %scan3A_75 = arith.constant 0 : i32
        %scan3A_76 = arith.constant 5 : i32
        %scan3A_77 = arith.addi %scan3A_75, %scan3A_76 : i32
        %scan3A_78 = arith.constant 1 : i32
        scf.for %scan3A_93 = %scan3A_75 to %scan3A_77 step %scan3A_78  : i32 {
          %mul3A_94 = arith.constant 16 : i32
          %mul3A_95 = arith.muli %scan3A_93, %mul3A_94 : i32
          %get3A = arith.index_cast %mul3A_61 : i32 to index
          %get3A_96 = arith.index_cast %mul3A_95 : i32 to index
          %get3A_97 = tpu.vector_load %arg10[%get3A, %get3A_96] {strides = array<i32>} : memref<6x80xf32, #tpu.memory_space<vmem>>, vector<1x16xf32>,
          %get3A_98 = vector.shape_cast %get3A_97 : vector<1x16xf32> to vector<16xf32>
          %broadcast_in_dim3A = arith.constant 0 : i32
          %broadcast_in_dim3A_99 = vector.broadcast %broadcast_in_dim3A : i32 to vector<16x1xi32>
          %gather3A = vector.shape_cast %broadcast_in_dim3A_99 : vector<16x1xi32> to vector<16xi32>
          %gather3A_100 = tpu.dynamic_gather %get3A_98[%gather3A] in [0] : vector<16xf32>, vector<16xi32> -> vector<16xf32>
          %mul3A_101 = arith.constant 16 : i32
          %mul3A_102 = arith.muli %scan3A_93, %mul3A_101 : i32
          %add3A_103 = arith.constant 0 : i32
          %add3A_104 = arith.addi %mul3A_102, %add3A_103 : i32
          %get3A_105 = arith.index_cast %add3A_104 : i32 to index
          %get3A_106 = arith.constant 0 : index
          %get3A_107 = tpu.vector_load %arg11[%get3A_105, %get3A_106] {strides = array<i32>} : memref<80x128xf32, #tpu.memory_space<vmem>>, vector<1x16xf32>,
          %get3A_108 = vector.shape_cast %get3A_107 : vector<1x16xf32> to vector<16xf32>
          %mul3A_109 = arith.mulf %get3A_108, %gather3A_100 : vector<16xf32>
          %swap3A = arith.index_cast %add3A_104 : i32 to index
          %swap3A_110 = arith.constant 0 : index
          %swap3A_111 = tpu.vector_load %arg11[%swap3A, %swap3A_110] {strides = array<i32>} : memref<80x128xf32, #tpu.memory_space<vmem>>, vector<1x16xf32>,
          %swap3A_112 = vector.shape_cast %swap3A_111 : vector<1x16xf32> to vector<16xf32>
          %swap3A_113 = vector.shape_cast %mul3A_109 : vector<16xf32> to vector<1x16xf32>
          tpu.vector_store %arg11[%swap3A, %swap3A_110], %swap3A_113 {strides = array<i32>} : memref<80x128xf32, #tpu.memory_space<vmem>>, vector<1x16xf32>,
          %get3A_114 = arith.index_cast %add3A_104 : i32 to index
          %get3A_115 = arith.constant 16 : index
          %get3A_116 = tpu.vector_load %arg11[%get3A_114, %get3A_115] {strides = array<i32>} : memref<80x128xf32, #tpu.memory_space<vmem>>, vector<1x16xf32>,
          %get3A_117 = vector.shape_cast %get3A_116 : vector<1x16xf32> to vector<16xf32>
          %mul3A_118 = arith.mulf %get3A_117, %gather3A_100 : vector<16xf32>
          %swap3A_119 = arith.index_cast %add3A_104 : i32 to index
          %swap3A_120 = arith.constant 16 : index
          %swap3A_121 = tpu.vector_load %arg11[%swap3A_119, %swap3A_120] {strides = array<i32>} : memref<80x128xf32, #tpu.memory_space<vmem>>, vector<1x16xf32>,
          %swap3A_122 = vector.shape_cast %swap3A_121 : vector<1x16xf32> to vector<16xf32>
          %swap3A_123 = vector.shape_cast %mul3A_118 : vector<16xf32> to vector<1x16xf32>
          tpu.vector_store %arg11[%swap3A_119, %swap3A_120], %swap3A_123 {strides = array<i32>} : memref<80x128xf32, #tpu.memory_space<vmem>>, vector<1x16xf32>,
          %get3A_124 = arith.index_cast %add3A_104 : i32 to index
          %get3A_125 = arith.constant 32 : index
          %get3A_126 = tpu.vector_load %arg11[%get3A_124, %get3A_125] {strides = array<i32>} : memref<80x128xf32, #tpu.memory_space<vmem>>, vector<1x16xf32>,
          %get3A_127 = vector.shape_cast %get3A_126 : vector<1x16xf32> to vector<16xf32>
          %mul3A_128 = arith.mulf %get3A_127, %gather3A_100 : vector<16xf32>
          %swap3A_129 = arith.index_cast %add3A_104 : i32 to index
          %swap3A_130 = arith.constant 32 : index
          %swap3A_131 = tpu.vector_load %arg11[%swap3A_129, %swap3A_130] {strides = array<i32>} : memref<80x128xf32, #tpu.memory_space<vmem>>, vector<1x16xf32>,
          %swap3A_132 = vector.shape_cast %swap3A_131 : vector<1x16xf32> to vector<16xf32>
          %swap3A_133 = vector.shape_cast %mul3A_128 : vector<16xf32> to vector<1x16xf32>
          tpu.vector_store %arg11[%swap3A_129, %swap3A_130], %swap3A_133 {strides = array<i32>} : memref<80x128xf32, #tpu.memory_space<vmem>>, vector<1x16xf32>,
          %get3A_134 = arith.index_cast %add3A_104 : i32 to index
          %get3A_135 = arith.constant 48 : index
          %get3A_136 = tpu.vector_load %arg11[%get3A_134, %get3A_135] {strides = array<i32>} : memref<80x128xf32, #tpu.memory_space<vmem>>, vector<1x16xf32>,
          %get3A_137 = vector.shape_cast %get3A_136 : vector<1x16xf32> to vector<16xf32>
          %mul3A_138 = arith.mulf %get3A_137, %gather3A_100 : vector<16xf32>
          %swap3A_139 = arith.index_cast %add3A_104 : i32 to index
          %swap3A_140 = arith.constant 48 : index
          %swap3A_141 = tpu.vector_load %arg11[%swap3A_139, %swap3A_140] {strides = array<i32>} : memref<80x128xf32, #tpu.memory_space<vmem>>, vector<1x16xf32>,
          %swap3A_142 = vector.shape_cast %swap3A_141 : vector<1x16xf32> to vector<16xf32>
          %swap3A_143 = vector.shape_cast %mul3A_138 : vector<16xf32> to vector<1x16xf32>
          tpu.vector_store %arg11[%swap3A_139, %swap3A_140], %swap3A_143 {strides = array<i32>} : memref<80x128xf32, #tpu.memory_space<vmem>>, vector<1x16xf32>,
          %get3A_144 = arith.index_cast %add3A_104 : i32 to index
          %get3A_145 = arith.constant 64 : index
          %get3A_146 = tpu.vector_load %arg11[%get3A_144, %get3A_145] {strides = array<i32>} : memref<80x128xf32, #tpu.memory_space<vmem>>, vector<1x16xf32>,
          %get3A_147 = vector.shape_cast %get3A_146 : vector<1x16xf32> to vector<16xf32>
          %mul3A_148 = arith.mulf %get3A_147, %gather3A_100 : vector<16xf32>
          %swap3A_149 = arith.index_cast %add3A_104 : i32 to index
          %swap3A_150 = arith.constant 64 : index
          %swap3A_151 = tpu.vector_load %arg11[%swap3A_149, %swap3A_150] {strides = array<i32>} : memref<80x128xf32, #tpu.memory_space<vmem>>, vector<1x16xf32>,
          %swap3A_152 = vector.shape_cast %swap3A_151 : vector<1x16xf32> to vector<16xf32>
          %swap3A_153 = vector.shape_cast %mul3A_148 : vector<16xf32> to vector<1x16xf32>
          tpu.vector_store %arg11[%swap3A_149, %swap3A_150], %swap3A_153 {strides = array<i32>} : memref<80x128xf32, #tpu.memory_space<vmem>>, vector<1x16xf32>,
          %get3A_154 = arith.index_cast %add3A_104 : i32 to index
          %get3A_155 = arith.constant 80 : index
          %get3A_156 = tpu.vector_load %arg11[%get3A_154, %get3A_155] {strides = array<i32>} : memref<80x128xf32, #tpu.memory_space<vmem>>, vector<1x16xf32>,
          %get3A_157 = vector.shape_cast %get3A_156 : vector<1x16xf32> to vector<16xf32>
          %mul3A_158 = arith.mulf %get3A_157, %gather3A_100 : vector<16xf32>
          %swap3A_159 = arith.index_cast %add3A_104 : i32 to index
          %swap3A_160 = arith.constant 80 : index
          %swap3A_161 = tpu.vector_load %arg11[%swap3A_159, %swap3A_160] {strides = array<i32>} : memref<80x128xf32, #tpu.memory_space<vmem>>, vector<1x16xf32>,
          %swap3A_162 = vector.shape_cast %swap3A_161 : vector<1x16xf32> to vector<16xf32>
          %swap3A_163 = vector.shape_cast %mul3A_158 : vector<16xf32> to vector<1x16xf32>
          tpu.vector_store %arg11[%swap3A_159, %swap3A_160], %swap3A_163 {strides = array<i32>} : memref<80x128xf32, #tpu.memory_space<vmem>>, vector<1x16xf32>,
          %get3A_164 = arith.index_cast %add3A_104 : i32 to index
          %get3A_165 = arith.constant 96 : index
          %get3A_166 = tpu.vector_load %arg11[%get3A_164, %get3A_165] {strides = array<i32>} : memref<80x128xf32, #tpu.memory_space<vmem>>, vector<1x16xf32>,
          %get3A_167 = vector.shape_cast %get3A_166 : vector<1x16xf32> to vector<16xf32>
          %mul3A_168 = arith.mulf %get3A_167, %gather3A_100 : vector<16xf32>
          %swap3A_169 = arith.index_cast %add3A_104 : i32 to index
          %swap3A_170 = arith.constant 96 : index
          %swap3A_171 = tpu.vector_load %arg11[%swap3A_169, %swap3A_170] {strides = array<i32>} : memref<80x128xf32, #tpu.memory_space<vmem>>, vector<1x16xf32>,
          %swap3A_172 = vector.shape_cast %swap3A_171 : vector<1x16xf32> to vector<16xf32>
          %swap3A_173 = vector.shape_cast %mul3A_168 : vector<16xf32> to vector<1x16xf32>
          tpu.vector_store %arg11[%swap3A_169, %swap3A_170], %swap3A_173 {strides = array<i32>} : memref<80x128xf32, #tpu.memory_space<vmem>>, vector<1x16xf32>,
          %get3A_174 = arith.index_cast %add3A_104 : i32 to index
          %get3A_175 = arith.constant 112 : index
          %get3A_176 = tpu.vector_load %arg11[%get3A_174, %get3A_175] {strides = array<i32>} : memref<80x128xf32, #tpu.memory_space<vmem>>, vector<1x16xf32>,
          %get3A_177 = vector.shape_cast %get3A_176 : vector<1x16xf32> to vector<16xf32>
          %mul3A_178 = arith.mulf %get3A_177, %gather3A_100 : vector<16xf32>
          %swap3A_179 = arith.index_cast %add3A_104 : i32 to index
          %swap3A_180 = arith.constant 112 : index
          %swap3A_181 = tpu.vector_load %arg11[%swap3A_179, %swap3A_180] {strides = array<i32>} : memref<80x128xf32, #tpu.memory_space<vmem>>, vector<1x16xf32>,
          %swap3A_182 = vector.shape_cast %swap3A_181 : vector<1x16xf32> to vector<16xf32>
          %swap3A_183 = vector.shape_cast %mul3A_178 : vector<16xf32> to vector<1x16xf32>
          tpu.vector_store %arg11[%swap3A_179, %swap3A_180], %swap3A_183 {strides = array<i32>} : memref<80x128xf32, #tpu.memory_space<vmem>>, vector<1x16xf32>,
          %broadcast_in_dim3A_184 = arith.constant 1 : i32
          %broadcast_in_dim3A_185 = vector.broadcast %broadcast_in_dim3A_184 : i32 to vector<16x1xi32>
          %gather3A_186 = vector.shape_cast %broadcast_in_dim3A_185 : vector<16x1xi32> to vector<16xi32>
          %gather3A_187 = tpu.dynamic_gather %get3A_98[%gather3A_186] in [0] : vector<16xf32>, vector<16xi32> -> vector<16xf32>
          %mul3A_188 = arith.constant 16 : i32
          %mul3A_189 = arith.muli %scan3A_93, %mul3A_188 : i32
          %add3A_190 = arith.constant 1 : i32
          %add3A_191 = arith.addi %mul3A_189, %add3A_190 : i32
          %get3A_192 = arith.index_cast %add3A_191 : i32 to index
          %get3A_193 = arith.constant 0 : index
          %get3A_194 = tpu.vector_load %arg11[%get3A_192, %get3A_193] {strides = array<i32>} : memref<80x128xf32, #tpu.memory_space<vmem>>, vector<1x16xf32>,
          %get3A_195 = vector.shape_cast %get3A_194 : vector<1x16xf32> to vector<16xf32>
          %mul3A_196 = arith.mulf %get3A_195, %gather3A_187 : vector<16xf32>
          %swap3A_197 = arith.index_cast %add3A_191 : i32 to index
          %swap3A_198 = arith.constant 0 : index
          %swap3A_199 = tpu.vector_load %arg11[%swap3A_197, %swap3A_198] {strides = array<i32>} : memref<80x128xf32, #tpu.memory_space<vmem>>, vector<1x16xf32>,
          %swap3A_200 = vector.shape_cast %swap3A_199 : vector<1x16xf32> to vector<16xf32>
          %swap3A_201 = vector.shape_cast %mul3A_196 : vector<16xf32> to vector<1x16xf32>
          tpu.vector_store %arg11[%swap3A_197, %swap3A_198], %swap3A_201 {strides = array<i32>} : memref<80x128xf32, #tpu.memory_space<vmem>>, vector<1x16xf32>,
          %get3A_202 = arith.index_cast %add3A_191 : i32 to index
          %get3A_203 = arith.constant 16 : index
          %get3A_204 = tpu.vector_load %arg11[%get3A_202, %get3A_203] {strides = array<i32>} : memref<80x128xf32, #tpu.memory_space<vmem>>, vector<1x16xf32>,
          %get3A_205 = vector.shape_cast %get3A_204 : vector<1x16xf32> to vector<16xf32>
          %mul3A_206 = arith.mulf %get3A_205, %gather3A_187 : vector<16xf32>
          %swap3A_207 = arith.index_cast %add3A_191 : i32 to index
          %swap3A_208 = arith.constant 16 : index
          %swap3A_209 = tpu.vector_load %arg11[%swap3A_207, %swap3A_208] {strides = array<i32>} : memref<80x128xf32, #tpu.memory_space<vmem>>, vector<1x16xf32>,
          %swap3A_210 = vector.shape_cast %swap3A_209 : vector<1x16xf32> to vector<16xf32>
          %swap3A_211 = vector.shape_cast %mul3A_206 : vector<16xf32> to vector<1x16xf32>
          tpu.vector_store %arg11[%swap3A_207, %swap3A_208], %swap3A_211 {strides = array<i32>} : memref<80x128xf32, #tpu.memory_space<vmem>>, vector<1x16xf32>,
          %get3A_212 = arith.index_cast %add3A_191 : i32 to index
          %get3A_213 = arith.constant 32 : index
          %get3A_214 = tpu.vector_load %arg11[%get3A_212, %get3A_213] {strides = array<i32>} : memref<80x128xf32, #tpu.memory_space<vmem>>, vector<1x16xf32>,
          %get3A_215 = vector.shape_cast %get3A_214 : vector<1x16xf32> to vector<16xf32>
          %mul3A_216 = arith.mulf %get3A_215, %gather3A_187 : vector<16xf32>
          %swap3A_217 = arith.index_cast %add3A_191 : i32 to index
          %swap3A_218 = arith.constant 32 : index
          %swap3A_219 = tpu.vector_load %arg11[%swap3A_217, %swap3A_218] {strides = array<i32>} : memref<80x128xf32, #tpu.memory_space<vmem>>, vector<1x16xf32>,
          %swap3A_220 = vector.shape_cast %swap3A_219 : vector<1x16xf32> to vector<16xf32>
          %swap3A_221 = vector.shape_cast %mul3A_216 : vector<16xf32> to vector<1x16xf32>
          tpu.vector_store %arg11[%swap3A_217, %swap3A_218], %swap3A_221 {strides = array<i32>} : memref<80x128xf32, #tpu.memory_space<vmem>>, vector<1x16xf32>,
          %get3A_222 = arith.index_cast %add3A_191 : i32 to index
          %get3A_223 = arith.constant 48 : index
          %get3A_224 = tpu.vector_load %arg11[%get3A_222, %get3A_223] {strides = array<i32>} : memref<80x128xf32, #tpu.memory_space<vmem>>, vector<1x16xf32>,
          %get3A_225 = vector.shape_cast %get3A_224 : vector<1x16xf32> to vector<16xf32>
          %mul3A_226 = arith.mulf %get3A_225, %gather3A_187 : vector<16xf32>
          %swap3A_227 = arith.index_cast %add3A_191 : i32 to index
          %swap3A_228 = arith.constant 48 : index
          %swap3A_229 = tpu.vector_load %arg11[%swap3A_227, %swap3A_228] {strides = array<i32>} : memref<80x128xf32, #tpu.memory_space<vmem>>, vector<1x16xf32>,
          %swap3A_230 = vector.shape_cast %swap3A_229 : vector<1x16xf32> to vector<16xf32>
          %swap3A_231 = vector.shape_cast %mul3A_226 : vector<16xf32> to vector<1x16xf32>
          tpu.vector_store %arg11[%swap3A_227, %swap3A_228], %swap3A_231 {strides = array<i32>} : memref<80x128xf32, #tpu.memory_space<vmem>>, vector<1x16xf32>,
          %get3A_232 = arith.index_cast %add3A_191 : i32 to index
          %get3A_233 = arith.constant 64 : index
          %get3A_234 = tpu.vector_load %arg11[%get3A_232, %get3A_233] {strides = array<i32>} : memref<80x128xf32, #tpu.memory_space<vmem>>, vector<1x16xf32>,
          %get3A_235 = vector.shape_cast %get3A_234 : vector<1x16xf32> to vector<16xf32>
          %mul3A_236 = arith.mulf %get3A_235, %gather3A_187 : vector<16xf32>
          %swap3A_237 = arith.index_cast %add3A_191 : i32 to index
          %swap3A_238 = arith.constant 64 : index
          %swap3A_239 = tpu.vector_load %arg11[%swap3A_237, %swap3A_238] {strides = array<i32>} : memref<80x128xf32, #tpu.memory_space<vmem>>, vector<1x16xf32>,
          %swap3A_240 = vector.shape_cast %swap3A_239 : vector<1x16xf32> to vector<16xf32>
          %swap3A_241 = vector.shape_cast %mul3A_236 : vector<16xf32> to vector<1x16xf32>
          tpu.vector_store %arg11[%swap3A_237, %swap3A_238], %swap3A_241 {strides = array<i32>} : memref<80x128xf32, #tpu.memory_space<vmem>>, vector<1x16xf32>,
          %get3A_242 = arith.index_cast %add3A_191 : i32 to index
          %get3A_243 = arith.constant 80 : index
          %get3A_244 = tpu.vector_load %arg11[%get3A_242, %get3A_243] {strides = array<i32>} : memref<80x128xf32, #tpu.memory_space<vmem>>, vector<1x16xf32>,
          %get3A_245 = vector.shape_cast %get3A_244 : vector<1x16xf32> to vector<16xf32>
          %mul3A_246 = arith.mulf %get3A_245, %gather3A_187 : vector<16xf32>
          %swap3A_247 = arith.index_cast %add3A_191 : i32 to index
          %swap3A_248 = arith.constant 80 : index
          %swap3A_249 = tpu.vector_load %arg11[%swap3A_247, %swap3A_248] {strides = array<i32>} : memref<80x128xf32, #tpu.memory_space<vmem>>, vector<1x16xf32>,
          %swap3A_250 = vector.shape_cast %swap3A_249 : vector<1x16xf32> to vector<16xf32>
          %swap3A_251 = vector.shape_cast %mul3A_246 : vector<16xf32> to vector<1x16xf32>
          tpu.vector_store %arg11[%swap3A_247, %swap3A_248], %swap3A_251 {strides = array<i32>} : memref<80x128xf32, #tpu.memory_space<vmem>>, vector<1x16xf32>,
          %get3A_252 = arith.index_cast %add3A_191 : i32 to index
          %get3A_253 = arith.constant 96 : index
          %get3A_254 = tpu.vector_load %arg11[%get3A_252, %get3A_253] {strides = array<i32>} : memref<80x128xf32, #tpu.memory_space<vmem>>, vector<1x16xf32>,
          %get3A_255 = vector.shape_cast %get3A_254 : vector<1x16xf32> to vector<16xf32>
          %mul3A_256 = arith.mulf %get3A_255, %gather3A_187 : vector<16xf32>
          %swap3A_257 = arith.index_cast %add3A_191 : i32 to index
          %swap3A_258 = arith.constant 96 : index
          %swap3A_259 = tpu.vector_load %arg11[%swap3A_257, %swap3A_258] {strides = array<i32>} : memref<80x128xf32, #tpu.memory_space<vmem>>, vector<1x16xf32>,
          %swap3A_260 = vector.shape_cast %swap3A_259 : vector<1x16xf32> to vector<16xf32>
          %swap3A_261 = vector.shape_cast %mul3A_256 : vector<16xf32> to vector<1x16xf32>
          tpu.vector_store %arg11[%swap3A_257, %swap3A_258], %swap3A_261 {strides = array<i32>} : memref<80x128xf32, #tpu.memory_space<vmem>>, vector<1x16xf32>,
          %get3A_262 = arith.index_cast %add3A_191 : i32 to index
          %get3A_263 = arith.constant 112 : index
          %get3A_264 = tpu.vector_load %arg11[%get3A_262, %get3A_263] {strides = array<i32>} : memref<80x128xf32, #tpu.memory_space<vmem>>, vector<1x16xf32>,
          %get3A_265 = vector.shape_cast %get3A_264 : vector<1x16xf32> to vector<16xf32>
          %mul3A_266 = arith.mulf %get3A_265, %gather3A_187 : vector<16xf32>
          %swap3A_267 = arith.index_cast %add3A_191 : i32 to index
          %swap3A_268 = arith.constant 112 : index
          %swap3A_269 = tpu.vector_load %arg11[%swap3A_267, %swap3A_268] {strides = array<i32>} : memref<80x128xf32, #tpu.memory_space<vmem>>, vector<1x16xf32>,
          %swap3A_270 = vector.shape_cast %swap3A_269 : vector<1x16xf32> to vector<16xf32>
          %swap3A_271 = vector.shape_cast %mul3A_266 : vector<16xf32> to vector<1x16xf32>
          tpu.vector_store %arg11[%swap3A_267, %swap3A_268], %swap3A_271 {strides = array<i32>} : memref<80x128xf32, #tpu.memory_space<vmem>>, vector<1x16xf32>,
          %broadcast_in_dim3A_272 = arith.constant 2 : i32
          %broadcast_in_dim3A_273 = vector.broadcast %broadcast_in_dim3A_272 : i32 to vector<16x1xi32>
          %gather3A_274 = vector.shape_cast %broadcast_in_dim3A_273 : vector<16x1xi32> to vector<16xi32>
          %gather3A_275 = tpu.dynamic_gather %get3A_98[%gather3A_274] in [0] : vector<16xf32>, vector<16xi32> -> vector<16xf32>
          %mul3A_276 = arith.constant 16 : i32
          %mul3A_277 = arith.muli %scan3A_93, %mul3A_276 : i32
          %add3A_278 = arith.constant 2 : i32
          %add3A_279 = arith.addi %mul3A_277, %add3A_278 : i32
          %get3A_280 = arith.index_cast %add3A_279 : i32 to index
          %get3A_281 = arith.constant 0 : index
          %get3A_282 = tpu.vector_load %arg11[%get3A_280, %get3A_281] {strides = array<i32>} : memref<80x128xf32, #tpu.memory_space<vmem>>, vector<1x16xf32>,
          %get3A_283 = vector.shape_cast %get3A_282 : vector<1x16xf32> to vector<16xf32>
          %mul3A_284 = arith.mulf %get3A_283, %gather3A_275 : vector<16xf32>
          %swap3A_285 = arith.index_cast %add3A_279 : i32 to index
          %swap3A_286 = arith.constant 0 : index
          %swap3A_287 = tpu.vector_load %arg11[%swap3A_285, %swap3A_286] {strides = array<i32>} : memref<80x128xf32, #tpu.memory_space<vmem>>, vector<1x16xf32>,
          %swap3A_288 = vector.shape_cast %swap3A_287 : vector<1x16xf32> to vector<16xf32>
          %swap3A_289 = vector.shape_cast %mul3A_284 : vector<16xf32> to vector<1x16xf32>
          tpu.vector_store %arg11[%swap3A_285, %swap3A_286], %swap3A_289 {strides = array<i32>} : memref<80x128xf32, #tpu.memory_space<vmem>>, vector<1x16xf32>,
          %get3A_290 = arith.index_cast %add3A_279 : i32 to index
          %get3A_291 = arith.constant 16 : index
          %get3A_292 = tpu.vector_load %arg11[%get3A_290, %get3A_291] {strides = array<i32>} : memref<80x128xf32, #tpu.memory_space<vmem>>, vector<1x16xf32>,
          %get3A_293 = vector.shape_cast %get3A_292 : vector<1x16xf32> to vector<16xf32>
          %mul3A_294 = arith.mulf %get3A_293, %gather3A_275 : vector<16xf32>
          %swap3A_295 = arith.index_cast %add3A_279 : i32 to index
          %swap3A_296 = arith.constant 16 : index
          %swap3A_297 = tpu.vector_load %arg11[%swap3A_295, %swap3A_296] {strides = array<i32>} : memref<80x128xf32, #tpu.memory_space<vmem>>, vector<1x16xf32>,
          %swap3A_298 = vector.shape_cast %swap3A_297 : vector<1x16xf32> to vector<16xf32>
          %swap3A_299 = vector.shape_cast %mul3A_294 : vector<16xf32> to vector<1x16xf32>
          tpu.vector_store %arg11[%swap3A_295, %swap3A_296], %swap3A_299 {strides = array<i32>} : memref<80x128xf32, #tpu.memory_space<vmem>>, vector<1x16xf32>,
          %get3A_300 = arith.index_cast %add3A_279 : i32 to index
          %get3A_301 = arith.constant 32 : index
          %get3A_302 = tpu.vector_load %arg11[%get3A_300, %get3A_301] {strides = array<i32>} : memref<80x128xf32, #tpu.memory_space<vmem>>, vector<1x16xf32>,
          %get3A_303 = vector.shape_cast %get3A_302 : vector<1x16xf32> to vector<16xf32>
          %mul3A_304 = arith.mulf %get3A_303, %gather3A_275 : vector<16xf32>
          %swap3A_305 = arith.index_cast %add3A_279 : i32 to index
          %swap3A_306 = arith.constant 32 : index
          %swap3A_307 = tpu.vector_load %arg11[%swap3A_305, %swap3A_306] {strides = array<i32>} : memref<80x128xf32, #tpu.memory_space<vmem>>, vector<1x16xf32>,
          %swap3A_308 = vector.shape_cast %swap3A_307 : vector<1x16xf32> to vector<16xf32>
          %swap3A_309 = vector.shape_cast %mul3A_304 : vector<16xf32> to vector<1x16xf32>
          tpu.vector_store %arg11[%swap3A_305, %swap3A_306], %swap3A_309 {strides = array<i32>} : memref<80x128xf32, #tpu.memory_space<vmem>>, vector<1x16xf32>,
          %get3A_310 = arith.index_cast %add3A_279 : i32 to index
          %get3A_311 = arith.constant 48 : index
          %get3A_312 = tpu.vector_load %arg11[%get3A_310, %get3A_311] {strides = array<i32>} : memref<80x128xf32, #tpu.memory_space<vmem>>, vector<1x16xf32>,
          %get3A_313 = vector.shape_cast %get3A_312 : vector<1x16xf32> to vector<16xf32>
          %mul3A_314 = arith.mulf %get3A_313, %gather3A_275 : vector<16xf32>
          %swap3A_315 = arith.index_cast %add3A_279 : i32 to index
          %swap3A_316 = arith.constant 48 : index
          %swap3A_317 = tpu.vector_load %arg11[%swap3A_315, %swap3A_316] {strides = array<i32>} : memref<80x128xf32, #tpu.memory_space<vmem>>, vector<1x16xf32>,
          %swap3A_318 = vector.shape_cast %swap3A_317 : vector<1x16xf32> to vector<16xf32>
          %swap3A_319 = vector.shape_cast %mul3A_314 : vector<16xf32> to vector<1x16xf32>
          tpu.vector_store %arg11[%swap3A_315, %swap3A_316], %swap3A_319 {strides = array<i32>} : memref<80x128xf32, #tpu.memory_space<vmem>>, vector<1x16xf32>,
          %get3A_320 = arith.index_cast %add3A_279 : i32 to index
          %get3A_321 = arith.constant 64 : index
          %get3A_322 = tpu.vector_load %arg11[%get3A_320, %get3A_321] {strides = array<i32>} : memref<80x128xf32, #tpu.memory_space<vmem>>, vector<1x16xf32>,
          %get3A_323 = vector.shape_cast %get3A_322 : vector<1x16xf32> to vector<16xf32>
          %mul3A_324 = arith.mulf %get3A_323, %gather3A_275 : vector<16xf32>
          %swap3A_325 = arith.index_cast %add3A_279 : i32 to index
          %swap3A_326 = arith.constant 64 : index
          %swap3A_327 = tpu.vector_load %arg11[%swap3A_325, %swap3A_326] {strides = array<i32>} : memref<80x128xf32, #tpu.memory_space<vmem>>, vector<1x16xf32>,
          %swap3A_328 = vector.shape_cast %swap3A_327 : vector<1x16xf32> to vector<16xf32>
          %swap3A_329 = vector.shape_cast %mul3A_324 : vector<16xf32> to vector<1x16xf32>
          tpu.vector_store %arg11[%swap3A_325, %swap3A_326], %swap3A_329 {strides = array<i32>} : memref<80x128xf32, #tpu.memory_space<vmem>>, vector<1x16xf32>,
          %get3A_330 = arith.index_cast %add3A_279 : i32 to index
          %get3A_331 = arith.constant 80 : index
          %get3A_332 = tpu.vector_load %arg11[%get3A_330, %get3A_331] {strides = array<i32>} : memref<80x128xf32, #tpu.memory_space<vmem>>, vector<1x16xf32>,
          %get3A_333 = vector.shape_cast %get3A_332 : vector<1x16xf32> to vector<16xf32>
          %mul3A_334 = arith.mulf %get3A_333, %gather3A_275 : vector<16xf32>
          %swap3A_335 = arith.index_cast %add3A_279 : i32 to index
          %swap3A_336 = arith.constant 80 : index
          %swap3A_337 = tpu.vector_load %arg11[%swap3A_335, %swap3A_336] {strides = array<i32>} : memref<80x128xf32, #tpu.memory_space<vmem>>, vector<1x16xf32>,
          %swap3A_338 = vector.shape_cast %swap3A_337 : vector<1x16xf32> to vector<16xf32>
          %swap3A_339 = vector.shape_cast %mul3A_334 : vector<16xf32> to vector<1x16xf32>
          tpu.vector_store %arg11[%swap3A_335, %swap3A_336], %swap3A_339 {strides = array<i32>} : memref<80x128xf32, #tpu.memory_space<vmem>>, vector<1x16xf32>,
          %get3A_340 = arith.index_cast %add3A_279 : i32 to index
          %get3A_341 = arith.constant 96 : index
          %get3A_342 = tpu.vector_load %arg11[%get3A_340, %get3A_341] {strides = array<i32>} : memref<80x128xf32, #tpu.memory_space<vmem>>, vector<1x16xf32>,
          %get3A_343 = vector.shape_cast %get3A_342 : vector<1x16xf32> to vector<16xf32>
          %mul3A_344 = arith.mulf %get3A_343, %gather3A_275 : vector<16xf32>
          %swap3A_345 = arith.index_cast %add3A_279 : i32 to index
          %swap3A_346 = arith.constant 96 : index
          %swap3A_347 = tpu.vector_load %arg11[%swap3A_345, %swap3A_346] {strides = array<i32>} : memref<80x128xf32, #tpu.memory_space<vmem>>, vector<1x16xf32>,
          %swap3A_348 = vector.shape_cast %swap3A_347 : vector<1x16xf32> to vector<16xf32>
          %swap3A_349 = vector.shape_cast %mul3A_344 : vector<16xf32> to vector<1x16xf32>
          tpu.vector_store %arg11[%swap3A_345, %swap3A_346], %swap3A_349 {strides = array<i32>} : memref<80x128xf32, #tpu.memory_space<vmem>>, vector<1x16xf32>,
          %get3A_350 = arith.index_cast %add3A_279 : i32 to index
          %get3A_351 = arith.constant 112 : index
          %get3A_352 = tpu.vector_load %arg11[%get3A_350, %get3A_351] {strides = array<i32>} : memref<80x128xf32, #tpu.memory_space<vmem>>, vector<1x16xf32>,
          %get3A_353 = vector.shape_cast %get3A_352 : vector<1x16xf32> to vector<16xf32>
          %mul3A_354 = arith.mulf %get3A_353, %gather3A_275 : vector<16xf32>
          %swap3A_355 = arith.index_cast %add3A_279 : i32 to index
          %swap3A_356 = arith.constant 112 : index
          %swap3A_357 = tpu.vector_load %arg11[%swap3A_355, %swap3A_356] {strides = array<i32>} : memref<80x128xf32, #tpu.memory_space<vmem>>, vector<1x16xf32>,
          %swap3A_358 = vector.shape_cast %swap3A_357 : vector<1x16xf32> to vector<16xf32>
          %swap3A_359 = vector.shape_cast %mul3A_354 : vector<16xf32> to vector<1x16xf32>
          tpu.vector_store %arg11[%swap3A_355, %swap3A_356], %swap3A_359 {strides = array<i32>} : memref<80x128xf32, #tpu.memory_space<vmem>>, vector<1x16xf32>,
          %broadcast_in_dim3A_360 = arith.constant 3 : i32
          %broadcast_in_dim3A_361 = vector.broadcast %broadcast_in_dim3A_360 : i32 to vector<16x1xi32>
          %gather3A_362 = vector.shape_cast %broadcast_in_dim3A_361 : vector<16x1xi32> to vector<16xi32>
          %gather3A_363 = tpu.dynamic_gather %get3A_98[%gather3A_362] in [0] : vector<16xf32>, vector<16xi32> -> vector<16xf32>
          %mul3A_364 = arith.constant 16 : i32
          %mul3A_365 = arith.muli %scan3A_93, %mul3A_364 : i32
          %add3A_366 = arith.constant 3 : i32
          %add3A_367 = arith.addi %mul3A_365, %add3A_366 : i32
          %get3A_368 = arith.index_cast %add3A_367 : i32 to index
          %get3A_369 = arith.constant 0 : index
          %get3A_370 = tpu.vector_load %arg11[%get3A_368, %get3A_369] {strides = array<i32>} : memref<80x128xf32, #tpu.memory_space<vmem>>, vector<1x16xf32>,
          %get3A_371 = vector.shape_cast %get3A_370 : vector<1x16xf32> to vector<16xf32>
          %mul3A_372 = arith.mulf %get3A_371, %gather3A_363 : vector<16xf32>
          %swap3A_373 = arith.index_cast %add3A_367 : i32 to index
          %swap3A_374 = arith.constant 0 : index
          %swap3A_375 = tpu.vector_load %arg11[%swap3A_373, %swap3A_374] {strides = array<i32>} : memref<80x128xf32, #tpu.memory_space<vmem>>, vector<1x16xf32>,
          %swap3A_376 = vector.shape_cast %swap3A_375 : vector<1x16xf32> to vector<16xf32>
          %swap3A_377 = vector.shape_cast %mul3A_372 : vector<16xf32> to vector<1x16xf32>
          tpu.vector_store %arg11[%swap3A_373, %swap3A_374], %swap3A_377 {strides = array<i32>} : memref<80x128xf32, #tpu.memory_space<vmem>>, vector<1x16xf32>,
          %get3A_378 = arith.index_cast %add3A_367 : i32 to index
          %get3A_379 = arith.constant 16 : index
          %get3A_380 = tpu.vector_load %arg11[%get3A_378, %get3A_379] {strides = array<i32>} : memref<80x128xf32, #tpu.memory_space<vmem>>, vector<1x16xf32>,
          %get3A_381 = vector.shape_cast %get3A_380 : vector<1x16xf32> to vector<16xf32>
          %mul3A_382 = arith.mulf %get3A_381, %gather3A_363 : vector<16xf32>
          %swap3A_383 = arith.index_cast %add3A_367 : i32 to index
          %swap3A_384 = arith.constant 16 : index
          %swap3A_385 = tpu.vector_load %arg11[%swap3A_383, %swap3A_384] {strides = array<i32>} : memref<80x128xf32, #tpu.memory_space<vmem>>, vector<1x16xf32>,
          %swap3A_386 = vector.shape_cast %swap3A_385 : vector<1x16xf32> to vector<16xf32>
          %swap3A_387 = vector.shape_cast %mul3A_382 : vector<16xf32> to vector<1x16xf32>
          tpu.vector_store %arg11[%swap3A_383, %swap3A_384], %swap3A_387 {strides = array<i32>} : memref<80x128xf32, #tpu.memory_space<vmem>>, vector<1x16xf32>,
          %get3A_388 = arith.index_cast %add3A_367 : i32 to index
          %get3A_389 = arith.constant 32 : index
          %get3A_390 = tpu.vector_load %arg11[%get3A_388, %get3A_389] {strides = array<i32>} : memref<80x128xf32, #tpu.memory_space<vmem>>, vector<1x16xf32>,
          %get3A_391 = vector.shape_cast %get3A_390 : vector<1x16xf32> to vector<16xf32>
          %mul3A_392 = arith.mulf %get3A_391, %gather3A_363 : vector<16xf32>
          %swap3A_393 = arith.index_cast %add3A_367 : i32 to index
          %swap3A_394 = arith.constant 32 : index
          %swap3A_395 = tpu.vector_load %arg11[%swap3A_393, %swap3A_394] {strides = array<i32>} : memref<80x128xf32, #tpu.memory_space<vmem>>, vector<1x16xf32>,
          %swap3A_396 = vector.shape_cast %swap3A_395 : vector<1x16xf32> to vector<16xf32>
          %swap3A_397 = vector.shape_cast %mul3A_392 : vector<16xf32> to vector<1x16xf32>
          tpu.vector_store %arg11[%swap3A_393, %swap3A_394], %swap3A_397 {strides = array<i32>} : memref<80x128xf32, #tpu.memory_space<vmem>>, vector<1x16xf32>,
          %get3A_398 = arith.index_cast %add3A_367 : i32 to index
          %get3A_399 = arith.constant 48 : index
          %get3A_400 = tpu.vector_load %arg11[%get3A_398, %get3A_399] {strides = array<i32>} : memref<80x128xf32, #tpu.memory_space<vmem>>, vector<1x16xf32>,
          %get3A_401 = vector.shape_cast %get3A_400 : vector<1x16xf32> to vector<16xf32>
          %mul3A_402 = arith.mulf %get3A_401, %gather3A_363 : vector<16xf32>
          %swap3A_403 = arith.index_cast %add3A_367 : i32 to index
          %swap3A_404 = arith.constant 48 : index
          %swap3A_405 = tpu.vector_load %arg11[%swap3A_403, %swap3A_404] {strides = array<i32>} : memref<80x128xf32, #tpu.memory_space<vmem>>, vector<1x16xf32>,
          %swap3A_406 = vector.shape_cast %swap3A_405 : vector<1x16xf32> to vector<16xf32>
          %swap3A_407 = vector.shape_cast %mul3A_402 : vector<16xf32> to vector<1x16xf32>
          tpu.vector_store %arg11[%swap3A_403, %swap3A_404], %swap3A_407 {strides = array<i32>} : memref<80x128xf32, #tpu.memory_space<vmem>>, vector<1x16xf32>,
          %get3A_408 = arith.index_cast %add3A_367 : i32 to index
          %get3A_409 = arith.constant 64 : index
          %get3A_410 = tpu.vector_load %arg11[%get3A_408, %get3A_409] {strides = array<i32>} : memref<80x128xf32, #tpu.memory_space<vmem>>, vector<1x16xf32>,
          %get3A_411 = vector.shape_cast %get3A_410 : vector<1x16xf32> to vector<16xf32>
          %mul3A_412 = arith.mulf %get3A_411, %gather3A_363 : vector<16xf32>
          %swap3A_413 = arith.index_cast %add3A_367 : i32 to index
          %swap3A_414 = arith.constant 64 : index
          %swap3A_415 = tpu.vector_load %arg11[%swap3A_413, %swap3A_414] {strides = array<i32>} : memref<80x128xf32, #tpu.memory_space<vmem>>, vector<1x16xf32>,
          %swap3A_416 = vector.shape_cast %swap3A_415 : vector<1x16xf32> to vector<16xf32>
          %swap3A_417 = vector.shape_cast %mul3A_412 : vector<16xf32> to vector<1x16xf32>
          tpu.vector_store %arg11[%swap3A_413, %swap3A_414], %swap3A_417 {strides = array<i32>} : memref<80x128xf32, #tpu.memory_space<vmem>>, vector<1x16xf32>,
          %get3A_418 = arith.index_cast %add3A_367 : i32 to index
          %get3A_419 = arith.constant 80 : index
          %get3A_420 = tpu.vector_load %arg11[%get3A_418, %get3A_419] {strides = array<i32>} : memref<80x128xf32, #tpu.memory_space<vmem>>, vector<1x16xf32>,
          %get3A_421 = vector.shape_cast %get3A_420 : vector<1x16xf32> to vector<16xf32>
          %mul3A_422 = arith.mulf %get3A_421, %gather3A_363 : vector<16xf32>
          %swap3A_423 = arith.index_cast %add3A_367 : i32 to index
          %swap3A_424 = arith.constant 80 : index
          %swap3A_425 = tpu.vector_load %arg11[%swap3A_423, %swap3A_424] {strides = array<i32>} : memref<80x128xf32, #tpu.memory_space<vmem>>, vector<1x16xf32>,
          %swap3A_426 = vector.shape_cast %swap3A_425 : vector<1x16xf32> to vector<16xf32>
          %swap3A_427 = vector.shape_cast %mul3A_422 : vector<16xf32> to vector<1x16xf32>
          tpu.vector_store %arg11[%swap3A_423, %swap3A_424], %swap3A_427 {strides = array<i32>} : memref<80x128xf32, #tpu.memory_space<vmem>>, vector<1x16xf32>,
          %get3A_428 = arith.index_cast %add3A_367 : i32 to index
          %get3A_429 = arith.constant 96 : index
          %get3A_430 = tpu.vector_load %arg11[%get3A_428, %get3A_429] {strides = array<i32>} : memref<80x128xf32, #tpu.memory_space<vmem>>, vector<1x16xf32>,
          %get3A_431 = vector.shape_cast %get3A_430 : vector<1x16xf32> to vector<16xf32>
          %mul3A_432 = arith.mulf %get3A_431, %gather3A_363 : vector<16xf32>
          %swap3A_433 = arith.index_cast %add3A_367 : i32 to index
          %swap3A_434 = arith.constant 96 : index
          %swap3A_435 = tpu.vector_load %arg11[%swap3A_433, %swap3A_434] {strides = array<i32>} : memref<80x128xf32, #tpu.memory_space<vmem>>, vector<1x16xf32>,
          %swap3A_436 = vector.shape_cast %swap3A_435 : vector<1x16xf32> to vector<16xf32>
          %swap3A_437 = vector.shape_cast %mul3A_432 : vector<16xf32> to vector<1x16xf32>
          tpu.vector_store %arg11[%swap3A_433, %swap3A_434], %swap3A_437 {strides = array<i32>} : memref<80x128xf32, #tpu.memory_space<vmem>>, vector<1x16xf32>,
          %get3A_438 = arith.index_cast %add3A_367 : i32 to index
          %get3A_439 = arith.constant 112 : index
          %get3A_440 = tpu.vector_load %arg11[%get3A_438, %get3A_439] {strides = array<i32>} : memref<80x128xf32, #tpu.memory_space<vmem>>, vector<1x16xf32>,
          %get3A_441 = vector.shape_cast %get3A_440 : vector<1x16xf32> to vector<16xf32>
          %mul3A_442 = arith.mulf %get3A_441, %gather3A_363 : vector<16xf32>
          %swap3A_443 = arith.index_cast %add3A_367 : i32 to index
          %swap3A_444 = arith.constant 112 : index
          %swap3A_445 = tpu.vector_load %arg11[%swap3A_443, %swap3A_444] {strides = array<i32>} : memref<80x128xf32, #tpu.memory_space<vmem>>, vector<1x16xf32>,
          %swap3A_446 = vector.shape_cast %swap3A_445 : vector<1x16xf32> to vector<16xf32>
          %swap3A_447 = vector.shape_cast %mul3A_442 : vector<16xf32> to vector<1x16xf32>
          tpu.vector_store %arg11[%swap3A_443, %swap3A_444], %swap3A_447 {strides = array<i32>} : memref<80x128xf32, #tpu.memory_space<vmem>>, vector<1x16xf32>,
          %broadcast_in_dim3A_448 = arith.constant 4 : i32
          %broadcast_in_dim3A_449 = vector.broadcast %broadcast_in_dim3A_448 : i32 to vector<16x1xi32>
          %gather3A_450 = vector.shape_cast %broadcast_in_dim3A_449 : vector<16x1xi32> to vector<16xi32>
          %gather3A_451 = tpu.dynamic_gather %get3A_98[%gather3A_450] in [0] : vector<16xf32>, vector<16xi32> -> vector<16xf32>
          %mul3A_452 = arith.constant 16 : i32
          %mul3A_453 = arith.muli %scan3A_93, %mul3A_452 : i32
          %add3A_454 = arith.constant 4 : i32
          %add3A_455 = arith.addi %mul3A_453, %add3A_454 : i32
          %get3A_456 = arith.index_cast %add3A_455 : i32 to index
          %get3A_457 = arith.constant 0 : index
          %get3A_458 = tpu.vector_load %arg11[%get3A_456, %get3A_457] {strides = array<i32>} : memref<80x128xf32, #tpu.memory_space<vmem>>, vector<1x16xf32>,
          %get3A_459 = vector.shape_cast %get3A_458 : vector<1x16xf32> to vector<16xf32>
          %mul3A_460 = arith.mulf %get3A_459, %gather3A_451 : vector<16xf32>
          %swap3A_461 = arith.index_cast %add3A_455 : i32 to index
          %swap3A_462 = arith.constant 0 : index
          %swap3A_463 = tpu.vector_load %arg11[%swap3A_461, %swap3A_462] {strides = array<i32>} : memref<80x128xf32, #tpu.memory_space<vmem>>, vector<1x16xf32>,
          %swap3A_464 = vector.shape_cast %swap3A_463 : vector<1x16xf32> to vector<16xf32>
          %swap3A_465 = vector.shape_cast %mul3A_460 : vector<16xf32> to vector<1x16xf32>
          tpu.vector_store %arg11[%swap3A_461, %swap3A_462], %swap3A_465 {strides = array<i32>} : memref<80x128xf32, #tpu.memory_space<vmem>>, vector<1x16xf32>,
          %get3A_466 = arith.index_cast %add3A_455 : i32 to index
          %get3A_467 = arith.constant 16 : index
          %get3A_468 = tpu.vector_load %arg11[%get3A_466, %get3A_467] {strides = array<i32>} : memref<80x128xf32, #tpu.memory_space<vmem>>, vector<1x16xf32>,
          %get3A_469 = vector.shape_cast %get3A_468 : vector<1x16xf32> to vector<16xf32>
          %mul3A_470 = arith.mulf %get3A_469, %gather3A_451 : vector<16xf32>
          %swap3A_471 = arith.index_cast %add3A_455 : i32 to index
          %swap3A_472 = arith.constant 16 : index
          %swap3A_473 = tpu.vector_load %arg11[%swap3A_471, %swap3A_472] {strides = array<i32>} : memref<80x128xf32, #tpu.memory_space<vmem>>, vector<1x16xf32>,
          %swap3A_474 = vector.shape_cast %swap3A_473 : vector<1x16xf32> to vector<16xf32>
          %swap3A_475 = vector.shape_cast %mul3A_470 : vector<16xf32> to vector<1x16xf32>
          tpu.vector_store %arg11[%swap3A_471, %swap3A_472], %swap3A_475 {strides = array<i32>} : memref<80x128xf32, #tpu.memory_space<vmem>>, vector<1x16xf32>,
          %get3A_476 = arith.index_cast %add3A_455 : i32 to index
          %get3A_477 = arith.constant 32 : index
          %get3A_478 = tpu.vector_load %arg11[%get3A_476, %get3A_477] {strides = array<i32>} : memref<80x128xf32, #tpu.memory_space<vmem>>, vector<1x16xf32>,
          %get3A_479 = vector.shape_cast %get3A_478 : vector<1x16xf32> to vector<16xf32>
          %mul3A_480 = arith.mulf %get3A_479, %gather3A_451 : vector<16xf32>
          %swap3A_481 = arith.index_cast %add3A_455 : i32 to index
          %swap3A_482 = arith.constant 32 : index
          %swap3A_483 = tpu.vector_load %arg11[%swap3A_481, %swap3A_482] {strides = array<i32>} : memref<80x128xf32, #tpu.memory_space<vmem>>, vector<1x16xf32>,
          %swap3A_484 = vector.shape_cast %swap3A_483 : vector<1x16xf32> to vector<16xf32>
          %swap3A_485 = vector.shape_cast %mul3A_480 : vector<16xf32> to vector<1x16xf32>
          tpu.vector_store %arg11[%swap3A_481, %swap3A_482], %swap3A_485 {strides = array<i32>} : memref<80x128xf32, #tpu.memory_space<vmem>>, vector<1x16xf32>,
          %get3A_486 = arith.index_cast %add3A_455 : i32 to index
          %get3A_487 = arith.constant 48 : index
          %get3A_488 = tpu.vector_load %arg11[%get3A_486, %get3A_487] {strides = array<i32>} : memref<80x128xf32, #tpu.memory_space<vmem>>, vector<1x16xf32>,
          %get3A_489 = vector.shape_cast %get3A_488 : vector<1x16xf32> to vector<16xf32>
          %mul3A_490 = arith.mulf %get3A_489, %gather3A_451 : vector<16xf32>
          %swap3A_491 = arith.index_cast %add3A_455 : i32 to index
          %swap3A_492 = arith.constant 48 : index
          %swap3A_493 = tpu.vector_load %arg11[%swap3A_491, %swap3A_492] {strides = array<i32>} : memref<80x128xf32, #tpu.memory_space<vmem>>, vector<1x16xf32>,
          %swap3A_494 = vector.shape_cast %swap3A_493 : vector<1x16xf32> to vector<16xf32>
          %swap3A_495 = vector.shape_cast %mul3A_490 : vector<16xf32> to vector<1x16xf32>
          tpu.vector_store %arg11[%swap3A_491, %swap3A_492], %swap3A_495 {strides = array<i32>} : memref<80x128xf32, #tpu.memory_space<vmem>>, vector<1x16xf32>,
          %get3A_496 = arith.index_cast %add3A_455 : i32 to index
          %get3A_497 = arith.constant 64 : index
          %get3A_498 = tpu.vector_load %arg11[%get3A_496, %get3A_497] {strides = array<i32>} : memref<80x128xf32, #tpu.memory_space<vmem>>, vector<1x16xf32>,
          %get3A_499 = vector.shape_cast %get3A_498 : vector<1x16xf32> to vector<16xf32>
          %mul3A_500 = arith.mulf %get3A_499, %gather3A_451 : vector<16xf32>
          %swap3A_501 = arith.index_cast %add3A_455 : i32 to index
          %swap3A_502 = arith.constant 64 : index
          %swap3A_503 = tpu.vector_load %arg11[%swap3A_501, %swap3A_502] {strides = array<i32>} : memref<80x128xf32, #tpu.memory_space<vmem>>, vector<1x16xf32>,
          %swap3A_504 = vector.shape_cast %swap3A_503 : vector<1x16xf32> to vector<16xf32>
          %swap3A_505 = vector.shape_cast %mul3A_500 : vector<16xf32> to vector<1x16xf32>
          tpu.vector_store %arg11[%swap3A_501, %swap3A_502], %swap3A_505 {strides = array<i32>} : memref<80x128xf32, #tpu.memory_space<vmem>>, vector<1x16xf32>,
          %get3A_506 = arith.index_cast %add3A_455 : i32 to index
          %get3A_507 = arith.constant 80 : index
          %get3A_508 = tpu.vector_load %arg11[%get3A_506, %get3A_507] {strides = array<i32>} : memref<80x128xf32, #tpu.memory_space<vmem>>, vector<1x16xf32>,
          %get3A_509 = vector.shape_cast %get3A_508 : vector<1x16xf32> to vector<16xf32>
          %mul3A_510 = arith.mulf %get3A_509, %gather3A_451 : vector<16xf32>
          %swap3A_511 = arith.index_cast %add3A_455 : i32 to index
          %swap3A_512 = arith.constant 80 : index
          %swap3A_513 = tpu.vector_load %arg11[%swap3A_511, %swap3A_512] {strides = array<i32>} : memref<80x128xf32, #tpu.memory_space<vmem>>, vector<1x16xf32>,
          %swap3A_514 = vector.shape_cast %swap3A_513 : vector<1x16xf32> to vector<16xf32>
          %swap3A_515 = vector.shape_cast %mul3A_510 : vector<16xf32> to vector<1x16xf32>
          tpu.vector_store %arg11[%swap3A_511, %swap3A_512], %swap3A_515 {strides = array<i32>} : memref<80x128xf32, #tpu.memory_space<vmem>>, vector<1x16xf32>,
          %get3A_516 = arith.index_cast %add3A_455 : i32 to index
          %get3A_517 = arith.constant 96 : index
          %get3A_518 = tpu.vector_load %arg11[%get3A_516, %get3A_517] {strides = array<i32>} : memref<80x128xf32, #tpu.memory_space<vmem>>, vector<1x16xf32>,
          %get3A_519 = vector.shape_cast %get3A_518 : vector<1x16xf32> to vector<16xf32>
          %mul3A_520 = arith.mulf %get3A_519, %gather3A_451 : vector<16xf32>
          %swap3A_521 = arith.index_cast %add3A_455 : i32 to index
          %swap3A_522 = arith.constant 96 : index
          %swap3A_523 = tpu.vector_load %arg11[%swap3A_521, %swap3A_522] {strides = array<i32>} : memref<80x128xf32, #tpu.memory_space<vmem>>, vector<1x16xf32>,
          %swap3A_524 = vector.shape_cast %swap3A_523 : vector<1x16xf32> to vector<16xf32>
          %swap3A_525 = vector.shape_cast %mul3A_520 : vector<16xf32> to vector<1x16xf32>
          tpu.vector_store %arg11[%swap3A_521, %swap3A_522], %swap3A_525 {strides = array<i32>} : memref<80x128xf32, #tpu.memory_space<vmem>>, vector<1x16xf32>,
          %get3A_526 = arith.index_cast %add3A_455 : i32 to index
          %get3A_527 = arith.constant 112 : index
          %get3A_528 = tpu.vector_load %arg11[%get3A_526, %get3A_527] {strides = array<i32>} : memref<80x128xf32, #tpu.memory_space<vmem>>, vector<1x16xf32>,
          %get3A_529 = vector.shape_cast %get3A_528 : vector<1x16xf32> to vector<16xf32>
          %mul3A_530 = arith.mulf %get3A_529, %gather3A_451 : vector<16xf32>
          %swap3A_531 = arith.index_cast %add3A_455 : i32 to index
          %swap3A_532 = arith.constant 112 : index
          %swap3A_533 = tpu.vector_load %arg11[%swap3A_531, %swap3A_532] {strides = array<i32>} : memref<80x128xf32, #tpu.memory_space<vmem>>, vector<1x16xf32>,
          %swap3A_534 = vector.shape_cast %swap3A_533 : vector<1x16xf32> to vector<16xf32>
          %swap3A_535 = vector.shape_cast %mul3A_530 : vector<16xf32> to vector<1x16xf32>
          tpu.vector_store %arg11[%swap3A_531, %swap3A_532], %swap3A_535 {strides = array<i32>} : memref<80x128xf32, #tpu.memory_space<vmem>>, vector<1x16xf32>,
          %broadcast_in_dim3A_536 = arith.constant 5 : i32
          %broadcast_in_dim3A_537 = vector.broadcast %broadcast_in_dim3A_536 : i32 to vector<16x1xi32>
          %gather3A_538 = vector.shape_cast %broadcast_in_dim3A_537 : vector<16x1xi32> to vector<16xi32>
          %gather3A_539 = tpu.dynamic_gather %get3A_98[%gather3A_538] in [0] : vector<16xf32>, vector<16xi32> -> vector<16xf32>
          %mul3A_540 = arith.constant 16 : i32
          %mul3A_541 = arith.muli %scan3A_93, %mul3A_540 : i32
          %add3A_542 = arith.constant 5 : i32
          %add3A_543 = arith.addi %mul3A_541, %add3A_542 : i32
          %get3A_544 = arith.index_cast %add3A_543 : i32 to index
          %get3A_545 = arith.constant 0 : index
          %get3A_546 = tpu.vector_load %arg11[%get3A_544, %get3A_545] {strides = array<i32>} : memref<80x128xf32, #tpu.memory_space<vmem>>, vector<1x16xf32>,
          %get3A_547 = vector.shape_cast %get3A_546 : vector<1x16xf32> to vector<16xf32>
          %mul3A_548 = arith.mulf %get3A_547, %gather3A_539 : vector<16xf32>
          %swap3A_549 = arith.index_cast %add3A_543 : i32 to index
          %swap3A_550 = arith.constant 0 : index
          %swap3A_551 = tpu.vector_load %arg11[%swap3A_549, %swap3A_550] {strides = array<i32>} : memref<80x128xf32, #tpu.memory_space<vmem>>, vector<1x16xf32>,
          %swap3A_552 = vector.shape_cast %swap3A_551 : vector<1x16xf32> to vector<16xf32>
          %swap3A_553 = vector.shape_cast %mul3A_548 : vector<16xf32> to vector<1x16xf32>
          tpu.vector_store %arg11[%swap3A_549, %swap3A_550], %swap3A_553 {strides = array<i32>} : memref<80x128xf32, #tpu.memory_space<vmem>>, vector<1x16xf32>,
          %get3A_554 = arith.index_cast %add3A_543 : i32 to index
          %get3A_555 = arith.constant 16 : index
          %get3A_556 = tpu.vector_load %arg11[%get3A_554, %get3A_555] {strides = array<i32>} : memref<80x128xf32, #tpu.memory_space<vmem>>, vector<1x16xf32>,
          %get3A_557 = vector.shape_cast %get3A_556 : vector<1x16xf32> to vector<16xf32>
          %mul3A_558 = arith.mulf %get3A_557, %gather3A_539 : vector<16xf32>
          %swap3A_559 = arith.index_cast %add3A_543 : i32 to index
          %swap3A_560 = arith.constant 16 : index
          %swap3A_561 = tpu.vector_load %arg11[%swap3A_559, %swap3A_560] {strides = array<i32>} : memref<80x128xf32, #tpu.memory_space<vmem>>, vector<1x16xf32>,
          %swap3A_562 = vector.shape_cast %swap3A_561 : vector<1x16xf32> to vector<16xf32>
          %swap3A_563 = vector.shape_cast %mul3A_558 : vector<16xf32> to vector<1x16xf32>
          tpu.vector_store %arg11[%swap3A_559, %swap3A_560], %swap3A_563 {strides = array<i32>} : memref<80x128xf32, #tpu.memory_space<vmem>>, vector<1x16xf32>,
          %get3A_564 = arith.index_cast %add3A_543 : i32 to index
          %get3A_565 = arith.constant 32 : index
          %get3A_566 = tpu.vector_load %arg11[%get3A_564, %get3A_565] {strides = array<i32>} : memref<80x128xf32, #tpu.memory_space<vmem>>, vector<1x16xf32>,
          %get3A_567 = vector.shape_cast %get3A_566 : vector<1x16xf32> to vector<16xf32>
          %mul3A_568 = arith.mulf %get3A_567, %gather3A_539 : vector<16xf32>
          %swap3A_569 = arith.index_cast %add3A_543 : i32 to index
          %swap3A_570 = arith.constant 32 : index
          %swap3A_571 = tpu.vector_load %arg11[%swap3A_569, %swap3A_570] {strides = array<i32>} : memref<80x128xf32, #tpu.memory_space<vmem>>, vector<1x16xf32>,
          %swap3A_572 = vector.shape_cast %swap3A_571 : vector<1x16xf32> to vector<16xf32>
          %swap3A_573 = vector.shape_cast %mul3A_568 : vector<16xf32> to vector<1x16xf32>
          tpu.vector_store %arg11[%swap3A_569, %swap3A_570], %swap3A_573 {strides = array<i32>} : memref<80x128xf32, #tpu.memory_space<vmem>>, vector<1x16xf32>,
          %get3A_574 = arith.index_cast %add3A_543 : i32 to index
          %get3A_575 = arith.constant 48 : index
          %get3A_576 = tpu.vector_load %arg11[%get3A_574, %get3A_575] {strides = array<i32>} : memref<80x128xf32, #tpu.memory_space<vmem>>, vector<1x16xf32>,
          %get3A_577 = vector.shape_cast %get3A_576 : vector<1x16xf32> to vector<16xf32>
          %mul3A_578 = arith.mulf %get3A_577, %gather3A_539 : vector<16xf32>
          %swap3A_579 = arith.index_cast %add3A_543 : i32 to index
          %swap3A_580 = arith.constant 48 : index
          %swap3A_581 = tpu.vector_load %arg11[%swap3A_579, %swap3A_580] {strides = array<i32>} : memref<80x128xf32, #tpu.memory_space<vmem>>, vector<1x16xf32>,
          %swap3A_582 = vector.shape_cast %swap3A_581 : vector<1x16xf32> to vector<16xf32>
          %swap3A_583 = vector.shape_cast %mul3A_578 : vector<16xf32> to vector<1x16xf32>
          tpu.vector_store %arg11[%swap3A_579, %swap3A_580], %swap3A_583 {strides = array<i32>} : memref<80x128xf32, #tpu.memory_space<vmem>>, vector<1x16xf32>,
          %get3A_584 = arith.index_cast %add3A_543 : i32 to index
          %get3A_585 = arith.constant 64 : index
          %get3A_586 = tpu.vector_load %arg11[%get3A_584, %get3A_585] {strides = array<i32>} : memref<80x128xf32, #tpu.memory_space<vmem>>, vector<1x16xf32>,
          %get3A_587 = vector.shape_cast %get3A_586 : vector<1x16xf32> to vector<16xf32>
          %mul3A_588 = arith.mulf %get3A_587, %gather3A_539 : vector<16xf32>
          %swap3A_589 = arith.index_cast %add3A_543 : i32 to index
          %swap3A_590 = arith.constant 64 : index
          %swap3A_591 = tpu.vector_load %arg11[%swap3A_589, %swap3A_590] {strides = array<i32>} : memref<80x128xf32, #tpu.memory_space<vmem>>, vector<1x16xf32>,
          %swap3A_592 = vector.shape_cast %swap3A_591 : vector<1x16xf32> to vector<16xf32>
          %swap3A_593 = vector.shape_cast %mul3A_588 : vector<16xf32> to vector<1x16xf32>
          tpu.vector_store %arg11[%swap3A_589, %swap3A_590], %swap3A_593 {strides = array<i32>} : memref<80x128xf32, #tpu.memory_space<vmem>>, vector<1x16xf32>,
          %get3A_594 = arith.index_cast %add3A_543 : i32 to index
          %get3A_595 = arith.constant 80 : index
          %get3A_596 = tpu.vector_load %arg11[%get3A_594, %get3A_595] {strides = array<i32>} : memref<80x128xf32, #tpu.memory_space<vmem>>, vector<1x16xf32>,
          %get3A_597 = vector.shape_cast %get3A_596 : vector<1x16xf32> to vector<16xf32>
          %mul3A_598 = arith.mulf %get3A_597, %gather3A_539 : vector<16xf32>
          %swap3A_599 = arith.index_cast %add3A_543 : i32 to index
          %swap3A_600 = arith.constant 80 : index
          %swap3A_601 = tpu.vector_load %arg11[%swap3A_599, %swap3A_600] {strides = array<i32>} : memref<80x128xf32, #tpu.memory_space<vmem>>, vector<1x16xf32>,
          %swap3A_602 = vector.shape_cast %swap3A_601 : vector<1x16xf32> to vector<16xf32>
          %swap3A_603 = vector.shape_cast %mul3A_598 : vector<16xf32> to vector<1x16xf32>
          tpu.vector_store %arg11[%swap3A_599, %swap3A_600], %swap3A_603 {strides = array<i32>} : memref<80x128xf32, #tpu.memory_space<vmem>>, vector<1x16xf32>,
          %get3A_604 = arith.index_cast %add3A_543 : i32 to index
          %get3A_605 = arith.constant 96 : index
          %get3A_606 = tpu.vector_load %arg11[%get3A_604, %get3A_605] {strides = array<i32>} : memref<80x128xf32, #tpu.memory_space<vmem>>, vector<1x16xf32>,
          %get3A_607 = vector.shape_cast %get3A_606 : vector<1x16xf32> to vector<16xf32>
          %mul3A_608 = arith.mulf %get3A_607, %gather3A_539 : vector<16xf32>
          %swap3A_609 = arith.index_cast %add3A_543 : i32 to index
          %swap3A_610 = arith.constant 96 : index
          %swap3A_611 = tpu.vector_load %arg11[%swap3A_609, %swap3A_610] {strides = array<i32>} : memref<80x128xf32, #tpu.memory_space<vmem>>, vector<1x16xf32>,
          %swap3A_612 = vector.shape_cast %swap3A_611 : vector<1x16xf32> to vector<16xf32>
          %swap3A_613 = vector.shape_cast %mul3A_608 : vector<16xf32> to vector<1x16xf32>
          tpu.vector_store %arg11[%swap3A_609, %swap3A_610], %swap3A_613 {strides = array<i32>} : memref<80x128xf32, #tpu.memory_space<vmem>>, vector<1x16xf32>,
          %get3A_614 = arith.index_cast %add3A_543 : i32 to index
          %get3A_615 = arith.constant 112 : index
          %get3A_616 = tpu.vector_load %arg11[%get3A_614, %get3A_615] {strides = array<i32>} : memref<80x128xf32, #tpu.memory_space<vmem>>, vector<1x16xf32>,
          %get3A_617 = vector.shape_cast %get3A_616 : vector<1x16xf32> to vector<16xf32>
          %mul3A_618 = arith.mulf %get3A_617, %gather3A_539 : vector<16xf32>
          %swap3A_619 = arith.index_cast %add3A_543 : i32 to index
          %swap3A_620 = arith.constant 112 : index
          %swap3A_621 = tpu.vector_load %arg11[%swap3A_619, %swap3A_620] {strides = array<i32>} : memref<80x128xf32, #tpu.memory_space<vmem>>, vector<1x16xf32>,
          %swap3A_622 = vector.shape_cast %swap3A_621 : vector<1x16xf32> to vector<16xf32>
          %swap3A_623 = vector.shape_cast %mul3A_618 : vector<16xf32> to vector<1x16xf32>
          tpu.vector_store %arg11[%swap3A_619, %swap3A_620], %swap3A_623 {strides = array<i32>} : memref<80x128xf32, #tpu.memory_space<vmem>>, vector<1x16xf32>,
          %broadcast_in_dim3A_624 = arith.constant 6 : i32
          %broadcast_in_dim3A_625 = vector.broadcast %broadcast_in_dim3A_624 : i32 to vector<16x1xi32>
          %gather3A_626 = vector.shape_cast %broadcast_in_dim3A_625 : vector<16x1xi32> to vector<16xi32>
          %gather3A_627 = tpu.dynamic_gather %get3A_98[%gather3A_626] in [0] : vector<16xf32>, vector<16xi32> -> vector<16xf32>
          %mul3A_628 = arith.constant 16 : i32
          %mul3A_629 = arith.muli %scan3A_93, %mul3A_628 : i32
          %add3A_630 = arith.constant 6 : i32
          %add3A_631 = arith.addi %mul3A_629, %add3A_630 : i32
          %get3A_632 = arith.index_cast %add3A_631 : i32 to index
          %get3A_633 = arith.constant 0 : index
          %get3A_634 = tpu.vector_load %arg11[%get3A_632, %get3A_633] {strides = array<i32>} : memref<80x128xf32, #tpu.memory_space<vmem>>, vector<1x16xf32>,
          %get3A_635 = vector.shape_cast %get3A_634 : vector<1x16xf32> to vector<16xf32>
          %mul3A_636 = arith.mulf %get3A_635, %gather3A_627 : vector<16xf32>
          %swap3A_637 = arith.index_cast %add3A_631 : i32 to index
          %swap3A_638 = arith.constant 0 : index
          %swap3A_639 = tpu.vector_load %arg11[%swap3A_637, %swap3A_638] {strides = array<i32>} : memref<80x128xf32, #tpu.memory_space<vmem>>, vector<1x16xf32>,
          %swap3A_640 = vector.shape_cast %swap3A_639 : vector<1x16xf32> to vector<16xf32>
          %swap3A_641 = vector.shape_cast %mul3A_636 : vector<16xf32> to vector<1x16xf32>
          tpu.vector_store %arg11[%swap3A_637, %swap3A_638], %swap3A_641 {strides = array<i32>} : memref<80x128xf32, #tpu.memory_space<vmem>>, vector<1x16xf32>,
          %get3A_642 = arith.index_cast %add3A_631 : i32 to index
          %get3A_643 = arith.constant 16 : index
          %get3A_644 = tpu.vector_load %arg11[%get3A_642, %get3A_643] {strides = array<i32>} : memref<80x128xf32, #tpu.memory_space<vmem>>, vector<1x16xf32>,
          %get3A_645 = vector.shape_cast %get3A_644 : vector<1x16xf32> to vector<16xf32>
          %mul3A_646 = arith.mulf %get3A_645, %gather3A_627 : vector<16xf32>
          %swap3A_647 = arith.index_cast %add3A_631 : i32 to index
          %swap3A_648 = arith.constant 16 : index
          %swap3A_649 = tpu.vector_load %arg11[%swap3A_647, %swap3A_648] {strides = array<i32>} : memref<80x128xf32, #tpu.memory_space<vmem>>, vector<1x16xf32>,
          %swap3A_650 = vector.shape_cast %swap3A_649 : vector<1x16xf32> to vector<16xf32>
          %swap3A_651 = vector.shape_cast %mul3A_646 : vector<16xf32> to vector<1x16xf32>
          tpu.vector_store %arg11[%swap3A_647, %swap3A_648], %swap3A_651 {strides = array<i32>} : memref<80x128xf32, #tpu.memory_space<vmem>>, vector<1x16xf32>,
          %get3A_652 = arith.index_cast %add3A_631 : i32 to index
          %get3A_653 = arith.constant 32 : index
          %get3A_654 = tpu.vector_load %arg11[%get3A_652, %get3A_653] {strides = array<i32>} : memref<80x128xf32, #tpu.memory_space<vmem>>, vector<1x16xf32>,
          %get3A_655 = vector.shape_cast %get3A_654 : vector<1x16xf32> to vector<16xf32>
          %mul3A_656 = arith.mulf %get3A_655, %gather3A_627 : vector<16xf32>
          %swap3A_657 = arith.index_cast %add3A_631 : i32 to index
          %swap3A_658 = arith.constant 32 : index
          %swap3A_659 = tpu.vector_load %arg11[%swap3A_657, %swap3A_658] {strides = array<i32>} : memref<80x128xf32, #tpu.memory_space<vmem>>, vector<1x16xf32>,
          %swap3A_660 = vector.shape_cast %swap3A_659 : vector<1x16xf32> to vector<16xf32>
          %swap3A_661 = vector.shape_cast %mul3A_656 : vector<16xf32> to vector<1x16xf32>
          tpu.vector_store %arg11[%swap3A_657, %swap3A_658], %swap3A_661 {strides = array<i32>} : memref<80x128xf32, #tpu.memory_space<vmem>>, vector<1x16xf32>,
          %get3A_662 = arith.index_cast %add3A_631 : i32 to index
          %get3A_663 = arith.constant 48 : index
          %get3A_664 = tpu.vector_load %arg11[%get3A_662, %get3A_663] {strides = array<i32>} : memref<80x128xf32, #tpu.memory_space<vmem>>, vector<1x16xf32>,
          %get3A_665 = vector.shape_cast %get3A_664 : vector<1x16xf32> to vector<16xf32>
          %mul3A_666 = arith.mulf %get3A_665, %gather3A_627 : vector<16xf32>
          %swap3A_667 = arith.index_cast %add3A_631 : i32 to index
          %swap3A_668 = arith.constant 48 : index
          %swap3A_669 = tpu.vector_load %arg11[%swap3A_667, %swap3A_668] {strides = array<i32>} : memref<80x128xf32, #tpu.memory_space<vmem>>, vector<1x16xf32>,
          %swap3A_670 = vector.shape_cast %swap3A_669 : vector<1x16xf32> to vector<16xf32>
          %swap3A_671 = vector.shape_cast %mul3A_666 : vector<16xf32> to vector<1x16xf32>
          tpu.vector_store %arg11[%swap3A_667, %swap3A_668], %swap3A_671 {strides = array<i32>} : memref<80x128xf32, #tpu.memory_space<vmem>>, vector<1x16xf32>,
          %get3A_672 = arith.index_cast %add3A_631 : i32 to index
          %get3A_673 = arith.constant 64 : index
          %get3A_674 = tpu.vector_load %arg11[%get3A_672, %get3A_673] {strides = array<i32>} : memref<80x128xf32, #tpu.memory_space<vmem>>, vector<1x16xf32>,
          %get3A_675 = vector.shape_cast %get3A_674 : vector<1x16xf32> to vector<16xf32>
          %mul3A_676 = arith.mulf %get3A_675, %gather3A_627 : vector<16xf32>
          %swap3A_677 = arith.index_cast %add3A_631 : i32 to index
          %swap3A_678 = arith.constant 64 : index
          %swap3A_679 = tpu.vector_load %arg11[%swap3A_677, %swap3A_678] {strides = array<i32>} : memref<80x128xf32, #tpu.memory_space<vmem>>, vector<1x16xf32>,
          %swap3A_680 = vector.shape_cast %swap3A_679 : vector<1x16xf32> to vector<16xf32>
          %swap3A_681 = vector.shape_cast %mul3A_676 : vector<16xf32> to vector<1x16xf32>
          tpu.vector_store %arg11[%swap3A_677, %swap3A_678], %swap3A_681 {strides = array<i32>} : memref<80x128xf32, #tpu.memory_space<vmem>>, vector<1x16xf32>,
          %get3A_682 = arith.index_cast %add3A_631 : i32 to index
          %get3A_683 = arith.constant 80 : index
          %get3A_684 = tpu.vector_load %arg11[%get3A_682, %get3A_683] {strides = array<i32>} : memref<80x128xf32, #tpu.memory_space<vmem>>, vector<1x16xf32>,
          %get3A_685 = vector.shape_cast %get3A_684 : vector<1x16xf32> to vector<16xf32>
          %mul3A_686 = arith.mulf %get3A_685, %gather3A_627 : vector<16xf32>
          %swap3A_687 = arith.index_cast %add3A_631 : i32 to index
          %swap3A_688 = arith.constant 80 : index
          %swap3A_689 = tpu.vector_load %arg11[%swap3A_687, %swap3A_688] {strides = array<i32>} : memref<80x128xf32, #tpu.memory_space<vmem>>, vector<1x16xf32>,
          %swap3A_690 = vector.shape_cast %swap3A_689 : vector<1x16xf32> to vector<16xf32>
          %swap3A_691 = vector.shape_cast %mul3A_686 : vector<16xf32> to vector<1x16xf32>
          tpu.vector_store %arg11[%swap3A_687, %swap3A_688], %swap3A_691 {strides = array<i32>} : memref<80x128xf32, #tpu.memory_space<vmem>>, vector<1x16xf32>,
          %get3A_692 = arith.index_cast %add3A_631 : i32 to index
          %get3A_693 = arith.constant 96 : index
          %get3A_694 = tpu.vector_load %arg11[%get3A_692, %get3A_693] {strides = array<i32>} : memref<80x128xf32, #tpu.memory_space<vmem>>, vector<1x16xf32>,
          %get3A_695 = vector.shape_cast %get3A_694 : vector<1x16xf32> to vector<16xf32>
          %mul3A_696 = arith.mulf %get3A_695, %gather3A_627 : vector<16xf32>
          %swap3A_697 = arith.index_cast %add3A_631 : i32 to index
          %swap3A_698 = arith.constant 96 : index
          %swap3A_699 = tpu.vector_load %arg11[%swap3A_697, %swap3A_698] {strides = array<i32>} : memref<80x128xf32, #tpu.memory_space<vmem>>, vector<1x16xf32>,
          %swap3A_700 = vector.shape_cast %swap3A_699 : vector<1x16xf32> to vector<16xf32>
          %swap3A_701 = vector.shape_cast %mul3A_696 : vector<16xf32> to vector<1x16xf32>
          tpu.vector_store %arg11[%swap3A_697, %swap3A_698], %swap3A_701 {strides = array<i32>} : memref<80x128xf32, #tpu.memory_space<vmem>>, vector<1x16xf32>,
          %get3A_702 = arith.index_cast %add3A_631 : i32 to index
          %get3A_703 = arith.constant 112 : index
          %get3A_704 = tpu.vector_load %arg11[%get3A_702, %get3A_703] {strides = array<i32>} : memref<80x128xf32, #tpu.memory_space<vmem>>, vector<1x16xf32>,
          %get3A_705 = vector.shape_cast %get3A_704 : vector<1x16xf32> to vector<16xf32>
          %mul3A_706 = arith.mulf %get3A_705, %gather3A_627 : vector<16xf32>
          %swap3A_707 = arith.index_cast %add3A_631 : i32 to index
          %swap3A_708 = arith.constant 112 : index
          %swap3A_709 = tpu.vector_load %arg11[%swap3A_707, %swap3A_708] {strides = array<i32>} : memref<80x128xf32, #tpu.memory_space<vmem>>, vector<1x16xf32>,
          %swap3A_710 = vector.shape_cast %swap3A_709 : vector<1x16xf32> to vector<16xf32>
          %swap3A_711 = vector.shape_cast %mul3A_706 : vector<16xf32> to vector<1x16xf32>
          tpu.vector_store %arg11[%swap3A_707, %swap3A_708], %swap3A_711 {strides = array<i32>} : memref<80x128xf32, #tpu.memory_space<vmem>>, vector<1x16xf32>,
          %broadcast_in_dim3A_712 = arith.constant 7 : i32
          %broadcast_in_dim3A_713 = vector.broadcast %broadcast_in_dim3A_712 : i32 to vector<16x1xi32>
          %gather3A_714 = vector.shape_cast %broadcast_in_dim3A_713 : vector<16x1xi32> to vector<16xi32>
          %gather3A_715 = tpu.dynamic_gather %get3A_98[%gather3A_714] in [0] : vector<16xf32>, vector<16xi32> -> vector<16xf32>
          %mul3A_716 = arith.constant 16 : i32
          %mul3A_717 = arith.muli %scan3A_93, %mul3A_716 : i32
          %add3A_718 = arith.constant 7 : i32
          %add3A_719 = arith.addi %mul3A_717, %add3A_718 : i32
          %get3A_720 = arith.index_cast %add3A_719 : i32 to index
          %get3A_721 = arith.constant 0 : index
          %get3A_722 = tpu.vector_load %arg11[%get3A_720, %get3A_721] {strides = array<i32>} : memref<80x128xf32, #tpu.memory_space<vmem>>, vector<1x16xf32>,
          %get3A_723 = vector.shape_cast %get3A_722 : vector<1x16xf32> to vector<16xf32>
          %mul3A_724 = arith.mulf %get3A_723, %gather3A_715 : vector<16xf32>
          %swap3A_725 = arith.index_cast %add3A_719 : i32 to index
          %swap3A_726 = arith.constant 0 : index
          %swap3A_727 = tpu.vector_load %arg11[%swap3A_725, %swap3A_726] {strides = array<i32>} : memref<80x128xf32, #tpu.memory_space<vmem>>, vector<1x16xf32>,
          %swap3A_728 = vector.shape_cast %swap3A_727 : vector<1x16xf32> to vector<16xf32>
          %swap3A_729 = vector.shape_cast %mul3A_724 : vector<16xf32> to vector<1x16xf32>
          tpu.vector_store %arg11[%swap3A_725, %swap3A_726], %swap3A_729 {strides = array<i32>} : memref<80x128xf32, #tpu.memory_space<vmem>>, vector<1x16xf32>,
          %get3A_730 = arith.index_cast %add3A_719 : i32 to index
          %get3A_731 = arith.constant 16 : index
          %get3A_732 = tpu.vector_load %arg11[%get3A_730, %get3A_731] {strides = array<i32>} : memref<80x128xf32, #tpu.memory_space<vmem>>, vector<1x16xf32>,
          %get3A_733 = vector.shape_cast %get3A_732 : vector<1x16xf32> to vector<16xf32>
          %mul3A_734 = arith.mulf %get3A_733, %gather3A_715 : vector<16xf32>
          %swap3A_735 = arith.index_cast %add3A_719 : i32 to index
          %swap3A_736 = arith.constant 16 : index
          %swap3A_737 = tpu.vector_load %arg11[%swap3A_735, %swap3A_736] {strides = array<i32>} : memref<80x128xf32, #tpu.memory_space<vmem>>, vector<1x16xf32>,
          %swap3A_738 = vector.shape_cast %swap3A_737 : vector<1x16xf32> to vector<16xf32>
          %swap3A_739 = vector.shape_cast %mul3A_734 : vector<16xf32> to vector<1x16xf32>
          tpu.vector_store %arg11[%swap3A_735, %swap3A_736], %swap3A_739 {strides = array<i32>} : memref<80x128xf32, #tpu.memory_space<vmem>>, vector<1x16xf32>,
          %get3A_740 = arith.index_cast %add3A_719 : i32 to index
          %get3A_741 = arith.constant 32 : index
          %get3A_742 = tpu.vector_load %arg11[%get3A_740, %get3A_741] {strides = array<i32>} : memref<80x128xf32, #tpu.memory_space<vmem>>, vector<1x16xf32>,
          %get3A_743 = vector.shape_cast %get3A_742 : vector<1x16xf32> to vector<16xf32>
          %mul3A_744 = arith.mulf %get3A_743, %gather3A_715 : vector<16xf32>
          %swap3A_745 = arith.index_cast %add3A_719 : i32 to index
          %swap3A_746 = arith.constant 32 : index
          %swap3A_747 = tpu.vector_load %arg11[%swap3A_745, %swap3A_746] {strides = array<i32>} : memref<80x128xf32, #tpu.memory_space<vmem>>, vector<1x16xf32>,
          %swap3A_748 = vector.shape_cast %swap3A_747 : vector<1x16xf32> to vector<16xf32>
          %swap3A_749 = vector.shape_cast %mul3A_744 : vector<16xf32> to vector<1x16xf32>
          tpu.vector_store %arg11[%swap3A_745, %swap3A_746], %swap3A_749 {strides = array<i32>} : memref<80x128xf32, #tpu.memory_space<vmem>>, vector<1x16xf32>,
          %get3A_750 = arith.index_cast %add3A_719 : i32 to index
          %get3A_751 = arith.constant 48 : index
          %get3A_752 = tpu.vector_load %arg11[%get3A_750, %get3A_751] {strides = array<i32>} : memref<80x128xf32, #tpu.memory_space<vmem>>, vector<1x16xf32>,
          %get3A_753 = vector.shape_cast %get3A_752 : vector<1x16xf32> to vector<16xf32>
          %mul3A_754 = arith.mulf %get3A_753, %gather3A_715 : vector<16xf32>
          %swap3A_755 = arith.index_cast %add3A_719 : i32 to index
          %swap3A_756 = arith.constant 48 : index
          %swap3A_757 = tpu.vector_load %arg11[%swap3A_755, %swap3A_756] {strides = array<i32>} : memref<80x128xf32, #tpu.memory_space<vmem>>, vector<1x16xf32>,
          %swap3A_758 = vector.shape_cast %swap3A_757 : vector<1x16xf32> to vector<16xf32>
          %swap3A_759 = vector.shape_cast %mul3A_754 : vector<16xf32> to vector<1x16xf32>
          tpu.vector_store %arg11[%swap3A_755, %swap3A_756], %swap3A_759 {strides = array<i32>} : memref<80x128xf32, #tpu.memory_space<vmem>>, vector<1x16xf32>,
          %get3A_760 = arith.index_cast %add3A_719 : i32 to index
          %get3A_761 = arith.constant 64 : index
          %get3A_762 = tpu.vector_load %arg11[%get3A_760, %get3A_761] {strides = array<i32>} : memref<80x128xf32, #tpu.memory_space<vmem>>, vector<1x16xf32>,
          %get3A_763 = vector.shape_cast %get3A_762 : vector<1x16xf32> to vector<16xf32>
          %mul3A_764 = arith.mulf %get3A_763, %gather3A_715 : vector<16xf32>
          %swap3A_765 = arith.index_cast %add3A_719 : i32 to index
          %swap3A_766 = arith.constant 64 : index
          %swap3A_767 = tpu.vector_load %arg11[%swap3A_765, %swap3A_766] {strides = array<i32>} : memref<80x128xf32, #tpu.memory_space<vmem>>, vector<1x16xf32>,
          %swap3A_768 = vector.shape_cast %swap3A_767 : vector<1x16xf32> to vector<16xf32>
          %swap3A_769 = vector.shape_cast %mul3A_764 : vector<16xf32> to vector<1x16xf32>
          tpu.vector_store %arg11[%swap3A_765, %swap3A_766], %swap3A_769 {strides = array<i32>} : memref<80x128xf32, #tpu.memory_space<vmem>>, vector<1x16xf32>,
          %get3A_770 = arith.index_cast %add3A_719 : i32 to index
          %get3A_771 = arith.constant 80 : index
          %get3A_772 = tpu.vector_load %arg11[%get3A_770, %get3A_771] {strides = array<i32>} : memref<80x128xf32, #tpu.memory_space<vmem>>, vector<1x16xf32>,
          %get3A_773 = vector.shape_cast %get3A_772 : vector<1x16xf32> to vector<16xf32>
          %mul3A_774 = arith.mulf %get3A_773, %gather3A_715 : vector<16xf32>
          %swap3A_775 = arith.index_cast %add3A_719 : i32 to index
          %swap3A_776 = arith.constant 80 : index
          %swap3A_777 = tpu.vector_load %arg11[%swap3A_775, %swap3A_776] {strides = array<i32>} : memref<80x128xf32, #tpu.memory_space<vmem>>, vector<1x16xf32>,
          %swap3A_778 = vector.shape_cast %swap3A_777 : vector<1x16xf32> to vector<16xf32>
          %swap3A_779 = vector.shape_cast %mul3A_774 : vector<16xf32> to vector<1x16xf32>
          tpu.vector_store %arg11[%swap3A_775, %swap3A_776], %swap3A_779 {strides = array<i32>} : memref<80x128xf32, #tpu.memory_space<vmem>>, vector<1x16xf32>,
          %get3A_780 = arith.index_cast %add3A_719 : i32 to index
          %get3A_781 = arith.constant 96 : index
          %get3A_782 = tpu.vector_load %arg11[%get3A_780, %get3A_781] {strides = array<i32>} : memref<80x128xf32, #tpu.memory_space<vmem>>, vector<1x16xf32>,
          %get3A_783 = vector.shape_cast %get3A_782 : vector<1x16xf32> to vector<16xf32>
          %mul3A_784 = arith.mulf %get3A_783, %gather3A_715 : vector<16xf32>
          %swap3A_785 = arith.index_cast %add3A_719 : i32 to index
          %swap3A_786 = arith.constant 96 : index
          %swap3A_787 = tpu.vector_load %arg11[%swap3A_785, %swap3A_786] {strides = array<i32>} : memref<80x128xf32, #tpu.memory_space<vmem>>, vector<1x16xf32>,
          %swap3A_788 = vector.shape_cast %swap3A_787 : vector<1x16xf32> to vector<16xf32>
          %swap3A_789 = vector.shape_cast %mul3A_784 : vector<16xf32> to vector<1x16xf32>
          tpu.vector_store %arg11[%swap3A_785, %swap3A_786], %swap3A_789 {strides = array<i32>} : memref<80x128xf32, #tpu.memory_space<vmem>>, vector<1x16xf32>,
          %get3A_790 = arith.index_cast %add3A_719 : i32 to index
          %get3A_791 = arith.constant 112 : index
          %get3A_792 = tpu.vector_load %arg11[%get3A_790, %get3A_791] {strides = array<i32>} : memref<80x128xf32, #tpu.memory_space<vmem>>, vector<1x16xf32>,
          %get3A_793 = vector.shape_cast %get3A_792 : vector<1x16xf32> to vector<16xf32>
          %mul3A_794 = arith.mulf %get3A_793, %gather3A_715 : vector<16xf32>
          %swap3A_795 = arith.index_cast %add3A_719 : i32 to index
          %swap3A_796 = arith.constant 112 : index
          %swap3A_797 = tpu.vector_load %arg11[%swap3A_795, %swap3A_796] {strides = array<i32>} : memref<80x128xf32, #tpu.memory_space<vmem>>, vector<1x16xf32>,
          %swap3A_798 = vector.shape_cast %swap3A_797 : vector<1x16xf32> to vector<16xf32>
          %swap3A_799 = vector.shape_cast %mul3A_794 : vector<16xf32> to vector<1x16xf32>
          tpu.vector_store %arg11[%swap3A_795, %swap3A_796], %swap3A_799 {strides = array<i32>} : memref<80x128xf32, #tpu.memory_space<vmem>>, vector<1x16xf32>,
          %broadcast_in_dim3A_800 = arith.constant 8 : i32
          %broadcast_in_dim3A_801 = vector.broadcast %broadcast_in_dim3A_800 : i32 to vector<16x1xi32>
          %gather3A_802 = vector.shape_cast %broadcast_in_dim3A_801 : vector<16x1xi32> to vector<16xi32>
          %gather3A_803 = tpu.dynamic_gather %get3A_98[%gather3A_802] in [0] : vector<16xf32>, vector<16xi32> -> vector<16xf32>
          %mul3A_804 = arith.constant 16 : i32
          %mul3A_805 = arith.muli %scan3A_93, %mul3A_804 : i32
          %add3A_806 = arith.constant 8 : i32
          %add3A_807 = arith.addi %mul3A_805, %add3A_806 : i32
          %get3A_808 = arith.index_cast %add3A_807 : i32 to index
          %get3A_809 = arith.constant 0 : index
          %get3A_810 = tpu.vector_load %arg11[%get3A_808, %get3A_809] {strides = array<i32>} : memref<80x128xf32, #tpu.memory_space<vmem>>, vector<1x16xf32>,
          %get3A_811 = vector.shape_cast %get3A_810 : vector<1x16xf32> to vector<16xf32>
          %mul3A_812 = arith.mulf %get3A_811, %gather3A_803 : vector<16xf32>
          %swap3A_813 = arith.index_cast %add3A_807 : i32 to index
          %swap3A_814 = arith.constant 0 : index
          %swap3A_815 = tpu.vector_load %arg11[%swap3A_813, %swap3A_814] {strides = array<i32>} : memref<80x128xf32, #tpu.memory_space<vmem>>, vector<1x16xf32>,
          %swap3A_816 = vector.shape_cast %swap3A_815 : vector<1x16xf32> to vector<16xf32>
          %swap3A_817 = vector.shape_cast %mul3A_812 : vector<16xf32> to vector<1x16xf32>
          tpu.vector_store %arg11[%swap3A_813, %swap3A_814], %swap3A_817 {strides = array<i32>} : memref<80x128xf32, #tpu.memory_space<vmem>>, vector<1x16xf32>,
          %get3A_818 = arith.index_cast %add3A_807 : i32 to index
          %get3A_819 = arith.constant 16 : index
          %get3A_820 = tpu.vector_load %arg11[%get3A_818, %get3A_819] {strides = array<i32>} : memref<80x128xf32, #tpu.memory_space<vmem>>, vector<1x16xf32>,
          %get3A_821 = vector.shape_cast %get3A_820 : vector<1x16xf32> to vector<16xf32>
          %mul3A_822 = arith.mulf %get3A_821, %gather3A_803 : vector<16xf32>
          %swap3A_823 = arith.index_cast %add3A_807 : i32 to index
          %swap3A_824 = arith.constant 16 : index
          %swap3A_825 = tpu.vector_load %arg11[%swap3A_823, %swap3A_824] {strides = array<i32>} : memref<80x128xf32, #tpu.memory_space<vmem>>, vector<1x16xf32>,
          %swap3A_826 = vector.shape_cast %swap3A_825 : vector<1x16xf32> to vector<16xf32>
          %swap3A_827 = vector.shape_cast %mul3A_822 : vector<16xf32> to vector<1x16xf32>
          tpu.vector_store %arg11[%swap3A_823, %swap3A_824], %swap3A_827 {strides = array<i32>} : memref<80x128xf32, #tpu.memory_space<vmem>>, vector<1x16xf32>,
          %get3A_828 = arith.index_cast %add3A_807 : i32 to index
          %get3A_829 = arith.constant 32 : index
          %get3A_830 = tpu.vector_load %arg11[%get3A_828, %get3A_829] {strides = array<i32>} : memref<80x128xf32, #tpu.memory_space<vmem>>, vector<1x16xf32>,
          %get3A_831 = vector.shape_cast %get3A_830 : vector<1x16xf32> to vector<16xf32>
          %mul3A_832 = arith.mulf %get3A_831, %gather3A_803 : vector<16xf32>
          %swap3A_833 = arith.index_cast %add3A_807 : i32 to index
          %swap3A_834 = arith.constant 32 : index
          %swap3A_835 = tpu.vector_load %arg11[%swap3A_833, %swap3A_834] {strides = array<i32>} : memref<80x128xf32, #tpu.memory_space<vmem>>, vector<1x16xf32>,
          %swap3A_836 = vector.shape_cast %swap3A_835 : vector<1x16xf32> to vector<16xf32>
          %swap3A_837 = vector.shape_cast %mul3A_832 : vector<16xf32> to vector<1x16xf32>
          tpu.vector_store %arg11[%swap3A_833, %swap3A_834], %swap3A_837 {strides = array<i32>} : memref<80x128xf32, #tpu.memory_space<vmem>>, vector<1x16xf32>,
          %get3A_838 = arith.index_cast %add3A_807 : i32 to index
          %get3A_839 = arith.constant 48 : index
          %get3A_840 = tpu.vector_load %arg11[%get3A_838, %get3A_839] {strides = array<i32>} : memref<80x128xf32, #tpu.memory_space<vmem>>, vector<1x16xf32>,
          %get3A_841 = vector.shape_cast %get3A_840 : vector<1x16xf32> to vector<16xf32>
          %mul3A_842 = arith.mulf %get3A_841, %gather3A_803 : vector<16xf32>
          %swap3A_843 = arith.index_cast %add3A_807 : i32 to index
          %swap3A_844 = arith.constant 48 : index
          %swap3A_845 = tpu.vector_load %arg11[%swap3A_843, %swap3A_844] {strides = array<i32>} : memref<80x128xf32, #tpu.memory_space<vmem>>, vector<1x16xf32>,
          %swap3A_846 = vector.shape_cast %swap3A_845 : vector<1x16xf32> to vector<16xf32>
          %swap3A_847 = vector.shape_cast %mul3A_842 : vector<16xf32> to vector<1x16xf32>
          tpu.vector_store %arg11[%swap3A_843, %swap3A_844], %swap3A_847 {strides = array<i32>} : memref<80x128xf32, #tpu.memory_space<vmem>>, vector<1x16xf32>,
          %get3A_848 = arith.index_cast %add3A_807 : i32 to index
          %get3A_849 = arith.constant 64 : index
          %get3A_850 = tpu.vector_load %arg11[%get3A_848, %get3A_849] {strides = array<i32>} : memref<80x128xf32, #tpu.memory_space<vmem>>, vector<1x16xf32>,
          %get3A_851 = vector.shape_cast %get3A_850 : vector<1x16xf32> to vector<16xf32>
          %mul3A_852 = arith.mulf %get3A_851, %gather3A_803 : vector<16xf32>
          %swap3A_853 = arith.index_cast %add3A_807 : i32 to index
          %swap3A_854 = arith.constant 64 : index
          %swap3A_855 = tpu.vector_load %arg11[%swap3A_853, %swap3A_854] {strides = array<i32>} : memref<80x128xf32, #tpu.memory_space<vmem>>, vector<1x16xf32>,
          %swap3A_856 = vector.shape_cast %swap3A_855 : vector<1x16xf32> to vector<16xf32>
          %swap3A_857 = vector.shape_cast %mul3A_852 : vector<16xf32> to vector<1x16xf32>
          tpu.vector_store %arg11[%swap3A_853, %swap3A_854], %swap3A_857 {strides = array<i32>} : memref<80x128xf32, #tpu.memory_space<vmem>>, vector<1x16xf32>,
          %get3A_858 = arith.index_cast %add3A_807 : i32 to index
          %get3A_859 = arith.constant 80 : index
          %get3A_860 = tpu.vector_load %arg11[%get3A_858, %get3A_859] {strides = array<i32>} : memref<80x128xf32, #tpu.memory_space<vmem>>, vector<1x16xf32>,
          %get3A_861 = vector.shape_cast %get3A_860 : vector<1x16xf32> to vector<16xf32>
          %mul3A_862 = arith.mulf %get3A_861, %gather3A_803 : vector<16xf32>
          %swap3A_863 = arith.index_cast %add3A_807 : i32 to index
          %swap3A_864 = arith.constant 80 : index
          %swap3A_865 = tpu.vector_load %arg11[%swap3A_863, %swap3A_864] {strides = array<i32>} : memref<80x128xf32, #tpu.memory_space<vmem>>, vector<1x16xf32>,
          %swap3A_866 = vector.shape_cast %swap3A_865 : vector<1x16xf32> to vector<16xf32>
          %swap3A_867 = vector.shape_cast %mul3A_862 : vector<16xf32> to vector<1x16xf32>
          tpu.vector_store %arg11[%swap3A_863, %swap3A_864], %swap3A_867 {strides = array<i32>} : memref<80x128xf32, #tpu.memory_space<vmem>>, vector<1x16xf32>,
          %get3A_868 = arith.index_cast %add3A_807 : i32 to index
          %get3A_869 = arith.constant 96 : index
          %get3A_870 = tpu.vector_load %arg11[%get3A_868, %get3A_869] {strides = array<i32>} : memref<80x128xf32, #tpu.memory_space<vmem>>, vector<1x16xf32>,
          %get3A_871 = vector.shape_cast %get3A_870 : vector<1x16xf32> to vector<16xf32>
          %mul3A_872 = arith.mulf %get3A_871, %gather3A_803 : vector<16xf32>
          %swap3A_873 = arith.index_cast %add3A_807 : i32 to index
          %swap3A_874 = arith.constant 96 : index
          %swap3A_875 = tpu.vector_load %arg11[%swap3A_873, %swap3A_874] {strides = array<i32>} : memref<80x128xf32, #tpu.memory_space<vmem>>, vector<1x16xf32>,
          %swap3A_876 = vector.shape_cast %swap3A_875 : vector<1x16xf32> to vector<16xf32>
          %swap3A_877 = vector.shape_cast %mul3A_872 : vector<16xf32> to vector<1x16xf32>
          tpu.vector_store %arg11[%swap3A_873, %swap3A_874], %swap3A_877 {strides = array<i32>} : memref<80x128xf32, #tpu.memory_space<vmem>>, vector<1x16xf32>,
          %get3A_878 = arith.index_cast %add3A_807 : i32 to index
          %get3A_879 = arith.constant 112 : index
          %get3A_880 = tpu.vector_load %arg11[%get3A_878, %get3A_879] {strides = array<i32>} : memref<80x128xf32, #tpu.memory_space<vmem>>, vector<1x16xf32>,
          %get3A_881 = vector.shape_cast %get3A_880 : vector<1x16xf32> to vector<16xf32>
          %mul3A_882 = arith.mulf %get3A_881, %gather3A_803 : vector<16xf32>
          %swap3A_883 = arith.index_cast %add3A_807 : i32 to index
          %swap3A_884 = arith.constant 112 : index
          %swap3A_885 = tpu.vector_load %arg11[%swap3A_883, %swap3A_884] {strides = array<i32>} : memref<80x128xf32, #tpu.memory_space<vmem>>, vector<1x16xf32>,
          %swap3A_886 = vector.shape_cast %swap3A_885 : vector<1x16xf32> to vector<16xf32>
          %swap3A_887 = vector.shape_cast %mul3A_882 : vector<16xf32> to vector<1x16xf32>
          tpu.vector_store %arg11[%swap3A_883, %swap3A_884], %swap3A_887 {strides = array<i32>} : memref<80x128xf32, #tpu.memory_space<vmem>>, vector<1x16xf32>,
          %broadcast_in_dim3A_888 = arith.constant 9 : i32
          %broadcast_in_dim3A_889 = vector.broadcast %broadcast_in_dim3A_888 : i32 to vector<16x1xi32>
          %gather3A_890 = vector.shape_cast %broadcast_in_dim3A_889 : vector<16x1xi32> to vector<16xi32>
          %gather3A_891 = tpu.dynamic_gather %get3A_98[%gather3A_890] in [0] : vector<16xf32>, vector<16xi32> -> vector<16xf32>
          %mul3A_892 = arith.constant 16 : i32
          %mul3A_893 = arith.muli %scan3A_93, %mul3A_892 : i32
          %add3A_894 = arith.constant 9 : i32
          %add3A_895 = arith.addi %mul3A_893, %add3A_894 : i32
          %get3A_896 = arith.index_cast %add3A_895 : i32 to index
          %get3A_897 = arith.constant 0 : index
          %get3A_898 = tpu.vector_load %arg11[%get3A_896, %get3A_897] {strides = array<i32>} : memref<80x128xf32, #tpu.memory_space<vmem>>, vector<1x16xf32>,
          %get3A_899 = vector.shape_cast %get3A_898 : vector<1x16xf32> to vector<16xf32>
          %mul3A_900 = arith.mulf %get3A_899, %gather3A_891 : vector<16xf32>
          %swap3A_901 = arith.index_cast %add3A_895 : i32 to index
          %swap3A_902 = arith.constant 0 : index
          %swap3A_903 = tpu.vector_load %arg11[%swap3A_901, %swap3A_902] {strides = array<i32>} : memref<80x128xf32, #tpu.memory_space<vmem>>, vector<1x16xf32>,
          %swap3A_904 = vector.shape_cast %swap3A_903 : vector<1x16xf32> to vector<16xf32>
          %swap3A_905 = vector.shape_cast %mul3A_900 : vector<16xf32> to vector<1x16xf32>
          tpu.vector_store %arg11[%swap3A_901, %swap3A_902], %swap3A_905 {strides = array<i32>} : memref<80x128xf32, #tpu.memory_space<vmem>>, vector<1x16xf32>,
          %get3A_906 = arith.index_cast %add3A_895 : i32 to index
          %get3A_907 = arith.constant 16 : index
          %get3A_908 = tpu.vector_load %arg11[%get3A_906, %get3A_907] {strides = array<i32>} : memref<80x128xf32, #tpu.memory_space<vmem>>, vector<1x16xf32>,
          %get3A_909 = vector.shape_cast %get3A_908 : vector<1x16xf32> to vector<16xf32>
          %mul3A_910 = arith.mulf %get3A_909, %gather3A_891 : vector<16xf32>
          %swap3A_911 = arith.index_cast %add3A_895 : i32 to index
          %swap3A_912 = arith.constant 16 : index
          %swap3A_913 = tpu.vector_load %arg11[%swap3A_911, %swap3A_912] {strides = array<i32>} : memref<80x128xf32, #tpu.memory_space<vmem>>, vector<1x16xf32>,
          %swap3A_914 = vector.shape_cast %swap3A_913 : vector<1x16xf32> to vector<16xf32>
          %swap3A_915 = vector.shape_cast %mul3A_910 : vector<16xf32> to vector<1x16xf32>
          tpu.vector_store %arg11[%swap3A_911, %swap3A_912], %swap3A_915 {strides = array<i32>} : memref<80x128xf32, #tpu.memory_space<vmem>>, vector<1x16xf32>,
          %get3A_916 = arith.index_cast %add3A_895 : i32 to index
          %get3A_917 = arith.constant 32 : index
          %get3A_918 = tpu.vector_load %arg11[%get3A_916, %get3A_917] {strides = array<i32>} : memref<80x128xf32, #tpu.memory_space<vmem>>, vector<1x16xf32>,
          %get3A_919 = vector.shape_cast %get3A_918 : vector<1x16xf32> to vector<16xf32>
          %mul3A_920 = arith.mulf %get3A_919, %gather3A_891 : vector<16xf32>
          %swap3A_921 = arith.index_cast %add3A_895 : i32 to index
          %swap3A_922 = arith.constant 32 : index
          %swap3A_923 = tpu.vector_load %arg11[%swap3A_921, %swap3A_922] {strides = array<i32>} : memref<80x128xf32, #tpu.memory_space<vmem>>, vector<1x16xf32>,
          %swap3A_924 = vector.shape_cast %swap3A_923 : vector<1x16xf32> to vector<16xf32>
          %swap3A_925 = vector.shape_cast %mul3A_920 : vector<16xf32> to vector<1x16xf32>
          tpu.vector_store %arg11[%swap3A_921, %swap3A_922], %swap3A_925 {strides = array<i32>} : memref<80x128xf32, #tpu.memory_space<vmem>>, vector<1x16xf32>,
          %get3A_926 = arith.index_cast %add3A_895 : i32 to index
          %get3A_927 = arith.constant 48 : index
          %get3A_928 = tpu.vector_load %arg11[%get3A_926, %get3A_927] {strides = array<i32>} : memref<80x128xf32, #tpu.memory_space<vmem>>, vector<1x16xf32>,
          %get3A_929 = vector.shape_cast %get3A_928 : vector<1x16xf32> to vector<16xf32>
          %mul3A_930 = arith.mulf %get3A_929, %gather3A_891 : vector<16xf32>
          %swap3A_931 = arith.index_cast %add3A_895 : i32 to index
          %swap3A_932 = arith.constant 48 : index
          %swap3A_933 = tpu.vector_load %arg11[%swap3A_931, %swap3A_932] {strides = array<i32>} : memref<80x128xf32, #tpu.memory_space<vmem>>, vector<1x16xf32>,
          %swap3A_934 = vector.shape_cast %swap3A_933 : vector<1x16xf32> to vector<16xf32>
          %swap3A_935 = vector.shape_cast %mul3A_930 : vector<16xf32> to vector<1x16xf32>
          tpu.vector_store %arg11[%swap3A_931, %swap3A_932], %swap3A_935 {strides = array<i32>} : memref<80x128xf32, #tpu.memory_space<vmem>>, vector<1x16xf32>,
          %get3A_936 = arith.index_cast %add3A_895 : i32 to index
          %get3A_937 = arith.constant 64 : index
          %get3A_938 = tpu.vector_load %arg11[%get3A_936, %get3A_937] {strides = array<i32>} : memref<80x128xf32, #tpu.memory_space<vmem>>, vector<1x16xf32>,
          %get3A_939 = vector.shape_cast %get3A_938 : vector<1x16xf32> to vector<16xf32>
          %mul3A_940 = arith.mulf %get3A_939, %gather3A_891 : vector<16xf32>
          %swap3A_941 = arith.index_cast %add3A_895 : i32 to index
          %swap3A_942 = arith.constant 64 : index
          %swap3A_943 = tpu.vector_load %arg11[%swap3A_941, %swap3A_942] {strides = array<i32>} : memref<80x128xf32, #tpu.memory_space<vmem>>, vector<1x16xf32>,
          %swap3A_944 = vector.shape_cast %swap3A_943 : vector<1x16xf32> to vector<16xf32>
          %swap3A_945 = vector.shape_cast %mul3A_940 : vector<16xf32> to vector<1x16xf32>
          tpu.vector_store %arg11[%swap3A_941, %swap3A_942], %swap3A_945 {strides = array<i32>} : memref<80x128xf32, #tpu.memory_space<vmem>>, vector<1x16xf32>,
          %get3A_946 = arith.index_cast %add3A_895 : i32 to index
          %get3A_947 = arith.constant 80 : index
          %get3A_948 = tpu.vector_load %arg11[%get3A_946, %get3A_947] {strides = array<i32>} : memref<80x128xf32, #tpu.memory_space<vmem>>, vector<1x16xf32>,
          %get3A_949 = vector.shape_cast %get3A_948 : vector<1x16xf32> to vector<16xf32>
          %mul3A_950 = arith.mulf %get3A_949, %gather3A_891 : vector<16xf32>
          %swap3A_951 = arith.index_cast %add3A_895 : i32 to index
          %swap3A_952 = arith.constant 80 : index
          %swap3A_953 = tpu.vector_load %arg11[%swap3A_951, %swap3A_952] {strides = array<i32>} : memref<80x128xf32, #tpu.memory_space<vmem>>, vector<1x16xf32>,
          %swap3A_954 = vector.shape_cast %swap3A_953 : vector<1x16xf32> to vector<16xf32>
          %swap3A_955 = vector.shape_cast %mul3A_950 : vector<16xf32> to vector<1x16xf32>
          tpu.vector_store %arg11[%swap3A_951, %swap3A_952], %swap3A_955 {strides = array<i32>} : memref<80x128xf32, #tpu.memory_space<vmem>>, vector<1x16xf32>,
          %get3A_956 = arith.index_cast %add3A_895 : i32 to index
          %get3A_957 = arith.constant 96 : index
          %get3A_958 = tpu.vector_load %arg11[%get3A_956, %get3A_957] {strides = array<i32>} : memref<80x128xf32, #tpu.memory_space<vmem>>, vector<1x16xf32>,
          %get3A_959 = vector.shape_cast %get3A_958 : vector<1x16xf32> to vector<16xf32>
          %mul3A_960 = arith.mulf %get3A_959, %gather3A_891 : vector<16xf32>
          %swap3A_961 = arith.index_cast %add3A_895 : i32 to index
          %swap3A_962 = arith.constant 96 : index
          %swap3A_963 = tpu.vector_load %arg11[%swap3A_961, %swap3A_962] {strides = array<i32>} : memref<80x128xf32, #tpu.memory_space<vmem>>, vector<1x16xf32>,
          %swap3A_964 = vector.shape_cast %swap3A_963 : vector<1x16xf32> to vector<16xf32>
          %swap3A_965 = vector.shape_cast %mul3A_960 : vector<16xf32> to vector<1x16xf32>
          tpu.vector_store %arg11[%swap3A_961, %swap3A_962], %swap3A_965 {strides = array<i32>} : memref<80x128xf32, #tpu.memory_space<vmem>>, vector<1x16xf32>,
          %get3A_966 = arith.index_cast %add3A_895 : i32 to index
          %get3A_967 = arith.constant 112 : index
          %get3A_968 = tpu.vector_load %arg11[%get3A_966, %get3A_967] {strides = array<i32>} : memref<80x128xf32, #tpu.memory_space<vmem>>, vector<1x16xf32>,
          %get3A_969 = vector.shape_cast %get3A_968 : vector<1x16xf32> to vector<16xf32>
          %mul3A_970 = arith.mulf %get3A_969, %gather3A_891 : vector<16xf32>
          %swap3A_971 = arith.index_cast %add3A_895 : i32 to index
          %swap3A_972 = arith.constant 112 : index
          %swap3A_973 = tpu.vector_load %arg11[%swap3A_971, %swap3A_972] {strides = array<i32>} : memref<80x128xf32, #tpu.memory_space<vmem>>, vector<1x16xf32>,
          %swap3A_974 = vector.shape_cast %swap3A_973 : vector<1x16xf32> to vector<16xf32>
          %swap3A_975 = vector.shape_cast %mul3A_970 : vector<16xf32> to vector<1x16xf32>
          tpu.vector_store %arg11[%swap3A_971, %swap3A_972], %swap3A_975 {strides = array<i32>} : memref<80x128xf32, #tpu.memory_space<vmem>>, vector<1x16xf32>,
          %broadcast_in_dim3A_976 = arith.constant 10 : i32
          %broadcast_in_dim3A_977 = vector.broadcast %broadcast_in_dim3A_976 : i32 to vector<16x1xi32>
          %gather3A_978 = vector.shape_cast %broadcast_in_dim3A_977 : vector<16x1xi32> to vector<16xi32>
          %gather3A_979 = tpu.dynamic_gather %get3A_98[%gather3A_978] in [0] : vector<16xf32>, vector<16xi32> -> vector<16xf32>
          %mul3A_980 = arith.constant 16 : i32
          %mul3A_981 = arith.muli %scan3A_93, %mul3A_980 : i32
          %add3A_982 = arith.constant 10 : i32
          %add3A_983 = arith.addi %mul3A_981, %add3A_982 : i32
          %get3A_984 = arith.index_cast %add3A_983 : i32 to index
          %get3A_985 = arith.constant 0 : index
          %get3A_986 = tpu.vector_load %arg11[%get3A_984, %get3A_985] {strides = array<i32>} : memref<80x128xf32, #tpu.memory_space<vmem>>, vector<1x16xf32>,
          %get3A_987 = vector.shape_cast %get3A_986 : vector<1x16xf32> to vector<16xf32>
          %mul3A_988 = arith.mulf %get3A_987, %gather3A_979 : vector<16xf32>
          %swap3A_989 = arith.index_cast %add3A_983 : i32 to index
          %swap3A_990 = arith.constant 0 : index
          %swap3A_991 = tpu.vector_load %arg11[%swap3A_989, %swap3A_990] {strides = array<i32>} : memref<80x128xf32, #tpu.memory_space<vmem>>, vector<1x16xf32>,
          %swap3A_992 = vector.shape_cast %swap3A_991 : vector<1x16xf32> to vector<16xf32>
          %swap3A_993 = vector.shape_cast %mul3A_988 : vector<16xf32> to vector<1x16xf32>
          tpu.vector_store %arg11[%swap3A_989, %swap3A_990], %swap3A_993 {strides = array<i32>} : memref<80x128xf32, #tpu.memory_space<vmem>>, vector<1x16xf32>,
          %get3A_994 = arith.index_cast %add3A_983 : i32 to index
          %get3A_995 = arith.constant 16 : index
          %get3A_996 = tpu.vector_load %arg11[%get3A_994, %get3A_995] {strides = array<i32>} : memref<80x128xf32, #tpu.memory_space<vmem>>, vector<1x16xf32>,
          %get3A_997 = vector.shape_cast %get3A_996 : vector<1x16xf32> to vector<16xf32>
          %mul3A_998 = arith.mulf %get3A_997, %gather3A_979 : vector<16xf32>
          %swap3A_999 = arith.index_cast %add3A_983 : i32 to index
          %swap3A_1000 = arith.constant 16 : index
          %swap3A_1001 = tpu.vector_load %arg11[%swap3A_999, %swap3A_1000] {strides = array<i32>} : memref<80x128xf32, #tpu.memory_space<vmem>>, vector<1x16xf32>,
          %swap3A_1002 = vector.shape_cast %swap3A_1001 : vector<1x16xf32> to vector<16xf32>
          %swap3A_1003 = vector.shape_cast %mul3A_998 : vector<16xf32> to vector<1x16xf32>
          tpu.vector_store %arg11[%swap3A_999, %swap3A_1000], %swap3A_1003 {strides = array<i32>} : memref<80x128xf32, #tpu.memory_space<vmem>>, vector<1x16xf32>,
          %get3A_1004 = arith.index_cast %add3A_983 : i32 to index
          %get3A_1005 = arith.constant 32 : index
          %get3A_1006 = tpu.vector_load %arg11[%get3A_1004, %get3A_1005] {strides = array<i32>} : memref<80x128xf32, #tpu.memory_space<vmem>>, vector<1x16xf32>,
          %get3A_1007 = vector.shape_cast %get3A_1006 : vector<1x16xf32> to vector<16xf32>
          %mul3A_1008 = arith.mulf %get3A_1007, %gather3A_979 : vector<16xf32>
          %swap3A_1009 = arith.index_cast %add3A_983 : i32 to index
          %swap3A_1010 = arith.constant 32 : index
          %swap3A_1011 = tpu.vector_load %arg11[%swap3A_1009, %swap3A_1010] {strides = array<i32>} : memref<80x128xf32, #tpu.memory_space<vmem>>, vector<1x16xf32>,
          %swap3A_1012 = vector.shape_cast %swap3A_1011 : vector<1x16xf32> to vector<16xf32>
          %swap3A_1013 = vector.shape_cast %mul3A_1008 : vector<16xf32> to vector<1x16xf32>
          tpu.vector_store %arg11[%swap3A_1009, %swap3A_1010], %swap3A_1013 {strides = array<i32>} : memref<80x128xf32, #tpu.memory_space<vmem>>, vector<1x16xf32>,
          %get3A_1014 = arith.index_cast %add3A_983 : i32 to index
          %get3A_1015 = arith.constant 48 : index
          %get3A_1016 = tpu.vector_load %arg11[%get3A_1014, %get3A_1015] {strides = array<i32>} : memref<80x128xf32, #tpu.memory_space<vmem>>, vector<1x16xf32>,
          %get3A_1017 = vector.shape_cast %get3A_1016 : vector<1x16xf32> to vector<16xf32>
          %mul3A_1018 = arith.mulf %get3A_1017, %gather3A_979 : vector<16xf32>
          %swap3A_1019 = arith.index_cast %add3A_983 : i32 to index
          %swap3A_1020 = arith.constant 48 : index
          %swap3A_1021 = tpu.vector_load %arg11[%swap3A_1019, %swap3A_1020] {strides = array<i32>} : memref<80x128xf32, #tpu.memory_space<vmem>>, vector<1x16xf32>,
          %swap3A_1022 = vector.shape_cast %swap3A_1021 : vector<1x16xf32> to vector<16xf32>
          %swap3A_1023 = vector.shape_cast %mul3A_1018 : vector<16xf32> to vector<1x16xf32>
          tpu.vector_store %arg11[%swap3A_1019, %swap3A_1020], %swap3A_1023 {strides = array<i32>} : memref<80x128xf32, #tpu.memory_space<vmem>>, vector<1x16xf32>,
          %get3A_1024 = arith.index_cast %add3A_983 : i32 to index
          %get3A_1025 = arith.constant 64 : index
          %get3A_1026 = tpu.vector_load %arg11[%get3A_1024, %get3A_1025] {strides = array<i32>} : memref<80x128xf32, #tpu.memory_space<vmem>>, vector<1x16xf32>,
          %get3A_1027 = vector.shape_cast %get3A_1026 : vector<1x16xf32> to vector<16xf32>
          %mul3A_1028 = arith.mulf %get3A_1027, %gather3A_979 : vector<16xf32>
          %swap3A_1029 = arith.index_cast %add3A_983 : i32 to index
          %swap3A_1030 = arith.constant 64 : index
          %swap3A_1031 = tpu.vector_load %arg11[%swap3A_1029, %swap3A_1030] {strides = array<i32>} : memref<80x128xf32, #tpu.memory_space<vmem>>, vector<1x16xf32>,
          %swap3A_1032 = vector.shape_cast %swap3A_1031 : vector<1x16xf32> to vector<16xf32>
          %swap3A_1033 = vector.shape_cast %mul3A_1028 : vector<16xf32> to vector<1x16xf32>
          tpu.vector_store %arg11[%swap3A_1029, %swap3A_1030], %swap3A_1033 {strides = array<i32>} : memref<80x128xf32, #tpu.memory_space<vmem>>, vector<1x16xf32>,
          %get3A_1034 = arith.index_cast %add3A_983 : i32 to index
          %get3A_1035 = arith.constant 80 : index
          %get3A_1036 = tpu.vector_load %arg11[%get3A_1034, %get3A_1035] {strides = array<i32>} : memref<80x128xf32, #tpu.memory_space<vmem>>, vector<1x16xf32>,
          %get3A_1037 = vector.shape_cast %get3A_1036 : vector<1x16xf32> to vector<16xf32>
          %mul3A_1038 = arith.mulf %get3A_1037, %gather3A_979 : vector<16xf32>
          %swap3A_1039 = arith.index_cast %add3A_983 : i32 to index
          %swap3A_1040 = arith.constant 80 : index
          %swap3A_1041 = tpu.vector_load %arg11[%swap3A_1039, %swap3A_1040] {strides = array<i32>} : memref<80x128xf32, #tpu.memory_space<vmem>>, vector<1x16xf32>,
          %swap3A_1042 = vector.shape_cast %swap3A_1041 : vector<1x16xf32> to vector<16xf32>
          %swap3A_1043 = vector.shape_cast %mul3A_1038 : vector<16xf32> to vector<1x16xf32>
          tpu.vector_store %arg11[%swap3A_1039, %swap3A_1040], %swap3A_1043 {strides = array<i32>} : memref<80x128xf32, #tpu.memory_space<vmem>>, vector<1x16xf32>,
          %get3A_1044 = arith.index_cast %add3A_983 : i32 to index
          %get3A_1045 = arith.constant 96 : index
          %get3A_1046 = tpu.vector_load %arg11[%get3A_1044, %get3A_1045] {strides = array<i32>} : memref<80x128xf32, #tpu.memory_space<vmem>>, vector<1x16xf32>,
          %get3A_1047 = vector.shape_cast %get3A_1046 : vector<1x16xf32> to vector<16xf32>
          %mul3A_1048 = arith.mulf %get3A_1047, %gather3A_979 : vector<16xf32>
          %swap3A_1049 = arith.index_cast %add3A_983 : i32 to index
          %swap3A_1050 = arith.constant 96 : index
          %swap3A_1051 = tpu.vector_load %arg11[%swap3A_1049, %swap3A_1050] {strides = array<i32>} : memref<80x128xf32, #tpu.memory_space<vmem>>, vector<1x16xf32>,
          %swap3A_1052 = vector.shape_cast %swap3A_1051 : vector<1x16xf32> to vector<16xf32>
          %swap3A_1053 = vector.shape_cast %mul3A_1048 : vector<16xf32> to vector<1x16xf32>
          tpu.vector_store %arg11[%swap3A_1049, %swap3A_1050], %swap3A_1053 {strides = array<i32>} : memref<80x128xf32, #tpu.memory_space<vmem>>, vector<1x16xf32>,
          %get3A_1054 = arith.index_cast %add3A_983 : i32 to index
          %get3A_1055 = arith.constant 112 : index
          %get3A_1056 = tpu.vector_load %arg11[%get3A_1054, %get3A_1055] {strides = array<i32>} : memref<80x128xf32, #tpu.memory_space<vmem>>, vector<1x16xf32>,
          %get3A_1057 = vector.shape_cast %get3A_1056 : vector<1x16xf32> to vector<16xf32>
          %mul3A_1058 = arith.mulf %get3A_1057, %gather3A_979 : vector<16xf32>
          %swap3A_1059 = arith.index_cast %add3A_983 : i32 to index
          %swap3A_1060 = arith.constant 112 : index
          %swap3A_1061 = tpu.vector_load %arg11[%swap3A_1059, %swap3A_1060] {strides = array<i32>} : memref<80x128xf32, #tpu.memory_space<vmem>>, vector<1x16xf32>,
          %swap3A_1062 = vector.shape_cast %swap3A_1061 : vector<1x16xf32> to vector<16xf32>
          %swap3A_1063 = vector.shape_cast %mul3A_1058 : vector<16xf32> to vector<1x16xf32>
          tpu.vector_store %arg11[%swap3A_1059, %swap3A_1060], %swap3A_1063 {strides = array<i32>} : memref<80x128xf32, #tpu.memory_space<vmem>>, vector<1x16xf32>,
          %broadcast_in_dim3A_1064 = arith.constant 11 : i32
          %broadcast_in_dim3A_1065 = vector.broadcast %broadcast_in_dim3A_1064 : i32 to vector<16x1xi32>
          %gather3A_1066 = vector.shape_cast %broadcast_in_dim3A_1065 : vector<16x1xi32> to vector<16xi32>
          %gather3A_1067 = tpu.dynamic_gather %get3A_98[%gather3A_1066] in [0] : vector<16xf32>, vector<16xi32> -> vector<16xf32>
          %mul3A_1068 = arith.constant 16 : i32
          %mul3A_1069 = arith.muli %scan3A_93, %mul3A_1068 : i32
          %add3A_1070 = arith.constant 11 : i32
          %add3A_1071 = arith.addi %mul3A_1069, %add3A_1070 : i32
          %get3A_1072 = arith.index_cast %add3A_1071 : i32 to index
          %get3A_1073 = arith.constant 0 : index
          %get3A_1074 = tpu.vector_load %arg11[%get3A_1072, %get3A_1073] {strides = array<i32>} : memref<80x128xf32, #tpu.memory_space<vmem>>, vector<1x16xf32>,
          %get3A_1075 = vector.shape_cast %get3A_1074 : vector<1x16xf32> to vector<16xf32>
          %mul3A_1076 = arith.mulf %get3A_1075, %gather3A_1067 : vector<16xf32>
          %swap3A_1077 = arith.index_cast %add3A_1071 : i32 to index
          %swap3A_1078 = arith.constant 0 : index
          %swap3A_1079 = tpu.vector_load %arg11[%swap3A_1077, %swap3A_1078] {strides = array<i32>} : memref<80x128xf32, #tpu.memory_space<vmem>>, vector<1x16xf32>,
          %swap3A_1080 = vector.shape_cast %swap3A_1079 : vector<1x16xf32> to vector<16xf32>
          %swap3A_1081 = vector.shape_cast %mul3A_1076 : vector<16xf32> to vector<1x16xf32>
          tpu.vector_store %arg11[%swap3A_1077, %swap3A_1078], %swap3A_1081 {strides = array<i32>} : memref<80x128xf32, #tpu.memory_space<vmem>>, vector<1x16xf32>,
          %get3A_1082 = arith.index_cast %add3A_1071 : i32 to index
          %get3A_1083 = arith.constant 16 : index
          %get3A_1084 = tpu.vector_load %arg11[%get3A_1082, %get3A_1083] {strides = array<i32>} : memref<80x128xf32, #tpu.memory_space<vmem>>, vector<1x16xf32>,
          %get3A_1085 = vector.shape_cast %get3A_1084 : vector<1x16xf32> to vector<16xf32>
          %mul3A_1086 = arith.mulf %get3A_1085, %gather3A_1067 : vector<16xf32>
          %swap3A_1087 = arith.index_cast %add3A_1071 : i32 to index
          %swap3A_1088 = arith.constant 16 : index
          %swap3A_1089 = tpu.vector_load %arg11[%swap3A_1087, %swap3A_1088] {strides = array<i32>} : memref<80x128xf32, #tpu.memory_space<vmem>>, vector<1x16xf32>,
          %swap3A_1090 = vector.shape_cast %swap3A_1089 : vector<1x16xf32> to vector<16xf32>
          %swap3A_1091 = vector.shape_cast %mul3A_1086 : vector<16xf32> to vector<1x16xf32>
          tpu.vector_store %arg11[%swap3A_1087, %swap3A_1088], %swap3A_1091 {strides = array<i32>} : memref<80x128xf32, #tpu.memory_space<vmem>>, vector<1x16xf32>,
          %get3A_1092 = arith.index_cast %add3A_1071 : i32 to index
          %get3A_1093 = arith.constant 32 : index
          %get3A_1094 = tpu.vector_load %arg11[%get3A_1092, %get3A_1093] {strides = array<i32>} : memref<80x128xf32, #tpu.memory_space<vmem>>, vector<1x16xf32>,
          %get3A_1095 = vector.shape_cast %get3A_1094 : vector<1x16xf32> to vector<16xf32>
          %mul3A_1096 = arith.mulf %get3A_1095, %gather3A_1067 : vector<16xf32>
          %swap3A_1097 = arith.index_cast %add3A_1071 : i32 to index
          %swap3A_1098 = arith.constant 32 : index
          %swap3A_1099 = tpu.vector_load %arg11[%swap3A_1097, %swap3A_1098] {strides = array<i32>} : memref<80x128xf32, #tpu.memory_space<vmem>>, vector<1x16xf32>,
          %swap3A_1100 = vector.shape_cast %swap3A_1099 : vector<1x16xf32> to vector<16xf32>
          %swap3A_1101 = vector.shape_cast %mul3A_1096 : vector<16xf32> to vector<1x16xf32>
          tpu.vector_store %arg11[%swap3A_1097, %swap3A_1098], %swap3A_1101 {strides = array<i32>} : memref<80x128xf32, #tpu.memory_space<vmem>>, vector<1x16xf32>,
          %get3A_1102 = arith.index_cast %add3A_1071 : i32 to index
          %get3A_1103 = arith.constant 48 : index
          %get3A_1104 = tpu.vector_load %arg11[%get3A_1102, %get3A_1103] {strides = array<i32>} : memref<80x128xf32, #tpu.memory_space<vmem>>, vector<1x16xf32>,
          %get3A_1105 = vector.shape_cast %get3A_1104 : vector<1x16xf32> to vector<16xf32>
          %mul3A_1106 = arith.mulf %get3A_1105, %gather3A_1067 : vector<16xf32>
          %swap3A_1107 = arith.index_cast %add3A_1071 : i32 to index
          %swap3A_1108 = arith.constant 48 : index
          %swap3A_1109 = tpu.vector_load %arg11[%swap3A_1107, %swap3A_1108] {strides = array<i32>} : memref<80x128xf32, #tpu.memory_space<vmem>>, vector<1x16xf32>,
          %swap3A_1110 = vector.shape_cast %swap3A_1109 : vector<1x16xf32> to vector<16xf32>
          %swap3A_1111 = vector.shape_cast %mul3A_1106 : vector<16xf32> to vector<1x16xf32>
          tpu.vector_store %arg11[%swap3A_1107, %swap3A_1108], %swap3A_1111 {strides = array<i32>} : memref<80x128xf32, #tpu.memory_space<vmem>>, vector<1x16xf32>,
          %get3A_1112 = arith.index_cast %add3A_1071 : i32 to index
          %get3A_1113 = arith.constant 64 : index
          %get3A_1114 = tpu.vector_load %arg11[%get3A_1112, %get3A_1113] {strides = array<i32>} : memref<80x128xf32, #tpu.memory_space<vmem>>, vector<1x16xf32>,
          %get3A_1115 = vector.shape_cast %get3A_1114 : vector<1x16xf32> to vector<16xf32>
          %mul3A_1116 = arith.mulf %get3A_1115, %gather3A_1067 : vector<16xf32>
          %swap3A_1117 = arith.index_cast %add3A_1071 : i32 to index
          %swap3A_1118 = arith.constant 64 : index
          %swap3A_1119 = tpu.vector_load %arg11[%swap3A_1117, %swap3A_1118] {strides = array<i32>} : memref<80x128xf32, #tpu.memory_space<vmem>>, vector<1x16xf32>,
          %swap3A_1120 = vector.shape_cast %swap3A_1119 : vector<1x16xf32> to vector<16xf32>
          %swap3A_1121 = vector.shape_cast %mul3A_1116 : vector<16xf32> to vector<1x16xf32>
          tpu.vector_store %arg11[%swap3A_1117, %swap3A_1118], %swap3A_1121 {strides = array<i32>} : memref<80x128xf32, #tpu.memory_space<vmem>>, vector<1x16xf32>,
          %get3A_1122 = arith.index_cast %add3A_1071 : i32 to index
          %get3A_1123 = arith.constant 80 : index
          %get3A_1124 = tpu.vector_load %arg11[%get3A_1122, %get3A_1123] {strides = array<i32>} : memref<80x128xf32, #tpu.memory_space<vmem>>, vector<1x16xf32>,
          %get3A_1125 = vector.shape_cast %get3A_1124 : vector<1x16xf32> to vector<16xf32>
          %mul3A_1126 = arith.mulf %get3A_1125, %gather3A_1067 : vector<16xf32>
          %swap3A_1127 = arith.index_cast %add3A_1071 : i32 to index
          %swap3A_1128 = arith.constant 80 : index
          %swap3A_1129 = tpu.vector_load %arg11[%swap3A_1127, %swap3A_1128] {strides = array<i32>} : memref<80x128xf32, #tpu.memory_space<vmem>>, vector<1x16xf32>,
          %swap3A_1130 = vector.shape_cast %swap3A_1129 : vector<1x16xf32> to vector<16xf32>
          %swap3A_1131 = vector.shape_cast %mul3A_1126 : vector<16xf32> to vector<1x16xf32>
          tpu.vector_store %arg11[%swap3A_1127, %swap3A_1128], %swap3A_1131 {strides = array<i32>} : memref<80x128xf32, #tpu.memory_space<vmem>>, vector<1x16xf32>,
          %get3A_1132 = arith.index_cast %add3A_1071 : i32 to index
          %get3A_1133 = arith.constant 96 : index
          %get3A_1134 = tpu.vector_load %arg11[%get3A_1132, %get3A_1133] {strides = array<i32>} : memref<80x128xf32, #tpu.memory_space<vmem>>, vector<1x16xf32>,
          %get3A_1135 = vector.shape_cast %get3A_1134 : vector<1x16xf32> to vector<16xf32>
          %mul3A_1136 = arith.mulf %get3A_1135, %gather3A_1067 : vector<16xf32>
          %swap3A_1137 = arith.index_cast %add3A_1071 : i32 to index
          %swap3A_1138 = arith.constant 96 : index
          %swap3A_1139 = tpu.vector_load %arg11[%swap3A_1137, %swap3A_1138] {strides = array<i32>} : memref<80x128xf32, #tpu.memory_space<vmem>>, vector<1x16xf32>,
          %swap3A_1140 = vector.shape_cast %swap3A_1139 : vector<1x16xf32> to vector<16xf32>
          %swap3A_1141 = vector.shape_cast %mul3A_1136 : vector<16xf32> to vector<1x16xf32>
          tpu.vector_store %arg11[%swap3A_1137, %swap3A_1138], %swap3A_1141 {strides = array<i32>} : memref<80x128xf32, #tpu.memory_space<vmem>>, vector<1x16xf32>,
          %get3A_1142 = arith.index_cast %add3A_1071 : i32 to index
          %get3A_1143 = arith.constant 112 : index
          %get3A_1144 = tpu.vector_load %arg11[%get3A_1142, %get3A_1143] {strides = array<i32>} : memref<80x128xf32, #tpu.memory_space<vmem>>, vector<1x16xf32>,
          %get3A_1145 = vector.shape_cast %get3A_1144 : vector<1x16xf32> to vector<16xf32>
          %mul3A_1146 = arith.mulf %get3A_1145, %gather3A_1067 : vector<16xf32>
          %swap3A_1147 = arith.index_cast %add3A_1071 : i32 to index
          %swap3A_1148 = arith.constant 112 : index
          %swap3A_1149 = tpu.vector_load %arg11[%swap3A_1147, %swap3A_1148] {strides = array<i32>} : memref<80x128xf32, #tpu.memory_space<vmem>>, vector<1x16xf32>,
          %swap3A_1150 = vector.shape_cast %swap3A_1149 : vector<1x16xf32> to vector<16xf32>
          %swap3A_1151 = vector.shape_cast %mul3A_1146 : vector<16xf32> to vector<1x16xf32>
          tpu.vector_store %arg11[%swap3A_1147, %swap3A_1148], %swap3A_1151 {strides = array<i32>} : memref<80x128xf32, #tpu.memory_space<vmem>>, vector<1x16xf32>,
          %broadcast_in_dim3A_1152 = arith.constant 12 : i32
          %broadcast_in_dim3A_1153 = vector.broadcast %broadcast_in_dim3A_1152 : i32 to vector<16x1xi32>
          %gather3A_1154 = vector.shape_cast %broadcast_in_dim3A_1153 : vector<16x1xi32> to vector<16xi32>
          %gather3A_1155 = tpu.dynamic_gather %get3A_98[%gather3A_1154] in [0] : vector<16xf32>, vector<16xi32> -> vector<16xf32>
          %mul3A_1156 = arith.constant 16 : i32
          %mul3A_1157 = arith.muli %scan3A_93, %mul3A_1156 : i32
          %add3A_1158 = arith.constant 12 : i32
          %add3A_1159 = arith.addi %mul3A_1157, %add3A_1158 : i32
          %get3A_1160 = arith.index_cast %add3A_1159 : i32 to index
          %get3A_1161 = arith.constant 0 : index
          %get3A_1162 = tpu.vector_load %arg11[%get3A_1160, %get3A_1161] {strides = array<i32>} : memref<80x128xf32, #tpu.memory_space<vmem>>, vector<1x16xf32>,
          %get3A_1163 = vector.shape_cast %get3A_1162 : vector<1x16xf32> to vector<16xf32>
          %mul3A_1164 = arith.mulf %get3A_1163, %gather3A_1155 : vector<16xf32>
          %swap3A_1165 = arith.index_cast %add3A_1159 : i32 to index
          %swap3A_1166 = arith.constant 0 : index
          %swap3A_1167 = tpu.vector_load %arg11[%swap3A_1165, %swap3A_1166] {strides = array<i32>} : memref<80x128xf32, #tpu.memory_space<vmem>>, vector<1x16xf32>,
          %swap3A_1168 = vector.shape_cast %swap3A_1167 : vector<1x16xf32> to vector<16xf32>
          %swap3A_1169 = vector.shape_cast %mul3A_1164 : vector<16xf32> to vector<1x16xf32>
          tpu.vector_store %arg11[%swap3A_1165, %swap3A_1166], %swap3A_1169 {strides = array<i32>} : memref<80x128xf32, #tpu.memory_space<vmem>>, vector<1x16xf32>,
          %get3A_1170 = arith.index_cast %add3A_1159 : i32 to index
          %get3A_1171 = arith.constant 16 : index
          %get3A_1172 = tpu.vector_load %arg11[%get3A_1170, %get3A_1171] {strides = array<i32>} : memref<80x128xf32, #tpu.memory_space<vmem>>, vector<1x16xf32>,
          %get3A_1173 = vector.shape_cast %get3A_1172 : vector<1x16xf32> to vector<16xf32>
          %mul3A_1174 = arith.mulf %get3A_1173, %gather3A_1155 : vector<16xf32>
          %swap3A_1175 = arith.index_cast %add3A_1159 : i32 to index
          %swap3A_1176 = arith.constant 16 : index
          %swap3A_1177 = tpu.vector_load %arg11[%swap3A_1175, %swap3A_1176] {strides = array<i32>} : memref<80x128xf32, #tpu.memory_space<vmem>>, vector<1x16xf32>,
          %swap3A_1178 = vector.shape_cast %swap3A_1177 : vector<1x16xf32> to vector<16xf32>
          %swap3A_1179 = vector.shape_cast %mul3A_1174 : vector<16xf32> to vector<1x16xf32>
          tpu.vector_store %arg11[%swap3A_1175, %swap3A_1176], %swap3A_1179 {strides = array<i32>} : memref<80x128xf32, #tpu.memory_space<vmem>>, vector<1x16xf32>,
          %get3A_1180 = arith.index_cast %add3A_1159 : i32 to index
          %get3A_1181 = arith.constant 32 : index
          %get3A_1182 = tpu.vector_load %arg11[%get3A_1180, %get3A_1181] {strides = array<i32>} : memref<80x128xf32, #tpu.memory_space<vmem>>, vector<1x16xf32>,
          %get3A_1183 = vector.shape_cast %get3A_1182 : vector<1x16xf32> to vector<16xf32>
          %mul3A_1184 = arith.mulf %get3A_1183, %gather3A_1155 : vector<16xf32>
          %swap3A_1185 = arith.index_cast %add3A_1159 : i32 to index
          %swap3A_1186 = arith.constant 32 : index
          %swap3A_1187 = tpu.vector_load %arg11[%swap3A_1185, %swap3A_1186] {strides = array<i32>} : memref<80x128xf32, #tpu.memory_space<vmem>>, vector<1x16xf32>,
          %swap3A_1188 = vector.shape_cast %swap3A_1187 : vector<1x16xf32> to vector<16xf32>
          %swap3A_1189 = vector.shape_cast %mul3A_1184 : vector<16xf32> to vector<1x16xf32>
          tpu.vector_store %arg11[%swap3A_1185, %swap3A_1186], %swap3A_1189 {strides = array<i32>} : memref<80x128xf32, #tpu.memory_space<vmem>>, vector<1x16xf32>,
          %get3A_1190 = arith.index_cast %add3A_1159 : i32 to index
          %get3A_1191 = arith.constant 48 : index
          %get3A_1192 = tpu.vector_load %arg11[%get3A_1190, %get3A_1191] {strides = array<i32>} : memref<80x128xf32, #tpu.memory_space<vmem>>, vector<1x16xf32>,
          %get3A_1193 = vector.shape_cast %get3A_1192 : vector<1x16xf32> to vector<16xf32>
          %mul3A_1194 = arith.mulf %get3A_1193, %gather3A_1155 : vector<16xf32>
          %swap3A_1195 = arith.index_cast %add3A_1159 : i32 to index
          %swap3A_1196 = arith.constant 48 : index
          %swap3A_1197 = tpu.vector_load %arg11[%swap3A_1195, %swap3A_1196] {strides = array<i32>} : memref<80x128xf32, #tpu.memory_space<vmem>>, vector<1x16xf32>,
          %swap3A_1198 = vector.shape_cast %swap3A_1197 : vector<1x16xf32> to vector<16xf32>
          %swap3A_1199 = vector.shape_cast %mul3A_1194 : vector<16xf32> to vector<1x16xf32>
          tpu.vector_store %arg11[%swap3A_1195, %swap3A_1196], %swap3A_1199 {strides = array<i32>} : memref<80x128xf32, #tpu.memory_space<vmem>>, vector<1x16xf32>,
          %get3A_1200 = arith.index_cast %add3A_1159 : i32 to index
          %get3A_1201 = arith.constant 64 : index
          %get3A_1202 = tpu.vector_load %arg11[%get3A_1200, %get3A_1201] {strides = array<i32>} : memref<80x128xf32, #tpu.memory_space<vmem>>, vector<1x16xf32>,
          %get3A_1203 = vector.shape_cast %get3A_1202 : vector<1x16xf32> to vector<16xf32>
          %mul3A_1204 = arith.mulf %get3A_1203, %gather3A_1155 : vector<16xf32>
          %swap3A_1205 = arith.index_cast %add3A_1159 : i32 to index
          %swap3A_1206 = arith.constant 64 : index
          %swap3A_1207 = tpu.vector_load %arg11[%swap3A_1205, %swap3A_1206] {strides = array<i32>} : memref<80x128xf32, #tpu.memory_space<vmem>>, vector<1x16xf32>,
          %swap3A_1208 = vector.shape_cast %swap3A_1207 : vector<1x16xf32> to vector<16xf32>
          %swap3A_1209 = vector.shape_cast %mul3A_1204 : vector<16xf32> to vector<1x16xf32>
          tpu.vector_store %arg11[%swap3A_1205, %swap3A_1206], %swap3A_1209 {strides = array<i32>} : memref<80x128xf32, #tpu.memory_space<vmem>>, vector<1x16xf32>,
          %get3A_1210 = arith.index_cast %add3A_1159 : i32 to index
          %get3A_1211 = arith.constant 80 : index
          %get3A_1212 = tpu.vector_load %arg11[%get3A_1210, %get3A_1211] {strides = array<i32>} : memref<80x128xf32, #tpu.memory_space<vmem>>, vector<1x16xf32>,
          %get3A_1213 = vector.shape_cast %get3A_1212 : vector<1x16xf32> to vector<16xf32>
          %mul3A_1214 = arith.mulf %get3A_1213, %gather3A_1155 : vector<16xf32>
          %swap3A_1215 = arith.index_cast %add3A_1159 : i32 to index
          %swap3A_1216 = arith.constant 80 : index
          %swap3A_1217 = tpu.vector_load %arg11[%swap3A_1215, %swap3A_1216] {strides = array<i32>} : memref<80x128xf32, #tpu.memory_space<vmem>>, vector<1x16xf32>,
          %swap3A_1218 = vector.shape_cast %swap3A_1217 : vector<1x16xf32> to vector<16xf32>
          %swap3A_1219 = vector.shape_cast %mul3A_1214 : vector<16xf32> to vector<1x16xf32>
          tpu.vector_store %arg11[%swap3A_1215, %swap3A_1216], %swap3A_1219 {strides = array<i32>} : memref<80x128xf32, #tpu.memory_space<vmem>>, vector<1x16xf32>,
          %get3A_1220 = arith.index_cast %add3A_1159 : i32 to index
          %get3A_1221 = arith.constant 96 : index
          %get3A_1222 = tpu.vector_load %arg11[%get3A_1220, %get3A_1221] {strides = array<i32>} : memref<80x128xf32, #tpu.memory_space<vmem>>, vector<1x16xf32>,
          %get3A_1223 = vector.shape_cast %get3A_1222 : vector<1x16xf32> to vector<16xf32>
          %mul3A_1224 = arith.mulf %get3A_1223, %gather3A_1155 : vector<16xf32>
          %swap3A_1225 = arith.index_cast %add3A_1159 : i32 to index
          %swap3A_1226 = arith.constant 96 : index
          %swap3A_1227 = tpu.vector_load %arg11[%swap3A_1225, %swap3A_1226] {strides = array<i32>} : memref<80x128xf32, #tpu.memory_space<vmem>>, vector<1x16xf32>,
          %swap3A_1228 = vector.shape_cast %swap3A_1227 : vector<1x16xf32> to vector<16xf32>
          %swap3A_1229 = vector.shape_cast %mul3A_1224 : vector<16xf32> to vector<1x16xf32>
          tpu.vector_store %arg11[%swap3A_1225, %swap3A_1226], %swap3A_1229 {strides = array<i32>} : memref<80x128xf32, #tpu.memory_space<vmem>>, vector<1x16xf32>,
          %get3A_1230 = arith.index_cast %add3A_1159 : i32 to index
          %get3A_1231 = arith.constant 112 : index
          %get3A_1232 = tpu.vector_load %arg11[%get3A_1230, %get3A_1231] {strides = array<i32>} : memref<80x128xf32, #tpu.memory_space<vmem>>, vector<1x16xf32>,
          %get3A_1233 = vector.shape_cast %get3A_1232 : vector<1x16xf32> to vector<16xf32>
          %mul3A_1234 = arith.mulf %get3A_1233, %gather3A_1155 : vector<16xf32>
          %swap3A_1235 = arith.index_cast %add3A_1159 : i32 to index
          %swap3A_1236 = arith.constant 112 : index
          %swap3A_1237 = tpu.vector_load %arg11[%swap3A_1235, %swap3A_1236] {strides = array<i32>} : memref<80x128xf32, #tpu.memory_space<vmem>>, vector<1x16xf32>,
          %swap3A_1238 = vector.shape_cast %swap3A_1237 : vector<1x16xf32> to vector<16xf32>
          %swap3A_1239 = vector.shape_cast %mul3A_1234 : vector<16xf32> to vector<1x16xf32>
          tpu.vector_store %arg11[%swap3A_1235, %swap3A_1236], %swap3A_1239 {strides = array<i32>} : memref<80x128xf32, #tpu.memory_space<vmem>>, vector<1x16xf32>,
          %broadcast_in_dim3A_1240 = arith.constant 13 : i32
          %broadcast_in_dim3A_1241 = vector.broadcast %broadcast_in_dim3A_1240 : i32 to vector<16x1xi32>
          %gather3A_1242 = vector.shape_cast %broadcast_in_dim3A_1241 : vector<16x1xi32> to vector<16xi32>
          %gather3A_1243 = tpu.dynamic_gather %get3A_98[%gather3A_1242] in [0] : vector<16xf32>, vector<16xi32> -> vector<16xf32>
          %mul3A_1244 = arith.constant 16 : i32
          %mul3A_1245 = arith.muli %scan3A_93, %mul3A_1244 : i32
          %add3A_1246 = arith.constant 13 : i32
          %add3A_1247 = arith.addi %mul3A_1245, %add3A_1246 : i32
          %get3A_1248 = arith.index_cast %add3A_1247 : i32 to index
          %get3A_1249 = arith.constant 0 : index
          %get3A_1250 = tpu.vector_load %arg11[%get3A_1248, %get3A_1249] {strides = array<i32>} : memref<80x128xf32, #tpu.memory_space<vmem>>, vector<1x16xf32>,
          %get3A_1251 = vector.shape_cast %get3A_1250 : vector<1x16xf32> to vector<16xf32>
          %mul3A_1252 = arith.mulf %get3A_1251, %gather3A_1243 : vector<16xf32>
          %swap3A_1253 = arith.index_cast %add3A_1247 : i32 to index
          %swap3A_1254 = arith.constant 0 : index
          %swap3A_1255 = tpu.vector_load %arg11[%swap3A_1253, %swap3A_1254] {strides = array<i32>} : memref<80x128xf32, #tpu.memory_space<vmem>>, vector<1x16xf32>,
          %swap3A_1256 = vector.shape_cast %swap3A_1255 : vector<1x16xf32> to vector<16xf32>
          %swap3A_1257 = vector.shape_cast %mul3A_1252 : vector<16xf32> to vector<1x16xf32>
          tpu.vector_store %arg11[%swap3A_1253, %swap3A_1254], %swap3A_1257 {strides = array<i32>} : memref<80x128xf32, #tpu.memory_space<vmem>>, vector<1x16xf32>,
          %get3A_1258 = arith.index_cast %add3A_1247 : i32 to index
          %get3A_1259 = arith.constant 16 : index
          %get3A_1260 = tpu.vector_load %arg11[%get3A_1258, %get3A_1259] {strides = array<i32>} : memref<80x128xf32, #tpu.memory_space<vmem>>, vector<1x16xf32>,
          %get3A_1261 = vector.shape_cast %get3A_1260 : vector<1x16xf32> to vector<16xf32>
          %mul3A_1262 = arith.mulf %get3A_1261, %gather3A_1243 : vector<16xf32>
          %swap3A_1263 = arith.index_cast %add3A_1247 : i32 to index
          %swap3A_1264 = arith.constant 16 : index
          %swap3A_1265 = tpu.vector_load %arg11[%swap3A_1263, %swap3A_1264] {strides = array<i32>} : memref<80x128xf32, #tpu.memory_space<vmem>>, vector<1x16xf32>,
          %swap3A_1266 = vector.shape_cast %swap3A_1265 : vector<1x16xf32> to vector<16xf32>
          %swap3A_1267 = vector.shape_cast %mul3A_1262 : vector<16xf32> to vector<1x16xf32>
          tpu.vector_store %arg11[%swap3A_1263, %swap3A_1264], %swap3A_1267 {strides = array<i32>} : memref<80x128xf32, #tpu.memory_space<vmem>>, vector<1x16xf32>,
          %get3A_1268 = arith.index_cast %add3A_1247 : i32 to index
          %get3A_1269 = arith.constant 32 : index
          %get3A_1270 = tpu.vector_load %arg11[%get3A_1268, %get3A_1269] {strides = array<i32>} : memref<80x128xf32, #tpu.memory_space<vmem>>, vector<1x16xf32>,
          %get3A_1271 = vector.shape_cast %get3A_1270 : vector<1x16xf32> to vector<16xf32>
          %mul3A_1272 = arith.mulf %get3A_1271, %gather3A_1243 : vector<16xf32>
          %swap3A_1273 = arith.index_cast %add3A_1247 : i32 to index
          %swap3A_1274 = arith.constant 32 : index
          %swap3A_1275 = tpu.vector_load %arg11[%swap3A_1273, %swap3A_1274] {strides = array<i32>} : memref<80x128xf32, #tpu.memory_space<vmem>>, vector<1x16xf32>,
          %swap3A_1276 = vector.shape_cast %swap3A_1275 : vector<1x16xf32> to vector<16xf32>
          %swap3A_1277 = vector.shape_cast %mul3A_1272 : vector<16xf32> to vector<1x16xf32>
          tpu.vector_store %arg11[%swap3A_1273, %swap3A_1274], %swap3A_1277 {strides = array<i32>} : memref<80x128xf32, #tpu.memory_space<vmem>>, vector<1x16xf32>,
          %get3A_1278 = arith.index_cast %add3A_1247 : i32 to index
          %get3A_1279 = arith.constant 48 : index
          %get3A_1280 = tpu.vector_load %arg11[%get3A_1278, %get3A_1279] {strides = array<i32>} : memref<80x128xf32, #tpu.memory_space<vmem>>, vector<1x16xf32>,
          %get3A_1281 = vector.shape_cast %get3A_1280 : vector<1x16xf32> to vector<16xf32>
          %mul3A_1282 = arith.mulf %get3A_1281, %gather3A_1243 : vector<16xf32>
          %swap3A_1283 = arith.index_cast %add3A_1247 : i32 to index
          %swap3A_1284 = arith.constant 48 : index
          %swap3A_1285 = tpu.vector_load %arg11[%swap3A_1283, %swap3A_1284] {strides = array<i32>} : memref<80x128xf32, #tpu.memory_space<vmem>>, vector<1x16xf32>,
          %swap3A_1286 = vector.shape_cast %swap3A_1285 : vector<1x16xf32> to vector<16xf32>
          %swap3A_1287 = vector.shape_cast %mul3A_1282 : vector<16xf32> to vector<1x16xf32>
          tpu.vector_store %arg11[%swap3A_1283, %swap3A_1284], %swap3A_1287 {strides = array<i32>} : memref<80x128xf32, #tpu.memory_space<vmem>>, vector<1x16xf32>,
          %get3A_1288 = arith.index_cast %add3A_1247 : i32 to index
          %get3A_1289 = arith.constant 64 : index
          %get3A_1290 = tpu.vector_load %arg11[%get3A_1288, %get3A_1289] {strides = array<i32>} : memref<80x128xf32, #tpu.memory_space<vmem>>, vector<1x16xf32>,
          %get3A_1291 = vector.shape_cast %get3A_1290 : vector<1x16xf32> to vector<16xf32>
          %mul3A_1292 = arith.mulf %get3A_1291, %gather3A_1243 : vector<16xf32>
          %swap3A_1293 = arith.index_cast %add3A_1247 : i32 to index
          %swap3A_1294 = arith.constant 64 : index
          %swap3A_1295 = tpu.vector_load %arg11[%swap3A_1293, %swap3A_1294] {strides = array<i32>} : memref<80x128xf32, #tpu.memory_space<vmem>>, vector<1x16xf32>,
          %swap3A_1296 = vector.shape_cast %swap3A_1295 : vector<1x16xf32> to vector<16xf32>
          %swap3A_1297 = vector.shape_cast %mul3A_1292 : vector<16xf32> to vector<1x16xf32>
          tpu.vector_store %arg11[%swap3A_1293, %swap3A_1294], %swap3A_1297 {strides = array<i32>} : memref<80x128xf32, #tpu.memory_space<vmem>>, vector<1x16xf32>,
          %get3A_1298 = arith.index_cast %add3A_1247 : i32 to index
          %get3A_1299 = arith.constant 80 : index
          %get3A_1300 = tpu.vector_load %arg11[%get3A_1298, %get3A_1299] {strides = array<i32>} : memref<80x128xf32, #tpu.memory_space<vmem>>, vector<1x16xf32>,
          %get3A_1301 = vector.shape_cast %get3A_1300 : vector<1x16xf32> to vector<16xf32>
          %mul3A_1302 = arith.mulf %get3A_1301, %gather3A_1243 : vector<16xf32>
          %swap3A_1303 = arith.index_cast %add3A_1247 : i32 to index
          %swap3A_1304 = arith.constant 80 : index
          %swap3A_1305 = tpu.vector_load %arg11[%swap3A_1303, %swap3A_1304] {strides = array<i32>} : memref<80x128xf32, #tpu.memory_space<vmem>>, vector<1x16xf32>,
          %swap3A_1306 = vector.shape_cast %swap3A_1305 : vector<1x16xf32> to vector<16xf32>
          %swap3A_1307 = vector.shape_cast %mul3A_1302 : vector<16xf32> to vector<1x16xf32>
          tpu.vector_store %arg11[%swap3A_1303, %swap3A_1304], %swap3A_1307 {strides = array<i32>} : memref<80x128xf32, #tpu.memory_space<vmem>>, vector<1x16xf32>,
          %get3A_1308 = arith.index_cast %add3A_1247 : i32 to index
          %get3A_1309 = arith.constant 96 : index
          %get3A_1310 = tpu.vector_load %arg11[%get3A_1308, %get3A_1309] {strides = array<i32>} : memref<80x128xf32, #tpu.memory_space<vmem>>, vector<1x16xf32>,
          %get3A_1311 = vector.shape_cast %get3A_1310 : vector<1x16xf32> to vector<16xf32>
          %mul3A_1312 = arith.mulf %get3A_1311, %gather3A_1243 : vector<16xf32>
          %swap3A_1313 = arith.index_cast %add3A_1247 : i32 to index
          %swap3A_1314 = arith.constant 96 : index
          %swap3A_1315 = tpu.vector_load %arg11[%swap3A_1313, %swap3A_1314] {strides = array<i32>} : memref<80x128xf32, #tpu.memory_space<vmem>>, vector<1x16xf32>,
          %swap3A_1316 = vector.shape_cast %swap3A_1315 : vector<1x16xf32> to vector<16xf32>
          %swap3A_1317 = vector.shape_cast %mul3A_1312 : vector<16xf32> to vector<1x16xf32>
          tpu.vector_store %arg11[%swap3A_1313, %swap3A_1314], %swap3A_1317 {strides = array<i32>} : memref<80x128xf32, #tpu.memory_space<vmem>>, vector<1x16xf32>,
          %get3A_1318 = arith.index_cast %add3A_1247 : i32 to index
          %get3A_1319 = arith.constant 112 : index
          %get3A_1320 = tpu.vector_load %arg11[%get3A_1318, %get3A_1319] {strides = array<i32>} : memref<80x128xf32, #tpu.memory_space<vmem>>, vector<1x16xf32>,
          %get3A_1321 = vector.shape_cast %get3A_1320 : vector<1x16xf32> to vector<16xf32>
          %mul3A_1322 = arith.mulf %get3A_1321, %gather3A_1243 : vector<16xf32>
          %swap3A_1323 = arith.index_cast %add3A_1247 : i32 to index
          %swap3A_1324 = arith.constant 112 : index
          %swap3A_1325 = tpu.vector_load %arg11[%swap3A_1323, %swap3A_1324] {strides = array<i32>} : memref<80x128xf32, #tpu.memory_space<vmem>>, vector<1x16xf32>,
          %swap3A_1326 = vector.shape_cast %swap3A_1325 : vector<1x16xf32> to vector<16xf32>
          %swap3A_1327 = vector.shape_cast %mul3A_1322 : vector<16xf32> to vector<1x16xf32>
          tpu.vector_store %arg11[%swap3A_1323, %swap3A_1324], %swap3A_1327 {strides = array<i32>} : memref<80x128xf32, #tpu.memory_space<vmem>>, vector<1x16xf32>,
          %broadcast_in_dim3A_1328 = arith.constant 14 : i32
          %broadcast_in_dim3A_1329 = vector.broadcast %broadcast_in_dim3A_1328 : i32 to vector<16x1xi32>
          %gather3A_1330 = vector.shape_cast %broadcast_in_dim3A_1329 : vector<16x1xi32> to vector<16xi32>
          %gather3A_1331 = tpu.dynamic_gather %get3A_98[%gather3A_1330] in [0] : vector<16xf32>, vector<16xi32> -> vector<16xf32>
          %mul3A_1332 = arith.constant 16 : i32
          %mul3A_1333 = arith.muli %scan3A_93, %mul3A_1332 : i32
          %add3A_1334 = arith.constant 14 : i32
          %add3A_1335 = arith.addi %mul3A_1333, %add3A_1334 : i32
          %get3A_1336 = arith.index_cast %add3A_1335 : i32 to index
          %get3A_1337 = arith.constant 0 : index
          %get3A_1338 = tpu.vector_load %arg11[%get3A_1336, %get3A_1337] {strides = array<i32>} : memref<80x128xf32, #tpu.memory_space<vmem>>, vector<1x16xf32>,
          %get3A_1339 = vector.shape_cast %get3A_1338 : vector<1x16xf32> to vector<16xf32>
          %mul3A_1340 = arith.mulf %get3A_1339, %gather3A_1331 : vector<16xf32>
          %swap3A_1341 = arith.index_cast %add3A_1335 : i32 to index
          %swap3A_1342 = arith.constant 0 : index
          %swap3A_1343 = tpu.vector_load %arg11[%swap3A_1341, %swap3A_1342] {strides = array<i32>} : memref<80x128xf32, #tpu.memory_space<vmem>>, vector<1x16xf32>,
          %swap3A_1344 = vector.shape_cast %swap3A_1343 : vector<1x16xf32> to vector<16xf32>
          %swap3A_1345 = vector.shape_cast %mul3A_1340 : vector<16xf32> to vector<1x16xf32>
          tpu.vector_store %arg11[%swap3A_1341, %swap3A_1342], %swap3A_1345 {strides = array<i32>} : memref<80x128xf32, #tpu.memory_space<vmem>>, vector<1x16xf32>,
          %get3A_1346 = arith.index_cast %add3A_1335 : i32 to index
          %get3A_1347 = arith.constant 16 : index
          %get3A_1348 = tpu.vector_load %arg11[%get3A_1346, %get3A_1347] {strides = array<i32>} : memref<80x128xf32, #tpu.memory_space<vmem>>, vector<1x16xf32>,
          %get3A_1349 = vector.shape_cast %get3A_1348 : vector<1x16xf32> to vector<16xf32>
          %mul3A_1350 = arith.mulf %get3A_1349, %gather3A_1331 : vector<16xf32>
          %swap3A_1351 = arith.index_cast %add3A_1335 : i32 to index
          %swap3A_1352 = arith.constant 16 : index
          %swap3A_1353 = tpu.vector_load %arg11[%swap3A_1351, %swap3A_1352] {strides = array<i32>} : memref<80x128xf32, #tpu.memory_space<vmem>>, vector<1x16xf32>,
          %swap3A_1354 = vector.shape_cast %swap3A_1353 : vector<1x16xf32> to vector<16xf32>
          %swap3A_1355 = vector.shape_cast %mul3A_1350 : vector<16xf32> to vector<1x16xf32>
          tpu.vector_store %arg11[%swap3A_1351, %swap3A_1352], %swap3A_1355 {strides = array<i32>} : memref<80x128xf32, #tpu.memory_space<vmem>>, vector<1x16xf32>,
          %get3A_1356 = arith.index_cast %add3A_1335 : i32 to index
          %get3A_1357 = arith.constant 32 : index
          %get3A_1358 = tpu.vector_load %arg11[%get3A_1356, %get3A_1357] {strides = array<i32>} : memref<80x128xf32, #tpu.memory_space<vmem>>, vector<1x16xf32>,
          %get3A_1359 = vector.shape_cast %get3A_1358 : vector<1x16xf32> to vector<16xf32>
          %mul3A_1360 = arith.mulf %get3A_1359, %gather3A_1331 : vector<16xf32>
          %swap3A_1361 = arith.index_cast %add3A_1335 : i32 to index
          %swap3A_1362 = arith.constant 32 : index
          %swap3A_1363 = tpu.vector_load %arg11[%swap3A_1361, %swap3A_1362] {strides = array<i32>} : memref<80x128xf32, #tpu.memory_space<vmem>>, vector<1x16xf32>,
          %swap3A_1364 = vector.shape_cast %swap3A_1363 : vector<1x16xf32> to vector<16xf32>
          %swap3A_1365 = vector.shape_cast %mul3A_1360 : vector<16xf32> to vector<1x16xf32>
          tpu.vector_store %arg11[%swap3A_1361, %swap3A_1362], %swap3A_1365 {strides = array<i32>} : memref<80x128xf32, #tpu.memory_space<vmem>>, vector<1x16xf32>,
          %get3A_1366 = arith.index_cast %add3A_1335 : i32 to index
          %get3A_1367 = arith.constant 48 : index
          %get3A_1368 = tpu.vector_load %arg11[%get3A_1366, %get3A_1367] {strides = array<i32>} : memref<80x128xf32, #tpu.memory_space<vmem>>, vector<1x16xf32>,
          %get3A_1369 = vector.shape_cast %get3A_1368 : vector<1x16xf32> to vector<16xf32>
          %mul3A_1370 = arith.mulf %get3A_1369, %gather3A_1331 : vector<16xf32>
          %swap3A_1371 = arith.index_cast %add3A_1335 : i32 to index
          %swap3A_1372 = arith.constant 48 : index
          %swap3A_1373 = tpu.vector_load %arg11[%swap3A_1371, %swap3A_1372] {strides = array<i32>} : memref<80x128xf32, #tpu.memory_space<vmem>>, vector<1x16xf32>,
          %swap3A_1374 = vector.shape_cast %swap3A_1373 : vector<1x16xf32> to vector<16xf32>
          %swap3A_1375 = vector.shape_cast %mul3A_1370 : vector<16xf32> to vector<1x16xf32>
          tpu.vector_store %arg11[%swap3A_1371, %swap3A_1372], %swap3A_1375 {strides = array<i32>} : memref<80x128xf32, #tpu.memory_space<vmem>>, vector<1x16xf32>,
          %get3A_1376 = arith.index_cast %add3A_1335 : i32 to index
          %get3A_1377 = arith.constant 64 : index
          %get3A_1378 = tpu.vector_load %arg11[%get3A_1376, %get3A_1377] {strides = array<i32>} : memref<80x128xf32, #tpu.memory_space<vmem>>, vector<1x16xf32>,
          %get3A_1379 = vector.shape_cast %get3A_1378 : vector<1x16xf32> to vector<16xf32>
          %mul3A_1380 = arith.mulf %get3A_1379, %gather3A_1331 : vector<16xf32>
          %swap3A_1381 = arith.index_cast %add3A_1335 : i32 to index
          %swap3A_1382 = arith.constant 64 : index
          %swap3A_1383 = tpu.vector_load %arg11[%swap3A_1381, %swap3A_1382] {strides = array<i32>} : memref<80x128xf32, #tpu.memory_space<vmem>>, vector<1x16xf32>,
          %swap3A_1384 = vector.shape_cast %swap3A_1383 : vector<1x16xf32> to vector<16xf32>
          %swap3A_1385 = vector.shape_cast %mul3A_1380 : vector<16xf32> to vector<1x16xf32>
          tpu.vector_store %arg11[%swap3A_1381, %swap3A_1382], %swap3A_1385 {strides = array<i32>} : memref<80x128xf32, #tpu.memory_space<vmem>>, vector<1x16xf32>,
          %get3A_1386 = arith.index_cast %add3A_1335 : i32 to index
          %get3A_1387 = arith.constant 80 : index
          %get3A_1388 = tpu.vector_load %arg11[%get3A_1386, %get3A_1387] {strides = array<i32>} : memref<80x128xf32, #tpu.memory_space<vmem>>, vector<1x16xf32>,
          %get3A_1389 = vector.shape_cast %get3A_1388 : vector<1x16xf32> to vector<16xf32>
          %mul3A_1390 = arith.mulf %get3A_1389, %gather3A_1331 : vector<16xf32>
          %swap3A_1391 = arith.index_cast %add3A_1335 : i32 to index
          %swap3A_1392 = arith.constant 80 : index
          %swap3A_1393 = tpu.vector_load %arg11[%swap3A_1391, %swap3A_1392] {strides = array<i32>} : memref<80x128xf32, #tpu.memory_space<vmem>>, vector<1x16xf32>,
          %swap3A_1394 = vector.shape_cast %swap3A_1393 : vector<1x16xf32> to vector<16xf32>
          %swap3A_1395 = vector.shape_cast %mul3A_1390 : vector<16xf32> to vector<1x16xf32>
          tpu.vector_store %arg11[%swap3A_1391, %swap3A_1392], %swap3A_1395 {strides = array<i32>} : memref<80x128xf32, #tpu.memory_space<vmem>>, vector<1x16xf32>,
          %get3A_1396 = arith.index_cast %add3A_1335 : i32 to index
          %get3A_1397 = arith.constant 96 : index
          %get3A_1398 = tpu.vector_load %arg11[%get3A_1396, %get3A_1397] {strides = array<i32>} : memref<80x128xf32, #tpu.memory_space<vmem>>, vector<1x16xf32>,
          %get3A_1399 = vector.shape_cast %get3A_1398 : vector<1x16xf32> to vector<16xf32>
          %mul3A_1400 = arith.mulf %get3A_1399, %gather3A_1331 : vector<16xf32>
          %swap3A_1401 = arith.index_cast %add3A_1335 : i32 to index
          %swap3A_1402 = arith.constant 96 : index
          %swap3A_1403 = tpu.vector_load %arg11[%swap3A_1401, %swap3A_1402] {strides = array<i32>} : memref<80x128xf32, #tpu.memory_space<vmem>>, vector<1x16xf32>,
          %swap3A_1404 = vector.shape_cast %swap3A_1403 : vector<1x16xf32> to vector<16xf32>
          %swap3A_1405 = vector.shape_cast %mul3A_1400 : vector<16xf32> to vector<1x16xf32>
          tpu.vector_store %arg11[%swap3A_1401, %swap3A_1402], %swap3A_1405 {strides = array<i32>} : memref<80x128xf32, #tpu.memory_space<vmem>>, vector<1x16xf32>,
          %get3A_1406 = arith.index_cast %add3A_1335 : i32 to index
          %get3A_1407 = arith.constant 112 : index
          %get3A_1408 = tpu.vector_load %arg11[%get3A_1406, %get3A_1407] {strides = array<i32>} : memref<80x128xf32, #tpu.memory_space<vmem>>, vector<1x16xf32>,
          %get3A_1409 = vector.shape_cast %get3A_1408 : vector<1x16xf32> to vector<16xf32>
          %mul3A_1410 = arith.mulf %get3A_1409, %gather3A_1331 : vector<16xf32>
          %swap3A_1411 = arith.index_cast %add3A_1335 : i32 to index
          %swap3A_1412 = arith.constant 112 : index
          %swap3A_1413 = tpu.vector_load %arg11[%swap3A_1411, %swap3A_1412] {strides = array<i32>} : memref<80x128xf32, #tpu.memory_space<vmem>>, vector<1x16xf32>,
          %swap3A_1414 = vector.shape_cast %swap3A_1413 : vector<1x16xf32> to vector<16xf32>
          %swap3A_1415 = vector.shape_cast %mul3A_1410 : vector<16xf32> to vector<1x16xf32>
          tpu.vector_store %arg11[%swap3A_1411, %swap3A_1412], %swap3A_1415 {strides = array<i32>} : memref<80x128xf32, #tpu.memory_space<vmem>>, vector<1x16xf32>,
          %broadcast_in_dim3A_1416 = arith.constant 15 : i32
          %broadcast_in_dim3A_1417 = vector.broadcast %broadcast_in_dim3A_1416 : i32 to vector<16x1xi32>
          %gather3A_1418 = vector.shape_cast %broadcast_in_dim3A_1417 : vector<16x1xi32> to vector<16xi32>
          %gather3A_1419 = tpu.dynamic_gather %get3A_98[%gather3A_1418] in [0] : vector<16xf32>, vector<16xi32> -> vector<16xf32>
          %mul3A_1420 = arith.constant 16 : i32
          %mul3A_1421 = arith.muli %scan3A_93, %mul3A_1420 : i32
          %add3A_1422 = arith.constant 15 : i32
          %add3A_1423 = arith.addi %mul3A_1421, %add3A_1422 : i32
          %get3A_1424 = arith.index_cast %add3A_1423 : i32 to index
          %get3A_1425 = arith.constant 0 : index
          %get3A_1426 = tpu.vector_load %arg11[%get3A_1424, %get3A_1425] {strides = array<i32>} : memref<80x128xf32, #tpu.memory_space<vmem>>, vector<1x16xf32>,
          %get3A_1427 = vector.shape_cast %get3A_1426 : vector<1x16xf32> to vector<16xf32>
          %mul3A_1428 = arith.mulf %get3A_1427, %gather3A_1419 : vector<16xf32>
          %swap3A_1429 = arith.index_cast %add3A_1423 : i32 to index
          %swap3A_1430 = arith.constant 0 : index
          %swap3A_1431 = tpu.vector_load %arg11[%swap3A_1429, %swap3A_1430] {strides = array<i32>} : memref<80x128xf32, #tpu.memory_space<vmem>>, vector<1x16xf32>,
          %swap3A_1432 = vector.shape_cast %swap3A_1431 : vector<1x16xf32> to vector<16xf32>
          %swap3A_1433 = vector.shape_cast %mul3A_1428 : vector<16xf32> to vector<1x16xf32>
          tpu.vector_store %arg11[%swap3A_1429, %swap3A_1430], %swap3A_1433 {strides = array<i32>} : memref<80x128xf32, #tpu.memory_space<vmem>>, vector<1x16xf32>,
          %get3A_1434 = arith.index_cast %add3A_1423 : i32 to index
          %get3A_1435 = arith.constant 16 : index
          %get3A_1436 = tpu.vector_load %arg11[%get3A_1434, %get3A_1435] {strides = array<i32>} : memref<80x128xf32, #tpu.memory_space<vmem>>, vector<1x16xf32>,
          %get3A_1437 = vector.shape_cast %get3A_1436 : vector<1x16xf32> to vector<16xf32>
          %mul3A_1438 = arith.mulf %get3A_1437, %gather3A_1419 : vector<16xf32>
          %swap3A_1439 = arith.index_cast %add3A_1423 : i32 to index
          %swap3A_1440 = arith.constant 16 : index
          %swap3A_1441 = tpu.vector_load %arg11[%swap3A_1439, %swap3A_1440] {strides = array<i32>} : memref<80x128xf32, #tpu.memory_space<vmem>>, vector<1x16xf32>,
          %swap3A_1442 = vector.shape_cast %swap3A_1441 : vector<1x16xf32> to vector<16xf32>
          %swap3A_1443 = vector.shape_cast %mul3A_1438 : vector<16xf32> to vector<1x16xf32>
          tpu.vector_store %arg11[%swap3A_1439, %swap3A_1440], %swap3A_1443 {strides = array<i32>} : memref<80x128xf32, #tpu.memory_space<vmem>>, vector<1x16xf32>,
          %get3A_1444 = arith.index_cast %add3A_1423 : i32 to index
          %get3A_1445 = arith.constant 32 : index
          %get3A_1446 = tpu.vector_load %arg11[%get3A_1444, %get3A_1445] {strides = array<i32>} : memref<80x128xf32, #tpu.memory_space<vmem>>, vector<1x16xf32>,
          %get3A_1447 = vector.shape_cast %get3A_1446 : vector<1x16xf32> to vector<16xf32>
          %mul3A_1448 = arith.mulf %get3A_1447, %gather3A_1419 : vector<16xf32>
          %swap3A_1449 = arith.index_cast %add3A_1423 : i32 to index
          %swap3A_1450 = arith.constant 32 : index
          %swap3A_1451 = tpu.vector_load %arg11[%swap3A_1449, %swap3A_1450] {strides = array<i32>} : memref<80x128xf32, #tpu.memory_space<vmem>>, vector<1x16xf32>,
          %swap3A_1452 = vector.shape_cast %swap3A_1451 : vector<1x16xf32> to vector<16xf32>
          %swap3A_1453 = vector.shape_cast %mul3A_1448 : vector<16xf32> to vector<1x16xf32>
          tpu.vector_store %arg11[%swap3A_1449, %swap3A_1450], %swap3A_1453 {strides = array<i32>} : memref<80x128xf32, #tpu.memory_space<vmem>>, vector<1x16xf32>,
          %get3A_1454 = arith.index_cast %add3A_1423 : i32 to index
          %get3A_1455 = arith.constant 48 : index
          %get3A_1456 = tpu.vector_load %arg11[%get3A_1454, %get3A_1455] {strides = array<i32>} : memref<80x128xf32, #tpu.memory_space<vmem>>, vector<1x16xf32>,
          %get3A_1457 = vector.shape_cast %get3A_1456 : vector<1x16xf32> to vector<16xf32>
          %mul3A_1458 = arith.mulf %get3A_1457, %gather3A_1419 : vector<16xf32>
          %swap3A_1459 = arith.index_cast %add3A_1423 : i32 to index
          %swap3A_1460 = arith.constant 48 : index
          %swap3A_1461 = tpu.vector_load %arg11[%swap3A_1459, %swap3A_1460] {strides = array<i32>} : memref<80x128xf32, #tpu.memory_space<vmem>>, vector<1x16xf32>,
          %swap3A_1462 = vector.shape_cast %swap3A_1461 : vector<1x16xf32> to vector<16xf32>
          %swap3A_1463 = vector.shape_cast %mul3A_1458 : vector<16xf32> to vector<1x16xf32>
          tpu.vector_store %arg11[%swap3A_1459, %swap3A_1460], %swap3A_1463 {strides = array<i32>} : memref<80x128xf32, #tpu.memory_space<vmem>>, vector<1x16xf32>,
          %get3A_1464 = arith.index_cast %add3A_1423 : i32 to index
          %get3A_1465 = arith.constant 64 : index
          %get3A_1466 = tpu.vector_load %arg11[%get3A_1464, %get3A_1465] {strides = array<i32>} : memref<80x128xf32, #tpu.memory_space<vmem>>, vector<1x16xf32>,
          %get3A_1467 = vector.shape_cast %get3A_1466 : vector<1x16xf32> to vector<16xf32>
          %mul3A_1468 = arith.mulf %get3A_1467, %gather3A_1419 : vector<16xf32>
          %swap3A_1469 = arith.index_cast %add3A_1423 : i32 to index
          %swap3A_1470 = arith.constant 64 : index
          %swap3A_1471 = tpu.vector_load %arg11[%swap3A_1469, %swap3A_1470] {strides = array<i32>} : memref<80x128xf32, #tpu.memory_space<vmem>>, vector<1x16xf32>,
          %swap3A_1472 = vector.shape_cast %swap3A_1471 : vector<1x16xf32> to vector<16xf32>
          %swap3A_1473 = vector.shape_cast %mul3A_1468 : vector<16xf32> to vector<1x16xf32>
          tpu.vector_store %arg11[%swap3A_1469, %swap3A_1470], %swap3A_1473 {strides = array<i32>} : memref<80x128xf32, #tpu.memory_space<vmem>>, vector<1x16xf32>,
          %get3A_1474 = arith.index_cast %add3A_1423 : i32 to index
          %get3A_1475 = arith.constant 80 : index
          %get3A_1476 = tpu.vector_load %arg11[%get3A_1474, %get3A_1475] {strides = array<i32>} : memref<80x128xf32, #tpu.memory_space<vmem>>, vector<1x16xf32>,
          %get3A_1477 = vector.shape_cast %get3A_1476 : vector<1x16xf32> to vector<16xf32>
          %mul3A_1478 = arith.mulf %get3A_1477, %gather3A_1419 : vector<16xf32>
          %swap3A_1479 = arith.index_cast %add3A_1423 : i32 to index
          %swap3A_1480 = arith.constant 80 : index
          %swap3A_1481 = tpu.vector_load %arg11[%swap3A_1479, %swap3A_1480] {strides = array<i32>} : memref<80x128xf32, #tpu.memory_space<vmem>>, vector<1x16xf32>,
          %swap3A_1482 = vector.shape_cast %swap3A_1481 : vector<1x16xf32> to vector<16xf32>
          %swap3A_1483 = vector.shape_cast %mul3A_1478 : vector<16xf32> to vector<1x16xf32>
          tpu.vector_store %arg11[%swap3A_1479, %swap3A_1480], %swap3A_1483 {strides = array<i32>} : memref<80x128xf32, #tpu.memory_space<vmem>>, vector<1x16xf32>,
          %get3A_1484 = arith.index_cast %add3A_1423 : i32 to index
          %get3A_1485 = arith.constant 96 : index
          %get3A_1486 = tpu.vector_load %arg11[%get3A_1484, %get3A_1485] {strides = array<i32>} : memref<80x128xf32, #tpu.memory_space<vmem>>, vector<1x16xf32>,
          %get3A_1487 = vector.shape_cast %get3A_1486 : vector<1x16xf32> to vector<16xf32>
          %mul3A_1488 = arith.mulf %get3A_1487, %gather3A_1419 : vector<16xf32>
          %swap3A_1489 = arith.index_cast %add3A_1423 : i32 to index
          %swap3A_1490 = arith.constant 96 : index
          %swap3A_1491 = tpu.vector_load %arg11[%swap3A_1489, %swap3A_1490] {strides = array<i32>} : memref<80x128xf32, #tpu.memory_space<vmem>>, vector<1x16xf32>,
          %swap3A_1492 = vector.shape_cast %swap3A_1491 : vector<1x16xf32> to vector<16xf32>
          %swap3A_1493 = vector.shape_cast %mul3A_1488 : vector<16xf32> to vector<1x16xf32>
          tpu.vector_store %arg11[%swap3A_1489, %swap3A_1490], %swap3A_1493 {strides = array<i32>} : memref<80x128xf32, #tpu.memory_space<vmem>>, vector<1x16xf32>,
          %get3A_1494 = arith.index_cast %add3A_1423 : i32 to index
          %get3A_1495 = arith.constant 112 : index
          %get3A_1496 = tpu.vector_load %arg11[%get3A_1494, %get3A_1495] {strides = array<i32>} : memref<80x128xf32, #tpu.memory_space<vmem>>, vector<1x16xf32>,
          %get3A_1497 = vector.shape_cast %get3A_1496 : vector<1x16xf32> to vector<16xf32>
          %mul3A_1498 = arith.mulf %get3A_1497, %gather3A_1419 : vector<16xf32>
          %swap3A_1499 = arith.index_cast %add3A_1423 : i32 to index
          %swap3A_1500 = arith.constant 112 : index
          %swap3A_1501 = tpu.vector_load %arg11[%swap3A_1499, %swap3A_1500] {strides = array<i32>} : memref<80x128xf32, #tpu.memory_space<vmem>>, vector<1x16xf32>,
          %swap3A_1502 = vector.shape_cast %swap3A_1501 : vector<1x16xf32> to vector<16xf32>
          %swap3A_1503 = vector.shape_cast %mul3A_1498 : vector<16xf32> to vector<1x16xf32>
          tpu.vector_store %arg11[%swap3A_1499, %swap3A_1500], %swap3A_1503 {strides = array<i32>} : memref<80x128xf32, #tpu.memory_space<vmem>>, vector<1x16xf32>,
        }
        %scan3A_79 = arith.constant 5 : i32
        "tpu.region"() ({
          %run_scoped3A = tpu.sem_alloc : memref<!tpu.dma_semaphore, #tpu.memory_space<semaphore_mem>>
          %dma_start3A_93 = arith.constant 0 : i32
          %dma_start3A_94 = tpu.memref_slice %arg9[%mul3A_61, %dma_start3A_93] : memref<6x80xi32, #tpu.memory_space<vmem>> -> memref<1x80xi32, #tpu.memory_space<vmem>>
          %dma_start3A_95 = tpu.memref_squeeze %dma_start3A_94 : memref<1x80xi32, #tpu.memory_space<vmem>> -> memref<80xi32, #tpu.memory_space<vmem>>
          %dma_start3A_96 = arith.constant 0 : i32
          %dma_start3A_97 = arith.constant 0 : i32
          %dma_start3A_98 = tpu.memref_slice %arg7[%dma_start3A_96, %dma_start3A_97] : memref<10240x128xf32, #tpu.memory_space<vmem_shared>> -> memref<10240x128xf32, #tpu.memory_space<vmem_shared>>
          tpu.enqueue_indirect_dma source(%arg11 : memref<80x128xf32, #tpu.memory_space<vmem>>) target(%dma_start3A_98 : memref<10240x128xf32, #tpu.memory_space<vmem_shared>>) offsets(%dma_start3A_95 : memref<80xi32, #tpu.memory_space<vmem>>) semaphore(%run_scoped3A : memref<!tpu.dma_semaphore, #tpu.memory_space<semaphore_mem>>) {add = true}
          %dma_wait3A_99 = arith.constant 0 : i32
          %dma_wait3A_100 = tpu.memref_slice %arg9[%mul3A_61, %dma_wait3A_99] : memref<6x80xi32, #tpu.memory_space<vmem>> -> memref<1x80xi32, #tpu.memory_space<vmem>>
          %dma_wait3A_101 = tpu.memref_squeeze %dma_wait3A_100 : memref<1x80xi32, #tpu.memory_space<vmem>> -> memref<80xi32, #tpu.memory_space<vmem>>
          %dma_wait3A_102 = arith.constant 0 : i32
          %dma_wait3A_103 = arith.constant 0 : i32
          %dma_wait3A_104 = tpu.memref_slice %arg7[%dma_wait3A_102, %dma_wait3A_103] : memref<10240x128xf32, #tpu.memory_space<vmem_shared>> -> memref<10240x128xf32, #tpu.memory_space<vmem_shared>>
          tpu.wait_indirect_dma semaphore(%run_scoped3A : memref<!tpu.dma_semaphore, #tpu.memory_space<semaphore_mem>>) src(%arg11 : memref<80x128xf32, #tpu.memory_space<vmem>>) dst(%dma_wait3A_104 : memref<10240x128xf32, #tpu.memory_space<vmem_shared>>)
          tpu.yield
        }) : () -> ()
        %lt3A = arith.constant 2 : i32
        %lt3A_80 = arith.cmpi slt, %scan3A_59, %lt3A : i32
        %convert_element_type3A = arith.extui %lt3A_80 : i1 to i32
        %cond3A = arith.constant 0 : i32
        %cond3A_81 = arith.cmpi ne, %convert_element_type3A, %cond3A : i32
        scf.if %cond3A_81 {
          %add3A_93 = arith.constant 2 : i32
          %add3A_94 = arith.addi %mul3A_61, %add3A_93 : i32
          %dma_start3A_95 = arith.constant 0 : i32
          %dma_start3A_96 = tpu.memref_slice %arg8[%add3A_94, %dma_start3A_95] : memref<6x80xi32, #tpu.memory_space<vmem>> -> memref<1x80xi32, #tpu.memory_space<vmem>>
          %dma_start3A_97 = tpu.memref_squeeze %dma_start3A_96 : memref<1x80xi32, #tpu.memory_space<vmem>> -> memref<80xi32, #tpu.memory_space<vmem>>
          %dma_start3A_98 = arith.constant 0 : i32
          %dma_start3A_99 = arith.constant 0 : i32
          %dma_start3A_100 = tpu.memref_slice %arg2[%dma_start3A_98, %dma_start3A_99] : memref<10240x128xf32, #tpu.memory_space<hbm>> -> memref<10240x128xf32, #tpu.memory_space<hbm>>
          tpu.enqueue_indirect_dma source(%dma_start3A_100 : memref<10240x128xf32, #tpu.memory_space<hbm>>) target(%arg11 : memref<80x128xf32, #tpu.memory_space<vmem>>) offsets(%dma_start3A_97 : memref<80xi32, #tpu.memory_space<vmem>>) semaphore(%arg13 : memref<!tpu.dma_semaphore, #tpu.memory_space<semaphore_mem>>)
        } else {
        }
        %dma_wait3A_82 = arith.constant 0 : i32
        %dma_wait3A_83 = arith.constant 0 : i32
        %dma_wait3A_84 = tpu.memref_slice %arg2[%dma_wait3A_82, %dma_wait3A_83] : memref<10240x128xf32, #tpu.memory_space<hbm>> -> memref<80x128xf32, #tpu.memory_space<hbm>>
        %dma_wait3A_85 = arith.constant 0 : i32
        %dma_wait3A_86 = arith.constant 0 : i32
        %dma_wait3A_87 = tpu.memref_slice %arg2[%dma_wait3A_85, %dma_wait3A_86] : memref<10240x128xf32, #tpu.memory_space<hbm>> -> memref<80x128xf32, #tpu.memory_space<hbm>>
        tpu.wait_dma2 semaphore(%arg14 : memref<!tpu.dma_semaphore, #tpu.memory_space<semaphore_mem>>) src(%dma_wait3A_87 : memref<80x128xf32, #tpu.memory_space<hbm>>) dst(%arg12 : memref<80x128xf32, #tpu.memory_space<vmem>>)
        %scan3A_88 = arith.constant 0 : i32
        %scan3A_89 = arith.constant 5 : i32
        %scan3A_90 = arith.addi %scan3A_88, %scan3A_89 : i32
        %scan3A_91 = arith.constant 1 : i32
        scf.for %scan3A_93 = %scan3A_88 to %scan3A_90 step %scan3A_91  : i32 {
          %mul3A_94 = arith.constant 16 : i32
          %mul3A_95 = arith.muli %scan3A_93, %mul3A_94 : i32
          %get3A = arith.index_cast %add3A_63 : i32 to index
          %get3A_96 = arith.index_cast %mul3A_95 : i32 to index
          %get3A_97 = tpu.vector_load %arg10[%get3A, %get3A_96] {strides = array<i32>} : memref<6x80xf32, #tpu.memory_space<vmem>>, vector<1x16xf32>,
          %get3A_98 = vector.shape_cast %get3A_97 : vector<1x16xf32> to vector<16xf32>
          %broadcast_in_dim3A = arith.constant 0 : i32
          %broadcast_in_dim3A_99 = vector.broadcast %broadcast_in_dim3A : i32 to vector<16x1xi32>
          %gather3A = vector.shape_cast %broadcast_in_dim3A_99 : vector<16x1xi32> to vector<16xi32>
          %gather3A_100 = tpu.dynamic_gather %get3A_98[%gather3A] in [0] : vector<16xf32>, vector<16xi32> -> vector<16xf32>
          %mul3A_101 = arith.constant 16 : i32
          %mul3A_102 = arith.muli %scan3A_93, %mul3A_101 : i32
          %add3A_103 = arith.constant 0 : i32
          %add3A_104 = arith.addi %mul3A_102, %add3A_103 : i32
          %get3A_105 = arith.index_cast %add3A_104 : i32 to index
          %get3A_106 = arith.constant 0 : index
          %get3A_107 = tpu.vector_load %arg12[%get3A_105, %get3A_106] {strides = array<i32>} : memref<80x128xf32, #tpu.memory_space<vmem>>, vector<1x16xf32>,
          %get3A_108 = vector.shape_cast %get3A_107 : vector<1x16xf32> to vector<16xf32>
          %mul3A_109 = arith.mulf %get3A_108, %gather3A_100 : vector<16xf32>
          %swap3A = arith.index_cast %add3A_104 : i32 to index
          %swap3A_110 = arith.constant 0 : index
          %swap3A_111 = tpu.vector_load %arg12[%swap3A, %swap3A_110] {strides = array<i32>} : memref<80x128xf32, #tpu.memory_space<vmem>>, vector<1x16xf32>,
          %swap3A_112 = vector.shape_cast %swap3A_111 : vector<1x16xf32> to vector<16xf32>
          %swap3A_113 = vector.shape_cast %mul3A_109 : vector<16xf32> to vector<1x16xf32>
          tpu.vector_store %arg12[%swap3A, %swap3A_110], %swap3A_113 {strides = array<i32>} : memref<80x128xf32, #tpu.memory_space<vmem>>, vector<1x16xf32>,
          %get3A_114 = arith.index_cast %add3A_104 : i32 to index
          %get3A_115 = arith.constant 16 : index
          %get3A_116 = tpu.vector_load %arg12[%get3A_114, %get3A_115] {strides = array<i32>} : memref<80x128xf32, #tpu.memory_space<vmem>>, vector<1x16xf32>,
          %get3A_117 = vector.shape_cast %get3A_116 : vector<1x16xf32> to vector<16xf32>
          %mul3A_118 = arith.mulf %get3A_117, %gather3A_100 : vector<16xf32>
          %swap3A_119 = arith.index_cast %add3A_104 : i32 to index
          %swap3A_120 = arith.constant 16 : index
          %swap3A_121 = tpu.vector_load %arg12[%swap3A_119, %swap3A_120] {strides = array<i32>} : memref<80x128xf32, #tpu.memory_space<vmem>>, vector<1x16xf32>,
          %swap3A_122 = vector.shape_cast %swap3A_121 : vector<1x16xf32> to vector<16xf32>
          %swap3A_123 = vector.shape_cast %mul3A_118 : vector<16xf32> to vector<1x16xf32>
          tpu.vector_store %arg12[%swap3A_119, %swap3A_120], %swap3A_123 {strides = array<i32>} : memref<80x128xf32, #tpu.memory_space<vmem>>, vector<1x16xf32>,
          %get3A_124 = arith.index_cast %add3A_104 : i32 to index
          %get3A_125 = arith.constant 32 : index
          %get3A_126 = tpu.vector_load %arg12[%get3A_124, %get3A_125] {strides = array<i32>} : memref<80x128xf32, #tpu.memory_space<vmem>>, vector<1x16xf32>,
          %get3A_127 = vector.shape_cast %get3A_126 : vector<1x16xf32> to vector<16xf32>
          %mul3A_128 = arith.mulf %get3A_127, %gather3A_100 : vector<16xf32>
          %swap3A_129 = arith.index_cast %add3A_104 : i32 to index
          %swap3A_130 = arith.constant 32 : index
          %swap3A_131 = tpu.vector_load %arg12[%swap3A_129, %swap3A_130] {strides = array<i32>} : memref<80x128xf32, #tpu.memory_space<vmem>>, vector<1x16xf32>,
          %swap3A_132 = vector.shape_cast %swap3A_131 : vector<1x16xf32> to vector<16xf32>
          %swap3A_133 = vector.shape_cast %mul3A_128 : vector<16xf32> to vector<1x16xf32>
          tpu.vector_store %arg12[%swap3A_129, %swap3A_130], %swap3A_133 {strides = array<i32>} : memref<80x128xf32, #tpu.memory_space<vmem>>, vector<1x16xf32>,
          %get3A_134 = arith.index_cast %add3A_104 : i32 to index
          %get3A_135 = arith.constant 48 : index
          %get3A_136 = tpu.vector_load %arg12[%get3A_134, %get3A_135] {strides = array<i32>} : memref<80x128xf32, #tpu.memory_space<vmem>>, vector<1x16xf32>,
          %get3A_137 = vector.shape_cast %get3A_136 : vector<1x16xf32> to vector<16xf32>
          %mul3A_138 = arith.mulf %get3A_137, %gather3A_100 : vector<16xf32>
          %swap3A_139 = arith.index_cast %add3A_104 : i32 to index
          %swap3A_140 = arith.constant 48 : index
          %swap3A_141 = tpu.vector_load %arg12[%swap3A_139, %swap3A_140] {strides = array<i32>} : memref<80x128xf32, #tpu.memory_space<vmem>>, vector<1x16xf32>,
          %swap3A_142 = vector.shape_cast %swap3A_141 : vector<1x16xf32> to vector<16xf32>
          %swap3A_143 = vector.shape_cast %mul3A_138 : vector<16xf32> to vector<1x16xf32>
          tpu.vector_store %arg12[%swap3A_139, %swap3A_140], %swap3A_143 {strides = array<i32>} : memref<80x128xf32, #tpu.memory_space<vmem>>, vector<1x16xf32>,
          %get3A_144 = arith.index_cast %add3A_104 : i32 to index
          %get3A_145 = arith.constant 64 : index
          %get3A_146 = tpu.vector_load %arg12[%get3A_144, %get3A_145] {strides = array<i32>} : memref<80x128xf32, #tpu.memory_space<vmem>>, vector<1x16xf32>,
          %get3A_147 = vector.shape_cast %get3A_146 : vector<1x16xf32> to vector<16xf32>
          %mul3A_148 = arith.mulf %get3A_147, %gather3A_100 : vector<16xf32>
          %swap3A_149 = arith.index_cast %add3A_104 : i32 to index
          %swap3A_150 = arith.constant 64 : index
          %swap3A_151 = tpu.vector_load %arg12[%swap3A_149, %swap3A_150] {strides = array<i32>} : memref<80x128xf32, #tpu.memory_space<vmem>>, vector<1x16xf32>,
          %swap3A_152 = vector.shape_cast %swap3A_151 : vector<1x16xf32> to vector<16xf32>
          %swap3A_153 = vector.shape_cast %mul3A_148 : vector<16xf32> to vector<1x16xf32>
          tpu.vector_store %arg12[%swap3A_149, %swap3A_150], %swap3A_153 {strides = array<i32>} : memref<80x128xf32, #tpu.memory_space<vmem>>, vector<1x16xf32>,
          %get3A_154 = arith.index_cast %add3A_104 : i32 to index
          %get3A_155 = arith.constant 80 : index
          %get3A_156 = tpu.vector_load %arg12[%get3A_154, %get3A_155] {strides = array<i32>} : memref<80x128xf32, #tpu.memory_space<vmem>>, vector<1x16xf32>,
          %get3A_157 = vector.shape_cast %get3A_156 : vector<1x16xf32> to vector<16xf32>
          %mul3A_158 = arith.mulf %get3A_157, %gather3A_100 : vector<16xf32>
          %swap3A_159 = arith.index_cast %add3A_104 : i32 to index
          %swap3A_160 = arith.constant 80 : index
          %swap3A_161 = tpu.vector_load %arg12[%swap3A_159, %swap3A_160] {strides = array<i32>} : memref<80x128xf32, #tpu.memory_space<vmem>>, vector<1x16xf32>,
          %swap3A_162 = vector.shape_cast %swap3A_161 : vector<1x16xf32> to vector<16xf32>
          %swap3A_163 = vector.shape_cast %mul3A_158 : vector<16xf32> to vector<1x16xf32>
          tpu.vector_store %arg12[%swap3A_159, %swap3A_160], %swap3A_163 {strides = array<i32>} : memref<80x128xf32, #tpu.memory_space<vmem>>, vector<1x16xf32>,
          %get3A_164 = arith.index_cast %add3A_104 : i32 to index
          %get3A_165 = arith.constant 96 : index
          %get3A_166 = tpu.vector_load %arg12[%get3A_164, %get3A_165] {strides = array<i32>} : memref<80x128xf32, #tpu.memory_space<vmem>>, vector<1x16xf32>,
          %get3A_167 = vector.shape_cast %get3A_166 : vector<1x16xf32> to vector<16xf32>
          %mul3A_168 = arith.mulf %get3A_167, %gather3A_100 : vector<16xf32>
          %swap3A_169 = arith.index_cast %add3A_104 : i32 to index
          %swap3A_170 = arith.constant 96 : index
          %swap3A_171 = tpu.vector_load %arg12[%swap3A_169, %swap3A_170] {strides = array<i32>} : memref<80x128xf32, #tpu.memory_space<vmem>>, vector<1x16xf32>,
          %swap3A_172 = vector.shape_cast %swap3A_171 : vector<1x16xf32> to vector<16xf32>
          %swap3A_173 = vector.shape_cast %mul3A_168 : vector<16xf32> to vector<1x16xf32>
          tpu.vector_store %arg12[%swap3A_169, %swap3A_170], %swap3A_173 {strides = array<i32>} : memref<80x128xf32, #tpu.memory_space<vmem>>, vector<1x16xf32>,
          %get3A_174 = arith.index_cast %add3A_104 : i32 to index
          %get3A_175 = arith.constant 112 : index
          %get3A_176 = tpu.vector_load %arg12[%get3A_174, %get3A_175] {strides = array<i32>} : memref<80x128xf32, #tpu.memory_space<vmem>>, vector<1x16xf32>,
          %get3A_177 = vector.shape_cast %get3A_176 : vector<1x16xf32> to vector<16xf32>
          %mul3A_178 = arith.mulf %get3A_177, %gather3A_100 : vector<16xf32>
          %swap3A_179 = arith.index_cast %add3A_104 : i32 to index
          %swap3A_180 = arith.constant 112 : index
          %swap3A_181 = tpu.vector_load %arg12[%swap3A_179, %swap3A_180] {strides = array<i32>} : memref<80x128xf32, #tpu.memory_space<vmem>>, vector<1x16xf32>,
          %swap3A_182 = vector.shape_cast %swap3A_181 : vector<1x16xf32> to vector<16xf32>
          %swap3A_183 = vector.shape_cast %mul3A_178 : vector<16xf32> to vector<1x16xf32>
          tpu.vector_store %arg12[%swap3A_179, %swap3A_180], %swap3A_183 {strides = array<i32>} : memref<80x128xf32, #tpu.memory_space<vmem>>, vector<1x16xf32>,
          %broadcast_in_dim3A_184 = arith.constant 1 : i32
          %broadcast_in_dim3A_185 = vector.broadcast %broadcast_in_dim3A_184 : i32 to vector<16x1xi32>
          %gather3A_186 = vector.shape_cast %broadcast_in_dim3A_185 : vector<16x1xi32> to vector<16xi32>
          %gather3A_187 = tpu.dynamic_gather %get3A_98[%gather3A_186] in [0] : vector<16xf32>, vector<16xi32> -> vector<16xf32>
          %mul3A_188 = arith.constant 16 : i32
          %mul3A_189 = arith.muli %scan3A_93, %mul3A_188 : i32
          %add3A_190 = arith.constant 1 : i32
          %add3A_191 = arith.addi %mul3A_189, %add3A_190 : i32
          %get3A_192 = arith.index_cast %add3A_191 : i32 to index
          %get3A_193 = arith.constant 0 : index
          %get3A_194 = tpu.vector_load %arg12[%get3A_192, %get3A_193] {strides = array<i32>} : memref<80x128xf32, #tpu.memory_space<vmem>>, vector<1x16xf32>,
          %get3A_195 = vector.shape_cast %get3A_194 : vector<1x16xf32> to vector<16xf32>
          %mul3A_196 = arith.mulf %get3A_195, %gather3A_187 : vector<16xf32>
          %swap3A_197 = arith.index_cast %add3A_191 : i32 to index
          %swap3A_198 = arith.constant 0 : index
          %swap3A_199 = tpu.vector_load %arg12[%swap3A_197, %swap3A_198] {strides = array<i32>} : memref<80x128xf32, #tpu.memory_space<vmem>>, vector<1x16xf32>,
          %swap3A_200 = vector.shape_cast %swap3A_199 : vector<1x16xf32> to vector<16xf32>
          %swap3A_201 = vector.shape_cast %mul3A_196 : vector<16xf32> to vector<1x16xf32>
          tpu.vector_store %arg12[%swap3A_197, %swap3A_198], %swap3A_201 {strides = array<i32>} : memref<80x128xf32, #tpu.memory_space<vmem>>, vector<1x16xf32>,
          %get3A_202 = arith.index_cast %add3A_191 : i32 to index
          %get3A_203 = arith.constant 16 : index
          %get3A_204 = tpu.vector_load %arg12[%get3A_202, %get3A_203] {strides = array<i32>} : memref<80x128xf32, #tpu.memory_space<vmem>>, vector<1x16xf32>,
          %get3A_205 = vector.shape_cast %get3A_204 : vector<1x16xf32> to vector<16xf32>
          %mul3A_206 = arith.mulf %get3A_205, %gather3A_187 : vector<16xf32>
          %swap3A_207 = arith.index_cast %add3A_191 : i32 to index
          %swap3A_208 = arith.constant 16 : index
          %swap3A_209 = tpu.vector_load %arg12[%swap3A_207, %swap3A_208] {strides = array<i32>} : memref<80x128xf32, #tpu.memory_space<vmem>>, vector<1x16xf32>,
          %swap3A_210 = vector.shape_cast %swap3A_209 : vector<1x16xf32> to vector<16xf32>
          %swap3A_211 = vector.shape_cast %mul3A_206 : vector<16xf32> to vector<1x16xf32>
          tpu.vector_store %arg12[%swap3A_207, %swap3A_208], %swap3A_211 {strides = array<i32>} : memref<80x128xf32, #tpu.memory_space<vmem>>, vector<1x16xf32>,
          %get3A_212 = arith.index_cast %add3A_191 : i32 to index
          %get3A_213 = arith.constant 32 : index
          %get3A_214 = tpu.vector_load %arg12[%get3A_212, %get3A_213] {strides = array<i32>} : memref<80x128xf32, #tpu.memory_space<vmem>>, vector<1x16xf32>,
          %get3A_215 = vector.shape_cast %get3A_214 : vector<1x16xf32> to vector<16xf32>
          %mul3A_216 = arith.mulf %get3A_215, %gather3A_187 : vector<16xf32>
          %swap3A_217 = arith.index_cast %add3A_191 : i32 to index
          %swap3A_218 = arith.constant 32 : index
          %swap3A_219 = tpu.vector_load %arg12[%swap3A_217, %swap3A_218] {strides = array<i32>} : memref<80x128xf32, #tpu.memory_space<vmem>>, vector<1x16xf32>,
          %swap3A_220 = vector.shape_cast %swap3A_219 : vector<1x16xf32> to vector<16xf32>
          %swap3A_221 = vector.shape_cast %mul3A_216 : vector<16xf32> to vector<1x16xf32>
          tpu.vector_store %arg12[%swap3A_217, %swap3A_218], %swap3A_221 {strides = array<i32>} : memref<80x128xf32, #tpu.memory_space<vmem>>, vector<1x16xf32>,
          %get3A_222 = arith.index_cast %add3A_191 : i32 to index
          %get3A_223 = arith.constant 48 : index
          %get3A_224 = tpu.vector_load %arg12[%get3A_222, %get3A_223] {strides = array<i32>} : memref<80x128xf32, #tpu.memory_space<vmem>>, vector<1x16xf32>,
          %get3A_225 = vector.shape_cast %get3A_224 : vector<1x16xf32> to vector<16xf32>
          %mul3A_226 = arith.mulf %get3A_225, %gather3A_187 : vector<16xf32>
          %swap3A_227 = arith.index_cast %add3A_191 : i32 to index
          %swap3A_228 = arith.constant 48 : index
          %swap3A_229 = tpu.vector_load %arg12[%swap3A_227, %swap3A_228] {strides = array<i32>} : memref<80x128xf32, #tpu.memory_space<vmem>>, vector<1x16xf32>,
          %swap3A_230 = vector.shape_cast %swap3A_229 : vector<1x16xf32> to vector<16xf32>
          %swap3A_231 = vector.shape_cast %mul3A_226 : vector<16xf32> to vector<1x16xf32>
          tpu.vector_store %arg12[%swap3A_227, %swap3A_228], %swap3A_231 {strides = array<i32>} : memref<80x128xf32, #tpu.memory_space<vmem>>, vector<1x16xf32>,
          %get3A_232 = arith.index_cast %add3A_191 : i32 to index
          %get3A_233 = arith.constant 64 : index
          %get3A_234 = tpu.vector_load %arg12[%get3A_232, %get3A_233] {strides = array<i32>} : memref<80x128xf32, #tpu.memory_space<vmem>>, vector<1x16xf32>,
          %get3A_235 = vector.shape_cast %get3A_234 : vector<1x16xf32> to vector<16xf32>
          %mul3A_236 = arith.mulf %get3A_235, %gather3A_187 : vector<16xf32>
          %swap3A_237 = arith.index_cast %add3A_191 : i32 to index
          %swap3A_238 = arith.constant 64 : index
          %swap3A_239 = tpu.vector_load %arg12[%swap3A_237, %swap3A_238] {strides = array<i32>} : memref<80x128xf32, #tpu.memory_space<vmem>>, vector<1x16xf32>,
          %swap3A_240 = vector.shape_cast %swap3A_239 : vector<1x16xf32> to vector<16xf32>
          %swap3A_241 = vector.shape_cast %mul3A_236 : vector<16xf32> to vector<1x16xf32>
          tpu.vector_store %arg12[%swap3A_237, %swap3A_238], %swap3A_241 {strides = array<i32>} : memref<80x128xf32, #tpu.memory_space<vmem>>, vector<1x16xf32>,
          %get3A_242 = arith.index_cast %add3A_191 : i32 to index
          %get3A_243 = arith.constant 80 : index
          %get3A_244 = tpu.vector_load %arg12[%get3A_242, %get3A_243] {strides = array<i32>} : memref<80x128xf32, #tpu.memory_space<vmem>>, vector<1x16xf32>,
          %get3A_245 = vector.shape_cast %get3A_244 : vector<1x16xf32> to vector<16xf32>
          %mul3A_246 = arith.mulf %get3A_245, %gather3A_187 : vector<16xf32>
          %swap3A_247 = arith.index_cast %add3A_191 : i32 to index
          %swap3A_248 = arith.constant 80 : index
          %swap3A_249 = tpu.vector_load %arg12[%swap3A_247, %swap3A_248] {strides = array<i32>} : memref<80x128xf32, #tpu.memory_space<vmem>>, vector<1x16xf32>,
          %swap3A_250 = vector.shape_cast %swap3A_249 : vector<1x16xf32> to vector<16xf32>
          %swap3A_251 = vector.shape_cast %mul3A_246 : vector<16xf32> to vector<1x16xf32>
          tpu.vector_store %arg12[%swap3A_247, %swap3A_248], %swap3A_251 {strides = array<i32>} : memref<80x128xf32, #tpu.memory_space<vmem>>, vector<1x16xf32>,
          %get3A_252 = arith.index_cast %add3A_191 : i32 to index
          %get3A_253 = arith.constant 96 : index
          %get3A_254 = tpu.vector_load %arg12[%get3A_252, %get3A_253] {strides = array<i32>} : memref<80x128xf32, #tpu.memory_space<vmem>>, vector<1x16xf32>,
          %get3A_255 = vector.shape_cast %get3A_254 : vector<1x16xf32> to vector<16xf32>
          %mul3A_256 = arith.mulf %get3A_255, %gather3A_187 : vector<16xf32>
          %swap3A_257 = arith.index_cast %add3A_191 : i32 to index
          %swap3A_258 = arith.constant 96 : index
          %swap3A_259 = tpu.vector_load %arg12[%swap3A_257, %swap3A_258] {strides = array<i32>} : memref<80x128xf32, #tpu.memory_space<vmem>>, vector<1x16xf32>,
          %swap3A_260 = vector.shape_cast %swap3A_259 : vector<1x16xf32> to vector<16xf32>
          %swap3A_261 = vector.shape_cast %mul3A_256 : vector<16xf32> to vector<1x16xf32>
          tpu.vector_store %arg12[%swap3A_257, %swap3A_258], %swap3A_261 {strides = array<i32>} : memref<80x128xf32, #tpu.memory_space<vmem>>, vector<1x16xf32>,
          %get3A_262 = arith.index_cast %add3A_191 : i32 to index
          %get3A_263 = arith.constant 112 : index
          %get3A_264 = tpu.vector_load %arg12[%get3A_262, %get3A_263] {strides = array<i32>} : memref<80x128xf32, #tpu.memory_space<vmem>>, vector<1x16xf32>,
          %get3A_265 = vector.shape_cast %get3A_264 : vector<1x16xf32> to vector<16xf32>
          %mul3A_266 = arith.mulf %get3A_265, %gather3A_187 : vector<16xf32>
          %swap3A_267 = arith.index_cast %add3A_191 : i32 to index
          %swap3A_268 = arith.constant 112 : index
          %swap3A_269 = tpu.vector_load %arg12[%swap3A_267, %swap3A_268] {strides = array<i32>} : memref<80x128xf32, #tpu.memory_space<vmem>>, vector<1x16xf32>,
          %swap3A_270 = vector.shape_cast %swap3A_269 : vector<1x16xf32> to vector<16xf32>
          %swap3A_271 = vector.shape_cast %mul3A_266 : vector<16xf32> to vector<1x16xf32>
          tpu.vector_store %arg12[%swap3A_267, %swap3A_268], %swap3A_271 {strides = array<i32>} : memref<80x128xf32, #tpu.memory_space<vmem>>, vector<1x16xf32>,
          %broadcast_in_dim3A_272 = arith.constant 2 : i32
          %broadcast_in_dim3A_273 = vector.broadcast %broadcast_in_dim3A_272 : i32 to vector<16x1xi32>
          %gather3A_274 = vector.shape_cast %broadcast_in_dim3A_273 : vector<16x1xi32> to vector<16xi32>
          %gather3A_275 = tpu.dynamic_gather %get3A_98[%gather3A_274] in [0] : vector<16xf32>, vector<16xi32> -> vector<16xf32>
          %mul3A_276 = arith.constant 16 : i32
          %mul3A_277 = arith.muli %scan3A_93, %mul3A_276 : i32
          %add3A_278 = arith.constant 2 : i32
          %add3A_279 = arith.addi %mul3A_277, %add3A_278 : i32
          %get3A_280 = arith.index_cast %add3A_279 : i32 to index
          %get3A_281 = arith.constant 0 : index
          %get3A_282 = tpu.vector_load %arg12[%get3A_280, %get3A_281] {strides = array<i32>} : memref<80x128xf32, #tpu.memory_space<vmem>>, vector<1x16xf32>,
          %get3A_283 = vector.shape_cast %get3A_282 : vector<1x16xf32> to vector<16xf32>
          %mul3A_284 = arith.mulf %get3A_283, %gather3A_275 : vector<16xf32>
          %swap3A_285 = arith.index_cast %add3A_279 : i32 to index
          %swap3A_286 = arith.constant 0 : index
          %swap3A_287 = tpu.vector_load %arg12[%swap3A_285, %swap3A_286] {strides = array<i32>} : memref<80x128xf32, #tpu.memory_space<vmem>>, vector<1x16xf32>,
          %swap3A_288 = vector.shape_cast %swap3A_287 : vector<1x16xf32> to vector<16xf32>
          %swap3A_289 = vector.shape_cast %mul3A_284 : vector<16xf32> to vector<1x16xf32>
          tpu.vector_store %arg12[%swap3A_285, %swap3A_286], %swap3A_289 {strides = array<i32>} : memref<80x128xf32, #tpu.memory_space<vmem>>, vector<1x16xf32>,
          %get3A_290 = arith.index_cast %add3A_279 : i32 to index
          %get3A_291 = arith.constant 16 : index
          %get3A_292 = tpu.vector_load %arg12[%get3A_290, %get3A_291] {strides = array<i32>} : memref<80x128xf32, #tpu.memory_space<vmem>>, vector<1x16xf32>,
          %get3A_293 = vector.shape_cast %get3A_292 : vector<1x16xf32> to vector<16xf32>
          %mul3A_294 = arith.mulf %get3A_293, %gather3A_275 : vector<16xf32>
          %swap3A_295 = arith.index_cast %add3A_279 : i32 to index
          %swap3A_296 = arith.constant 16 : index
          %swap3A_297 = tpu.vector_load %arg12[%swap3A_295, %swap3A_296] {strides = array<i32>} : memref<80x128xf32, #tpu.memory_space<vmem>>, vector<1x16xf32>,
          %swap3A_298 = vector.shape_cast %swap3A_297 : vector<1x16xf32> to vector<16xf32>
          %swap3A_299 = vector.shape_cast %mul3A_294 : vector<16xf32> to vector<1x16xf32>
          tpu.vector_store %arg12[%swap3A_295, %swap3A_296], %swap3A_299 {strides = array<i32>} : memref<80x128xf32, #tpu.memory_space<vmem>>, vector<1x16xf32>,
          %get3A_300 = arith.index_cast %add3A_279 : i32 to index
          %get3A_301 = arith.constant 32 : index
          %get3A_302 = tpu.vector_load %arg12[%get3A_300, %get3A_301] {strides = array<i32>} : memref<80x128xf32, #tpu.memory_space<vmem>>, vector<1x16xf32>,
          %get3A_303 = vector.shape_cast %get3A_302 : vector<1x16xf32> to vector<16xf32>
          %mul3A_304 = arith.mulf %get3A_303, %gather3A_275 : vector<16xf32>
          %swap3A_305 = arith.index_cast %add3A_279 : i32 to index
          %swap3A_306 = arith.constant 32 : index
          %swap3A_307 = tpu.vector_load %arg12[%swap3A_305, %swap3A_306] {strides = array<i32>} : memref<80x128xf32, #tpu.memory_space<vmem>>, vector<1x16xf32>,
          %swap3A_308 = vector.shape_cast %swap3A_307 : vector<1x16xf32> to vector<16xf32>
          %swap3A_309 = vector.shape_cast %mul3A_304 : vector<16xf32> to vector<1x16xf32>
          tpu.vector_store %arg12[%swap3A_305, %swap3A_306], %swap3A_309 {strides = array<i32>} : memref<80x128xf32, #tpu.memory_space<vmem>>, vector<1x16xf32>,
          %get3A_310 = arith.index_cast %add3A_279 : i32 to index
          %get3A_311 = arith.constant 48 : index
          %get3A_312 = tpu.vector_load %arg12[%get3A_310, %get3A_311] {strides = array<i32>} : memref<80x128xf32, #tpu.memory_space<vmem>>, vector<1x16xf32>,
          %get3A_313 = vector.shape_cast %get3A_312 : vector<1x16xf32> to vector<16xf32>
          %mul3A_314 = arith.mulf %get3A_313, %gather3A_275 : vector<16xf32>
          %swap3A_315 = arith.index_cast %add3A_279 : i32 to index
          %swap3A_316 = arith.constant 48 : index
          %swap3A_317 = tpu.vector_load %arg12[%swap3A_315, %swap3A_316] {strides = array<i32>} : memref<80x128xf32, #tpu.memory_space<vmem>>, vector<1x16xf32>,
          %swap3A_318 = vector.shape_cast %swap3A_317 : vector<1x16xf32> to vector<16xf32>
          %swap3A_319 = vector.shape_cast %mul3A_314 : vector<16xf32> to vector<1x16xf32>
          tpu.vector_store %arg12[%swap3A_315, %swap3A_316], %swap3A_319 {strides = array<i32>} : memref<80x128xf32, #tpu.memory_space<vmem>>, vector<1x16xf32>,
          %get3A_320 = arith.index_cast %add3A_279 : i32 to index
          %get3A_321 = arith.constant 64 : index
          %get3A_322 = tpu.vector_load %arg12[%get3A_320, %get3A_321] {strides = array<i32>} : memref<80x128xf32, #tpu.memory_space<vmem>>, vector<1x16xf32>,
          %get3A_323 = vector.shape_cast %get3A_322 : vector<1x16xf32> to vector<16xf32>
          %mul3A_324 = arith.mulf %get3A_323, %gather3A_275 : vector<16xf32>
          %swap3A_325 = arith.index_cast %add3A_279 : i32 to index
          %swap3A_326 = arith.constant 64 : index
          %swap3A_327 = tpu.vector_load %arg12[%swap3A_325, %swap3A_326] {strides = array<i32>} : memref<80x128xf32, #tpu.memory_space<vmem>>, vector<1x16xf32>,
          %swap3A_328 = vector.shape_cast %swap3A_327 : vector<1x16xf32> to vector<16xf32>
          %swap3A_329 = vector.shape_cast %mul3A_324 : vector<16xf32> to vector<1x16xf32>
          tpu.vector_store %arg12[%swap3A_325, %swap3A_326], %swap3A_329 {strides = array<i32>} : memref<80x128xf32, #tpu.memory_space<vmem>>, vector<1x16xf32>,
          %get3A_330 = arith.index_cast %add3A_279 : i32 to index
          %get3A_331 = arith.constant 80 : index
          %get3A_332 = tpu.vector_load %arg12[%get3A_330, %get3A_331] {strides = array<i32>} : memref<80x128xf32, #tpu.memory_space<vmem>>, vector<1x16xf32>,
          %get3A_333 = vector.shape_cast %get3A_332 : vector<1x16xf32> to vector<16xf32>
          %mul3A_334 = arith.mulf %get3A_333, %gather3A_275 : vector<16xf32>
          %swap3A_335 = arith.index_cast %add3A_279 : i32 to index
          %swap3A_336 = arith.constant 80 : index
          %swap3A_337 = tpu.vector_load %arg12[%swap3A_335, %swap3A_336] {strides = array<i32>} : memref<80x128xf32, #tpu.memory_space<vmem>>, vector<1x16xf32>,
          %swap3A_338 = vector.shape_cast %swap3A_337 : vector<1x16xf32> to vector<16xf32>
          %swap3A_339 = vector.shape_cast %mul3A_334 : vector<16xf32> to vector<1x16xf32>
          tpu.vector_store %arg12[%swap3A_335, %swap3A_336], %swap3A_339 {strides = array<i32>} : memref<80x128xf32, #tpu.memory_space<vmem>>, vector<1x16xf32>,
          %get3A_340 = arith.index_cast %add3A_279 : i32 to index
          %get3A_341 = arith.constant 96 : index
          %get3A_342 = tpu.vector_load %arg12[%get3A_340, %get3A_341] {strides = array<i32>} : memref<80x128xf32, #tpu.memory_space<vmem>>, vector<1x16xf32>,
          %get3A_343 = vector.shape_cast %get3A_342 : vector<1x16xf32> to vector<16xf32>
          %mul3A_344 = arith.mulf %get3A_343, %gather3A_275 : vector<16xf32>
          %swap3A_345 = arith.index_cast %add3A_279 : i32 to index
          %swap3A_346 = arith.constant 96 : index
          %swap3A_347 = tpu.vector_load %arg12[%swap3A_345, %swap3A_346] {strides = array<i32>} : memref<80x128xf32, #tpu.memory_space<vmem>>, vector<1x16xf32>,
          %swap3A_348 = vector.shape_cast %swap3A_347 : vector<1x16xf32> to vector<16xf32>
          %swap3A_349 = vector.shape_cast %mul3A_344 : vector<16xf32> to vector<1x16xf32>
          tpu.vector_store %arg12[%swap3A_345, %swap3A_346], %swap3A_349 {strides = array<i32>} : memref<80x128xf32, #tpu.memory_space<vmem>>, vector<1x16xf32>,
          %get3A_350 = arith.index_cast %add3A_279 : i32 to index
          %get3A_351 = arith.constant 112 : index
          %get3A_352 = tpu.vector_load %arg12[%get3A_350, %get3A_351] {strides = array<i32>} : memref<80x128xf32, #tpu.memory_space<vmem>>, vector<1x16xf32>,
          %get3A_353 = vector.shape_cast %get3A_352 : vector<1x16xf32> to vector<16xf32>
          %mul3A_354 = arith.mulf %get3A_353, %gather3A_275 : vector<16xf32>
          %swap3A_355 = arith.index_cast %add3A_279 : i32 to index
          %swap3A_356 = arith.constant 112 : index
          %swap3A_357 = tpu.vector_load %arg12[%swap3A_355, %swap3A_356] {strides = array<i32>} : memref<80x128xf32, #tpu.memory_space<vmem>>, vector<1x16xf32>,
          %swap3A_358 = vector.shape_cast %swap3A_357 : vector<1x16xf32> to vector<16xf32>
          %swap3A_359 = vector.shape_cast %mul3A_354 : vector<16xf32> to vector<1x16xf32>
          tpu.vector_store %arg12[%swap3A_355, %swap3A_356], %swap3A_359 {strides = array<i32>} : memref<80x128xf32, #tpu.memory_space<vmem>>, vector<1x16xf32>,
          %broadcast_in_dim3A_360 = arith.constant 3 : i32
          %broadcast_in_dim3A_361 = vector.broadcast %broadcast_in_dim3A_360 : i32 to vector<16x1xi32>
          %gather3A_362 = vector.shape_cast %broadcast_in_dim3A_361 : vector<16x1xi32> to vector<16xi32>
          %gather3A_363 = tpu.dynamic_gather %get3A_98[%gather3A_362] in [0] : vector<16xf32>, vector<16xi32> -> vector<16xf32>
          %mul3A_364 = arith.constant 16 : i32
          %mul3A_365 = arith.muli %scan3A_93, %mul3A_364 : i32
          %add3A_366 = arith.constant 3 : i32
          %add3A_367 = arith.addi %mul3A_365, %add3A_366 : i32
          %get3A_368 = arith.index_cast %add3A_367 : i32 to index
          %get3A_369 = arith.constant 0 : index
          %get3A_370 = tpu.vector_load %arg12[%get3A_368, %get3A_369] {strides = array<i32>} : memref<80x128xf32, #tpu.memory_space<vmem>>, vector<1x16xf32>,
          %get3A_371 = vector.shape_cast %get3A_370 : vector<1x16xf32> to vector<16xf32>
          %mul3A_372 = arith.mulf %get3A_371, %gather3A_363 : vector<16xf32>
          %swap3A_373 = arith.index_cast %add3A_367 : i32 to index
          %swap3A_374 = arith.constant 0 : index
          %swap3A_375 = tpu.vector_load %arg12[%swap3A_373, %swap3A_374] {strides = array<i32>} : memref<80x128xf32, #tpu.memory_space<vmem>>, vector<1x16xf32>,
          %swap3A_376 = vector.shape_cast %swap3A_375 : vector<1x16xf32> to vector<16xf32>
          %swap3A_377 = vector.shape_cast %mul3A_372 : vector<16xf32> to vector<1x16xf32>
          tpu.vector_store %arg12[%swap3A_373, %swap3A_374], %swap3A_377 {strides = array<i32>} : memref<80x128xf32, #tpu.memory_space<vmem>>, vector<1x16xf32>,
          %get3A_378 = arith.index_cast %add3A_367 : i32 to index
          %get3A_379 = arith.constant 16 : index
          %get3A_380 = tpu.vector_load %arg12[%get3A_378, %get3A_379] {strides = array<i32>} : memref<80x128xf32, #tpu.memory_space<vmem>>, vector<1x16xf32>,
          %get3A_381 = vector.shape_cast %get3A_380 : vector<1x16xf32> to vector<16xf32>
          %mul3A_382 = arith.mulf %get3A_381, %gather3A_363 : vector<16xf32>
          %swap3A_383 = arith.index_cast %add3A_367 : i32 to index
          %swap3A_384 = arith.constant 16 : index
          %swap3A_385 = tpu.vector_load %arg12[%swap3A_383, %swap3A_384] {strides = array<i32>} : memref<80x128xf32, #tpu.memory_space<vmem>>, vector<1x16xf32>,
          %swap3A_386 = vector.shape_cast %swap3A_385 : vector<1x16xf32> to vector<16xf32>
          %swap3A_387 = vector.shape_cast %mul3A_382 : vector<16xf32> to vector<1x16xf32>
          tpu.vector_store %arg12[%swap3A_383, %swap3A_384], %swap3A_387 {strides = array<i32>} : memref<80x128xf32, #tpu.memory_space<vmem>>, vector<1x16xf32>,
          %get3A_388 = arith.index_cast %add3A_367 : i32 to index
          %get3A_389 = arith.constant 32 : index
          %get3A_390 = tpu.vector_load %arg12[%get3A_388, %get3A_389] {strides = array<i32>} : memref<80x128xf32, #tpu.memory_space<vmem>>, vector<1x16xf32>,
          %get3A_391 = vector.shape_cast %get3A_390 : vector<1x16xf32> to vector<16xf32>
          %mul3A_392 = arith.mulf %get3A_391, %gather3A_363 : vector<16xf32>
          %swap3A_393 = arith.index_cast %add3A_367 : i32 to index
          %swap3A_394 = arith.constant 32 : index
          %swap3A_395 = tpu.vector_load %arg12[%swap3A_393, %swap3A_394] {strides = array<i32>} : memref<80x128xf32, #tpu.memory_space<vmem>>, vector<1x16xf32>,
          %swap3A_396 = vector.shape_cast %swap3A_395 : vector<1x16xf32> to vector<16xf32>
          %swap3A_397 = vector.shape_cast %mul3A_392 : vector<16xf32> to vector<1x16xf32>
          tpu.vector_store %arg12[%swap3A_393, %swap3A_394], %swap3A_397 {strides = array<i32>} : memref<80x128xf32, #tpu.memory_space<vmem>>, vector<1x16xf32>,
          %get3A_398 = arith.index_cast %add3A_367 : i32 to index
          %get3A_399 = arith.constant 48 : index
          %get3A_400 = tpu.vector_load %arg12[%get3A_398, %get3A_399] {strides = array<i32>} : memref<80x128xf32, #tpu.memory_space<vmem>>, vector<1x16xf32>,
          %get3A_401 = vector.shape_cast %get3A_400 : vector<1x16xf32> to vector<16xf32>
          %mul3A_402 = arith.mulf %get3A_401, %gather3A_363 : vector<16xf32>
          %swap3A_403 = arith.index_cast %add3A_367 : i32 to index
          %swap3A_404 = arith.constant 48 : index
          %swap3A_405 = tpu.vector_load %arg12[%swap3A_403, %swap3A_404] {strides = array<i32>} : memref<80x128xf32, #tpu.memory_space<vmem>>, vector<1x16xf32>,
          %swap3A_406 = vector.shape_cast %swap3A_405 : vector<1x16xf32> to vector<16xf32>
          %swap3A_407 = vector.shape_cast %mul3A_402 : vector<16xf32> to vector<1x16xf32>
          tpu.vector_store %arg12[%swap3A_403, %swap3A_404], %swap3A_407 {strides = array<i32>} : memref<80x128xf32, #tpu.memory_space<vmem>>, vector<1x16xf32>,
          %get3A_408 = arith.index_cast %add3A_367 : i32 to index
          %get3A_409 = arith.constant 64 : index
          %get3A_410 = tpu.vector_load %arg12[%get3A_408, %get3A_409] {strides = array<i32>} : memref<80x128xf32, #tpu.memory_space<vmem>>, vector<1x16xf32>,
          %get3A_411 = vector.shape_cast %get3A_410 : vector<1x16xf32> to vector<16xf32>
          %mul3A_412 = arith.mulf %get3A_411, %gather3A_363 : vector<16xf32>
          %swap3A_413 = arith.index_cast %add3A_367 : i32 to index
          %swap3A_414 = arith.constant 64 : index
          %swap3A_415 = tpu.vector_load %arg12[%swap3A_413, %swap3A_414] {strides = array<i32>} : memref<80x128xf32, #tpu.memory_space<vmem>>, vector<1x16xf32>,
          %swap3A_416 = vector.shape_cast %swap3A_415 : vector<1x16xf32> to vector<16xf32>
          %swap3A_417 = vector.shape_cast %mul3A_412 : vector<16xf32> to vector<1x16xf32>
          tpu.vector_store %arg12[%swap3A_413, %swap3A_414], %swap3A_417 {strides = array<i32>} : memref<80x128xf32, #tpu.memory_space<vmem>>, vector<1x16xf32>,
          %get3A_418 = arith.index_cast %add3A_367 : i32 to index
          %get3A_419 = arith.constant 80 : index
          %get3A_420 = tpu.vector_load %arg12[%get3A_418, %get3A_419] {strides = array<i32>} : memref<80x128xf32, #tpu.memory_space<vmem>>, vector<1x16xf32>,
          %get3A_421 = vector.shape_cast %get3A_420 : vector<1x16xf32> to vector<16xf32>
          %mul3A_422 = arith.mulf %get3A_421, %gather3A_363 : vector<16xf32>
          %swap3A_423 = arith.index_cast %add3A_367 : i32 to index
          %swap3A_424 = arith.constant 80 : index
          %swap3A_425 = tpu.vector_load %arg12[%swap3A_423, %swap3A_424] {strides = array<i32>} : memref<80x128xf32, #tpu.memory_space<vmem>>, vector<1x16xf32>,
          %swap3A_426 = vector.shape_cast %swap3A_425 : vector<1x16xf32> to vector<16xf32>
          %swap3A_427 = vector.shape_cast %mul3A_422 : vector<16xf32> to vector<1x16xf32>
          tpu.vector_store %arg12[%swap3A_423, %swap3A_424], %swap3A_427 {strides = array<i32>} : memref<80x128xf32, #tpu.memory_space<vmem>>, vector<1x16xf32>,
          %get3A_428 = arith.index_cast %add3A_367 : i32 to index
          %get3A_429 = arith.constant 96 : index
          %get3A_430 = tpu.vector_load %arg12[%get3A_428, %get3A_429] {strides = array<i32>} : memref<80x128xf32, #tpu.memory_space<vmem>>, vector<1x16xf32>,
          %get3A_431 = vector.shape_cast %get3A_430 : vector<1x16xf32> to vector<16xf32>
          %mul3A_432 = arith.mulf %get3A_431, %gather3A_363 : vector<16xf32>
          %swap3A_433 = arith.index_cast %add3A_367 : i32 to index
          %swap3A_434 = arith.constant 96 : index
          %swap3A_435 = tpu.vector_load %arg12[%swap3A_433, %swap3A_434] {strides = array<i32>} : memref<80x128xf32, #tpu.memory_space<vmem>>, vector<1x16xf32>,
          %swap3A_436 = vector.shape_cast %swap3A_435 : vector<1x16xf32> to vector<16xf32>
          %swap3A_437 = vector.shape_cast %mul3A_432 : vector<16xf32> to vector<1x16xf32>
          tpu.vector_store %arg12[%swap3A_433, %swap3A_434], %swap3A_437 {strides = array<i32>} : memref<80x128xf32, #tpu.memory_space<vmem>>, vector<1x16xf32>,
          %get3A_438 = arith.index_cast %add3A_367 : i32 to index
          %get3A_439 = arith.constant 112 : index
          %get3A_440 = tpu.vector_load %arg12[%get3A_438, %get3A_439] {strides = array<i32>} : memref<80x128xf32, #tpu.memory_space<vmem>>, vector<1x16xf32>,
          %get3A_441 = vector.shape_cast %get3A_440 : vector<1x16xf32> to vector<16xf32>
          %mul3A_442 = arith.mulf %get3A_441, %gather3A_363 : vector<16xf32>
          %swap3A_443 = arith.index_cast %add3A_367 : i32 to index
          %swap3A_444 = arith.constant 112 : index
          %swap3A_445 = tpu.vector_load %arg12[%swap3A_443, %swap3A_444] {strides = array<i32>} : memref<80x128xf32, #tpu.memory_space<vmem>>, vector<1x16xf32>,
          %swap3A_446 = vector.shape_cast %swap3A_445 : vector<1x16xf32> to vector<16xf32>
          %swap3A_447 = vector.shape_cast %mul3A_442 : vector<16xf32> to vector<1x16xf32>
          tpu.vector_store %arg12[%swap3A_443, %swap3A_444], %swap3A_447 {strides = array<i32>} : memref<80x128xf32, #tpu.memory_space<vmem>>, vector<1x16xf32>,
          %broadcast_in_dim3A_448 = arith.constant 4 : i32
          %broadcast_in_dim3A_449 = vector.broadcast %broadcast_in_dim3A_448 : i32 to vector<16x1xi32>
          %gather3A_450 = vector.shape_cast %broadcast_in_dim3A_449 : vector<16x1xi32> to vector<16xi32>
          %gather3A_451 = tpu.dynamic_gather %get3A_98[%gather3A_450] in [0] : vector<16xf32>, vector<16xi32> -> vector<16xf32>
          %mul3A_452 = arith.constant 16 : i32
          %mul3A_453 = arith.muli %scan3A_93, %mul3A_452 : i32
          %add3A_454 = arith.constant 4 : i32
          %add3A_455 = arith.addi %mul3A_453, %add3A_454 : i32
          %get3A_456 = arith.index_cast %add3A_455 : i32 to index
          %get3A_457 = arith.constant 0 : index
          %get3A_458 = tpu.vector_load %arg12[%get3A_456, %get3A_457] {strides = array<i32>} : memref<80x128xf32, #tpu.memory_space<vmem>>, vector<1x16xf32>,
          %get3A_459 = vector.shape_cast %get3A_458 : vector<1x16xf32> to vector<16xf32>
          %mul3A_460 = arith.mulf %get3A_459, %gather3A_451 : vector<16xf32>
          %swap3A_461 = arith.index_cast %add3A_455 : i32 to index
          %swap3A_462 = arith.constant 0 : index
          %swap3A_463 = tpu.vector_load %arg12[%swap3A_461, %swap3A_462] {strides = array<i32>} : memref<80x128xf32, #tpu.memory_space<vmem>>, vector<1x16xf32>,
          %swap3A_464 = vector.shape_cast %swap3A_463 : vector<1x16xf32> to vector<16xf32>
          %swap3A_465 = vector.shape_cast %mul3A_460 : vector<16xf32> to vector<1x16xf32>
          tpu.vector_store %arg12[%swap3A_461, %swap3A_462], %swap3A_465 {strides = array<i32>} : memref<80x128xf32, #tpu.memory_space<vmem>>, vector<1x16xf32>,
          %get3A_466 = arith.index_cast %add3A_455 : i32 to index
          %get3A_467 = arith.constant 16 : index
          %get3A_468 = tpu.vector_load %arg12[%get3A_466, %get3A_467] {strides = array<i32>} : memref<80x128xf32, #tpu.memory_space<vmem>>, vector<1x16xf32>,
          %get3A_469 = vector.shape_cast %get3A_468 : vector<1x16xf32> to vector<16xf32>
          %mul3A_470 = arith.mulf %get3A_469, %gather3A_451 : vector<16xf32>
          %swap3A_471 = arith.index_cast %add3A_455 : i32 to index
          %swap3A_472 = arith.constant 16 : index
          %swap3A_473 = tpu.vector_load %arg12[%swap3A_471, %swap3A_472] {strides = array<i32>} : memref<80x128xf32, #tpu.memory_space<vmem>>, vector<1x16xf32>,
          %swap3A_474 = vector.shape_cast %swap3A_473 : vector<1x16xf32> to vector<16xf32>
          %swap3A_475 = vector.shape_cast %mul3A_470 : vector<16xf32> to vector<1x16xf32>
          tpu.vector_store %arg12[%swap3A_471, %swap3A_472], %swap3A_475 {strides = array<i32>} : memref<80x128xf32, #tpu.memory_space<vmem>>, vector<1x16xf32>,
          %get3A_476 = arith.index_cast %add3A_455 : i32 to index
          %get3A_477 = arith.constant 32 : index
          %get3A_478 = tpu.vector_load %arg12[%get3A_476, %get3A_477] {strides = array<i32>} : memref<80x128xf32, #tpu.memory_space<vmem>>, vector<1x16xf32>,
          %get3A_479 = vector.shape_cast %get3A_478 : vector<1x16xf32> to vector<16xf32>
          %mul3A_480 = arith.mulf %get3A_479, %gather3A_451 : vector<16xf32>
          %swap3A_481 = arith.index_cast %add3A_455 : i32 to index
          %swap3A_482 = arith.constant 32 : index
          %swap3A_483 = tpu.vector_load %arg12[%swap3A_481, %swap3A_482] {strides = array<i32>} : memref<80x128xf32, #tpu.memory_space<vmem>>, vector<1x16xf32>,
          %swap3A_484 = vector.shape_cast %swap3A_483 : vector<1x16xf32> to vector<16xf32>
          %swap3A_485 = vector.shape_cast %mul3A_480 : vector<16xf32> to vector<1x16xf32>
          tpu.vector_store %arg12[%swap3A_481, %swap3A_482], %swap3A_485 {strides = array<i32>} : memref<80x128xf32, #tpu.memory_space<vmem>>, vector<1x16xf32>,
          %get3A_486 = arith.index_cast %add3A_455 : i32 to index
          %get3A_487 = arith.constant 48 : index
          %get3A_488 = tpu.vector_load %arg12[%get3A_486, %get3A_487] {strides = array<i32>} : memref<80x128xf32, #tpu.memory_space<vmem>>, vector<1x16xf32>,
          %get3A_489 = vector.shape_cast %get3A_488 : vector<1x16xf32> to vector<16xf32>
          %mul3A_490 = arith.mulf %get3A_489, %gather3A_451 : vector<16xf32>
          %swap3A_491 = arith.index_cast %add3A_455 : i32 to index
          %swap3A_492 = arith.constant 48 : index
          %swap3A_493 = tpu.vector_load %arg12[%swap3A_491, %swap3A_492] {strides = array<i32>} : memref<80x128xf32, #tpu.memory_space<vmem>>, vector<1x16xf32>,
          %swap3A_494 = vector.shape_cast %swap3A_493 : vector<1x16xf32> to vector<16xf32>
          %swap3A_495 = vector.shape_cast %mul3A_490 : vector<16xf32> to vector<1x16xf32>
          tpu.vector_store %arg12[%swap3A_491, %swap3A_492], %swap3A_495 {strides = array<i32>} : memref<80x128xf32, #tpu.memory_space<vmem>>, vector<1x16xf32>,
          %get3A_496 = arith.index_cast %add3A_455 : i32 to index
          %get3A_497 = arith.constant 64 : index
          %get3A_498 = tpu.vector_load %arg12[%get3A_496, %get3A_497] {strides = array<i32>} : memref<80x128xf32, #tpu.memory_space<vmem>>, vector<1x16xf32>,
          %get3A_499 = vector.shape_cast %get3A_498 : vector<1x16xf32> to vector<16xf32>
          %mul3A_500 = arith.mulf %get3A_499, %gather3A_451 : vector<16xf32>
          %swap3A_501 = arith.index_cast %add3A_455 : i32 to index
          %swap3A_502 = arith.constant 64 : index
          %swap3A_503 = tpu.vector_load %arg12[%swap3A_501, %swap3A_502] {strides = array<i32>} : memref<80x128xf32, #tpu.memory_space<vmem>>, vector<1x16xf32>,
          %swap3A_504 = vector.shape_cast %swap3A_503 : vector<1x16xf32> to vector<16xf32>
          %swap3A_505 = vector.shape_cast %mul3A_500 : vector<16xf32> to vector<1x16xf32>
          tpu.vector_store %arg12[%swap3A_501, %swap3A_502], %swap3A_505 {strides = array<i32>} : memref<80x128xf32, #tpu.memory_space<vmem>>, vector<1x16xf32>,
          %get3A_506 = arith.index_cast %add3A_455 : i32 to index
          %get3A_507 = arith.constant 80 : index
          %get3A_508 = tpu.vector_load %arg12[%get3A_506, %get3A_507] {strides = array<i32>} : memref<80x128xf32, #tpu.memory_space<vmem>>, vector<1x16xf32>,
          %get3A_509 = vector.shape_cast %get3A_508 : vector<1x16xf32> to vector<16xf32>
          %mul3A_510 = arith.mulf %get3A_509, %gather3A_451 : vector<16xf32>
          %swap3A_511 = arith.index_cast %add3A_455 : i32 to index
          %swap3A_512 = arith.constant 80 : index
          %swap3A_513 = tpu.vector_load %arg12[%swap3A_511, %swap3A_512] {strides = array<i32>} : memref<80x128xf32, #tpu.memory_space<vmem>>, vector<1x16xf32>,
          %swap3A_514 = vector.shape_cast %swap3A_513 : vector<1x16xf32> to vector<16xf32>
          %swap3A_515 = vector.shape_cast %mul3A_510 : vector<16xf32> to vector<1x16xf32>
          tpu.vector_store %arg12[%swap3A_511, %swap3A_512], %swap3A_515 {strides = array<i32>} : memref<80x128xf32, #tpu.memory_space<vmem>>, vector<1x16xf32>,
          %get3A_516 = arith.index_cast %add3A_455 : i32 to index
          %get3A_517 = arith.constant 96 : index
          %get3A_518 = tpu.vector_load %arg12[%get3A_516, %get3A_517] {strides = array<i32>} : memref<80x128xf32, #tpu.memory_space<vmem>>, vector<1x16xf32>,
          %get3A_519 = vector.shape_cast %get3A_518 : vector<1x16xf32> to vector<16xf32>
          %mul3A_520 = arith.mulf %get3A_519, %gather3A_451 : vector<16xf32>
          %swap3A_521 = arith.index_cast %add3A_455 : i32 to index
          %swap3A_522 = arith.constant 96 : index
          %swap3A_523 = tpu.vector_load %arg12[%swap3A_521, %swap3A_522] {strides = array<i32>} : memref<80x128xf32, #tpu.memory_space<vmem>>, vector<1x16xf32>,
          %swap3A_524 = vector.shape_cast %swap3A_523 : vector<1x16xf32> to vector<16xf32>
          %swap3A_525 = vector.shape_cast %mul3A_520 : vector<16xf32> to vector<1x16xf32>
          tpu.vector_store %arg12[%swap3A_521, %swap3A_522], %swap3A_525 {strides = array<i32>} : memref<80x128xf32, #tpu.memory_space<vmem>>, vector<1x16xf32>,
          %get3A_526 = arith.index_cast %add3A_455 : i32 to index
          %get3A_527 = arith.constant 112 : index
          %get3A_528 = tpu.vector_load %arg12[%get3A_526, %get3A_527] {strides = array<i32>} : memref<80x128xf32, #tpu.memory_space<vmem>>, vector<1x16xf32>,
          %get3A_529 = vector.shape_cast %get3A_528 : vector<1x16xf32> to vector<16xf32>
          %mul3A_530 = arith.mulf %get3A_529, %gather3A_451 : vector<16xf32>
          %swap3A_531 = arith.index_cast %add3A_455 : i32 to index
          %swap3A_532 = arith.constant 112 : index
          %swap3A_533 = tpu.vector_load %arg12[%swap3A_531, %swap3A_532] {strides = array<i32>} : memref<80x128xf32, #tpu.memory_space<vmem>>, vector<1x16xf32>,
          %swap3A_534 = vector.shape_cast %swap3A_533 : vector<1x16xf32> to vector<16xf32>
          %swap3A_535 = vector.shape_cast %mul3A_530 : vector<16xf32> to vector<1x16xf32>
          tpu.vector_store %arg12[%swap3A_531, %swap3A_532], %swap3A_535 {strides = array<i32>} : memref<80x128xf32, #tpu.memory_space<vmem>>, vector<1x16xf32>,
          %broadcast_in_dim3A_536 = arith.constant 5 : i32
          %broadcast_in_dim3A_537 = vector.broadcast %broadcast_in_dim3A_536 : i32 to vector<16x1xi32>
          %gather3A_538 = vector.shape_cast %broadcast_in_dim3A_537 : vector<16x1xi32> to vector<16xi32>
          %gather3A_539 = tpu.dynamic_gather %get3A_98[%gather3A_538] in [0] : vector<16xf32>, vector<16xi32> -> vector<16xf32>
          %mul3A_540 = arith.constant 16 : i32
          %mul3A_541 = arith.muli %scan3A_93, %mul3A_540 : i32
          %add3A_542 = arith.constant 5 : i32
          %add3A_543 = arith.addi %mul3A_541, %add3A_542 : i32
          %get3A_544 = arith.index_cast %add3A_543 : i32 to index
          %get3A_545 = arith.constant 0 : index
          %get3A_546 = tpu.vector_load %arg12[%get3A_544, %get3A_545] {strides = array<i32>} : memref<80x128xf32, #tpu.memory_space<vmem>>, vector<1x16xf32>,
          %get3A_547 = vector.shape_cast %get3A_546 : vector<1x16xf32> to vector<16xf32>
          %mul3A_548 = arith.mulf %get3A_547, %gather3A_539 : vector<16xf32>
          %swap3A_549 = arith.index_cast %add3A_543 : i32 to index
          %swap3A_550 = arith.constant 0 : index
          %swap3A_551 = tpu.vector_load %arg12[%swap3A_549, %swap3A_550] {strides = array<i32>} : memref<80x128xf32, #tpu.memory_space<vmem>>, vector<1x16xf32>,
          %swap3A_552 = vector.shape_cast %swap3A_551 : vector<1x16xf32> to vector<16xf32>
          %swap3A_553 = vector.shape_cast %mul3A_548 : vector<16xf32> to vector<1x16xf32>
          tpu.vector_store %arg12[%swap3A_549, %swap3A_550], %swap3A_553 {strides = array<i32>} : memref<80x128xf32, #tpu.memory_space<vmem>>, vector<1x16xf32>,
          %get3A_554 = arith.index_cast %add3A_543 : i32 to index
          %get3A_555 = arith.constant 16 : index
          %get3A_556 = tpu.vector_load %arg12[%get3A_554, %get3A_555] {strides = array<i32>} : memref<80x128xf32, #tpu.memory_space<vmem>>, vector<1x16xf32>,
          %get3A_557 = vector.shape_cast %get3A_556 : vector<1x16xf32> to vector<16xf32>
          %mul3A_558 = arith.mulf %get3A_557, %gather3A_539 : vector<16xf32>
          %swap3A_559 = arith.index_cast %add3A_543 : i32 to index
          %swap3A_560 = arith.constant 16 : index
          %swap3A_561 = tpu.vector_load %arg12[%swap3A_559, %swap3A_560] {strides = array<i32>} : memref<80x128xf32, #tpu.memory_space<vmem>>, vector<1x16xf32>,
          %swap3A_562 = vector.shape_cast %swap3A_561 : vector<1x16xf32> to vector<16xf32>
          %swap3A_563 = vector.shape_cast %mul3A_558 : vector<16xf32> to vector<1x16xf32>
          tpu.vector_store %arg12[%swap3A_559, %swap3A_560], %swap3A_563 {strides = array<i32>} : memref<80x128xf32, #tpu.memory_space<vmem>>, vector<1x16xf32>,
          %get3A_564 = arith.index_cast %add3A_543 : i32 to index
          %get3A_565 = arith.constant 32 : index
          %get3A_566 = tpu.vector_load %arg12[%get3A_564, %get3A_565] {strides = array<i32>} : memref<80x128xf32, #tpu.memory_space<vmem>>, vector<1x16xf32>,
          %get3A_567 = vector.shape_cast %get3A_566 : vector<1x16xf32> to vector<16xf32>
          %mul3A_568 = arith.mulf %get3A_567, %gather3A_539 : vector<16xf32>
          %swap3A_569 = arith.index_cast %add3A_543 : i32 to index
          %swap3A_570 = arith.constant 32 : index
          %swap3A_571 = tpu.vector_load %arg12[%swap3A_569, %swap3A_570] {strides = array<i32>} : memref<80x128xf32, #tpu.memory_space<vmem>>, vector<1x16xf32>,
          %swap3A_572 = vector.shape_cast %swap3A_571 : vector<1x16xf32> to vector<16xf32>
          %swap3A_573 = vector.shape_cast %mul3A_568 : vector<16xf32> to vector<1x16xf32>
          tpu.vector_store %arg12[%swap3A_569, %swap3A_570], %swap3A_573 {strides = array<i32>} : memref<80x128xf32, #tpu.memory_space<vmem>>, vector<1x16xf32>,
          %get3A_574 = arith.index_cast %add3A_543 : i32 to index
          %get3A_575 = arith.constant 48 : index
          %get3A_576 = tpu.vector_load %arg12[%get3A_574, %get3A_575] {strides = array<i32>} : memref<80x128xf32, #tpu.memory_space<vmem>>, vector<1x16xf32>,
          %get3A_577 = vector.shape_cast %get3A_576 : vector<1x16xf32> to vector<16xf32>
          %mul3A_578 = arith.mulf %get3A_577, %gather3A_539 : vector<16xf32>
          %swap3A_579 = arith.index_cast %add3A_543 : i32 to index
          %swap3A_580 = arith.constant 48 : index
          %swap3A_581 = tpu.vector_load %arg12[%swap3A_579, %swap3A_580] {strides = array<i32>} : memref<80x128xf32, #tpu.memory_space<vmem>>, vector<1x16xf32>,
          %swap3A_582 = vector.shape_cast %swap3A_581 : vector<1x16xf32> to vector<16xf32>
          %swap3A_583 = vector.shape_cast %mul3A_578 : vector<16xf32> to vector<1x16xf32>
          tpu.vector_store %arg12[%swap3A_579, %swap3A_580], %swap3A_583 {strides = array<i32>} : memref<80x128xf32, #tpu.memory_space<vmem>>, vector<1x16xf32>,
          %get3A_584 = arith.index_cast %add3A_543 : i32 to index
          %get3A_585 = arith.constant 64 : index
          %get3A_586 = tpu.vector_load %arg12[%get3A_584, %get3A_585] {strides = array<i32>} : memref<80x128xf32, #tpu.memory_space<vmem>>, vector<1x16xf32>,
          %get3A_587 = vector.shape_cast %get3A_586 : vector<1x16xf32> to vector<16xf32>
          %mul3A_588 = arith.mulf %get3A_587, %gather3A_539 : vector<16xf32>
          %swap3A_589 = arith.index_cast %add3A_543 : i32 to index
          %swap3A_590 = arith.constant 64 : index
          %swap3A_591 = tpu.vector_load %arg12[%swap3A_589, %swap3A_590] {strides = array<i32>} : memref<80x128xf32, #tpu.memory_space<vmem>>, vector<1x16xf32>,
          %swap3A_592 = vector.shape_cast %swap3A_591 : vector<1x16xf32> to vector<16xf32>
          %swap3A_593 = vector.shape_cast %mul3A_588 : vector<16xf32> to vector<1x16xf32>
          tpu.vector_store %arg12[%swap3A_589, %swap3A_590], %swap3A_593 {strides = array<i32>} : memref<80x128xf32, #tpu.memory_space<vmem>>, vector<1x16xf32>,
          %get3A_594 = arith.index_cast %add3A_543 : i32 to index
          %get3A_595 = arith.constant 80 : index
          %get3A_596 = tpu.vector_load %arg12[%get3A_594, %get3A_595] {strides = array<i32>} : memref<80x128xf32, #tpu.memory_space<vmem>>, vector<1x16xf32>,
          %get3A_597 = vector.shape_cast %get3A_596 : vector<1x16xf32> to vector<16xf32>
          %mul3A_598 = arith.mulf %get3A_597, %gather3A_539 : vector<16xf32>
          %swap3A_599 = arith.index_cast %add3A_543 : i32 to index
          %swap3A_600 = arith.constant 80 : index
          %swap3A_601 = tpu.vector_load %arg12[%swap3A_599, %swap3A_600] {strides = array<i32>} : memref<80x128xf32, #tpu.memory_space<vmem>>, vector<1x16xf32>,
          %swap3A_602 = vector.shape_cast %swap3A_601 : vector<1x16xf32> to vector<16xf32>
          %swap3A_603 = vector.shape_cast %mul3A_598 : vector<16xf32> to vector<1x16xf32>
          tpu.vector_store %arg12[%swap3A_599, %swap3A_600], %swap3A_603 {strides = array<i32>} : memref<80x128xf32, #tpu.memory_space<vmem>>, vector<1x16xf32>,
          %get3A_604 = arith.index_cast %add3A_543 : i32 to index
          %get3A_605 = arith.constant 96 : index
          %get3A_606 = tpu.vector_load %arg12[%get3A_604, %get3A_605] {strides = array<i32>} : memref<80x128xf32, #tpu.memory_space<vmem>>, vector<1x16xf32>,
          %get3A_607 = vector.shape_cast %get3A_606 : vector<1x16xf32> to vector<16xf32>
          %mul3A_608 = arith.mulf %get3A_607, %gather3A_539 : vector<16xf32>
          %swap3A_609 = arith.index_cast %add3A_543 : i32 to index
          %swap3A_610 = arith.constant 96 : index
          %swap3A_611 = tpu.vector_load %arg12[%swap3A_609, %swap3A_610] {strides = array<i32>} : memref<80x128xf32, #tpu.memory_space<vmem>>, vector<1x16xf32>,
          %swap3A_612 = vector.shape_cast %swap3A_611 : vector<1x16xf32> to vector<16xf32>
          %swap3A_613 = vector.shape_cast %mul3A_608 : vector<16xf32> to vector<1x16xf32>
          tpu.vector_store %arg12[%swap3A_609, %swap3A_610], %swap3A_613 {strides = array<i32>} : memref<80x128xf32, #tpu.memory_space<vmem>>, vector<1x16xf32>,
          %get3A_614 = arith.index_cast %add3A_543 : i32 to index
          %get3A_615 = arith.constant 112 : index
          %get3A_616 = tpu.vector_load %arg12[%get3A_614, %get3A_615] {strides = array<i32>} : memref<80x128xf32, #tpu.memory_space<vmem>>, vector<1x16xf32>,
          %get3A_617 = vector.shape_cast %get3A_616 : vector<1x16xf32> to vector<16xf32>
          %mul3A_618 = arith.mulf %get3A_617, %gather3A_539 : vector<16xf32>
          %swap3A_619 = arith.index_cast %add3A_543 : i32 to index
          %swap3A_620 = arith.constant 112 : index
          %swap3A_621 = tpu.vector_load %arg12[%swap3A_619, %swap3A_620] {strides = array<i32>} : memref<80x128xf32, #tpu.memory_space<vmem>>, vector<1x16xf32>,
          %swap3A_622 = vector.shape_cast %swap3A_621 : vector<1x16xf32> to vector<16xf32>
          %swap3A_623 = vector.shape_cast %mul3A_618 : vector<16xf32> to vector<1x16xf32>
          tpu.vector_store %arg12[%swap3A_619, %swap3A_620], %swap3A_623 {strides = array<i32>} : memref<80x128xf32, #tpu.memory_space<vmem>>, vector<1x16xf32>,
          %broadcast_in_dim3A_624 = arith.constant 6 : i32
          %broadcast_in_dim3A_625 = vector.broadcast %broadcast_in_dim3A_624 : i32 to vector<16x1xi32>
          %gather3A_626 = vector.shape_cast %broadcast_in_dim3A_625 : vector<16x1xi32> to vector<16xi32>
          %gather3A_627 = tpu.dynamic_gather %get3A_98[%gather3A_626] in [0] : vector<16xf32>, vector<16xi32> -> vector<16xf32>
          %mul3A_628 = arith.constant 16 : i32
          %mul3A_629 = arith.muli %scan3A_93, %mul3A_628 : i32
          %add3A_630 = arith.constant 6 : i32
          %add3A_631 = arith.addi %mul3A_629, %add3A_630 : i32
          %get3A_632 = arith.index_cast %add3A_631 : i32 to index
          %get3A_633 = arith.constant 0 : index
          %get3A_634 = tpu.vector_load %arg12[%get3A_632, %get3A_633] {strides = array<i32>} : memref<80x128xf32, #tpu.memory_space<vmem>>, vector<1x16xf32>,
          %get3A_635 = vector.shape_cast %get3A_634 : vector<1x16xf32> to vector<16xf32>
          %mul3A_636 = arith.mulf %get3A_635, %gather3A_627 : vector<16xf32>
          %swap3A_637 = arith.index_cast %add3A_631 : i32 to index
          %swap3A_638 = arith.constant 0 : index
          %swap3A_639 = tpu.vector_load %arg12[%swap3A_637, %swap3A_638] {strides = array<i32>} : memref<80x128xf32, #tpu.memory_space<vmem>>, vector<1x16xf32>,
          %swap3A_640 = vector.shape_cast %swap3A_639 : vector<1x16xf32> to vector<16xf32>
          %swap3A_641 = vector.shape_cast %mul3A_636 : vector<16xf32> to vector<1x16xf32>
          tpu.vector_store %arg12[%swap3A_637, %swap3A_638], %swap3A_641 {strides = array<i32>} : memref<80x128xf32, #tpu.memory_space<vmem>>, vector<1x16xf32>,
          %get3A_642 = arith.index_cast %add3A_631 : i32 to index
          %get3A_643 = arith.constant 16 : index
          %get3A_644 = tpu.vector_load %arg12[%get3A_642, %get3A_643] {strides = array<i32>} : memref<80x128xf32, #tpu.memory_space<vmem>>, vector<1x16xf32>,
          %get3A_645 = vector.shape_cast %get3A_644 : vector<1x16xf32> to vector<16xf32>
          %mul3A_646 = arith.mulf %get3A_645, %gather3A_627 : vector<16xf32>
          %swap3A_647 = arith.index_cast %add3A_631 : i32 to index
          %swap3A_648 = arith.constant 16 : index
          %swap3A_649 = tpu.vector_load %arg12[%swap3A_647, %swap3A_648] {strides = array<i32>} : memref<80x128xf32, #tpu.memory_space<vmem>>, vector<1x16xf32>,
          %swap3A_650 = vector.shape_cast %swap3A_649 : vector<1x16xf32> to vector<16xf32>
          %swap3A_651 = vector.shape_cast %mul3A_646 : vector<16xf32> to vector<1x16xf32>
          tpu.vector_store %arg12[%swap3A_647, %swap3A_648], %swap3A_651 {strides = array<i32>} : memref<80x128xf32, #tpu.memory_space<vmem>>, vector<1x16xf32>,
          %get3A_652 = arith.index_cast %add3A_631 : i32 to index
          %get3A_653 = arith.constant 32 : index
          %get3A_654 = tpu.vector_load %arg12[%get3A_652, %get3A_653] {strides = array<i32>} : memref<80x128xf32, #tpu.memory_space<vmem>>, vector<1x16xf32>,
          %get3A_655 = vector.shape_cast %get3A_654 : vector<1x16xf32> to vector<16xf32>
          %mul3A_656 = arith.mulf %get3A_655, %gather3A_627 : vector<16xf32>
          %swap3A_657 = arith.index_cast %add3A_631 : i32 to index
          %swap3A_658 = arith.constant 32 : index
          %swap3A_659 = tpu.vector_load %arg12[%swap3A_657, %swap3A_658] {strides = array<i32>} : memref<80x128xf32, #tpu.memory_space<vmem>>, vector<1x16xf32>,
          %swap3A_660 = vector.shape_cast %swap3A_659 : vector<1x16xf32> to vector<16xf32>
          %swap3A_661 = vector.shape_cast %mul3A_656 : vector<16xf32> to vector<1x16xf32>
          tpu.vector_store %arg12[%swap3A_657, %swap3A_658], %swap3A_661 {strides = array<i32>} : memref<80x128xf32, #tpu.memory_space<vmem>>, vector<1x16xf32>,
          %get3A_662 = arith.index_cast %add3A_631 : i32 to index
          %get3A_663 = arith.constant 48 : index
          %get3A_664 = tpu.vector_load %arg12[%get3A_662, %get3A_663] {strides = array<i32>} : memref<80x128xf32, #tpu.memory_space<vmem>>, vector<1x16xf32>,
          %get3A_665 = vector.shape_cast %get3A_664 : vector<1x16xf32> to vector<16xf32>
          %mul3A_666 = arith.mulf %get3A_665, %gather3A_627 : vector<16xf32>
          %swap3A_667 = arith.index_cast %add3A_631 : i32 to index
          %swap3A_668 = arith.constant 48 : index
          %swap3A_669 = tpu.vector_load %arg12[%swap3A_667, %swap3A_668] {strides = array<i32>} : memref<80x128xf32, #tpu.memory_space<vmem>>, vector<1x16xf32>,
          %swap3A_670 = vector.shape_cast %swap3A_669 : vector<1x16xf32> to vector<16xf32>
          %swap3A_671 = vector.shape_cast %mul3A_666 : vector<16xf32> to vector<1x16xf32>
          tpu.vector_store %arg12[%swap3A_667, %swap3A_668], %swap3A_671 {strides = array<i32>} : memref<80x128xf32, #tpu.memory_space<vmem>>, vector<1x16xf32>,
          %get3A_672 = arith.index_cast %add3A_631 : i32 to index
          %get3A_673 = arith.constant 64 : index
          %get3A_674 = tpu.vector_load %arg12[%get3A_672, %get3A_673] {strides = array<i32>} : memref<80x128xf32, #tpu.memory_space<vmem>>, vector<1x16xf32>,
          %get3A_675 = vector.shape_cast %get3A_674 : vector<1x16xf32> to vector<16xf32>
          %mul3A_676 = arith.mulf %get3A_675, %gather3A_627 : vector<16xf32>
          %swap3A_677 = arith.index_cast %add3A_631 : i32 to index
          %swap3A_678 = arith.constant 64 : index
          %swap3A_679 = tpu.vector_load %arg12[%swap3A_677, %swap3A_678] {strides = array<i32>} : memref<80x128xf32, #tpu.memory_space<vmem>>, vector<1x16xf32>,
          %swap3A_680 = vector.shape_cast %swap3A_679 : vector<1x16xf32> to vector<16xf32>
          %swap3A_681 = vector.shape_cast %mul3A_676 : vector<16xf32> to vector<1x16xf32>
          tpu.vector_store %arg12[%swap3A_677, %swap3A_678], %swap3A_681 {strides = array<i32>} : memref<80x128xf32, #tpu.memory_space<vmem>>, vector<1x16xf32>,
          %get3A_682 = arith.index_cast %add3A_631 : i32 to index
          %get3A_683 = arith.constant 80 : index
          %get3A_684 = tpu.vector_load %arg12[%get3A_682, %get3A_683] {strides = array<i32>} : memref<80x128xf32, #tpu.memory_space<vmem>>, vector<1x16xf32>,
          %get3A_685 = vector.shape_cast %get3A_684 : vector<1x16xf32> to vector<16xf32>
          %mul3A_686 = arith.mulf %get3A_685, %gather3A_627 : vector<16xf32>
          %swap3A_687 = arith.index_cast %add3A_631 : i32 to index
          %swap3A_688 = arith.constant 80 : index
          %swap3A_689 = tpu.vector_load %arg12[%swap3A_687, %swap3A_688] {strides = array<i32>} : memref<80x128xf32, #tpu.memory_space<vmem>>, vector<1x16xf32>,
          %swap3A_690 = vector.shape_cast %swap3A_689 : vector<1x16xf32> to vector<16xf32>
          %swap3A_691 = vector.shape_cast %mul3A_686 : vector<16xf32> to vector<1x16xf32>
          tpu.vector_store %arg12[%swap3A_687, %swap3A_688], %swap3A_691 {strides = array<i32>} : memref<80x128xf32, #tpu.memory_space<vmem>>, vector<1x16xf32>,
          %get3A_692 = arith.index_cast %add3A_631 : i32 to index
          %get3A_693 = arith.constant 96 : index
          %get3A_694 = tpu.vector_load %arg12[%get3A_692, %get3A_693] {strides = array<i32>} : memref<80x128xf32, #tpu.memory_space<vmem>>, vector<1x16xf32>,
          %get3A_695 = vector.shape_cast %get3A_694 : vector<1x16xf32> to vector<16xf32>
          %mul3A_696 = arith.mulf %get3A_695, %gather3A_627 : vector<16xf32>
          %swap3A_697 = arith.index_cast %add3A_631 : i32 to index
          %swap3A_698 = arith.constant 96 : index
          %swap3A_699 = tpu.vector_load %arg12[%swap3A_697, %swap3A_698] {strides = array<i32>} : memref<80x128xf32, #tpu.memory_space<vmem>>, vector<1x16xf32>,
          %swap3A_700 = vector.shape_cast %swap3A_699 : vector<1x16xf32> to vector<16xf32>
          %swap3A_701 = vector.shape_cast %mul3A_696 : vector<16xf32> to vector<1x16xf32>
          tpu.vector_store %arg12[%swap3A_697, %swap3A_698], %swap3A_701 {strides = array<i32>} : memref<80x128xf32, #tpu.memory_space<vmem>>, vector<1x16xf32>,
          %get3A_702 = arith.index_cast %add3A_631 : i32 to index
          %get3A_703 = arith.constant 112 : index
          %get3A_704 = tpu.vector_load %arg12[%get3A_702, %get3A_703] {strides = array<i32>} : memref<80x128xf32, #tpu.memory_space<vmem>>, vector<1x16xf32>,
          %get3A_705 = vector.shape_cast %get3A_704 : vector<1x16xf32> to vector<16xf32>
          %mul3A_706 = arith.mulf %get3A_705, %gather3A_627 : vector<16xf32>
          %swap3A_707 = arith.index_cast %add3A_631 : i32 to index
          %swap3A_708 = arith.constant 112 : index
          %swap3A_709 = tpu.vector_load %arg12[%swap3A_707, %swap3A_708] {strides = array<i32>} : memref<80x128xf32, #tpu.memory_space<vmem>>, vector<1x16xf32>,
          %swap3A_710 = vector.shape_cast %swap3A_709 : vector<1x16xf32> to vector<16xf32>
          %swap3A_711 = vector.shape_cast %mul3A_706 : vector<16xf32> to vector<1x16xf32>
          tpu.vector_store %arg12[%swap3A_707, %swap3A_708], %swap3A_711 {strides = array<i32>} : memref<80x128xf32, #tpu.memory_space<vmem>>, vector<1x16xf32>,
          %broadcast_in_dim3A_712 = arith.constant 7 : i32
          %broadcast_in_dim3A_713 = vector.broadcast %broadcast_in_dim3A_712 : i32 to vector<16x1xi32>
          %gather3A_714 = vector.shape_cast %broadcast_in_dim3A_713 : vector<16x1xi32> to vector<16xi32>
          %gather3A_715 = tpu.dynamic_gather %get3A_98[%gather3A_714] in [0] : vector<16xf32>, vector<16xi32> -> vector<16xf32>
          %mul3A_716 = arith.constant 16 : i32
          %mul3A_717 = arith.muli %scan3A_93, %mul3A_716 : i32
          %add3A_718 = arith.constant 7 : i32
          %add3A_719 = arith.addi %mul3A_717, %add3A_718 : i32
          %get3A_720 = arith.index_cast %add3A_719 : i32 to index
          %get3A_721 = arith.constant 0 : index
          %get3A_722 = tpu.vector_load %arg12[%get3A_720, %get3A_721] {strides = array<i32>} : memref<80x128xf32, #tpu.memory_space<vmem>>, vector<1x16xf32>,
          %get3A_723 = vector.shape_cast %get3A_722 : vector<1x16xf32> to vector<16xf32>
          %mul3A_724 = arith.mulf %get3A_723, %gather3A_715 : vector<16xf32>
          %swap3A_725 = arith.index_cast %add3A_719 : i32 to index
          %swap3A_726 = arith.constant 0 : index
          %swap3A_727 = tpu.vector_load %arg12[%swap3A_725, %swap3A_726] {strides = array<i32>} : memref<80x128xf32, #tpu.memory_space<vmem>>, vector<1x16xf32>,
          %swap3A_728 = vector.shape_cast %swap3A_727 : vector<1x16xf32> to vector<16xf32>
          %swap3A_729 = vector.shape_cast %mul3A_724 : vector<16xf32> to vector<1x16xf32>
          tpu.vector_store %arg12[%swap3A_725, %swap3A_726], %swap3A_729 {strides = array<i32>} : memref<80x128xf32, #tpu.memory_space<vmem>>, vector<1x16xf32>,
          %get3A_730 = arith.index_cast %add3A_719 : i32 to index
          %get3A_731 = arith.constant 16 : index
          %get3A_732 = tpu.vector_load %arg12[%get3A_730, %get3A_731] {strides = array<i32>} : memref<80x128xf32, #tpu.memory_space<vmem>>, vector<1x16xf32>,
          %get3A_733 = vector.shape_cast %get3A_732 : vector<1x16xf32> to vector<16xf32>
          %mul3A_734 = arith.mulf %get3A_733, %gather3A_715 : vector<16xf32>
          %swap3A_735 = arith.index_cast %add3A_719 : i32 to index
          %swap3A_736 = arith.constant 16 : index
          %swap3A_737 = tpu.vector_load %arg12[%swap3A_735, %swap3A_736] {strides = array<i32>} : memref<80x128xf32, #tpu.memory_space<vmem>>, vector<1x16xf32>,
          %swap3A_738 = vector.shape_cast %swap3A_737 : vector<1x16xf32> to vector<16xf32>
          %swap3A_739 = vector.shape_cast %mul3A_734 : vector<16xf32> to vector<1x16xf32>
          tpu.vector_store %arg12[%swap3A_735, %swap3A_736], %swap3A_739 {strides = array<i32>} : memref<80x128xf32, #tpu.memory_space<vmem>>, vector<1x16xf32>,
          %get3A_740 = arith.index_cast %add3A_719 : i32 to index
          %get3A_741 = arith.constant 32 : index
          %get3A_742 = tpu.vector_load %arg12[%get3A_740, %get3A_741] {strides = array<i32>} : memref<80x128xf32, #tpu.memory_space<vmem>>, vector<1x16xf32>,
          %get3A_743 = vector.shape_cast %get3A_742 : vector<1x16xf32> to vector<16xf32>
          %mul3A_744 = arith.mulf %get3A_743, %gather3A_715 : vector<16xf32>
          %swap3A_745 = arith.index_cast %add3A_719 : i32 to index
          %swap3A_746 = arith.constant 32 : index
          %swap3A_747 = tpu.vector_load %arg12[%swap3A_745, %swap3A_746] {strides = array<i32>} : memref<80x128xf32, #tpu.memory_space<vmem>>, vector<1x16xf32>,
          %swap3A_748 = vector.shape_cast %swap3A_747 : vector<1x16xf32> to vector<16xf32>
          %swap3A_749 = vector.shape_cast %mul3A_744 : vector<16xf32> to vector<1x16xf32>
          tpu.vector_store %arg12[%swap3A_745, %swap3A_746], %swap3A_749 {strides = array<i32>} : memref<80x128xf32, #tpu.memory_space<vmem>>, vector<1x16xf32>,
          %get3A_750 = arith.index_cast %add3A_719 : i32 to index
          %get3A_751 = arith.constant 48 : index
          %get3A_752 = tpu.vector_load %arg12[%get3A_750, %get3A_751] {strides = array<i32>} : memref<80x128xf32, #tpu.memory_space<vmem>>, vector<1x16xf32>,
          %get3A_753 = vector.shape_cast %get3A_752 : vector<1x16xf32> to vector<16xf32>
          %mul3A_754 = arith.mulf %get3A_753, %gather3A_715 : vector<16xf32>
          %swap3A_755 = arith.index_cast %add3A_719 : i32 to index
          %swap3A_756 = arith.constant 48 : index
          %swap3A_757 = tpu.vector_load %arg12[%swap3A_755, %swap3A_756] {strides = array<i32>} : memref<80x128xf32, #tpu.memory_space<vmem>>, vector<1x16xf32>,
          %swap3A_758 = vector.shape_cast %swap3A_757 : vector<1x16xf32> to vector<16xf32>
          %swap3A_759 = vector.shape_cast %mul3A_754 : vector<16xf32> to vector<1x16xf32>
          tpu.vector_store %arg12[%swap3A_755, %swap3A_756], %swap3A_759 {strides = array<i32>} : memref<80x128xf32, #tpu.memory_space<vmem>>, vector<1x16xf32>,
          %get3A_760 = arith.index_cast %add3A_719 : i32 to index
          %get3A_761 = arith.constant 64 : index
          %get3A_762 = tpu.vector_load %arg12[%get3A_760, %get3A_761] {strides = array<i32>} : memref<80x128xf32, #tpu.memory_space<vmem>>, vector<1x16xf32>,
          %get3A_763 = vector.shape_cast %get3A_762 : vector<1x16xf32> to vector<16xf32>
          %mul3A_764 = arith.mulf %get3A_763, %gather3A_715 : vector<16xf32>
          %swap3A_765 = arith.index_cast %add3A_719 : i32 to index
          %swap3A_766 = arith.constant 64 : index
          %swap3A_767 = tpu.vector_load %arg12[%swap3A_765, %swap3A_766] {strides = array<i32>} : memref<80x128xf32, #tpu.memory_space<vmem>>, vector<1x16xf32>,
          %swap3A_768 = vector.shape_cast %swap3A_767 : vector<1x16xf32> to vector<16xf32>
          %swap3A_769 = vector.shape_cast %mul3A_764 : vector<16xf32> to vector<1x16xf32>
          tpu.vector_store %arg12[%swap3A_765, %swap3A_766], %swap3A_769 {strides = array<i32>} : memref<80x128xf32, #tpu.memory_space<vmem>>, vector<1x16xf32>,
          %get3A_770 = arith.index_cast %add3A_719 : i32 to index
          %get3A_771 = arith.constant 80 : index
          %get3A_772 = tpu.vector_load %arg12[%get3A_770, %get3A_771] {strides = array<i32>} : memref<80x128xf32, #tpu.memory_space<vmem>>, vector<1x16xf32>,
          %get3A_773 = vector.shape_cast %get3A_772 : vector<1x16xf32> to vector<16xf32>
          %mul3A_774 = arith.mulf %get3A_773, %gather3A_715 : vector<16xf32>
          %swap3A_775 = arith.index_cast %add3A_719 : i32 to index
          %swap3A_776 = arith.constant 80 : index
          %swap3A_777 = tpu.vector_load %arg12[%swap3A_775, %swap3A_776] {strides = array<i32>} : memref<80x128xf32, #tpu.memory_space<vmem>>, vector<1x16xf32>,
          %swap3A_778 = vector.shape_cast %swap3A_777 : vector<1x16xf32> to vector<16xf32>
          %swap3A_779 = vector.shape_cast %mul3A_774 : vector<16xf32> to vector<1x16xf32>
          tpu.vector_store %arg12[%swap3A_775, %swap3A_776], %swap3A_779 {strides = array<i32>} : memref<80x128xf32, #tpu.memory_space<vmem>>, vector<1x16xf32>,
          %get3A_780 = arith.index_cast %add3A_719 : i32 to index
          %get3A_781 = arith.constant 96 : index
          %get3A_782 = tpu.vector_load %arg12[%get3A_780, %get3A_781] {strides = array<i32>} : memref<80x128xf32, #tpu.memory_space<vmem>>, vector<1x16xf32>,
          %get3A_783 = vector.shape_cast %get3A_782 : vector<1x16xf32> to vector<16xf32>
          %mul3A_784 = arith.mulf %get3A_783, %gather3A_715 : vector<16xf32>
          %swap3A_785 = arith.index_cast %add3A_719 : i32 to index
          %swap3A_786 = arith.constant 96 : index
          %swap3A_787 = tpu.vector_load %arg12[%swap3A_785, %swap3A_786] {strides = array<i32>} : memref<80x128xf32, #tpu.memory_space<vmem>>, vector<1x16xf32>,
          %swap3A_788 = vector.shape_cast %swap3A_787 : vector<1x16xf32> to vector<16xf32>
          %swap3A_789 = vector.shape_cast %mul3A_784 : vector<16xf32> to vector<1x16xf32>
          tpu.vector_store %arg12[%swap3A_785, %swap3A_786], %swap3A_789 {strides = array<i32>} : memref<80x128xf32, #tpu.memory_space<vmem>>, vector<1x16xf32>,
          %get3A_790 = arith.index_cast %add3A_719 : i32 to index
          %get3A_791 = arith.constant 112 : index
          %get3A_792 = tpu.vector_load %arg12[%get3A_790, %get3A_791] {strides = array<i32>} : memref<80x128xf32, #tpu.memory_space<vmem>>, vector<1x16xf32>,
          %get3A_793 = vector.shape_cast %get3A_792 : vector<1x16xf32> to vector<16xf32>
          %mul3A_794 = arith.mulf %get3A_793, %gather3A_715 : vector<16xf32>
          %swap3A_795 = arith.index_cast %add3A_719 : i32 to index
          %swap3A_796 = arith.constant 112 : index
          %swap3A_797 = tpu.vector_load %arg12[%swap3A_795, %swap3A_796] {strides = array<i32>} : memref<80x128xf32, #tpu.memory_space<vmem>>, vector<1x16xf32>,
          %swap3A_798 = vector.shape_cast %swap3A_797 : vector<1x16xf32> to vector<16xf32>
          %swap3A_799 = vector.shape_cast %mul3A_794 : vector<16xf32> to vector<1x16xf32>
          tpu.vector_store %arg12[%swap3A_795, %swap3A_796], %swap3A_799 {strides = array<i32>} : memref<80x128xf32, #tpu.memory_space<vmem>>, vector<1x16xf32>,
          %broadcast_in_dim3A_800 = arith.constant 8 : i32
          %broadcast_in_dim3A_801 = vector.broadcast %broadcast_in_dim3A_800 : i32 to vector<16x1xi32>
          %gather3A_802 = vector.shape_cast %broadcast_in_dim3A_801 : vector<16x1xi32> to vector<16xi32>
          %gather3A_803 = tpu.dynamic_gather %get3A_98[%gather3A_802] in [0] : vector<16xf32>, vector<16xi32> -> vector<16xf32>
          %mul3A_804 = arith.constant 16 : i32
          %mul3A_805 = arith.muli %scan3A_93, %mul3A_804 : i32
          %add3A_806 = arith.constant 8 : i32
          %add3A_807 = arith.addi %mul3A_805, %add3A_806 : i32
          %get3A_808 = arith.index_cast %add3A_807 : i32 to index
          %get3A_809 = arith.constant 0 : index
          %get3A_810 = tpu.vector_load %arg12[%get3A_808, %get3A_809] {strides = array<i32>} : memref<80x128xf32, #tpu.memory_space<vmem>>, vector<1x16xf32>,
          %get3A_811 = vector.shape_cast %get3A_810 : vector<1x16xf32> to vector<16xf32>
          %mul3A_812 = arith.mulf %get3A_811, %gather3A_803 : vector<16xf32>
          %swap3A_813 = arith.index_cast %add3A_807 : i32 to index
          %swap3A_814 = arith.constant 0 : index
          %swap3A_815 = tpu.vector_load %arg12[%swap3A_813, %swap3A_814] {strides = array<i32>} : memref<80x128xf32, #tpu.memory_space<vmem>>, vector<1x16xf32>,
          %swap3A_816 = vector.shape_cast %swap3A_815 : vector<1x16xf32> to vector<16xf32>
          %swap3A_817 = vector.shape_cast %mul3A_812 : vector<16xf32> to vector<1x16xf32>
          tpu.vector_store %arg12[%swap3A_813, %swap3A_814], %swap3A_817 {strides = array<i32>} : memref<80x128xf32, #tpu.memory_space<vmem>>, vector<1x16xf32>,
          %get3A_818 = arith.index_cast %add3A_807 : i32 to index
          %get3A_819 = arith.constant 16 : index
          %get3A_820 = tpu.vector_load %arg12[%get3A_818, %get3A_819] {strides = array<i32>} : memref<80x128xf32, #tpu.memory_space<vmem>>, vector<1x16xf32>,
          %get3A_821 = vector.shape_cast %get3A_820 : vector<1x16xf32> to vector<16xf32>
          %mul3A_822 = arith.mulf %get3A_821, %gather3A_803 : vector<16xf32>
          %swap3A_823 = arith.index_cast %add3A_807 : i32 to index
          %swap3A_824 = arith.constant 16 : index
          %swap3A_825 = tpu.vector_load %arg12[%swap3A_823, %swap3A_824] {strides = array<i32>} : memref<80x128xf32, #tpu.memory_space<vmem>>, vector<1x16xf32>,
          %swap3A_826 = vector.shape_cast %swap3A_825 : vector<1x16xf32> to vector<16xf32>
          %swap3A_827 = vector.shape_cast %mul3A_822 : vector<16xf32> to vector<1x16xf32>
          tpu.vector_store %arg12[%swap3A_823, %swap3A_824], %swap3A_827 {strides = array<i32>} : memref<80x128xf32, #tpu.memory_space<vmem>>, vector<1x16xf32>,
          %get3A_828 = arith.index_cast %add3A_807 : i32 to index
          %get3A_829 = arith.constant 32 : index
          %get3A_830 = tpu.vector_load %arg12[%get3A_828, %get3A_829] {strides = array<i32>} : memref<80x128xf32, #tpu.memory_space<vmem>>, vector<1x16xf32>,
          %get3A_831 = vector.shape_cast %get3A_830 : vector<1x16xf32> to vector<16xf32>
          %mul3A_832 = arith.mulf %get3A_831, %gather3A_803 : vector<16xf32>
          %swap3A_833 = arith.index_cast %add3A_807 : i32 to index
          %swap3A_834 = arith.constant 32 : index
          %swap3A_835 = tpu.vector_load %arg12[%swap3A_833, %swap3A_834] {strides = array<i32>} : memref<80x128xf32, #tpu.memory_space<vmem>>, vector<1x16xf32>,
          %swap3A_836 = vector.shape_cast %swap3A_835 : vector<1x16xf32> to vector<16xf32>
          %swap3A_837 = vector.shape_cast %mul3A_832 : vector<16xf32> to vector<1x16xf32>
          tpu.vector_store %arg12[%swap3A_833, %swap3A_834], %swap3A_837 {strides = array<i32>} : memref<80x128xf32, #tpu.memory_space<vmem>>, vector<1x16xf32>,
          %get3A_838 = arith.index_cast %add3A_807 : i32 to index
          %get3A_839 = arith.constant 48 : index
          %get3A_840 = tpu.vector_load %arg12[%get3A_838, %get3A_839] {strides = array<i32>} : memref<80x128xf32, #tpu.memory_space<vmem>>, vector<1x16xf32>,
          %get3A_841 = vector.shape_cast %get3A_840 : vector<1x16xf32> to vector<16xf32>
          %mul3A_842 = arith.mulf %get3A_841, %gather3A_803 : vector<16xf32>
          %swap3A_843 = arith.index_cast %add3A_807 : i32 to index
          %swap3A_844 = arith.constant 48 : index
          %swap3A_845 = tpu.vector_load %arg12[%swap3A_843, %swap3A_844] {strides = array<i32>} : memref<80x128xf32, #tpu.memory_space<vmem>>, vector<1x16xf32>,
          %swap3A_846 = vector.shape_cast %swap3A_845 : vector<1x16xf32> to vector<16xf32>
          %swap3A_847 = vector.shape_cast %mul3A_842 : vector<16xf32> to vector<1x16xf32>
          tpu.vector_store %arg12[%swap3A_843, %swap3A_844], %swap3A_847 {strides = array<i32>} : memref<80x128xf32, #tpu.memory_space<vmem>>, vector<1x16xf32>,
          %get3A_848 = arith.index_cast %add3A_807 : i32 to index
          %get3A_849 = arith.constant 64 : index
          %get3A_850 = tpu.vector_load %arg12[%get3A_848, %get3A_849] {strides = array<i32>} : memref<80x128xf32, #tpu.memory_space<vmem>>, vector<1x16xf32>,
          %get3A_851 = vector.shape_cast %get3A_850 : vector<1x16xf32> to vector<16xf32>
          %mul3A_852 = arith.mulf %get3A_851, %gather3A_803 : vector<16xf32>
          %swap3A_853 = arith.index_cast %add3A_807 : i32 to index
          %swap3A_854 = arith.constant 64 : index
          %swap3A_855 = tpu.vector_load %arg12[%swap3A_853, %swap3A_854] {strides = array<i32>} : memref<80x128xf32, #tpu.memory_space<vmem>>, vector<1x16xf32>,
          %swap3A_856 = vector.shape_cast %swap3A_855 : vector<1x16xf32> to vector<16xf32>
          %swap3A_857 = vector.shape_cast %mul3A_852 : vector<16xf32> to vector<1x16xf32>
          tpu.vector_store %arg12[%swap3A_853, %swap3A_854], %swap3A_857 {strides = array<i32>} : memref<80x128xf32, #tpu.memory_space<vmem>>, vector<1x16xf32>,
          %get3A_858 = arith.index_cast %add3A_807 : i32 to index
          %get3A_859 = arith.constant 80 : index
          %get3A_860 = tpu.vector_load %arg12[%get3A_858, %get3A_859] {strides = array<i32>} : memref<80x128xf32, #tpu.memory_space<vmem>>, vector<1x16xf32>,
          %get3A_861 = vector.shape_cast %get3A_860 : vector<1x16xf32> to vector<16xf32>
          %mul3A_862 = arith.mulf %get3A_861, %gather3A_803 : vector<16xf32>
          %swap3A_863 = arith.index_cast %add3A_807 : i32 to index
          %swap3A_864 = arith.constant 80 : index
          %swap3A_865 = tpu.vector_load %arg12[%swap3A_863, %swap3A_864] {strides = array<i32>} : memref<80x128xf32, #tpu.memory_space<vmem>>, vector<1x16xf32>,
          %swap3A_866 = vector.shape_cast %swap3A_865 : vector<1x16xf32> to vector<16xf32>
          %swap3A_867 = vector.shape_cast %mul3A_862 : vector<16xf32> to vector<1x16xf32>
          tpu.vector_store %arg12[%swap3A_863, %swap3A_864], %swap3A_867 {strides = array<i32>} : memref<80x128xf32, #tpu.memory_space<vmem>>, vector<1x16xf32>,
          %get3A_868 = arith.index_cast %add3A_807 : i32 to index
          %get3A_869 = arith.constant 96 : index
          %get3A_870 = tpu.vector_load %arg12[%get3A_868, %get3A_869] {strides = array<i32>} : memref<80x128xf32, #tpu.memory_space<vmem>>, vector<1x16xf32>,
          %get3A_871 = vector.shape_cast %get3A_870 : vector<1x16xf32> to vector<16xf32>
          %mul3A_872 = arith.mulf %get3A_871, %gather3A_803 : vector<16xf32>
          %swap3A_873 = arith.index_cast %add3A_807 : i32 to index
          %swap3A_874 = arith.constant 96 : index
          %swap3A_875 = tpu.vector_load %arg12[%swap3A_873, %swap3A_874] {strides = array<i32>} : memref<80x128xf32, #tpu.memory_space<vmem>>, vector<1x16xf32>,
          %swap3A_876 = vector.shape_cast %swap3A_875 : vector<1x16xf32> to vector<16xf32>
          %swap3A_877 = vector.shape_cast %mul3A_872 : vector<16xf32> to vector<1x16xf32>
          tpu.vector_store %arg12[%swap3A_873, %swap3A_874], %swap3A_877 {strides = array<i32>} : memref<80x128xf32, #tpu.memory_space<vmem>>, vector<1x16xf32>,
          %get3A_878 = arith.index_cast %add3A_807 : i32 to index
          %get3A_879 = arith.constant 112 : index
          %get3A_880 = tpu.vector_load %arg12[%get3A_878, %get3A_879] {strides = array<i32>} : memref<80x128xf32, #tpu.memory_space<vmem>>, vector<1x16xf32>,
          %get3A_881 = vector.shape_cast %get3A_880 : vector<1x16xf32> to vector<16xf32>
          %mul3A_882 = arith.mulf %get3A_881, %gather3A_803 : vector<16xf32>
          %swap3A_883 = arith.index_cast %add3A_807 : i32 to index
          %swap3A_884 = arith.constant 112 : index
          %swap3A_885 = tpu.vector_load %arg12[%swap3A_883, %swap3A_884] {strides = array<i32>} : memref<80x128xf32, #tpu.memory_space<vmem>>, vector<1x16xf32>,
          %swap3A_886 = vector.shape_cast %swap3A_885 : vector<1x16xf32> to vector<16xf32>
          %swap3A_887 = vector.shape_cast %mul3A_882 : vector<16xf32> to vector<1x16xf32>
          tpu.vector_store %arg12[%swap3A_883, %swap3A_884], %swap3A_887 {strides = array<i32>} : memref<80x128xf32, #tpu.memory_space<vmem>>, vector<1x16xf32>,
          %broadcast_in_dim3A_888 = arith.constant 9 : i32
          %broadcast_in_dim3A_889 = vector.broadcast %broadcast_in_dim3A_888 : i32 to vector<16x1xi32>
          %gather3A_890 = vector.shape_cast %broadcast_in_dim3A_889 : vector<16x1xi32> to vector<16xi32>
          %gather3A_891 = tpu.dynamic_gather %get3A_98[%gather3A_890] in [0] : vector<16xf32>, vector<16xi32> -> vector<16xf32>
          %mul3A_892 = arith.constant 16 : i32
          %mul3A_893 = arith.muli %scan3A_93, %mul3A_892 : i32
          %add3A_894 = arith.constant 9 : i32
          %add3A_895 = arith.addi %mul3A_893, %add3A_894 : i32
          %get3A_896 = arith.index_cast %add3A_895 : i32 to index
          %get3A_897 = arith.constant 0 : index
          %get3A_898 = tpu.vector_load %arg12[%get3A_896, %get3A_897] {strides = array<i32>} : memref<80x128xf32, #tpu.memory_space<vmem>>, vector<1x16xf32>,
          %get3A_899 = vector.shape_cast %get3A_898 : vector<1x16xf32> to vector<16xf32>
          %mul3A_900 = arith.mulf %get3A_899, %gather3A_891 : vector<16xf32>
          %swap3A_901 = arith.index_cast %add3A_895 : i32 to index
          %swap3A_902 = arith.constant 0 : index
          %swap3A_903 = tpu.vector_load %arg12[%swap3A_901, %swap3A_902] {strides = array<i32>} : memref<80x128xf32, #tpu.memory_space<vmem>>, vector<1x16xf32>,
          %swap3A_904 = vector.shape_cast %swap3A_903 : vector<1x16xf32> to vector<16xf32>
          %swap3A_905 = vector.shape_cast %mul3A_900 : vector<16xf32> to vector<1x16xf32>
          tpu.vector_store %arg12[%swap3A_901, %swap3A_902], %swap3A_905 {strides = array<i32>} : memref<80x128xf32, #tpu.memory_space<vmem>>, vector<1x16xf32>,
          %get3A_906 = arith.index_cast %add3A_895 : i32 to index
          %get3A_907 = arith.constant 16 : index
          %get3A_908 = tpu.vector_load %arg12[%get3A_906, %get3A_907] {strides = array<i32>} : memref<80x128xf32, #tpu.memory_space<vmem>>, vector<1x16xf32>,
          %get3A_909 = vector.shape_cast %get3A_908 : vector<1x16xf32> to vector<16xf32>
          %mul3A_910 = arith.mulf %get3A_909, %gather3A_891 : vector<16xf32>
          %swap3A_911 = arith.index_cast %add3A_895 : i32 to index
          %swap3A_912 = arith.constant 16 : index
          %swap3A_913 = tpu.vector_load %arg12[%swap3A_911, %swap3A_912] {strides = array<i32>} : memref<80x128xf32, #tpu.memory_space<vmem>>, vector<1x16xf32>,
          %swap3A_914 = vector.shape_cast %swap3A_913 : vector<1x16xf32> to vector<16xf32>
          %swap3A_915 = vector.shape_cast %mul3A_910 : vector<16xf32> to vector<1x16xf32>
          tpu.vector_store %arg12[%swap3A_911, %swap3A_912], %swap3A_915 {strides = array<i32>} : memref<80x128xf32, #tpu.memory_space<vmem>>, vector<1x16xf32>,
          %get3A_916 = arith.index_cast %add3A_895 : i32 to index
          %get3A_917 = arith.constant 32 : index
          %get3A_918 = tpu.vector_load %arg12[%get3A_916, %get3A_917] {strides = array<i32>} : memref<80x128xf32, #tpu.memory_space<vmem>>, vector<1x16xf32>,
          %get3A_919 = vector.shape_cast %get3A_918 : vector<1x16xf32> to vector<16xf32>
          %mul3A_920 = arith.mulf %get3A_919, %gather3A_891 : vector<16xf32>
          %swap3A_921 = arith.index_cast %add3A_895 : i32 to index
          %swap3A_922 = arith.constant 32 : index
          %swap3A_923 = tpu.vector_load %arg12[%swap3A_921, %swap3A_922] {strides = array<i32>} : memref<80x128xf32, #tpu.memory_space<vmem>>, vector<1x16xf32>,
          %swap3A_924 = vector.shape_cast %swap3A_923 : vector<1x16xf32> to vector<16xf32>
          %swap3A_925 = vector.shape_cast %mul3A_920 : vector<16xf32> to vector<1x16xf32>
          tpu.vector_store %arg12[%swap3A_921, %swap3A_922], %swap3A_925 {strides = array<i32>} : memref<80x128xf32, #tpu.memory_space<vmem>>, vector<1x16xf32>,
          %get3A_926 = arith.index_cast %add3A_895 : i32 to index
          %get3A_927 = arith.constant 48 : index
          %get3A_928 = tpu.vector_load %arg12[%get3A_926, %get3A_927] {strides = array<i32>} : memref<80x128xf32, #tpu.memory_space<vmem>>, vector<1x16xf32>,
          %get3A_929 = vector.shape_cast %get3A_928 : vector<1x16xf32> to vector<16xf32>
          %mul3A_930 = arith.mulf %get3A_929, %gather3A_891 : vector<16xf32>
          %swap3A_931 = arith.index_cast %add3A_895 : i32 to index
          %swap3A_932 = arith.constant 48 : index
          %swap3A_933 = tpu.vector_load %arg12[%swap3A_931, %swap3A_932] {strides = array<i32>} : memref<80x128xf32, #tpu.memory_space<vmem>>, vector<1x16xf32>,
          %swap3A_934 = vector.shape_cast %swap3A_933 : vector<1x16xf32> to vector<16xf32>
          %swap3A_935 = vector.shape_cast %mul3A_930 : vector<16xf32> to vector<1x16xf32>
          tpu.vector_store %arg12[%swap3A_931, %swap3A_932], %swap3A_935 {strides = array<i32>} : memref<80x128xf32, #tpu.memory_space<vmem>>, vector<1x16xf32>,
          %get3A_936 = arith.index_cast %add3A_895 : i32 to index
          %get3A_937 = arith.constant 64 : index
          %get3A_938 = tpu.vector_load %arg12[%get3A_936, %get3A_937] {strides = array<i32>} : memref<80x128xf32, #tpu.memory_space<vmem>>, vector<1x16xf32>,
          %get3A_939 = vector.shape_cast %get3A_938 : vector<1x16xf32> to vector<16xf32>
          %mul3A_940 = arith.mulf %get3A_939, %gather3A_891 : vector<16xf32>
          %swap3A_941 = arith.index_cast %add3A_895 : i32 to index
          %swap3A_942 = arith.constant 64 : index
          %swap3A_943 = tpu.vector_load %arg12[%swap3A_941, %swap3A_942] {strides = array<i32>} : memref<80x128xf32, #tpu.memory_space<vmem>>, vector<1x16xf32>,
          %swap3A_944 = vector.shape_cast %swap3A_943 : vector<1x16xf32> to vector<16xf32>
          %swap3A_945 = vector.shape_cast %mul3A_940 : vector<16xf32> to vector<1x16xf32>
          tpu.vector_store %arg12[%swap3A_941, %swap3A_942], %swap3A_945 {strides = array<i32>} : memref<80x128xf32, #tpu.memory_space<vmem>>, vector<1x16xf32>,
          %get3A_946 = arith.index_cast %add3A_895 : i32 to index
          %get3A_947 = arith.constant 80 : index
          %get3A_948 = tpu.vector_load %arg12[%get3A_946, %get3A_947] {strides = array<i32>} : memref<80x128xf32, #tpu.memory_space<vmem>>, vector<1x16xf32>,
          %get3A_949 = vector.shape_cast %get3A_948 : vector<1x16xf32> to vector<16xf32>
          %mul3A_950 = arith.mulf %get3A_949, %gather3A_891 : vector<16xf32>
          %swap3A_951 = arith.index_cast %add3A_895 : i32 to index
          %swap3A_952 = arith.constant 80 : index
          %swap3A_953 = tpu.vector_load %arg12[%swap3A_951, %swap3A_952] {strides = array<i32>} : memref<80x128xf32, #tpu.memory_space<vmem>>, vector<1x16xf32>,
          %swap3A_954 = vector.shape_cast %swap3A_953 : vector<1x16xf32> to vector<16xf32>
          %swap3A_955 = vector.shape_cast %mul3A_950 : vector<16xf32> to vector<1x16xf32>
          tpu.vector_store %arg12[%swap3A_951, %swap3A_952], %swap3A_955 {strides = array<i32>} : memref<80x128xf32, #tpu.memory_space<vmem>>, vector<1x16xf32>,
          %get3A_956 = arith.index_cast %add3A_895 : i32 to index
          %get3A_957 = arith.constant 96 : index
          %get3A_958 = tpu.vector_load %arg12[%get3A_956, %get3A_957] {strides = array<i32>} : memref<80x128xf32, #tpu.memory_space<vmem>>, vector<1x16xf32>,
          %get3A_959 = vector.shape_cast %get3A_958 : vector<1x16xf32> to vector<16xf32>
          %mul3A_960 = arith.mulf %get3A_959, %gather3A_891 : vector<16xf32>
          %swap3A_961 = arith.index_cast %add3A_895 : i32 to index
          %swap3A_962 = arith.constant 96 : index
          %swap3A_963 = tpu.vector_load %arg12[%swap3A_961, %swap3A_962] {strides = array<i32>} : memref<80x128xf32, #tpu.memory_space<vmem>>, vector<1x16xf32>,
          %swap3A_964 = vector.shape_cast %swap3A_963 : vector<1x16xf32> to vector<16xf32>
          %swap3A_965 = vector.shape_cast %mul3A_960 : vector<16xf32> to vector<1x16xf32>
          tpu.vector_store %arg12[%swap3A_961, %swap3A_962], %swap3A_965 {strides = array<i32>} : memref<80x128xf32, #tpu.memory_space<vmem>>, vector<1x16xf32>,
          %get3A_966 = arith.index_cast %add3A_895 : i32 to index
          %get3A_967 = arith.constant 112 : index
          %get3A_968 = tpu.vector_load %arg12[%get3A_966, %get3A_967] {strides = array<i32>} : memref<80x128xf32, #tpu.memory_space<vmem>>, vector<1x16xf32>,
          %get3A_969 = vector.shape_cast %get3A_968 : vector<1x16xf32> to vector<16xf32>
          %mul3A_970 = arith.mulf %get3A_969, %gather3A_891 : vector<16xf32>
          %swap3A_971 = arith.index_cast %add3A_895 : i32 to index
          %swap3A_972 = arith.constant 112 : index
          %swap3A_973 = tpu.vector_load %arg12[%swap3A_971, %swap3A_972] {strides = array<i32>} : memref<80x128xf32, #tpu.memory_space<vmem>>, vector<1x16xf32>,
          %swap3A_974 = vector.shape_cast %swap3A_973 : vector<1x16xf32> to vector<16xf32>
          %swap3A_975 = vector.shape_cast %mul3A_970 : vector<16xf32> to vector<1x16xf32>
          tpu.vector_store %arg12[%swap3A_971, %swap3A_972], %swap3A_975 {strides = array<i32>} : memref<80x128xf32, #tpu.memory_space<vmem>>, vector<1x16xf32>,
          %broadcast_in_dim3A_976 = arith.constant 10 : i32
          %broadcast_in_dim3A_977 = vector.broadcast %broadcast_in_dim3A_976 : i32 to vector<16x1xi32>
          %gather3A_978 = vector.shape_cast %broadcast_in_dim3A_977 : vector<16x1xi32> to vector<16xi32>
          %gather3A_979 = tpu.dynamic_gather %get3A_98[%gather3A_978] in [0] : vector<16xf32>, vector<16xi32> -> vector<16xf32>
          %mul3A_980 = arith.constant 16 : i32
          %mul3A_981 = arith.muli %scan3A_93, %mul3A_980 : i32
          %add3A_982 = arith.constant 10 : i32
          %add3A_983 = arith.addi %mul3A_981, %add3A_982 : i32
          %get3A_984 = arith.index_cast %add3A_983 : i32 to index
          %get3A_985 = arith.constant 0 : index
          %get3A_986 = tpu.vector_load %arg12[%get3A_984, %get3A_985] {strides = array<i32>} : memref<80x128xf32, #tpu.memory_space<vmem>>, vector<1x16xf32>,
          %get3A_987 = vector.shape_cast %get3A_986 : vector<1x16xf32> to vector<16xf32>
          %mul3A_988 = arith.mulf %get3A_987, %gather3A_979 : vector<16xf32>
          %swap3A_989 = arith.index_cast %add3A_983 : i32 to index
          %swap3A_990 = arith.constant 0 : index
          %swap3A_991 = tpu.vector_load %arg12[%swap3A_989, %swap3A_990] {strides = array<i32>} : memref<80x128xf32, #tpu.memory_space<vmem>>, vector<1x16xf32>,
          %swap3A_992 = vector.shape_cast %swap3A_991 : vector<1x16xf32> to vector<16xf32>
          %swap3A_993 = vector.shape_cast %mul3A_988 : vector<16xf32> to vector<1x16xf32>
          tpu.vector_store %arg12[%swap3A_989, %swap3A_990], %swap3A_993 {strides = array<i32>} : memref<80x128xf32, #tpu.memory_space<vmem>>, vector<1x16xf32>,
          %get3A_994 = arith.index_cast %add3A_983 : i32 to index
          %get3A_995 = arith.constant 16 : index
          %get3A_996 = tpu.vector_load %arg12[%get3A_994, %get3A_995] {strides = array<i32>} : memref<80x128xf32, #tpu.memory_space<vmem>>, vector<1x16xf32>,
          %get3A_997 = vector.shape_cast %get3A_996 : vector<1x16xf32> to vector<16xf32>
          %mul3A_998 = arith.mulf %get3A_997, %gather3A_979 : vector<16xf32>
          %swap3A_999 = arith.index_cast %add3A_983 : i32 to index
          %swap3A_1000 = arith.constant 16 : index
          %swap3A_1001 = tpu.vector_load %arg12[%swap3A_999, %swap3A_1000] {strides = array<i32>} : memref<80x128xf32, #tpu.memory_space<vmem>>, vector<1x16xf32>,
          %swap3A_1002 = vector.shape_cast %swap3A_1001 : vector<1x16xf32> to vector<16xf32>
          %swap3A_1003 = vector.shape_cast %mul3A_998 : vector<16xf32> to vector<1x16xf32>
          tpu.vector_store %arg12[%swap3A_999, %swap3A_1000], %swap3A_1003 {strides = array<i32>} : memref<80x128xf32, #tpu.memory_space<vmem>>, vector<1x16xf32>,
          %get3A_1004 = arith.index_cast %add3A_983 : i32 to index
          %get3A_1005 = arith.constant 32 : index
          %get3A_1006 = tpu.vector_load %arg12[%get3A_1004, %get3A_1005] {strides = array<i32>} : memref<80x128xf32, #tpu.memory_space<vmem>>, vector<1x16xf32>,
          %get3A_1007 = vector.shape_cast %get3A_1006 : vector<1x16xf32> to vector<16xf32>
          %mul3A_1008 = arith.mulf %get3A_1007, %gather3A_979 : vector<16xf32>
          %swap3A_1009 = arith.index_cast %add3A_983 : i32 to index
          %swap3A_1010 = arith.constant 32 : index
          %swap3A_1011 = tpu.vector_load %arg12[%swap3A_1009, %swap3A_1010] {strides = array<i32>} : memref<80x128xf32, #tpu.memory_space<vmem>>, vector<1x16xf32>,
          %swap3A_1012 = vector.shape_cast %swap3A_1011 : vector<1x16xf32> to vector<16xf32>
          %swap3A_1013 = vector.shape_cast %mul3A_1008 : vector<16xf32> to vector<1x16xf32>
          tpu.vector_store %arg12[%swap3A_1009, %swap3A_1010], %swap3A_1013 {strides = array<i32>} : memref<80x128xf32, #tpu.memory_space<vmem>>, vector<1x16xf32>,
          %get3A_1014 = arith.index_cast %add3A_983 : i32 to index
          %get3A_1015 = arith.constant 48 : index
          %get3A_1016 = tpu.vector_load %arg12[%get3A_1014, %get3A_1015] {strides = array<i32>} : memref<80x128xf32, #tpu.memory_space<vmem>>, vector<1x16xf32>,
          %get3A_1017 = vector.shape_cast %get3A_1016 : vector<1x16xf32> to vector<16xf32>
          %mul3A_1018 = arith.mulf %get3A_1017, %gather3A_979 : vector<16xf32>
          %swap3A_1019 = arith.index_cast %add3A_983 : i32 to index
          %swap3A_1020 = arith.constant 48 : index
          %swap3A_1021 = tpu.vector_load %arg12[%swap3A_1019, %swap3A_1020] {strides = array<i32>} : memref<80x128xf32, #tpu.memory_space<vmem>>, vector<1x16xf32>,
          %swap3A_1022 = vector.shape_cast %swap3A_1021 : vector<1x16xf32> to vector<16xf32>
          %swap3A_1023 = vector.shape_cast %mul3A_1018 : vector<16xf32> to vector<1x16xf32>
          tpu.vector_store %arg12[%swap3A_1019, %swap3A_1020], %swap3A_1023 {strides = array<i32>} : memref<80x128xf32, #tpu.memory_space<vmem>>, vector<1x16xf32>,
          %get3A_1024 = arith.index_cast %add3A_983 : i32 to index
          %get3A_1025 = arith.constant 64 : index
          %get3A_1026 = tpu.vector_load %arg12[%get3A_1024, %get3A_1025] {strides = array<i32>} : memref<80x128xf32, #tpu.memory_space<vmem>>, vector<1x16xf32>,
          %get3A_1027 = vector.shape_cast %get3A_1026 : vector<1x16xf32> to vector<16xf32>
          %mul3A_1028 = arith.mulf %get3A_1027, %gather3A_979 : vector<16xf32>
          %swap3A_1029 = arith.index_cast %add3A_983 : i32 to index
          %swap3A_1030 = arith.constant 64 : index
          %swap3A_1031 = tpu.vector_load %arg12[%swap3A_1029, %swap3A_1030] {strides = array<i32>} : memref<80x128xf32, #tpu.memory_space<vmem>>, vector<1x16xf32>,
          %swap3A_1032 = vector.shape_cast %swap3A_1031 : vector<1x16xf32> to vector<16xf32>
          %swap3A_1033 = vector.shape_cast %mul3A_1028 : vector<16xf32> to vector<1x16xf32>
          tpu.vector_store %arg12[%swap3A_1029, %swap3A_1030], %swap3A_1033 {strides = array<i32>} : memref<80x128xf32, #tpu.memory_space<vmem>>, vector<1x16xf32>,
          %get3A_1034 = arith.index_cast %add3A_983 : i32 to index
          %get3A_1035 = arith.constant 80 : index
          %get3A_1036 = tpu.vector_load %arg12[%get3A_1034, %get3A_1035] {strides = array<i32>} : memref<80x128xf32, #tpu.memory_space<vmem>>, vector<1x16xf32>,
          %get3A_1037 = vector.shape_cast %get3A_1036 : vector<1x16xf32> to vector<16xf32>
          %mul3A_1038 = arith.mulf %get3A_1037, %gather3A_979 : vector<16xf32>
          %swap3A_1039 = arith.index_cast %add3A_983 : i32 to index
          %swap3A_1040 = arith.constant 80 : index
          %swap3A_1041 = tpu.vector_load %arg12[%swap3A_1039, %swap3A_1040] {strides = array<i32>} : memref<80x128xf32, #tpu.memory_space<vmem>>, vector<1x16xf32>,
          %swap3A_1042 = vector.shape_cast %swap3A_1041 : vector<1x16xf32> to vector<16xf32>
          %swap3A_1043 = vector.shape_cast %mul3A_1038 : vector<16xf32> to vector<1x16xf32>
          tpu.vector_store %arg12[%swap3A_1039, %swap3A_1040], %swap3A_1043 {strides = array<i32>} : memref<80x128xf32, #tpu.memory_space<vmem>>, vector<1x16xf32>,
          %get3A_1044 = arith.index_cast %add3A_983 : i32 to index
          %get3A_1045 = arith.constant 96 : index
          %get3A_1046 = tpu.vector_load %arg12[%get3A_1044, %get3A_1045] {strides = array<i32>} : memref<80x128xf32, #tpu.memory_space<vmem>>, vector<1x16xf32>,
          %get3A_1047 = vector.shape_cast %get3A_1046 : vector<1x16xf32> to vector<16xf32>
          %mul3A_1048 = arith.mulf %get3A_1047, %gather3A_979 : vector<16xf32>
          %swap3A_1049 = arith.index_cast %add3A_983 : i32 to index
          %swap3A_1050 = arith.constant 96 : index
          %swap3A_1051 = tpu.vector_load %arg12[%swap3A_1049, %swap3A_1050] {strides = array<i32>} : memref<80x128xf32, #tpu.memory_space<vmem>>, vector<1x16xf32>,
          %swap3A_1052 = vector.shape_cast %swap3A_1051 : vector<1x16xf32> to vector<16xf32>
          %swap3A_1053 = vector.shape_cast %mul3A_1048 : vector<16xf32> to vector<1x16xf32>
          tpu.vector_store %arg12[%swap3A_1049, %swap3A_1050], %swap3A_1053 {strides = array<i32>} : memref<80x128xf32, #tpu.memory_space<vmem>>, vector<1x16xf32>,
          %get3A_1054 = arith.index_cast %add3A_983 : i32 to index
          %get3A_1055 = arith.constant 112 : index
          %get3A_1056 = tpu.vector_load %arg12[%get3A_1054, %get3A_1055] {strides = array<i32>} : memref<80x128xf32, #tpu.memory_space<vmem>>, vector<1x16xf32>,
          %get3A_1057 = vector.shape_cast %get3A_1056 : vector<1x16xf32> to vector<16xf32>
          %mul3A_1058 = arith.mulf %get3A_1057, %gather3A_979 : vector<16xf32>
          %swap3A_1059 = arith.index_cast %add3A_983 : i32 to index
          %swap3A_1060 = arith.constant 112 : index
          %swap3A_1061 = tpu.vector_load %arg12[%swap3A_1059, %swap3A_1060] {strides = array<i32>} : memref<80x128xf32, #tpu.memory_space<vmem>>, vector<1x16xf32>,
          %swap3A_1062 = vector.shape_cast %swap3A_1061 : vector<1x16xf32> to vector<16xf32>
          %swap3A_1063 = vector.shape_cast %mul3A_1058 : vector<16xf32> to vector<1x16xf32>
          tpu.vector_store %arg12[%swap3A_1059, %swap3A_1060], %swap3A_1063 {strides = array<i32>} : memref<80x128xf32, #tpu.memory_space<vmem>>, vector<1x16xf32>,
          %broadcast_in_dim3A_1064 = arith.constant 11 : i32
          %broadcast_in_dim3A_1065 = vector.broadcast %broadcast_in_dim3A_1064 : i32 to vector<16x1xi32>
          %gather3A_1066 = vector.shape_cast %broadcast_in_dim3A_1065 : vector<16x1xi32> to vector<16xi32>
          %gather3A_1067 = tpu.dynamic_gather %get3A_98[%gather3A_1066] in [0] : vector<16xf32>, vector<16xi32> -> vector<16xf32>
          %mul3A_1068 = arith.constant 16 : i32
          %mul3A_1069 = arith.muli %scan3A_93, %mul3A_1068 : i32
          %add3A_1070 = arith.constant 11 : i32
          %add3A_1071 = arith.addi %mul3A_1069, %add3A_1070 : i32
          %get3A_1072 = arith.index_cast %add3A_1071 : i32 to index
          %get3A_1073 = arith.constant 0 : index
          %get3A_1074 = tpu.vector_load %arg12[%get3A_1072, %get3A_1073] {strides = array<i32>} : memref<80x128xf32, #tpu.memory_space<vmem>>, vector<1x16xf32>,
          %get3A_1075 = vector.shape_cast %get3A_1074 : vector<1x16xf32> to vector<16xf32>
          %mul3A_1076 = arith.mulf %get3A_1075, %gather3A_1067 : vector<16xf32>
          %swap3A_1077 = arith.index_cast %add3A_1071 : i32 to index
          %swap3A_1078 = arith.constant 0 : index
          %swap3A_1079 = tpu.vector_load %arg12[%swap3A_1077, %swap3A_1078] {strides = array<i32>} : memref<80x128xf32, #tpu.memory_space<vmem>>, vector<1x16xf32>,
          %swap3A_1080 = vector.shape_cast %swap3A_1079 : vector<1x16xf32> to vector<16xf32>
          %swap3A_1081 = vector.shape_cast %mul3A_1076 : vector<16xf32> to vector<1x16xf32>
          tpu.vector_store %arg12[%swap3A_1077, %swap3A_1078], %swap3A_1081 {strides = array<i32>} : memref<80x128xf32, #tpu.memory_space<vmem>>, vector<1x16xf32>,
          %get3A_1082 = arith.index_cast %add3A_1071 : i32 to index
          %get3A_1083 = arith.constant 16 : index
          %get3A_1084 = tpu.vector_load %arg12[%get3A_1082, %get3A_1083] {strides = array<i32>} : memref<80x128xf32, #tpu.memory_space<vmem>>, vector<1x16xf32>,
          %get3A_1085 = vector.shape_cast %get3A_1084 : vector<1x16xf32> to vector<16xf32>
          %mul3A_1086 = arith.mulf %get3A_1085, %gather3A_1067 : vector<16xf32>
          %swap3A_1087 = arith.index_cast %add3A_1071 : i32 to index
          %swap3A_1088 = arith.constant 16 : index
          %swap3A_1089 = tpu.vector_load %arg12[%swap3A_1087, %swap3A_1088] {strides = array<i32>} : memref<80x128xf32, #tpu.memory_space<vmem>>, vector<1x16xf32>,
          %swap3A_1090 = vector.shape_cast %swap3A_1089 : vector<1x16xf32> to vector<16xf32>
          %swap3A_1091 = vector.shape_cast %mul3A_1086 : vector<16xf32> to vector<1x16xf32>
          tpu.vector_store %arg12[%swap3A_1087, %swap3A_1088], %swap3A_1091 {strides = array<i32>} : memref<80x128xf32, #tpu.memory_space<vmem>>, vector<1x16xf32>,
          %get3A_1092 = arith.index_cast %add3A_1071 : i32 to index
          %get3A_1093 = arith.constant 32 : index
          %get3A_1094 = tpu.vector_load %arg12[%get3A_1092, %get3A_1093] {strides = array<i32>} : memref<80x128xf32, #tpu.memory_space<vmem>>, vector<1x16xf32>,
          %get3A_1095 = vector.shape_cast %get3A_1094 : vector<1x16xf32> to vector<16xf32>
          %mul3A_1096 = arith.mulf %get3A_1095, %gather3A_1067 : vector<16xf32>
          %swap3A_1097 = arith.index_cast %add3A_1071 : i32 to index
          %swap3A_1098 = arith.constant 32 : index
          %swap3A_1099 = tpu.vector_load %arg12[%swap3A_1097, %swap3A_1098] {strides = array<i32>} : memref<80x128xf32, #tpu.memory_space<vmem>>, vector<1x16xf32>,
          %swap3A_1100 = vector.shape_cast %swap3A_1099 : vector<1x16xf32> to vector<16xf32>
          %swap3A_1101 = vector.shape_cast %mul3A_1096 : vector<16xf32> to vector<1x16xf32>
          tpu.vector_store %arg12[%swap3A_1097, %swap3A_1098], %swap3A_1101 {strides = array<i32>} : memref<80x128xf32, #tpu.memory_space<vmem>>, vector<1x16xf32>,
          %get3A_1102 = arith.index_cast %add3A_1071 : i32 to index
          %get3A_1103 = arith.constant 48 : index
          %get3A_1104 = tpu.vector_load %arg12[%get3A_1102, %get3A_1103] {strides = array<i32>} : memref<80x128xf32, #tpu.memory_space<vmem>>, vector<1x16xf32>,
          %get3A_1105 = vector.shape_cast %get3A_1104 : vector<1x16xf32> to vector<16xf32>
          %mul3A_1106 = arith.mulf %get3A_1105, %gather3A_1067 : vector<16xf32>
          %swap3A_1107 = arith.index_cast %add3A_1071 : i32 to index
          %swap3A_1108 = arith.constant 48 : index
          %swap3A_1109 = tpu.vector_load %arg12[%swap3A_1107, %swap3A_1108] {strides = array<i32>} : memref<80x128xf32, #tpu.memory_space<vmem>>, vector<1x16xf32>,
          %swap3A_1110 = vector.shape_cast %swap3A_1109 : vector<1x16xf32> to vector<16xf32>
          %swap3A_1111 = vector.shape_cast %mul3A_1106 : vector<16xf32> to vector<1x16xf32>
          tpu.vector_store %arg12[%swap3A_1107, %swap3A_1108], %swap3A_1111 {strides = array<i32>} : memref<80x128xf32, #tpu.memory_space<vmem>>, vector<1x16xf32>,
          %get3A_1112 = arith.index_cast %add3A_1071 : i32 to index
          %get3A_1113 = arith.constant 64 : index
          %get3A_1114 = tpu.vector_load %arg12[%get3A_1112, %get3A_1113] {strides = array<i32>} : memref<80x128xf32, #tpu.memory_space<vmem>>, vector<1x16xf32>,
          %get3A_1115 = vector.shape_cast %get3A_1114 : vector<1x16xf32> to vector<16xf32>
          %mul3A_1116 = arith.mulf %get3A_1115, %gather3A_1067 : vector<16xf32>
          %swap3A_1117 = arith.index_cast %add3A_1071 : i32 to index
          %swap3A_1118 = arith.constant 64 : index
          %swap3A_1119 = tpu.vector_load %arg12[%swap3A_1117, %swap3A_1118] {strides = array<i32>} : memref<80x128xf32, #tpu.memory_space<vmem>>, vector<1x16xf32>,
          %swap3A_1120 = vector.shape_cast %swap3A_1119 : vector<1x16xf32> to vector<16xf32>
          %swap3A_1121 = vector.shape_cast %mul3A_1116 : vector<16xf32> to vector<1x16xf32>
          tpu.vector_store %arg12[%swap3A_1117, %swap3A_1118], %swap3A_1121 {strides = array<i32>} : memref<80x128xf32, #tpu.memory_space<vmem>>, vector<1x16xf32>,
          %get3A_1122 = arith.index_cast %add3A_1071 : i32 to index
          %get3A_1123 = arith.constant 80 : index
          %get3A_1124 = tpu.vector_load %arg12[%get3A_1122, %get3A_1123] {strides = array<i32>} : memref<80x128xf32, #tpu.memory_space<vmem>>, vector<1x16xf32>,
          %get3A_1125 = vector.shape_cast %get3A_1124 : vector<1x16xf32> to vector<16xf32>
          %mul3A_1126 = arith.mulf %get3A_1125, %gather3A_1067 : vector<16xf32>
          %swap3A_1127 = arith.index_cast %add3A_1071 : i32 to index
          %swap3A_1128 = arith.constant 80 : index
          %swap3A_1129 = tpu.vector_load %arg12[%swap3A_1127, %swap3A_1128] {strides = array<i32>} : memref<80x128xf32, #tpu.memory_space<vmem>>, vector<1x16xf32>,
          %swap3A_1130 = vector.shape_cast %swap3A_1129 : vector<1x16xf32> to vector<16xf32>
          %swap3A_1131 = vector.shape_cast %mul3A_1126 : vector<16xf32> to vector<1x16xf32>
          tpu.vector_store %arg12[%swap3A_1127, %swap3A_1128], %swap3A_1131 {strides = array<i32>} : memref<80x128xf32, #tpu.memory_space<vmem>>, vector<1x16xf32>,
          %get3A_1132 = arith.index_cast %add3A_1071 : i32 to index
          %get3A_1133 = arith.constant 96 : index
          %get3A_1134 = tpu.vector_load %arg12[%get3A_1132, %get3A_1133] {strides = array<i32>} : memref<80x128xf32, #tpu.memory_space<vmem>>, vector<1x16xf32>,
          %get3A_1135 = vector.shape_cast %get3A_1134 : vector<1x16xf32> to vector<16xf32>
          %mul3A_1136 = arith.mulf %get3A_1135, %gather3A_1067 : vector<16xf32>
          %swap3A_1137 = arith.index_cast %add3A_1071 : i32 to index
          %swap3A_1138 = arith.constant 96 : index
          %swap3A_1139 = tpu.vector_load %arg12[%swap3A_1137, %swap3A_1138] {strides = array<i32>} : memref<80x128xf32, #tpu.memory_space<vmem>>, vector<1x16xf32>,
          %swap3A_1140 = vector.shape_cast %swap3A_1139 : vector<1x16xf32> to vector<16xf32>
          %swap3A_1141 = vector.shape_cast %mul3A_1136 : vector<16xf32> to vector<1x16xf32>
          tpu.vector_store %arg12[%swap3A_1137, %swap3A_1138], %swap3A_1141 {strides = array<i32>} : memref<80x128xf32, #tpu.memory_space<vmem>>, vector<1x16xf32>,
          %get3A_1142 = arith.index_cast %add3A_1071 : i32 to index
          %get3A_1143 = arith.constant 112 : index
          %get3A_1144 = tpu.vector_load %arg12[%get3A_1142, %get3A_1143] {strides = array<i32>} : memref<80x128xf32, #tpu.memory_space<vmem>>, vector<1x16xf32>,
          %get3A_1145 = vector.shape_cast %get3A_1144 : vector<1x16xf32> to vector<16xf32>
          %mul3A_1146 = arith.mulf %get3A_1145, %gather3A_1067 : vector<16xf32>
          %swap3A_1147 = arith.index_cast %add3A_1071 : i32 to index
          %swap3A_1148 = arith.constant 112 : index
          %swap3A_1149 = tpu.vector_load %arg12[%swap3A_1147, %swap3A_1148] {strides = array<i32>} : memref<80x128xf32, #tpu.memory_space<vmem>>, vector<1x16xf32>,
          %swap3A_1150 = vector.shape_cast %swap3A_1149 : vector<1x16xf32> to vector<16xf32>
          %swap3A_1151 = vector.shape_cast %mul3A_1146 : vector<16xf32> to vector<1x16xf32>
          tpu.vector_store %arg12[%swap3A_1147, %swap3A_1148], %swap3A_1151 {strides = array<i32>} : memref<80x128xf32, #tpu.memory_space<vmem>>, vector<1x16xf32>,
          %broadcast_in_dim3A_1152 = arith.constant 12 : i32
          %broadcast_in_dim3A_1153 = vector.broadcast %broadcast_in_dim3A_1152 : i32 to vector<16x1xi32>
          %gather3A_1154 = vector.shape_cast %broadcast_in_dim3A_1153 : vector<16x1xi32> to vector<16xi32>
          %gather3A_1155 = tpu.dynamic_gather %get3A_98[%gather3A_1154] in [0] : vector<16xf32>, vector<16xi32> -> vector<16xf32>
          %mul3A_1156 = arith.constant 16 : i32
          %mul3A_1157 = arith.muli %scan3A_93, %mul3A_1156 : i32
          %add3A_1158 = arith.constant 12 : i32
          %add3A_1159 = arith.addi %mul3A_1157, %add3A_1158 : i32
          %get3A_1160 = arith.index_cast %add3A_1159 : i32 to index
          %get3A_1161 = arith.constant 0 : index
          %get3A_1162 = tpu.vector_load %arg12[%get3A_1160, %get3A_1161] {strides = array<i32>} : memref<80x128xf32, #tpu.memory_space<vmem>>, vector<1x16xf32>,
          %get3A_1163 = vector.shape_cast %get3A_1162 : vector<1x16xf32> to vector<16xf32>
          %mul3A_1164 = arith.mulf %get3A_1163, %gather3A_1155 : vector<16xf32>
          %swap3A_1165 = arith.index_cast %add3A_1159 : i32 to index
          %swap3A_1166 = arith.constant 0 : index
          %swap3A_1167 = tpu.vector_load %arg12[%swap3A_1165, %swap3A_1166] {strides = array<i32>} : memref<80x128xf32, #tpu.memory_space<vmem>>, vector<1x16xf32>,
          %swap3A_1168 = vector.shape_cast %swap3A_1167 : vector<1x16xf32> to vector<16xf32>
          %swap3A_1169 = vector.shape_cast %mul3A_1164 : vector<16xf32> to vector<1x16xf32>
          tpu.vector_store %arg12[%swap3A_1165, %swap3A_1166], %swap3A_1169 {strides = array<i32>} : memref<80x128xf32, #tpu.memory_space<vmem>>, vector<1x16xf32>,
          %get3A_1170 = arith.index_cast %add3A_1159 : i32 to index
          %get3A_1171 = arith.constant 16 : index
          %get3A_1172 = tpu.vector_load %arg12[%get3A_1170, %get3A_1171] {strides = array<i32>} : memref<80x128xf32, #tpu.memory_space<vmem>>, vector<1x16xf32>,
          %get3A_1173 = vector.shape_cast %get3A_1172 : vector<1x16xf32> to vector<16xf32>
          %mul3A_1174 = arith.mulf %get3A_1173, %gather3A_1155 : vector<16xf32>
          %swap3A_1175 = arith.index_cast %add3A_1159 : i32 to index
          %swap3A_1176 = arith.constant 16 : index
          %swap3A_1177 = tpu.vector_load %arg12[%swap3A_1175, %swap3A_1176] {strides = array<i32>} : memref<80x128xf32, #tpu.memory_space<vmem>>, vector<1x16xf32>,
          %swap3A_1178 = vector.shape_cast %swap3A_1177 : vector<1x16xf32> to vector<16xf32>
          %swap3A_1179 = vector.shape_cast %mul3A_1174 : vector<16xf32> to vector<1x16xf32>
          tpu.vector_store %arg12[%swap3A_1175, %swap3A_1176], %swap3A_1179 {strides = array<i32>} : memref<80x128xf32, #tpu.memory_space<vmem>>, vector<1x16xf32>,
          %get3A_1180 = arith.index_cast %add3A_1159 : i32 to index
          %get3A_1181 = arith.constant 32 : index
          %get3A_1182 = tpu.vector_load %arg12[%get3A_1180, %get3A_1181] {strides = array<i32>} : memref<80x128xf32, #tpu.memory_space<vmem>>, vector<1x16xf32>,
          %get3A_1183 = vector.shape_cast %get3A_1182 : vector<1x16xf32> to vector<16xf32>
          %mul3A_1184 = arith.mulf %get3A_1183, %gather3A_1155 : vector<16xf32>
          %swap3A_1185 = arith.index_cast %add3A_1159 : i32 to index
          %swap3A_1186 = arith.constant 32 : index
          %swap3A_1187 = tpu.vector_load %arg12[%swap3A_1185, %swap3A_1186] {strides = array<i32>} : memref<80x128xf32, #tpu.memory_space<vmem>>, vector<1x16xf32>,
          %swap3A_1188 = vector.shape_cast %swap3A_1187 : vector<1x16xf32> to vector<16xf32>
          %swap3A_1189 = vector.shape_cast %mul3A_1184 : vector<16xf32> to vector<1x16xf32>
          tpu.vector_store %arg12[%swap3A_1185, %swap3A_1186], %swap3A_1189 {strides = array<i32>} : memref<80x128xf32, #tpu.memory_space<vmem>>, vector<1x16xf32>,
          %get3A_1190 = arith.index_cast %add3A_1159 : i32 to index
          %get3A_1191 = arith.constant 48 : index
          %get3A_1192 = tpu.vector_load %arg12[%get3A_1190, %get3A_1191] {strides = array<i32>} : memref<80x128xf32, #tpu.memory_space<vmem>>, vector<1x16xf32>,
          %get3A_1193 = vector.shape_cast %get3A_1192 : vector<1x16xf32> to vector<16xf32>
          %mul3A_1194 = arith.mulf %get3A_1193, %gather3A_1155 : vector<16xf32>
          %swap3A_1195 = arith.index_cast %add3A_1159 : i32 to index
          %swap3A_1196 = arith.constant 48 : index
          %swap3A_1197 = tpu.vector_load %arg12[%swap3A_1195, %swap3A_1196] {strides = array<i32>} : memref<80x128xf32, #tpu.memory_space<vmem>>, vector<1x16xf32>,
          %swap3A_1198 = vector.shape_cast %swap3A_1197 : vector<1x16xf32> to vector<16xf32>
          %swap3A_1199 = vector.shape_cast %mul3A_1194 : vector<16xf32> to vector<1x16xf32>
          tpu.vector_store %arg12[%swap3A_1195, %swap3A_1196], %swap3A_1199 {strides = array<i32>} : memref<80x128xf32, #tpu.memory_space<vmem>>, vector<1x16xf32>,
          %get3A_1200 = arith.index_cast %add3A_1159 : i32 to index
          %get3A_1201 = arith.constant 64 : index
          %get3A_1202 = tpu.vector_load %arg12[%get3A_1200, %get3A_1201] {strides = array<i32>} : memref<80x128xf32, #tpu.memory_space<vmem>>, vector<1x16xf32>,
          %get3A_1203 = vector.shape_cast %get3A_1202 : vector<1x16xf32> to vector<16xf32>
          %mul3A_1204 = arith.mulf %get3A_1203, %gather3A_1155 : vector<16xf32>
          %swap3A_1205 = arith.index_cast %add3A_1159 : i32 to index
          %swap3A_1206 = arith.constant 64 : index
          %swap3A_1207 = tpu.vector_load %arg12[%swap3A_1205, %swap3A_1206] {strides = array<i32>} : memref<80x128xf32, #tpu.memory_space<vmem>>, vector<1x16xf32>,
          %swap3A_1208 = vector.shape_cast %swap3A_1207 : vector<1x16xf32> to vector<16xf32>
          %swap3A_1209 = vector.shape_cast %mul3A_1204 : vector<16xf32> to vector<1x16xf32>
          tpu.vector_store %arg12[%swap3A_1205, %swap3A_1206], %swap3A_1209 {strides = array<i32>} : memref<80x128xf32, #tpu.memory_space<vmem>>, vector<1x16xf32>,
          %get3A_1210 = arith.index_cast %add3A_1159 : i32 to index
          %get3A_1211 = arith.constant 80 : index
          %get3A_1212 = tpu.vector_load %arg12[%get3A_1210, %get3A_1211] {strides = array<i32>} : memref<80x128xf32, #tpu.memory_space<vmem>>, vector<1x16xf32>,
          %get3A_1213 = vector.shape_cast %get3A_1212 : vector<1x16xf32> to vector<16xf32>
          %mul3A_1214 = arith.mulf %get3A_1213, %gather3A_1155 : vector<16xf32>
          %swap3A_1215 = arith.index_cast %add3A_1159 : i32 to index
          %swap3A_1216 = arith.constant 80 : index
          %swap3A_1217 = tpu.vector_load %arg12[%swap3A_1215, %swap3A_1216] {strides = array<i32>} : memref<80x128xf32, #tpu.memory_space<vmem>>, vector<1x16xf32>,
          %swap3A_1218 = vector.shape_cast %swap3A_1217 : vector<1x16xf32> to vector<16xf32>
          %swap3A_1219 = vector.shape_cast %mul3A_1214 : vector<16xf32> to vector<1x16xf32>
          tpu.vector_store %arg12[%swap3A_1215, %swap3A_1216], %swap3A_1219 {strides = array<i32>} : memref<80x128xf32, #tpu.memory_space<vmem>>, vector<1x16xf32>,
          %get3A_1220 = arith.index_cast %add3A_1159 : i32 to index
          %get3A_1221 = arith.constant 96 : index
          %get3A_1222 = tpu.vector_load %arg12[%get3A_1220, %get3A_1221] {strides = array<i32>} : memref<80x128xf32, #tpu.memory_space<vmem>>, vector<1x16xf32>,
          %get3A_1223 = vector.shape_cast %get3A_1222 : vector<1x16xf32> to vector<16xf32>
          %mul3A_1224 = arith.mulf %get3A_1223, %gather3A_1155 : vector<16xf32>
          %swap3A_1225 = arith.index_cast %add3A_1159 : i32 to index
          %swap3A_1226 = arith.constant 96 : index
          %swap3A_1227 = tpu.vector_load %arg12[%swap3A_1225, %swap3A_1226] {strides = array<i32>} : memref<80x128xf32, #tpu.memory_space<vmem>>, vector<1x16xf32>,
          %swap3A_1228 = vector.shape_cast %swap3A_1227 : vector<1x16xf32> to vector<16xf32>
          %swap3A_1229 = vector.shape_cast %mul3A_1224 : vector<16xf32> to vector<1x16xf32>
          tpu.vector_store %arg12[%swap3A_1225, %swap3A_1226], %swap3A_1229 {strides = array<i32>} : memref<80x128xf32, #tpu.memory_space<vmem>>, vector<1x16xf32>,
          %get3A_1230 = arith.index_cast %add3A_1159 : i32 to index
          %get3A_1231 = arith.constant 112 : index
          %get3A_1232 = tpu.vector_load %arg12[%get3A_1230, %get3A_1231] {strides = array<i32>} : memref<80x128xf32, #tpu.memory_space<vmem>>, vector<1x16xf32>,
          %get3A_1233 = vector.shape_cast %get3A_1232 : vector<1x16xf32> to vector<16xf32>
          %mul3A_1234 = arith.mulf %get3A_1233, %gather3A_1155 : vector<16xf32>
          %swap3A_1235 = arith.index_cast %add3A_1159 : i32 to index
          %swap3A_1236 = arith.constant 112 : index
          %swap3A_1237 = tpu.vector_load %arg12[%swap3A_1235, %swap3A_1236] {strides = array<i32>} : memref<80x128xf32, #tpu.memory_space<vmem>>, vector<1x16xf32>,
          %swap3A_1238 = vector.shape_cast %swap3A_1237 : vector<1x16xf32> to vector<16xf32>
          %swap3A_1239 = vector.shape_cast %mul3A_1234 : vector<16xf32> to vector<1x16xf32>
          tpu.vector_store %arg12[%swap3A_1235, %swap3A_1236], %swap3A_1239 {strides = array<i32>} : memref<80x128xf32, #tpu.memory_space<vmem>>, vector<1x16xf32>,
          %broadcast_in_dim3A_1240 = arith.constant 13 : i32
          %broadcast_in_dim3A_1241 = vector.broadcast %broadcast_in_dim3A_1240 : i32 to vector<16x1xi32>
          %gather3A_1242 = vector.shape_cast %broadcast_in_dim3A_1241 : vector<16x1xi32> to vector<16xi32>
          %gather3A_1243 = tpu.dynamic_gather %get3A_98[%gather3A_1242] in [0] : vector<16xf32>, vector<16xi32> -> vector<16xf32>
          %mul3A_1244 = arith.constant 16 : i32
          %mul3A_1245 = arith.muli %scan3A_93, %mul3A_1244 : i32
          %add3A_1246 = arith.constant 13 : i32
          %add3A_1247 = arith.addi %mul3A_1245, %add3A_1246 : i32
          %get3A_1248 = arith.index_cast %add3A_1247 : i32 to index
          %get3A_1249 = arith.constant 0 : index
          %get3A_1250 = tpu.vector_load %arg12[%get3A_1248, %get3A_1249] {strides = array<i32>} : memref<80x128xf32, #tpu.memory_space<vmem>>, vector<1x16xf32>,
          %get3A_1251 = vector.shape_cast %get3A_1250 : vector<1x16xf32> to vector<16xf32>
          %mul3A_1252 = arith.mulf %get3A_1251, %gather3A_1243 : vector<16xf32>
          %swap3A_1253 = arith.index_cast %add3A_1247 : i32 to index
          %swap3A_1254 = arith.constant 0 : index
          %swap3A_1255 = tpu.vector_load %arg12[%swap3A_1253, %swap3A_1254] {strides = array<i32>} : memref<80x128xf32, #tpu.memory_space<vmem>>, vector<1x16xf32>,
          %swap3A_1256 = vector.shape_cast %swap3A_1255 : vector<1x16xf32> to vector<16xf32>
          %swap3A_1257 = vector.shape_cast %mul3A_1252 : vector<16xf32> to vector<1x16xf32>
          tpu.vector_store %arg12[%swap3A_1253, %swap3A_1254], %swap3A_1257 {strides = array<i32>} : memref<80x128xf32, #tpu.memory_space<vmem>>, vector<1x16xf32>,
          %get3A_1258 = arith.index_cast %add3A_1247 : i32 to index
          %get3A_1259 = arith.constant 16 : index
          %get3A_1260 = tpu.vector_load %arg12[%get3A_1258, %get3A_1259] {strides = array<i32>} : memref<80x128xf32, #tpu.memory_space<vmem>>, vector<1x16xf32>,
          %get3A_1261 = vector.shape_cast %get3A_1260 : vector<1x16xf32> to vector<16xf32>
          %mul3A_1262 = arith.mulf %get3A_1261, %gather3A_1243 : vector<16xf32>
          %swap3A_1263 = arith.index_cast %add3A_1247 : i32 to index
          %swap3A_1264 = arith.constant 16 : index
          %swap3A_1265 = tpu.vector_load %arg12[%swap3A_1263, %swap3A_1264] {strides = array<i32>} : memref<80x128xf32, #tpu.memory_space<vmem>>, vector<1x16xf32>,
          %swap3A_1266 = vector.shape_cast %swap3A_1265 : vector<1x16xf32> to vector<16xf32>
          %swap3A_1267 = vector.shape_cast %mul3A_1262 : vector<16xf32> to vector<1x16xf32>
          tpu.vector_store %arg12[%swap3A_1263, %swap3A_1264], %swap3A_1267 {strides = array<i32>} : memref<80x128xf32, #tpu.memory_space<vmem>>, vector<1x16xf32>,
          %get3A_1268 = arith.index_cast %add3A_1247 : i32 to index
          %get3A_1269 = arith.constant 32 : index
          %get3A_1270 = tpu.vector_load %arg12[%get3A_1268, %get3A_1269] {strides = array<i32>} : memref<80x128xf32, #tpu.memory_space<vmem>>, vector<1x16xf32>,
          %get3A_1271 = vector.shape_cast %get3A_1270 : vector<1x16xf32> to vector<16xf32>
          %mul3A_1272 = arith.mulf %get3A_1271, %gather3A_1243 : vector<16xf32>
          %swap3A_1273 = arith.index_cast %add3A_1247 : i32 to index
          %swap3A_1274 = arith.constant 32 : index
          %swap3A_1275 = tpu.vector_load %arg12[%swap3A_1273, %swap3A_1274] {strides = array<i32>} : memref<80x128xf32, #tpu.memory_space<vmem>>, vector<1x16xf32>,
          %swap3A_1276 = vector.shape_cast %swap3A_1275 : vector<1x16xf32> to vector<16xf32>
          %swap3A_1277 = vector.shape_cast %mul3A_1272 : vector<16xf32> to vector<1x16xf32>
          tpu.vector_store %arg12[%swap3A_1273, %swap3A_1274], %swap3A_1277 {strides = array<i32>} : memref<80x128xf32, #tpu.memory_space<vmem>>, vector<1x16xf32>,
          %get3A_1278 = arith.index_cast %add3A_1247 : i32 to index
          %get3A_1279 = arith.constant 48 : index
          %get3A_1280 = tpu.vector_load %arg12[%get3A_1278, %get3A_1279] {strides = array<i32>} : memref<80x128xf32, #tpu.memory_space<vmem>>, vector<1x16xf32>,
          %get3A_1281 = vector.shape_cast %get3A_1280 : vector<1x16xf32> to vector<16xf32>
          %mul3A_1282 = arith.mulf %get3A_1281, %gather3A_1243 : vector<16xf32>
          %swap3A_1283 = arith.index_cast %add3A_1247 : i32 to index
          %swap3A_1284 = arith.constant 48 : index
          %swap3A_1285 = tpu.vector_load %arg12[%swap3A_1283, %swap3A_1284] {strides = array<i32>} : memref<80x128xf32, #tpu.memory_space<vmem>>, vector<1x16xf32>,
          %swap3A_1286 = vector.shape_cast %swap3A_1285 : vector<1x16xf32> to vector<16xf32>
          %swap3A_1287 = vector.shape_cast %mul3A_1282 : vector<16xf32> to vector<1x16xf32>
          tpu.vector_store %arg12[%swap3A_1283, %swap3A_1284], %swap3A_1287 {strides = array<i32>} : memref<80x128xf32, #tpu.memory_space<vmem>>, vector<1x16xf32>,
          %get3A_1288 = arith.index_cast %add3A_1247 : i32 to index
          %get3A_1289 = arith.constant 64 : index
          %get3A_1290 = tpu.vector_load %arg12[%get3A_1288, %get3A_1289] {strides = array<i32>} : memref<80x128xf32, #tpu.memory_space<vmem>>, vector<1x16xf32>,
          %get3A_1291 = vector.shape_cast %get3A_1290 : vector<1x16xf32> to vector<16xf32>
          %mul3A_1292 = arith.mulf %get3A_1291, %gather3A_1243 : vector<16xf32>
          %swap3A_1293 = arith.index_cast %add3A_1247 : i32 to index
          %swap3A_1294 = arith.constant 64 : index
          %swap3A_1295 = tpu.vector_load %arg12[%swap3A_1293, %swap3A_1294] {strides = array<i32>} : memref<80x128xf32, #tpu.memory_space<vmem>>, vector<1x16xf32>,
          %swap3A_1296 = vector.shape_cast %swap3A_1295 : vector<1x16xf32> to vector<16xf32>
          %swap3A_1297 = vector.shape_cast %mul3A_1292 : vector<16xf32> to vector<1x16xf32>
          tpu.vector_store %arg12[%swap3A_1293, %swap3A_1294], %swap3A_1297 {strides = array<i32>} : memref<80x128xf32, #tpu.memory_space<vmem>>, vector<1x16xf32>,
          %get3A_1298 = arith.index_cast %add3A_1247 : i32 to index
          %get3A_1299 = arith.constant 80 : index
          %get3A_1300 = tpu.vector_load %arg12[%get3A_1298, %get3A_1299] {strides = array<i32>} : memref<80x128xf32, #tpu.memory_space<vmem>>, vector<1x16xf32>,
          %get3A_1301 = vector.shape_cast %get3A_1300 : vector<1x16xf32> to vector<16xf32>
          %mul3A_1302 = arith.mulf %get3A_1301, %gather3A_1243 : vector<16xf32>
          %swap3A_1303 = arith.index_cast %add3A_1247 : i32 to index
          %swap3A_1304 = arith.constant 80 : index
          %swap3A_1305 = tpu.vector_load %arg12[%swap3A_1303, %swap3A_1304] {strides = array<i32>} : memref<80x128xf32, #tpu.memory_space<vmem>>, vector<1x16xf32>,
          %swap3A_1306 = vector.shape_cast %swap3A_1305 : vector<1x16xf32> to vector<16xf32>
          %swap3A_1307 = vector.shape_cast %mul3A_1302 : vector<16xf32> to vector<1x16xf32>
          tpu.vector_store %arg12[%swap3A_1303, %swap3A_1304], %swap3A_1307 {strides = array<i32>} : memref<80x128xf32, #tpu.memory_space<vmem>>, vector<1x16xf32>,
          %get3A_1308 = arith.index_cast %add3A_1247 : i32 to index
          %get3A_1309 = arith.constant 96 : index
          %get3A_1310 = tpu.vector_load %arg12[%get3A_1308, %get3A_1309] {strides = array<i32>} : memref<80x128xf32, #tpu.memory_space<vmem>>, vector<1x16xf32>,
          %get3A_1311 = vector.shape_cast %get3A_1310 : vector<1x16xf32> to vector<16xf32>
          %mul3A_1312 = arith.mulf %get3A_1311, %gather3A_1243 : vector<16xf32>
          %swap3A_1313 = arith.index_cast %add3A_1247 : i32 to index
          %swap3A_1314 = arith.constant 96 : index
          %swap3A_1315 = tpu.vector_load %arg12[%swap3A_1313, %swap3A_1314] {strides = array<i32>} : memref<80x128xf32, #tpu.memory_space<vmem>>, vector<1x16xf32>,
          %swap3A_1316 = vector.shape_cast %swap3A_1315 : vector<1x16xf32> to vector<16xf32>
          %swap3A_1317 = vector.shape_cast %mul3A_1312 : vector<16xf32> to vector<1x16xf32>
          tpu.vector_store %arg12[%swap3A_1313, %swap3A_1314], %swap3A_1317 {strides = array<i32>} : memref<80x128xf32, #tpu.memory_space<vmem>>, vector<1x16xf32>,
          %get3A_1318 = arith.index_cast %add3A_1247 : i32 to index
          %get3A_1319 = arith.constant 112 : index
          %get3A_1320 = tpu.vector_load %arg12[%get3A_1318, %get3A_1319] {strides = array<i32>} : memref<80x128xf32, #tpu.memory_space<vmem>>, vector<1x16xf32>,
          %get3A_1321 = vector.shape_cast %get3A_1320 : vector<1x16xf32> to vector<16xf32>
          %mul3A_1322 = arith.mulf %get3A_1321, %gather3A_1243 : vector<16xf32>
          %swap3A_1323 = arith.index_cast %add3A_1247 : i32 to index
          %swap3A_1324 = arith.constant 112 : index
          %swap3A_1325 = tpu.vector_load %arg12[%swap3A_1323, %swap3A_1324] {strides = array<i32>} : memref<80x128xf32, #tpu.memory_space<vmem>>, vector<1x16xf32>,
          %swap3A_1326 = vector.shape_cast %swap3A_1325 : vector<1x16xf32> to vector<16xf32>
          %swap3A_1327 = vector.shape_cast %mul3A_1322 : vector<16xf32> to vector<1x16xf32>
          tpu.vector_store %arg12[%swap3A_1323, %swap3A_1324], %swap3A_1327 {strides = array<i32>} : memref<80x128xf32, #tpu.memory_space<vmem>>, vector<1x16xf32>,
          %broadcast_in_dim3A_1328 = arith.constant 14 : i32
          %broadcast_in_dim3A_1329 = vector.broadcast %broadcast_in_dim3A_1328 : i32 to vector<16x1xi32>
          %gather3A_1330 = vector.shape_cast %broadcast_in_dim3A_1329 : vector<16x1xi32> to vector<16xi32>
          %gather3A_1331 = tpu.dynamic_gather %get3A_98[%gather3A_1330] in [0] : vector<16xf32>, vector<16xi32> -> vector<16xf32>
          %mul3A_1332 = arith.constant 16 : i32
          %mul3A_1333 = arith.muli %scan3A_93, %mul3A_1332 : i32
          %add3A_1334 = arith.constant 14 : i32
          %add3A_1335 = arith.addi %mul3A_1333, %add3A_1334 : i32
          %get3A_1336 = arith.index_cast %add3A_1335 : i32 to index
          %get3A_1337 = arith.constant 0 : index
          %get3A_1338 = tpu.vector_load %arg12[%get3A_1336, %get3A_1337] {strides = array<i32>} : memref<80x128xf32, #tpu.memory_space<vmem>>, vector<1x16xf32>,
          %get3A_1339 = vector.shape_cast %get3A_1338 : vector<1x16xf32> to vector<16xf32>
          %mul3A_1340 = arith.mulf %get3A_1339, %gather3A_1331 : vector<16xf32>
          %swap3A_1341 = arith.index_cast %add3A_1335 : i32 to index
          %swap3A_1342 = arith.constant 0 : index
          %swap3A_1343 = tpu.vector_load %arg12[%swap3A_1341, %swap3A_1342] {strides = array<i32>} : memref<80x128xf32, #tpu.memory_space<vmem>>, vector<1x16xf32>,
          %swap3A_1344 = vector.shape_cast %swap3A_1343 : vector<1x16xf32> to vector<16xf32>
          %swap3A_1345 = vector.shape_cast %mul3A_1340 : vector<16xf32> to vector<1x16xf32>
          tpu.vector_store %arg12[%swap3A_1341, %swap3A_1342], %swap3A_1345 {strides = array<i32>} : memref<80x128xf32, #tpu.memory_space<vmem>>, vector<1x16xf32>,
          %get3A_1346 = arith.index_cast %add3A_1335 : i32 to index
          %get3A_1347 = arith.constant 16 : index
          %get3A_1348 = tpu.vector_load %arg12[%get3A_1346, %get3A_1347] {strides = array<i32>} : memref<80x128xf32, #tpu.memory_space<vmem>>, vector<1x16xf32>,
          %get3A_1349 = vector.shape_cast %get3A_1348 : vector<1x16xf32> to vector<16xf32>
          %mul3A_1350 = arith.mulf %get3A_1349, %gather3A_1331 : vector<16xf32>
          %swap3A_1351 = arith.index_cast %add3A_1335 : i32 to index
          %swap3A_1352 = arith.constant 16 : index
          %swap3A_1353 = tpu.vector_load %arg12[%swap3A_1351, %swap3A_1352] {strides = array<i32>} : memref<80x128xf32, #tpu.memory_space<vmem>>, vector<1x16xf32>,
          %swap3A_1354 = vector.shape_cast %swap3A_1353 : vector<1x16xf32> to vector<16xf32>
          %swap3A_1355 = vector.shape_cast %mul3A_1350 : vector<16xf32> to vector<1x16xf32>
          tpu.vector_store %arg12[%swap3A_1351, %swap3A_1352], %swap3A_1355 {strides = array<i32>} : memref<80x128xf32, #tpu.memory_space<vmem>>, vector<1x16xf32>,
          %get3A_1356 = arith.index_cast %add3A_1335 : i32 to index
          %get3A_1357 = arith.constant 32 : index
          %get3A_1358 = tpu.vector_load %arg12[%get3A_1356, %get3A_1357] {strides = array<i32>} : memref<80x128xf32, #tpu.memory_space<vmem>>, vector<1x16xf32>,
          %get3A_1359 = vector.shape_cast %get3A_1358 : vector<1x16xf32> to vector<16xf32>
          %mul3A_1360 = arith.mulf %get3A_1359, %gather3A_1331 : vector<16xf32>
          %swap3A_1361 = arith.index_cast %add3A_1335 : i32 to index
          %swap3A_1362 = arith.constant 32 : index
          %swap3A_1363 = tpu.vector_load %arg12[%swap3A_1361, %swap3A_1362] {strides = array<i32>} : memref<80x128xf32, #tpu.memory_space<vmem>>, vector<1x16xf32>,
          %swap3A_1364 = vector.shape_cast %swap3A_1363 : vector<1x16xf32> to vector<16xf32>
          %swap3A_1365 = vector.shape_cast %mul3A_1360 : vector<16xf32> to vector<1x16xf32>
          tpu.vector_store %arg12[%swap3A_1361, %swap3A_1362], %swap3A_1365 {strides = array<i32>} : memref<80x128xf32, #tpu.memory_space<vmem>>, vector<1x16xf32>,
          %get3A_1366 = arith.index_cast %add3A_1335 : i32 to index
          %get3A_1367 = arith.constant 48 : index
          %get3A_1368 = tpu.vector_load %arg12[%get3A_1366, %get3A_1367] {strides = array<i32>} : memref<80x128xf32, #tpu.memory_space<vmem>>, vector<1x16xf32>,
          %get3A_1369 = vector.shape_cast %get3A_1368 : vector<1x16xf32> to vector<16xf32>
          %mul3A_1370 = arith.mulf %get3A_1369, %gather3A_1331 : vector<16xf32>
          %swap3A_1371 = arith.index_cast %add3A_1335 : i32 to index
          %swap3A_1372 = arith.constant 48 : index
          %swap3A_1373 = tpu.vector_load %arg12[%swap3A_1371, %swap3A_1372] {strides = array<i32>} : memref<80x128xf32, #tpu.memory_space<vmem>>, vector<1x16xf32>,
          %swap3A_1374 = vector.shape_cast %swap3A_1373 : vector<1x16xf32> to vector<16xf32>
          %swap3A_1375 = vector.shape_cast %mul3A_1370 : vector<16xf32> to vector<1x16xf32>
          tpu.vector_store %arg12[%swap3A_1371, %swap3A_1372], %swap3A_1375 {strides = array<i32>} : memref<80x128xf32, #tpu.memory_space<vmem>>, vector<1x16xf32>,
          %get3A_1376 = arith.index_cast %add3A_1335 : i32 to index
          %get3A_1377 = arith.constant 64 : index
          %get3A_1378 = tpu.vector_load %arg12[%get3A_1376, %get3A_1377] {strides = array<i32>} : memref<80x128xf32, #tpu.memory_space<vmem>>, vector<1x16xf32>,
          %get3A_1379 = vector.shape_cast %get3A_1378 : vector<1x16xf32> to vector<16xf32>
          %mul3A_1380 = arith.mulf %get3A_1379, %gather3A_1331 : vector<16xf32>
          %swap3A_1381 = arith.index_cast %add3A_1335 : i32 to index
          %swap3A_1382 = arith.constant 64 : index
          %swap3A_1383 = tpu.vector_load %arg12[%swap3A_1381, %swap3A_1382] {strides = array<i32>} : memref<80x128xf32, #tpu.memory_space<vmem>>, vector<1x16xf32>,
          %swap3A_1384 = vector.shape_cast %swap3A_1383 : vector<1x16xf32> to vector<16xf32>
          %swap3A_1385 = vector.shape_cast %mul3A_1380 : vector<16xf32> to vector<1x16xf32>
          tpu.vector_store %arg12[%swap3A_1381, %swap3A_1382], %swap3A_1385 {strides = array<i32>} : memref<80x128xf32, #tpu.memory_space<vmem>>, vector<1x16xf32>,
          %get3A_1386 = arith.index_cast %add3A_1335 : i32 to index
          %get3A_1387 = arith.constant 80 : index
          %get3A_1388 = tpu.vector_load %arg12[%get3A_1386, %get3A_1387] {strides = array<i32>} : memref<80x128xf32, #tpu.memory_space<vmem>>, vector<1x16xf32>,
          %get3A_1389 = vector.shape_cast %get3A_1388 : vector<1x16xf32> to vector<16xf32>
          %mul3A_1390 = arith.mulf %get3A_1389, %gather3A_1331 : vector<16xf32>
          %swap3A_1391 = arith.index_cast %add3A_1335 : i32 to index
          %swap3A_1392 = arith.constant 80 : index
          %swap3A_1393 = tpu.vector_load %arg12[%swap3A_1391, %swap3A_1392] {strides = array<i32>} : memref<80x128xf32, #tpu.memory_space<vmem>>, vector<1x16xf32>,
          %swap3A_1394 = vector.shape_cast %swap3A_1393 : vector<1x16xf32> to vector<16xf32>
          %swap3A_1395 = vector.shape_cast %mul3A_1390 : vector<16xf32> to vector<1x16xf32>
          tpu.vector_store %arg12[%swap3A_1391, %swap3A_1392], %swap3A_1395 {strides = array<i32>} : memref<80x128xf32, #tpu.memory_space<vmem>>, vector<1x16xf32>,
          %get3A_1396 = arith.index_cast %add3A_1335 : i32 to index
          %get3A_1397 = arith.constant 96 : index
          %get3A_1398 = tpu.vector_load %arg12[%get3A_1396, %get3A_1397] {strides = array<i32>} : memref<80x128xf32, #tpu.memory_space<vmem>>, vector<1x16xf32>,
          %get3A_1399 = vector.shape_cast %get3A_1398 : vector<1x16xf32> to vector<16xf32>
          %mul3A_1400 = arith.mulf %get3A_1399, %gather3A_1331 : vector<16xf32>
          %swap3A_1401 = arith.index_cast %add3A_1335 : i32 to index
          %swap3A_1402 = arith.constant 96 : index
          %swap3A_1403 = tpu.vector_load %arg12[%swap3A_1401, %swap3A_1402] {strides = array<i32>} : memref<80x128xf32, #tpu.memory_space<vmem>>, vector<1x16xf32>,
          %swap3A_1404 = vector.shape_cast %swap3A_1403 : vector<1x16xf32> to vector<16xf32>
          %swap3A_1405 = vector.shape_cast %mul3A_1400 : vector<16xf32> to vector<1x16xf32>
          tpu.vector_store %arg12[%swap3A_1401, %swap3A_1402], %swap3A_1405 {strides = array<i32>} : memref<80x128xf32, #tpu.memory_space<vmem>>, vector<1x16xf32>,
          %get3A_1406 = arith.index_cast %add3A_1335 : i32 to index
          %get3A_1407 = arith.constant 112 : index
          %get3A_1408 = tpu.vector_load %arg12[%get3A_1406, %get3A_1407] {strides = array<i32>} : memref<80x128xf32, #tpu.memory_space<vmem>>, vector<1x16xf32>,
          %get3A_1409 = vector.shape_cast %get3A_1408 : vector<1x16xf32> to vector<16xf32>
          %mul3A_1410 = arith.mulf %get3A_1409, %gather3A_1331 : vector<16xf32>
          %swap3A_1411 = arith.index_cast %add3A_1335 : i32 to index
          %swap3A_1412 = arith.constant 112 : index
          %swap3A_1413 = tpu.vector_load %arg12[%swap3A_1411, %swap3A_1412] {strides = array<i32>} : memref<80x128xf32, #tpu.memory_space<vmem>>, vector<1x16xf32>,
          %swap3A_1414 = vector.shape_cast %swap3A_1413 : vector<1x16xf32> to vector<16xf32>
          %swap3A_1415 = vector.shape_cast %mul3A_1410 : vector<16xf32> to vector<1x16xf32>
          tpu.vector_store %arg12[%swap3A_1411, %swap3A_1412], %swap3A_1415 {strides = array<i32>} : memref<80x128xf32, #tpu.memory_space<vmem>>, vector<1x16xf32>,
          %broadcast_in_dim3A_1416 = arith.constant 15 : i32
          %broadcast_in_dim3A_1417 = vector.broadcast %broadcast_in_dim3A_1416 : i32 to vector<16x1xi32>
          %gather3A_1418 = vector.shape_cast %broadcast_in_dim3A_1417 : vector<16x1xi32> to vector<16xi32>
          %gather3A_1419 = tpu.dynamic_gather %get3A_98[%gather3A_1418] in [0] : vector<16xf32>, vector<16xi32> -> vector<16xf32>
          %mul3A_1420 = arith.constant 16 : i32
          %mul3A_1421 = arith.muli %scan3A_93, %mul3A_1420 : i32
          %add3A_1422 = arith.constant 15 : i32
          %add3A_1423 = arith.addi %mul3A_1421, %add3A_1422 : i32
          %get3A_1424 = arith.index_cast %add3A_1423 : i32 to index
          %get3A_1425 = arith.constant 0 : index
          %get3A_1426 = tpu.vector_load %arg12[%get3A_1424, %get3A_1425] {strides = array<i32>} : memref<80x128xf32, #tpu.memory_space<vmem>>, vector<1x16xf32>,
          %get3A_1427 = vector.shape_cast %get3A_1426 : vector<1x16xf32> to vector<16xf32>
          %mul3A_1428 = arith.mulf %get3A_1427, %gather3A_1419 : vector<16xf32>
          %swap3A_1429 = arith.index_cast %add3A_1423 : i32 to index
          %swap3A_1430 = arith.constant 0 : index
          %swap3A_1431 = tpu.vector_load %arg12[%swap3A_1429, %swap3A_1430] {strides = array<i32>} : memref<80x128xf32, #tpu.memory_space<vmem>>, vector<1x16xf32>,
          %swap3A_1432 = vector.shape_cast %swap3A_1431 : vector<1x16xf32> to vector<16xf32>
          %swap3A_1433 = vector.shape_cast %mul3A_1428 : vector<16xf32> to vector<1x16xf32>
          tpu.vector_store %arg12[%swap3A_1429, %swap3A_1430], %swap3A_1433 {strides = array<i32>} : memref<80x128xf32, #tpu.memory_space<vmem>>, vector<1x16xf32>,
          %get3A_1434 = arith.index_cast %add3A_1423 : i32 to index
          %get3A_1435 = arith.constant 16 : index
          %get3A_1436 = tpu.vector_load %arg12[%get3A_1434, %get3A_1435] {strides = array<i32>} : memref<80x128xf32, #tpu.memory_space<vmem>>, vector<1x16xf32>,
          %get3A_1437 = vector.shape_cast %get3A_1436 : vector<1x16xf32> to vector<16xf32>
          %mul3A_1438 = arith.mulf %get3A_1437, %gather3A_1419 : vector<16xf32>
          %swap3A_1439 = arith.index_cast %add3A_1423 : i32 to index
          %swap3A_1440 = arith.constant 16 : index
          %swap3A_1441 = tpu.vector_load %arg12[%swap3A_1439, %swap3A_1440] {strides = array<i32>} : memref<80x128xf32, #tpu.memory_space<vmem>>, vector<1x16xf32>,
          %swap3A_1442 = vector.shape_cast %swap3A_1441 : vector<1x16xf32> to vector<16xf32>
          %swap3A_1443 = vector.shape_cast %mul3A_1438 : vector<16xf32> to vector<1x16xf32>
          tpu.vector_store %arg12[%swap3A_1439, %swap3A_1440], %swap3A_1443 {strides = array<i32>} : memref<80x128xf32, #tpu.memory_space<vmem>>, vector<1x16xf32>,
          %get3A_1444 = arith.index_cast %add3A_1423 : i32 to index
          %get3A_1445 = arith.constant 32 : index
          %get3A_1446 = tpu.vector_load %arg12[%get3A_1444, %get3A_1445] {strides = array<i32>} : memref<80x128xf32, #tpu.memory_space<vmem>>, vector<1x16xf32>,
          %get3A_1447 = vector.shape_cast %get3A_1446 : vector<1x16xf32> to vector<16xf32>
          %mul3A_1448 = arith.mulf %get3A_1447, %gather3A_1419 : vector<16xf32>
          %swap3A_1449 = arith.index_cast %add3A_1423 : i32 to index
          %swap3A_1450 = arith.constant 32 : index
          %swap3A_1451 = tpu.vector_load %arg12[%swap3A_1449, %swap3A_1450] {strides = array<i32>} : memref<80x128xf32, #tpu.memory_space<vmem>>, vector<1x16xf32>,
          %swap3A_1452 = vector.shape_cast %swap3A_1451 : vector<1x16xf32> to vector<16xf32>
          %swap3A_1453 = vector.shape_cast %mul3A_1448 : vector<16xf32> to vector<1x16xf32>
          tpu.vector_store %arg12[%swap3A_1449, %swap3A_1450], %swap3A_1453 {strides = array<i32>} : memref<80x128xf32, #tpu.memory_space<vmem>>, vector<1x16xf32>,
          %get3A_1454 = arith.index_cast %add3A_1423 : i32 to index
          %get3A_1455 = arith.constant 48 : index
          %get3A_1456 = tpu.vector_load %arg12[%get3A_1454, %get3A_1455] {strides = array<i32>} : memref<80x128xf32, #tpu.memory_space<vmem>>, vector<1x16xf32>,
          %get3A_1457 = vector.shape_cast %get3A_1456 : vector<1x16xf32> to vector<16xf32>
          %mul3A_1458 = arith.mulf %get3A_1457, %gather3A_1419 : vector<16xf32>
          %swap3A_1459 = arith.index_cast %add3A_1423 : i32 to index
          %swap3A_1460 = arith.constant 48 : index
          %swap3A_1461 = tpu.vector_load %arg12[%swap3A_1459, %swap3A_1460] {strides = array<i32>} : memref<80x128xf32, #tpu.memory_space<vmem>>, vector<1x16xf32>,
          %swap3A_1462 = vector.shape_cast %swap3A_1461 : vector<1x16xf32> to vector<16xf32>
          %swap3A_1463 = vector.shape_cast %mul3A_1458 : vector<16xf32> to vector<1x16xf32>
          tpu.vector_store %arg12[%swap3A_1459, %swap3A_1460], %swap3A_1463 {strides = array<i32>} : memref<80x128xf32, #tpu.memory_space<vmem>>, vector<1x16xf32>,
          %get3A_1464 = arith.index_cast %add3A_1423 : i32 to index
          %get3A_1465 = arith.constant 64 : index
          %get3A_1466 = tpu.vector_load %arg12[%get3A_1464, %get3A_1465] {strides = array<i32>} : memref<80x128xf32, #tpu.memory_space<vmem>>, vector<1x16xf32>,
          %get3A_1467 = vector.shape_cast %get3A_1466 : vector<1x16xf32> to vector<16xf32>
          %mul3A_1468 = arith.mulf %get3A_1467, %gather3A_1419 : vector<16xf32>
          %swap3A_1469 = arith.index_cast %add3A_1423 : i32 to index
          %swap3A_1470 = arith.constant 64 : index
          %swap3A_1471 = tpu.vector_load %arg12[%swap3A_1469, %swap3A_1470] {strides = array<i32>} : memref<80x128xf32, #tpu.memory_space<vmem>>, vector<1x16xf32>,
          %swap3A_1472 = vector.shape_cast %swap3A_1471 : vector<1x16xf32> to vector<16xf32>
          %swap3A_1473 = vector.shape_cast %mul3A_1468 : vector<16xf32> to vector<1x16xf32>
          tpu.vector_store %arg12[%swap3A_1469, %swap3A_1470], %swap3A_1473 {strides = array<i32>} : memref<80x128xf32, #tpu.memory_space<vmem>>, vector<1x16xf32>,
          %get3A_1474 = arith.index_cast %add3A_1423 : i32 to index
          %get3A_1475 = arith.constant 80 : index
          %get3A_1476 = tpu.vector_load %arg12[%get3A_1474, %get3A_1475] {strides = array<i32>} : memref<80x128xf32, #tpu.memory_space<vmem>>, vector<1x16xf32>,
          %get3A_1477 = vector.shape_cast %get3A_1476 : vector<1x16xf32> to vector<16xf32>
          %mul3A_1478 = arith.mulf %get3A_1477, %gather3A_1419 : vector<16xf32>
          %swap3A_1479 = arith.index_cast %add3A_1423 : i32 to index
          %swap3A_1480 = arith.constant 80 : index
          %swap3A_1481 = tpu.vector_load %arg12[%swap3A_1479, %swap3A_1480] {strides = array<i32>} : memref<80x128xf32, #tpu.memory_space<vmem>>, vector<1x16xf32>,
          %swap3A_1482 = vector.shape_cast %swap3A_1481 : vector<1x16xf32> to vector<16xf32>
          %swap3A_1483 = vector.shape_cast %mul3A_1478 : vector<16xf32> to vector<1x16xf32>
          tpu.vector_store %arg12[%swap3A_1479, %swap3A_1480], %swap3A_1483 {strides = array<i32>} : memref<80x128xf32, #tpu.memory_space<vmem>>, vector<1x16xf32>,
          %get3A_1484 = arith.index_cast %add3A_1423 : i32 to index
          %get3A_1485 = arith.constant 96 : index
          %get3A_1486 = tpu.vector_load %arg12[%get3A_1484, %get3A_1485] {strides = array<i32>} : memref<80x128xf32, #tpu.memory_space<vmem>>, vector<1x16xf32>,
          %get3A_1487 = vector.shape_cast %get3A_1486 : vector<1x16xf32> to vector<16xf32>
          %mul3A_1488 = arith.mulf %get3A_1487, %gather3A_1419 : vector<16xf32>
          %swap3A_1489 = arith.index_cast %add3A_1423 : i32 to index
          %swap3A_1490 = arith.constant 96 : index
          %swap3A_1491 = tpu.vector_load %arg12[%swap3A_1489, %swap3A_1490] {strides = array<i32>} : memref<80x128xf32, #tpu.memory_space<vmem>>, vector<1x16xf32>,
          %swap3A_1492 = vector.shape_cast %swap3A_1491 : vector<1x16xf32> to vector<16xf32>
          %swap3A_1493 = vector.shape_cast %mul3A_1488 : vector<16xf32> to vector<1x16xf32>
          tpu.vector_store %arg12[%swap3A_1489, %swap3A_1490], %swap3A_1493 {strides = array<i32>} : memref<80x128xf32, #tpu.memory_space<vmem>>, vector<1x16xf32>,
          %get3A_1494 = arith.index_cast %add3A_1423 : i32 to index
          %get3A_1495 = arith.constant 112 : index
          %get3A_1496 = tpu.vector_load %arg12[%get3A_1494, %get3A_1495] {strides = array<i32>} : memref<80x128xf32, #tpu.memory_space<vmem>>, vector<1x16xf32>,
          %get3A_1497 = vector.shape_cast %get3A_1496 : vector<1x16xf32> to vector<16xf32>
          %mul3A_1498 = arith.mulf %get3A_1497, %gather3A_1419 : vector<16xf32>
          %swap3A_1499 = arith.index_cast %add3A_1423 : i32 to index
          %swap3A_1500 = arith.constant 112 : index
          %swap3A_1501 = tpu.vector_load %arg12[%swap3A_1499, %swap3A_1500] {strides = array<i32>} : memref<80x128xf32, #tpu.memory_space<vmem>>, vector<1x16xf32>,
          %swap3A_1502 = vector.shape_cast %swap3A_1501 : vector<1x16xf32> to vector<16xf32>
          %swap3A_1503 = vector.shape_cast %mul3A_1498 : vector<16xf32> to vector<1x16xf32>
          tpu.vector_store %arg12[%swap3A_1499, %swap3A_1500], %swap3A_1503 {strides = array<i32>} : memref<80x128xf32, #tpu.memory_space<vmem>>, vector<1x16xf32>,
        }
        %scan3A_92 = arith.constant 5 : i32
        "tpu.region"() ({
          %run_scoped3A = tpu.sem_alloc : memref<!tpu.dma_semaphore, #tpu.memory_space<semaphore_mem>>
          %dma_start3A_93 = arith.constant 0 : i32
          %dma_start3A_94 = tpu.memref_slice %arg9[%add3A_63, %dma_start3A_93] : memref<6x80xi32, #tpu.memory_space<vmem>> -> memref<1x80xi32, #tpu.memory_space<vmem>>
          %dma_start3A_95 = tpu.memref_squeeze %dma_start3A_94 : memref<1x80xi32, #tpu.memory_space<vmem>> -> memref<80xi32, #tpu.memory_space<vmem>>
          %dma_start3A_96 = arith.constant 0 : i32
          %dma_start3A_97 = arith.constant 0 : i32
          %dma_start3A_98 = tpu.memref_slice %arg7[%dma_start3A_96, %dma_start3A_97] : memref<10240x128xf32, #tpu.memory_space<vmem_shared>> -> memref<10240x128xf32, #tpu.memory_space<vmem_shared>>
          tpu.enqueue_indirect_dma source(%arg12 : memref<80x128xf32, #tpu.memory_space<vmem>>) target(%dma_start3A_98 : memref<10240x128xf32, #tpu.memory_space<vmem_shared>>) offsets(%dma_start3A_95 : memref<80xi32, #tpu.memory_space<vmem>>) semaphore(%run_scoped3A : memref<!tpu.dma_semaphore, #tpu.memory_space<semaphore_mem>>) {add = true}
          %dma_wait3A_99 = arith.constant 0 : i32
          %dma_wait3A_100 = tpu.memref_slice %arg9[%add3A_63, %dma_wait3A_99] : memref<6x80xi32, #tpu.memory_space<vmem>> -> memref<1x80xi32, #tpu.memory_space<vmem>>
          %dma_wait3A_101 = tpu.memref_squeeze %dma_wait3A_100 : memref<1x80xi32, #tpu.memory_space<vmem>> -> memref<80xi32, #tpu.memory_space<vmem>>
          %dma_wait3A_102 = arith.constant 0 : i32
          %dma_wait3A_103 = arith.constant 0 : i32
          %dma_wait3A_104 = tpu.memref_slice %arg7[%dma_wait3A_102, %dma_wait3A_103] : memref<10240x128xf32, #tpu.memory_space<vmem_shared>> -> memref<10240x128xf32, #tpu.memory_space<vmem_shared>>
          tpu.wait_indirect_dma semaphore(%run_scoped3A : memref<!tpu.dma_semaphore, #tpu.memory_space<semaphore_mem>>) src(%arg12 : memref<80x128xf32, #tpu.memory_space<vmem>>) dst(%dma_wait3A_104 : memref<10240x128xf32, #tpu.memory_space<vmem_shared>>)
          tpu.yield
        }) : () -> ()
      }
      %scan3A_58 = arith.constant 3 : i32
    }
    %scan3A_41 = arith.constant 21 : i32
    %barrier3A_42 = arith.constant 0 : index
    tpu.barrier barrier_id(%barrier3A_42)
    %mul3A_43 = arith.constant 640 : i32
    %mul3A_44 = arith.muli %arg1, %mul3A_43 : i32
    %mul3A_45 = arith.constant 640 : i32
    %mul3A_46 = arith.muli %arg1, %mul3A_45 : i32
    "tpu.region"() ({
      %run_scoped3A = tpu.sem_alloc : memref<!tpu.dma_semaphore, #tpu.memory_space<semaphore_mem>>
      %dma_start3A = arith.constant 0 : i32
      %dma_start3A_47 = tpu.memref_slice %arg6[%arg0, %mul3A_46, %dma_start3A] : memref<2x10240x128xf32, #tpu.memory_space<hbm>> -> memref<1x640x128xf32, #tpu.memory_space<hbm>>
      %dma_start3A_48 = tpu.memref_squeeze %dma_start3A_47 : memref<1x640x128xf32, #tpu.memory_space<hbm>> -> memref<640x128xf32, #tpu.memory_space<hbm>>
      %dma_start3A_49 = arith.constant 0 : i32
      %dma_start3A_50 = tpu.memref_slice %arg7[%mul3A_44, %dma_start3A_49] : memref<10240x128xf32, #tpu.memory_space<vmem_shared>> -> memref<640x128xf32, #tpu.memory_space<vmem_shared>>
      tpu.enqueue_dma source(%dma_start3A_50 : memref<640x128xf32, #tpu.memory_space<vmem_shared>>) target(%dma_start3A_48 : memref<640x128xf32, #tpu.memory_space<hbm>>) target_semaphore(%run_scoped3A : memref<!tpu.dma_semaphore, #tpu.memory_space<semaphore_mem>>)
      %dma_wait3A = arith.constant 0 : i32
      %dma_wait3A_51 = tpu.memref_slice %arg6[%arg0, %mul3A_46, %dma_wait3A] : memref<2x10240x128xf32, #tpu.memory_space<hbm>> -> memref<1x640x128xf32, #tpu.memory_space<hbm>>
      %dma_wait3A_52 = tpu.memref_squeeze %dma_wait3A_51 : memref<1x640x128xf32, #tpu.memory_space<hbm>> -> memref<640x128xf32, #tpu.memory_space<hbm>>
      %dma_wait3A_53 = arith.constant 0 : i32
      %dma_wait3A_54 = tpu.memref_slice %arg7[%mul3A_44, %dma_wait3A_53] : memref<10240x128xf32, #tpu.memory_space<vmem_shared>> -> memref<640x128xf32, #tpu.memory_space<vmem_shared>>
      tpu.wait_dma2 semaphore(%run_scoped3A : memref<!tpu.dma_semaphore, #tpu.memory_space<semaphore_mem>>) src(%dma_wait3A_54 : memref<640x128xf32, #tpu.memory_space<vmem_shared>>) dst(%dma_wait3A_52 : memref<640x128xf32, #tpu.memory_space<hbm>>)
      tpu.yield
    }) : () -> ()
    return
  }
}

#map = affine_map<(d0, d1) -> (0)>
#map1 = affine_map<(d0, d1) -> (0, 0, 0)>
#map2 = affine_map<(d0, d1) -> (0, 0)>
module attributes {stable_mosaic.version = 14 : i64} {
  func.func @_sc_l2_body(%arg0: i32, %arg1: i32, %arg2: memref<10240xf32, #tpu.memory_space<hbm>>, %arg3: memref<32x80x128xi32, #tpu.memory_space<hbm>>, %arg4: memref<32x80x128xi32, #tpu.memory_space<hbm>>, %arg5: memref<32x80x128xf32, #tpu.memory_space<hbm>>, %arg6: memref<2x10240xf32, #tpu.memory_space<hbm>>, %arg7: memref<10240xf32, #tpu.memory_space<vmem_shared>>, %arg8: memref<640xf32, #tpu.memory_space<vmem>>, %arg9: memref<80x128xi32, #tpu.memory_space<vmem>>, %arg10: memref<80x128xi32, #tpu.memory_space<vmem>>, %arg11: memref<80x128xf32, #tpu.memory_space<vmem>>, %arg12: memref<80x128xf32, #tpu.memory_space<vmem>>, %arg13: memref<80x128xf32, #tpu.memory_space<vmem>>, %arg14: memref<!tpu.dma_semaphore, #tpu.memory_space<semaphore_mem>>, %arg15: memref<!tpu.dma_semaphore, #tpu.memory_space<semaphore_mem>>) attributes {dimension_semantics = [#tpu.dimension_semantics<core_parallel>, #tpu.dimension_semantics<subcore_parallel>], iteration_bounds = array<i64: 2, 16>, scalar_prefetch = 0 : i64, scratch_operands = 9 : i64, tpu.core_type = #tpu.core_type<sc_vector_subcore>, window_params = [{transform_indices = #map}, {transform_indices = #map1}, {transform_indices = #map1}, {transform_indices = #map1}, {transform_indices = #map2}]} {
    %mul3A = arith.constant 16 : i32
    %mul3A_0 = arith.muli %arg0, %mul3A : i32
    %add3A = arith.addi %mul3A_0, %arg1 : i32
    %scan3A = arith.constant 0 : i32
    %scan3A_1 = arith.constant 40 : i32
    %scan3A_2 = arith.addi %scan3A, %scan3A_1 : i32
    %scan3A_3 = arith.constant 1 : i32
    scf.for %scan3A_37 = %scan3A to %scan3A_2 step %scan3A_3  : i32 {
      %broadcast_in_dim3A = arith.constant 0.000000e+00 : f32
      %broadcast_in_dim3A_38 = vector.broadcast %broadcast_in_dim3A : f32 to vector<16xf32>
      %mul3A_39 = arith.constant 16 : i32
      %mul3A_40 = arith.muli %scan3A_37, %mul3A_39 : i32
      %swap3A = arith.index_cast %mul3A_40 : i32 to index
      %swap3A_41 = tpu.vector_load %arg8[%swap3A] {strides = array<i32>} : memref<640xf32, #tpu.memory_space<vmem>>, vector<16xf32>,
      %swap3A_42 = vector.shape_cast %swap3A_41 : vector<16xf32> to vector<16xf32>
      %swap3A_43 = vector.shape_cast %broadcast_in_dim3A_38 : vector<16xf32> to vector<16xf32>
      tpu.vector_store %arg8[%swap3A], %swap3A_43 {strides = array<i32>} : memref<640xf32, #tpu.memory_space<vmem>>, vector<16xf32>,
    }
    %scan3A_4 = arith.constant 40 : i32
    %mul3A_5 = arith.constant 640 : i32
    %mul3A_6 = arith.muli %arg1, %mul3A_5 : i32
    "tpu.region"() ({
      %run_scoped3A = tpu.sem_alloc : memref<!tpu.dma_semaphore, #tpu.memory_space<semaphore_mem>>
      %dma_start3A = tpu.memref_slice %arg7[%mul3A_6] : memref<10240xf32, #tpu.memory_space<vmem_shared>> -> memref<640xf32, #tpu.memory_space<vmem_shared>>
      %dma_start3A_37 = tpu.memref_slice %arg7[%mul3A_6] : memref<10240xf32, #tpu.memory_space<vmem_shared>> -> memref<640xf32, #tpu.memory_space<vmem_shared>>
      tpu.enqueue_dma source(%arg8 : memref<640xf32, #tpu.memory_space<vmem>>) target(%dma_start3A_37 : memref<640xf32, #tpu.memory_space<vmem_shared>>) target_semaphore(%run_scoped3A : memref<!tpu.dma_semaphore, #tpu.memory_space<semaphore_mem>>)
      %dma_wait3A = tpu.memref_slice %arg7[%mul3A_6] : memref<10240xf32, #tpu.memory_space<vmem_shared>> -> memref<640xf32, #tpu.memory_space<vmem_shared>>
      %dma_wait3A_38 = tpu.memref_slice %arg7[%mul3A_6] : memref<10240xf32, #tpu.memory_space<vmem_shared>> -> memref<640xf32, #tpu.memory_space<vmem_shared>>
      tpu.wait_dma2 semaphore(%run_scoped3A : memref<!tpu.dma_semaphore, #tpu.memory_space<semaphore_mem>>) src(%arg8 : memref<640xf32, #tpu.memory_space<vmem>>) dst(%dma_wait3A_38 : memref<640xf32, #tpu.memory_space<vmem_shared>>)
      tpu.yield
    }) : () -> ()
    %barrier3A = arith.constant 0 : index
    tpu.barrier barrier_id(%barrier3A)
    "tpu.region"() ({
      %run_scoped3A = tpu.sem_alloc : memref<!tpu.dma_semaphore, #tpu.memory_space<semaphore_mem>>
      %dma_start3A = arith.constant 0 : i32
      %dma_start3A_37 = arith.constant 0 : i32
      %dma_start3A_38 = tpu.memref_slice %arg3[%add3A, %dma_start3A, %dma_start3A_37] : memref<32x80x128xi32, #tpu.memory_space<hbm>> -> memref<1x80x128xi32, #tpu.memory_space<hbm>>
      %dma_start3A_39 = tpu.memref_squeeze %dma_start3A_38 : memref<1x80x128xi32, #tpu.memory_space<hbm>> -> memref<80x128xi32, #tpu.memory_space<hbm>>
      %dma_start3A_40 = arith.constant 0 : i32
      %dma_start3A_41 = arith.constant 0 : i32
      %dma_start3A_42 = tpu.memref_slice %arg3[%add3A, %dma_start3A_40, %dma_start3A_41] : memref<32x80x128xi32, #tpu.memory_space<hbm>> -> memref<1x80x128xi32, #tpu.memory_space<hbm>>
      %dma_start3A_43 = tpu.memref_squeeze %dma_start3A_42 : memref<1x80x128xi32, #tpu.memory_space<hbm>> -> memref<80x128xi32, #tpu.memory_space<hbm>>
      tpu.enqueue_dma source(%dma_start3A_43 : memref<80x128xi32, #tpu.memory_space<hbm>>) target(%arg9 : memref<80x128xi32, #tpu.memory_space<vmem>>) target_semaphore(%run_scoped3A : memref<!tpu.dma_semaphore, #tpu.memory_space<semaphore_mem>>)
      %dma_wait3A = arith.constant 0 : i32
      %dma_wait3A_44 = arith.constant 0 : i32
      %dma_wait3A_45 = tpu.memref_slice %arg3[%add3A, %dma_wait3A, %dma_wait3A_44] : memref<32x80x128xi32, #tpu.memory_space<hbm>> -> memref<1x80x128xi32, #tpu.memory_space<hbm>>
      %dma_wait3A_46 = tpu.memref_squeeze %dma_wait3A_45 : memref<1x80x128xi32, #tpu.memory_space<hbm>> -> memref<80x128xi32, #tpu.memory_space<hbm>>
      %dma_wait3A_47 = arith.constant 0 : i32
      %dma_wait3A_48 = arith.constant 0 : i32
      %dma_wait3A_49 = tpu.memref_slice %arg3[%add3A, %dma_wait3A_47, %dma_wait3A_48] : memref<32x80x128xi32, #tpu.memory_space<hbm>> -> memref<1x80x128xi32, #tpu.memory_space<hbm>>
      %dma_wait3A_50 = tpu.memref_squeeze %dma_wait3A_49 : memref<1x80x128xi32, #tpu.memory_space<hbm>> -> memref<80x128xi32, #tpu.memory_space<hbm>>
      tpu.wait_dma2 semaphore(%run_scoped3A : memref<!tpu.dma_semaphore, #tpu.memory_space<semaphore_mem>>) src(%dma_wait3A_50 : memref<80x128xi32, #tpu.memory_space<hbm>>) dst(%arg9 : memref<80x128xi32, #tpu.memory_space<vmem>>)
      tpu.yield
    }) : () -> ()
    "tpu.region"() ({
      %run_scoped3A = tpu.sem_alloc : memref<!tpu.dma_semaphore, #tpu.memory_space<semaphore_mem>>
      %dma_start3A = arith.constant 0 : i32
      %dma_start3A_37 = arith.constant 0 : i32
      %dma_start3A_38 = tpu.memref_slice %arg4[%add3A, %dma_start3A, %dma_start3A_37] : memref<32x80x128xi32, #tpu.memory_space<hbm>> -> memref<1x80x128xi32, #tpu.memory_space<hbm>>
      %dma_start3A_39 = tpu.memref_squeeze %dma_start3A_38 : memref<1x80x128xi32, #tpu.memory_space<hbm>> -> memref<80x128xi32, #tpu.memory_space<hbm>>
      %dma_start3A_40 = arith.constant 0 : i32
      %dma_start3A_41 = arith.constant 0 : i32
      %dma_start3A_42 = tpu.memref_slice %arg4[%add3A, %dma_start3A_40, %dma_start3A_41] : memref<32x80x128xi32, #tpu.memory_space<hbm>> -> memref<1x80x128xi32, #tpu.memory_space<hbm>>
      %dma_start3A_43 = tpu.memref_squeeze %dma_start3A_42 : memref<1x80x128xi32, #tpu.memory_space<hbm>> -> memref<80x128xi32, #tpu.memory_space<hbm>>
      tpu.enqueue_dma source(%dma_start3A_43 : memref<80x128xi32, #tpu.memory_space<hbm>>) target(%arg10 : memref<80x128xi32, #tpu.memory_space<vmem>>) target_semaphore(%run_scoped3A : memref<!tpu.dma_semaphore, #tpu.memory_space<semaphore_mem>>)
      %dma_wait3A = arith.constant 0 : i32
      %dma_wait3A_44 = arith.constant 0 : i32
      %dma_wait3A_45 = tpu.memref_slice %arg4[%add3A, %dma_wait3A, %dma_wait3A_44] : memref<32x80x128xi32, #tpu.memory_space<hbm>> -> memref<1x80x128xi32, #tpu.memory_space<hbm>>
      %dma_wait3A_46 = tpu.memref_squeeze %dma_wait3A_45 : memref<1x80x128xi32, #tpu.memory_space<hbm>> -> memref<80x128xi32, #tpu.memory_space<hbm>>
      %dma_wait3A_47 = arith.constant 0 : i32
      %dma_wait3A_48 = arith.constant 0 : i32
      %dma_wait3A_49 = tpu.memref_slice %arg4[%add3A, %dma_wait3A_47, %dma_wait3A_48] : memref<32x80x128xi32, #tpu.memory_space<hbm>> -> memref<1x80x128xi32, #tpu.memory_space<hbm>>
      %dma_wait3A_50 = tpu.memref_squeeze %dma_wait3A_49 : memref<1x80x128xi32, #tpu.memory_space<hbm>> -> memref<80x128xi32, #tpu.memory_space<hbm>>
      tpu.wait_dma2 semaphore(%run_scoped3A : memref<!tpu.dma_semaphore, #tpu.memory_space<semaphore_mem>>) src(%dma_wait3A_50 : memref<80x128xi32, #tpu.memory_space<hbm>>) dst(%arg10 : memref<80x128xi32, #tpu.memory_space<vmem>>)
      tpu.yield
    }) : () -> ()
    "tpu.region"() ({
      %run_scoped3A = tpu.sem_alloc : memref<!tpu.dma_semaphore, #tpu.memory_space<semaphore_mem>>
      %dma_start3A = arith.constant 0 : i32
      %dma_start3A_37 = arith.constant 0 : i32
      %dma_start3A_38 = tpu.memref_slice %arg5[%add3A, %dma_start3A, %dma_start3A_37] : memref<32x80x128xf32, #tpu.memory_space<hbm>> -> memref<1x80x128xf32, #tpu.memory_space<hbm>>
      %dma_start3A_39 = tpu.memref_squeeze %dma_start3A_38 : memref<1x80x128xf32, #tpu.memory_space<hbm>> -> memref<80x128xf32, #tpu.memory_space<hbm>>
      %dma_start3A_40 = arith.constant 0 : i32
      %dma_start3A_41 = arith.constant 0 : i32
      %dma_start3A_42 = tpu.memref_slice %arg5[%add3A, %dma_start3A_40, %dma_start3A_41] : memref<32x80x128xf32, #tpu.memory_space<hbm>> -> memref<1x80x128xf32, #tpu.memory_space<hbm>>
      %dma_start3A_43 = tpu.memref_squeeze %dma_start3A_42 : memref<1x80x128xf32, #tpu.memory_space<hbm>> -> memref<80x128xf32, #tpu.memory_space<hbm>>
      tpu.enqueue_dma source(%dma_start3A_43 : memref<80x128xf32, #tpu.memory_space<hbm>>) target(%arg11 : memref<80x128xf32, #tpu.memory_space<vmem>>) target_semaphore(%run_scoped3A : memref<!tpu.dma_semaphore, #tpu.memory_space<semaphore_mem>>)
      %dma_wait3A = arith.constant 0 : i32
      %dma_wait3A_44 = arith.constant 0 : i32
      %dma_wait3A_45 = tpu.memref_slice %arg5[%add3A, %dma_wait3A, %dma_wait3A_44] : memref<32x80x128xf32, #tpu.memory_space<hbm>> -> memref<1x80x128xf32, #tpu.memory_space<hbm>>
      %dma_wait3A_46 = tpu.memref_squeeze %dma_wait3A_45 : memref<1x80x128xf32, #tpu.memory_space<hbm>> -> memref<80x128xf32, #tpu.memory_space<hbm>>
      %dma_wait3A_47 = arith.constant 0 : i32
      %dma_wait3A_48 = arith.constant 0 : i32
      %dma_wait3A_49 = tpu.memref_slice %arg5[%add3A, %dma_wait3A_47, %dma_wait3A_48] : memref<32x80x128xf32, #tpu.memory_space<hbm>> -> memref<1x80x128xf32, #tpu.memory_space<hbm>>
      %dma_wait3A_50 = tpu.memref_squeeze %dma_wait3A_49 : memref<1x80x128xf32, #tpu.memory_space<hbm>> -> memref<80x128xf32, #tpu.memory_space<hbm>>
      tpu.wait_dma2 semaphore(%run_scoped3A : memref<!tpu.dma_semaphore, #tpu.memory_space<semaphore_mem>>) src(%dma_wait3A_50 : memref<80x128xf32, #tpu.memory_space<hbm>>) dst(%arg11 : memref<80x128xf32, #tpu.memory_space<vmem>>)
      tpu.yield
    }) : () -> ()
    %scan3A_7 = arith.constant 0 : i32
    %scan3A_8 = arith.constant 80 : i32
    %scan3A_9 = arith.addi %scan3A_7, %scan3A_8 : i32
    %scan3A_10 = arith.constant 1 : i32
    scf.for %scan3A_37 = %scan3A_7 to %scan3A_9 step %scan3A_10  : i32 {
      %dma_start3A = arith.constant 0 : i32
      %dma_start3A_38 = tpu.memref_slice %arg12[%scan3A_37, %dma_start3A] : memref<80x128xf32, #tpu.memory_space<vmem>> -> memref<1x128xf32, #tpu.memory_space<vmem>>
      %dma_start3A_39 = tpu.memref_squeeze %dma_start3A_38 : memref<1x128xf32, #tpu.memory_space<vmem>> -> memref<128xf32, #tpu.memory_space<vmem>>
      %dma_start3A_40 = arith.constant 0 : i32
      %dma_start3A_41 = tpu.memref_slice %arg9[%scan3A_37, %dma_start3A_40] : memref<80x128xi32, #tpu.memory_space<vmem>> -> memref<1x128xi32, #tpu.memory_space<vmem>>
      %dma_start3A_42 = tpu.memref_squeeze %dma_start3A_41 : memref<1x128xi32, #tpu.memory_space<vmem>> -> memref<128xi32, #tpu.memory_space<vmem>>
      %dma_start3A_43 = arith.constant 0 : i32
      %dma_start3A_44 = tpu.memref_slice %arg2[%dma_start3A_43] : memref<10240xf32, #tpu.memory_space<hbm>> -> memref<10240xf32, #tpu.memory_space<hbm>>
      tpu.enqueue_indirect_dma source(%dma_start3A_44 : memref<10240xf32, #tpu.memory_space<hbm>>) target(%dma_start3A_39 : memref<128xf32, #tpu.memory_space<vmem>>) offsets(%dma_start3A_42 : memref<128xi32, #tpu.memory_space<vmem>>) semaphore(%arg14 : memref<!tpu.dma_semaphore, #tpu.memory_space<semaphore_mem>>)
    }
    %scan3A_11 = arith.constant 80 : i32
    %scan3A_12 = arith.constant 0 : i32
    %scan3A_13 = arith.constant 80 : i32
    %scan3A_14 = arith.addi %scan3A_12, %scan3A_13 : i32
    %scan3A_15 = arith.constant 1 : i32
    scf.for %scan3A_37 = %scan3A_12 to %scan3A_14 step %scan3A_15  : i32 {
      %dma_wait3A = arith.constant 0 : i32
      %dma_wait3A_38 = tpu.memref_slice %arg12[%scan3A_37, %dma_wait3A] : memref<80x128xf32, #tpu.memory_space<vmem>> -> memref<1x128xf32, #tpu.memory_space<vmem>>
      %dma_wait3A_39 = tpu.memref_squeeze %dma_wait3A_38 : memref<1x128xf32, #tpu.memory_space<vmem>> -> memref<128xf32, #tpu.memory_space<vmem>>
      %dma_wait3A_40 = arith.constant 0 : i32
      %dma_wait3A_41 = tpu.memref_slice %arg9[%scan3A_37, %dma_wait3A_40] : memref<80x128xi32, #tpu.memory_space<vmem>> -> memref<1x128xi32, #tpu.memory_space<vmem>>
      %dma_wait3A_42 = tpu.memref_squeeze %dma_wait3A_41 : memref<1x128xi32, #tpu.memory_space<vmem>> -> memref<128xi32, #tpu.memory_space<vmem>>
      %dma_wait3A_43 = arith.constant 0 : i32
      %dma_wait3A_44 = tpu.memref_slice %arg2[%dma_wait3A_43] : memref<10240xf32, #tpu.memory_space<hbm>> -> memref<10240xf32, #tpu.memory_space<hbm>>
      tpu.wait_indirect_dma semaphore(%arg14 : memref<!tpu.dma_semaphore, #tpu.memory_space<semaphore_mem>>) src(%dma_wait3A_44 : memref<10240xf32, #tpu.memory_space<hbm>>) dst(%dma_wait3A_39 : memref<128xf32, #tpu.memory_space<vmem>>)
    }
    %scan3A_16 = arith.constant 80 : i32
    %scan3A_17 = arith.constant 0 : i32
    %scan3A_18 = arith.constant 80 : i32
    %scan3A_19 = arith.addi %scan3A_17, %scan3A_18 : i32
    %scan3A_20 = arith.constant 1 : i32
    scf.for %scan3A_37 = %scan3A_17 to %scan3A_19 step %scan3A_20  : i32 {
      %get3A = arith.index_cast %scan3A_37 : i32 to index
      %get3A_38 = arith.constant 0 : index
      %get3A_39 = tpu.vector_load %arg12[%get3A, %get3A_38] {strides = array<i32>} : memref<80x128xf32, #tpu.memory_space<vmem>>, vector<1x16xf32>,
      %get3A_40 = vector.shape_cast %get3A_39 : vector<1x16xf32> to vector<16xf32>
      %get3A_41 = arith.index_cast %scan3A_37 : i32 to index
      %get3A_42 = arith.constant 0 : index
      %get3A_43 = tpu.vector_load %arg11[%get3A_41, %get3A_42] {strides = array<i32>} : memref<80x128xf32, #tpu.memory_space<vmem>>, vector<1x16xf32>,
      %get3A_44 = vector.shape_cast %get3A_43 : vector<1x16xf32> to vector<16xf32>
      %mul3A_45 = arith.mulf %get3A_40, %get3A_44 : vector<16xf32>
      %swap3A = arith.index_cast %scan3A_37 : i32 to index
      %swap3A_46 = arith.constant 0 : index
      %swap3A_47 = tpu.vector_load %arg13[%swap3A, %swap3A_46] {strides = array<i32>} : memref<80x128xf32, #tpu.memory_space<vmem>>, vector<1x16xf32>,
      %swap3A_48 = vector.shape_cast %swap3A_47 : vector<1x16xf32> to vector<16xf32>
      %swap3A_49 = vector.shape_cast %mul3A_45 : vector<16xf32> to vector<1x16xf32>
      tpu.vector_store %arg13[%swap3A, %swap3A_46], %swap3A_49 {strides = array<i32>} : memref<80x128xf32, #tpu.memory_space<vmem>>, vector<1x16xf32>,
      %get3A_50 = arith.index_cast %scan3A_37 : i32 to index
      %get3A_51 = arith.constant 16 : index
      %get3A_52 = tpu.vector_load %arg12[%get3A_50, %get3A_51] {strides = array<i32>} : memref<80x128xf32, #tpu.memory_space<vmem>>, vector<1x16xf32>,
      %get3A_53 = vector.shape_cast %get3A_52 : vector<1x16xf32> to vector<16xf32>
      %get3A_54 = arith.index_cast %scan3A_37 : i32 to index
      %get3A_55 = arith.constant 16 : index
      %get3A_56 = tpu.vector_load %arg11[%get3A_54, %get3A_55] {strides = array<i32>} : memref<80x128xf32, #tpu.memory_space<vmem>>, vector<1x16xf32>,
      %get3A_57 = vector.shape_cast %get3A_56 : vector<1x16xf32> to vector<16xf32>
      %mul3A_58 = arith.mulf %get3A_53, %get3A_57 : vector<16xf32>
      %swap3A_59 = arith.index_cast %scan3A_37 : i32 to index
      %swap3A_60 = arith.constant 16 : index
      %swap3A_61 = tpu.vector_load %arg13[%swap3A_59, %swap3A_60] {strides = array<i32>} : memref<80x128xf32, #tpu.memory_space<vmem>>, vector<1x16xf32>,
      %swap3A_62 = vector.shape_cast %swap3A_61 : vector<1x16xf32> to vector<16xf32>
      %swap3A_63 = vector.shape_cast %mul3A_58 : vector<16xf32> to vector<1x16xf32>
      tpu.vector_store %arg13[%swap3A_59, %swap3A_60], %swap3A_63 {strides = array<i32>} : memref<80x128xf32, #tpu.memory_space<vmem>>, vector<1x16xf32>,
      %get3A_64 = arith.index_cast %scan3A_37 : i32 to index
      %get3A_65 = arith.constant 32 : index
      %get3A_66 = tpu.vector_load %arg12[%get3A_64, %get3A_65] {strides = array<i32>} : memref<80x128xf32, #tpu.memory_space<vmem>>, vector<1x16xf32>,
      %get3A_67 = vector.shape_cast %get3A_66 : vector<1x16xf32> to vector<16xf32>
      %get3A_68 = arith.index_cast %scan3A_37 : i32 to index
      %get3A_69 = arith.constant 32 : index
      %get3A_70 = tpu.vector_load %arg11[%get3A_68, %get3A_69] {strides = array<i32>} : memref<80x128xf32, #tpu.memory_space<vmem>>, vector<1x16xf32>,
      %get3A_71 = vector.shape_cast %get3A_70 : vector<1x16xf32> to vector<16xf32>
      %mul3A_72 = arith.mulf %get3A_67, %get3A_71 : vector<16xf32>
      %swap3A_73 = arith.index_cast %scan3A_37 : i32 to index
      %swap3A_74 = arith.constant 32 : index
      %swap3A_75 = tpu.vector_load %arg13[%swap3A_73, %swap3A_74] {strides = array<i32>} : memref<80x128xf32, #tpu.memory_space<vmem>>, vector<1x16xf32>,
      %swap3A_76 = vector.shape_cast %swap3A_75 : vector<1x16xf32> to vector<16xf32>
      %swap3A_77 = vector.shape_cast %mul3A_72 : vector<16xf32> to vector<1x16xf32>
      tpu.vector_store %arg13[%swap3A_73, %swap3A_74], %swap3A_77 {strides = array<i32>} : memref<80x128xf32, #tpu.memory_space<vmem>>, vector<1x16xf32>,
      %get3A_78 = arith.index_cast %scan3A_37 : i32 to index
      %get3A_79 = arith.constant 48 : index
      %get3A_80 = tpu.vector_load %arg12[%get3A_78, %get3A_79] {strides = array<i32>} : memref<80x128xf32, #tpu.memory_space<vmem>>, vector<1x16xf32>,
      %get3A_81 = vector.shape_cast %get3A_80 : vector<1x16xf32> to vector<16xf32>
      %get3A_82 = arith.index_cast %scan3A_37 : i32 to index
      %get3A_83 = arith.constant 48 : index
      %get3A_84 = tpu.vector_load %arg11[%get3A_82, %get3A_83] {strides = array<i32>} : memref<80x128xf32, #tpu.memory_space<vmem>>, vector<1x16xf32>,
      %get3A_85 = vector.shape_cast %get3A_84 : vector<1x16xf32> to vector<16xf32>
      %mul3A_86 = arith.mulf %get3A_81, %get3A_85 : vector<16xf32>
      %swap3A_87 = arith.index_cast %scan3A_37 : i32 to index
      %swap3A_88 = arith.constant 48 : index
      %swap3A_89 = tpu.vector_load %arg13[%swap3A_87, %swap3A_88] {strides = array<i32>} : memref<80x128xf32, #tpu.memory_space<vmem>>, vector<1x16xf32>,
      %swap3A_90 = vector.shape_cast %swap3A_89 : vector<1x16xf32> to vector<16xf32>
      %swap3A_91 = vector.shape_cast %mul3A_86 : vector<16xf32> to vector<1x16xf32>
      tpu.vector_store %arg13[%swap3A_87, %swap3A_88], %swap3A_91 {strides = array<i32>} : memref<80x128xf32, #tpu.memory_space<vmem>>, vector<1x16xf32>,
      %get3A_92 = arith.index_cast %scan3A_37 : i32 to index
      %get3A_93 = arith.constant 64 : index
      %get3A_94 = tpu.vector_load %arg12[%get3A_92, %get3A_93] {strides = array<i32>} : memref<80x128xf32, #tpu.memory_space<vmem>>, vector<1x16xf32>,
      %get3A_95 = vector.shape_cast %get3A_94 : vector<1x16xf32> to vector<16xf32>
      %get3A_96 = arith.index_cast %scan3A_37 : i32 to index
      %get3A_97 = arith.constant 64 : index
      %get3A_98 = tpu.vector_load %arg11[%get3A_96, %get3A_97] {strides = array<i32>} : memref<80x128xf32, #tpu.memory_space<vmem>>, vector<1x16xf32>,
      %get3A_99 = vector.shape_cast %get3A_98 : vector<1x16xf32> to vector<16xf32>
      %mul3A_100 = arith.mulf %get3A_95, %get3A_99 : vector<16xf32>
      %swap3A_101 = arith.index_cast %scan3A_37 : i32 to index
      %swap3A_102 = arith.constant 64 : index
      %swap3A_103 = tpu.vector_load %arg13[%swap3A_101, %swap3A_102] {strides = array<i32>} : memref<80x128xf32, #tpu.memory_space<vmem>>, vector<1x16xf32>,
      %swap3A_104 = vector.shape_cast %swap3A_103 : vector<1x16xf32> to vector<16xf32>
      %swap3A_105 = vector.shape_cast %mul3A_100 : vector<16xf32> to vector<1x16xf32>
      tpu.vector_store %arg13[%swap3A_101, %swap3A_102], %swap3A_105 {strides = array<i32>} : memref<80x128xf32, #tpu.memory_space<vmem>>, vector<1x16xf32>,
      %get3A_106 = arith.index_cast %scan3A_37 : i32 to index
      %get3A_107 = arith.constant 80 : index
      %get3A_108 = tpu.vector_load %arg12[%get3A_106, %get3A_107] {strides = array<i32>} : memref<80x128xf32, #tpu.memory_space<vmem>>, vector<1x16xf32>,
      %get3A_109 = vector.shape_cast %get3A_108 : vector<1x16xf32> to vector<16xf32>
      %get3A_110 = arith.index_cast %scan3A_37 : i32 to index
      %get3A_111 = arith.constant 80 : index
      %get3A_112 = tpu.vector_load %arg11[%get3A_110, %get3A_111] {strides = array<i32>} : memref<80x128xf32, #tpu.memory_space<vmem>>, vector<1x16xf32>,
      %get3A_113 = vector.shape_cast %get3A_112 : vector<1x16xf32> to vector<16xf32>
      %mul3A_114 = arith.mulf %get3A_109, %get3A_113 : vector<16xf32>
      %swap3A_115 = arith.index_cast %scan3A_37 : i32 to index
      %swap3A_116 = arith.constant 80 : index
      %swap3A_117 = tpu.vector_load %arg13[%swap3A_115, %swap3A_116] {strides = array<i32>} : memref<80x128xf32, #tpu.memory_space<vmem>>, vector<1x16xf32>,
      %swap3A_118 = vector.shape_cast %swap3A_117 : vector<1x16xf32> to vector<16xf32>
      %swap3A_119 = vector.shape_cast %mul3A_114 : vector<16xf32> to vector<1x16xf32>
      tpu.vector_store %arg13[%swap3A_115, %swap3A_116], %swap3A_119 {strides = array<i32>} : memref<80x128xf32, #tpu.memory_space<vmem>>, vector<1x16xf32>,
      %get3A_120 = arith.index_cast %scan3A_37 : i32 to index
      %get3A_121 = arith.constant 96 : index
      %get3A_122 = tpu.vector_load %arg12[%get3A_120, %get3A_121] {strides = array<i32>} : memref<80x128xf32, #tpu.memory_space<vmem>>, vector<1x16xf32>,
      %get3A_123 = vector.shape_cast %get3A_122 : vector<1x16xf32> to vector<16xf32>
      %get3A_124 = arith.index_cast %scan3A_37 : i32 to index
      %get3A_125 = arith.constant 96 : index
      %get3A_126 = tpu.vector_load %arg11[%get3A_124, %get3A_125] {strides = array<i32>} : memref<80x128xf32, #tpu.memory_space<vmem>>, vector<1x16xf32>,
      %get3A_127 = vector.shape_cast %get3A_126 : vector<1x16xf32> to vector<16xf32>
      %mul3A_128 = arith.mulf %get3A_123, %get3A_127 : vector<16xf32>
      %swap3A_129 = arith.index_cast %scan3A_37 : i32 to index
      %swap3A_130 = arith.constant 96 : index
      %swap3A_131 = tpu.vector_load %arg13[%swap3A_129, %swap3A_130] {strides = array<i32>} : memref<80x128xf32, #tpu.memory_space<vmem>>, vector<1x16xf32>,
      %swap3A_132 = vector.shape_cast %swap3A_131 : vector<1x16xf32> to vector<16xf32>
      %swap3A_133 = vector.shape_cast %mul3A_128 : vector<16xf32> to vector<1x16xf32>
      tpu.vector_store %arg13[%swap3A_129, %swap3A_130], %swap3A_133 {strides = array<i32>} : memref<80x128xf32, #tpu.memory_space<vmem>>, vector<1x16xf32>,
      %get3A_134 = arith.index_cast %scan3A_37 : i32 to index
      %get3A_135 = arith.constant 112 : index
      %get3A_136 = tpu.vector_load %arg12[%get3A_134, %get3A_135] {strides = array<i32>} : memref<80x128xf32, #tpu.memory_space<vmem>>, vector<1x16xf32>,
      %get3A_137 = vector.shape_cast %get3A_136 : vector<1x16xf32> to vector<16xf32>
      %get3A_138 = arith.index_cast %scan3A_37 : i32 to index
      %get3A_139 = arith.constant 112 : index
      %get3A_140 = tpu.vector_load %arg11[%get3A_138, %get3A_139] {strides = array<i32>} : memref<80x128xf32, #tpu.memory_space<vmem>>, vector<1x16xf32>,
      %get3A_141 = vector.shape_cast %get3A_140 : vector<1x16xf32> to vector<16xf32>
      %mul3A_142 = arith.mulf %get3A_137, %get3A_141 : vector<16xf32>
      %swap3A_143 = arith.index_cast %scan3A_37 : i32 to index
      %swap3A_144 = arith.constant 112 : index
      %swap3A_145 = tpu.vector_load %arg13[%swap3A_143, %swap3A_144] {strides = array<i32>} : memref<80x128xf32, #tpu.memory_space<vmem>>, vector<1x16xf32>,
      %swap3A_146 = vector.shape_cast %swap3A_145 : vector<1x16xf32> to vector<16xf32>
      %swap3A_147 = vector.shape_cast %mul3A_142 : vector<16xf32> to vector<1x16xf32>
      tpu.vector_store %arg13[%swap3A_143, %swap3A_144], %swap3A_147 {strides = array<i32>} : memref<80x128xf32, #tpu.memory_space<vmem>>, vector<1x16xf32>,
    }
    %scan3A_21 = arith.constant 80 : i32
    %scan3A_22 = arith.constant 0 : i32
    %scan3A_23 = arith.constant 80 : i32
    %scan3A_24 = arith.addi %scan3A_22, %scan3A_23 : i32
    %scan3A_25 = arith.constant 1 : i32
    scf.for %scan3A_37 = %scan3A_22 to %scan3A_24 step %scan3A_25  : i32 {
      %dma_start3A = arith.constant 0 : i32
      %dma_start3A_38 = tpu.memref_slice %arg13[%scan3A_37, %dma_start3A] : memref<80x128xf32, #tpu.memory_space<vmem>> -> memref<1x128xf32, #tpu.memory_space<vmem>>
      %dma_start3A_39 = tpu.memref_squeeze %dma_start3A_38 : memref<1x128xf32, #tpu.memory_space<vmem>> -> memref<128xf32, #tpu.memory_space<vmem>>
      %dma_start3A_40 = arith.constant 0 : i32
      %dma_start3A_41 = tpu.memref_slice %arg10[%scan3A_37, %dma_start3A_40] : memref<80x128xi32, #tpu.memory_space<vmem>> -> memref<1x128xi32, #tpu.memory_space<vmem>>
      %dma_start3A_42 = tpu.memref_squeeze %dma_start3A_41 : memref<1x128xi32, #tpu.memory_space<vmem>> -> memref<128xi32, #tpu.memory_space<vmem>>
      %dma_start3A_43 = arith.constant 0 : i32
      %dma_start3A_44 = tpu.memref_slice %arg7[%dma_start3A_43] : memref<10240xf32, #tpu.memory_space<vmem_shared>> -> memref<10240xf32, #tpu.memory_space<vmem_shared>>
      tpu.enqueue_indirect_dma source(%dma_start3A_39 : memref<128xf32, #tpu.memory_space<vmem>>) target(%dma_start3A_44 : memref<10240xf32, #tpu.memory_space<vmem_shared>>) offsets(%dma_start3A_42 : memref<128xi32, #tpu.memory_space<vmem>>) semaphore(%arg15 : memref<!tpu.dma_semaphore, #tpu.memory_space<semaphore_mem>>) {add = true}
    }
    %scan3A_26 = arith.constant 80 : i32
    %scan3A_27 = arith.constant 0 : i32
    %scan3A_28 = arith.constant 80 : i32
    %scan3A_29 = arith.addi %scan3A_27, %scan3A_28 : i32
    %scan3A_30 = arith.constant 1 : i32
    scf.for %scan3A_37 = %scan3A_27 to %scan3A_29 step %scan3A_30  : i32 {
      %dma_wait3A = arith.constant 0 : i32
      %dma_wait3A_38 = tpu.memref_slice %arg13[%scan3A_37, %dma_wait3A] : memref<80x128xf32, #tpu.memory_space<vmem>> -> memref<1x128xf32, #tpu.memory_space<vmem>>
      %dma_wait3A_39 = tpu.memref_squeeze %dma_wait3A_38 : memref<1x128xf32, #tpu.memory_space<vmem>> -> memref<128xf32, #tpu.memory_space<vmem>>
      %dma_wait3A_40 = arith.constant 0 : i32
      %dma_wait3A_41 = tpu.memref_slice %arg10[%scan3A_37, %dma_wait3A_40] : memref<80x128xi32, #tpu.memory_space<vmem>> -> memref<1x128xi32, #tpu.memory_space<vmem>>
      %dma_wait3A_42 = tpu.memref_squeeze %dma_wait3A_41 : memref<1x128xi32, #tpu.memory_space<vmem>> -> memref<128xi32, #tpu.memory_space<vmem>>
      %dma_wait3A_43 = arith.constant 0 : i32
      %dma_wait3A_44 = tpu.memref_slice %arg7[%dma_wait3A_43] : memref<10240xf32, #tpu.memory_space<vmem_shared>> -> memref<10240xf32, #tpu.memory_space<vmem_shared>>
      tpu.wait_indirect_dma semaphore(%arg15 : memref<!tpu.dma_semaphore, #tpu.memory_space<semaphore_mem>>) src(%dma_wait3A_39 : memref<128xf32, #tpu.memory_space<vmem>>) dst(%dma_wait3A_44 : memref<10240xf32, #tpu.memory_space<vmem_shared>>)
    }
    %scan3A_31 = arith.constant 80 : i32
    %barrier3A_32 = arith.constant 0 : index
    tpu.barrier barrier_id(%barrier3A_32)
    %mul3A_33 = arith.constant 640 : i32
    %mul3A_34 = arith.muli %arg1, %mul3A_33 : i32
    %mul3A_35 = arith.constant 640 : i32
    %mul3A_36 = arith.muli %arg1, %mul3A_35 : i32
    "tpu.region"() ({
      %run_scoped3A = tpu.sem_alloc : memref<!tpu.dma_semaphore, #tpu.memory_space<semaphore_mem>>
      %dma_start3A = tpu.memref_slice %arg6[%arg0, %mul3A_36] : memref<2x10240xf32, #tpu.memory_space<hbm>> -> memref<1x640xf32, #tpu.memory_space<hbm>>
      %dma_start3A_37 = tpu.memref_squeeze %dma_start3A : memref<1x640xf32, #tpu.memory_space<hbm>> -> memref<640xf32, #tpu.memory_space<hbm>>
      %dma_start3A_38 = tpu.memref_slice %arg7[%mul3A_34] : memref<10240xf32, #tpu.memory_space<vmem_shared>> -> memref<640xf32, #tpu.memory_space<vmem_shared>>
      tpu.enqueue_dma source(%dma_start3A_38 : memref<640xf32, #tpu.memory_space<vmem_shared>>) target(%dma_start3A_37 : memref<640xf32, #tpu.memory_space<hbm>>) target_semaphore(%run_scoped3A : memref<!tpu.dma_semaphore, #tpu.memory_space<semaphore_mem>>)
      %dma_wait3A = tpu.memref_slice %arg6[%arg0, %mul3A_36] : memref<2x10240xf32, #tpu.memory_space<hbm>> -> memref<1x640xf32, #tpu.memory_space<hbm>>
      %dma_wait3A_39 = tpu.memref_squeeze %dma_wait3A : memref<1x640xf32, #tpu.memory_space<hbm>> -> memref<640xf32, #tpu.memory_space<hbm>>
      %dma_wait3A_40 = tpu.memref_slice %arg7[%mul3A_34] : memref<10240xf32, #tpu.memory_space<vmem_shared>> -> memref<640xf32, #tpu.memory_space<vmem_shared>>
      tpu.wait_dma2 semaphore(%run_scoped3A : memref<!tpu.dma_semaphore, #tpu.memory_space<semaphore_mem>>) src(%dma_wait3A_40 : memref<640xf32, #tpu.memory_space<vmem_shared>>) dst(%dma_wait3A_39 : memref<640xf32, #tpu.memory_space<hbm>>)
      tpu.yield
    }) : () -> ()
    return
  }
}

module attributes {stable_mosaic.version = 14 : i64} {
  func.func @_ew_body(%arg0: i32, %arg1: memref<5000x128xf32, #tpu.memory_space<vmem>>, %arg2: memref<128x8xf32, #tpu.memory_space<vmem>>, %arg3: memref<5000x8xf32, #tpu.memory_space<vmem>>) attributes {dimension_semantics = [#tpu.dimension_semantics<arbitrary>], iteration_bounds = array<i64: 8>, scalar_prefetch = 0 : i64, scratch_operands = 0 : i64, tpu.core_type = #tpu.core_type<tc>, window_params = [{transform_indices = @transform_0, window_bounds = array<i64: 5000, 128>}, {pipeline_mode = #tpu.pipeline_mode<synchronous>, transform_indices = @transform_1, window_bounds = array<i64: 128, 8>}, {transform_indices = @transform_2, window_bounds = array<i64: 5000, 8>}]} {
    %get3A = arith.constant 0 : index
    %get3A_0 = arith.constant 0 : index
    %get3A_1 = vector.load %arg1[%get3A, %get3A_0] : memref<5000x128xf32, #tpu.memory_space<vmem>>, vector<5000x128xf32>
    %get3A_2 = arith.constant 0 : index
    %get3A_3 = arith.constant 0 : index
    %get3A_4 = vector.load %arg2[%get3A_2, %get3A_3] : memref<128x8xf32, #tpu.memory_space<vmem>>, vector<128x8xf32>
    %dot_general3A = arith.constant dense<0.000000e+00> : vector<5000x8xf32>
    %dot_general3A_5 = tpu.matmul %get3A_1, %get3A_4, %dot_general3A {dimension_numbers = #tpu.dot_dimension_numbers<[1], [0], [0], [1], [0, 0, 1, 1], [], []>, transpose_lhs_hint = false} : vector<5000x128xf32>, vector<128x8xf32>, vector<5000x8xf32> -> vector<5000x8xf32>
    %swap3A = arith.constant 0 : index
    %swap3A_6 = arith.constant 0 : index
    %swap3A_7 = vector.load %arg3[%swap3A, %swap3A_6] : memref<5000x8xf32, #tpu.memory_space<vmem>>, vector<5000x8xf32>
    tpu.vector_store %arg3[%swap3A, %swap3A_6], %dot_general3A_5 {strides = array<i32>} : memref<5000x8xf32, #tpu.memory_space<vmem>>, vector<5000x8xf32>,
    return
  }
  func.func @transform_0(%arg0: i32) -> (i32, i32) {
    %c0_i32 = arith.constant 0 : i32
    %c0_i32_0 = arith.constant 0 : i32
    return %arg0, %c0_i32 : i32, i32
  }
  func.func @transform_1(%arg0: i32) -> (i32, i32) {
    %c0_i32 = arith.constant 0 : i32
    %c0_i32_0 = arith.constant 0 : i32
    %c0_i32_1 = arith.constant 0 : i32
    return %c0_i32, %c0_i32_0 : i32, i32
  }
  func.func @transform_2(%arg0: i32) -> (i32, i32) {
    %c0_i32 = arith.constant 0 : i32
    %c0_i32_0 = arith.constant 0 : i32
    return %arg0, %c0_i32 : i32, i32
  }
}

module attributes {stable_mosaic.version = 14 : i64} {
  func.func @_dense_body(%arg0: i32, %arg1: memref<1024x128xf32, #tpu.memory_space<vmem>>, %arg2: memref<128x256xf32, #tpu.memory_space<vmem>>, %arg3: memref<1x256xf32, #tpu.memory_space<vmem>>, %arg4: memref<256x128xf32, #tpu.memory_space<vmem>>, %arg5: memref<1x256xf32, #tpu.memory_space<vmem>>, %arg6: memref<1x1xf32, #tpu.memory_space<vmem>>, %arg7: memref<1024x1xf32, #tpu.memory_space<vmem>>, %arg8: memref<1024x128xf32, #tpu.memory_space<vmem>>, %arg9: memref<1024x1xf32, #tpu.memory_space<vmem>>) attributes {dimension_semantics = [#tpu.dimension_semantics<arbitrary>], iteration_bounds = array<i64: 10>, scalar_prefetch = 0 : i64, scratch_operands = 0 : i64, tpu.core_type = #tpu.core_type<tc>, window_params = [{transform_indices = @transform_0, window_bounds = array<i64: 1024, 128>}, {pipeline_mode = #tpu.pipeline_mode<synchronous>, transform_indices = @transform_1, window_bounds = array<i64: 128, 256>}, {pipeline_mode = #tpu.pipeline_mode<synchronous>, transform_indices = @transform_2, window_bounds = array<i64: 1, 256>}, {pipeline_mode = #tpu.pipeline_mode<synchronous>, transform_indices = @transform_3, window_bounds = array<i64: 256, 128>}, {pipeline_mode = #tpu.pipeline_mode<synchronous>, transform_indices = @transform_4, window_bounds = array<i64: 1, 256>}, {pipeline_mode = #tpu.pipeline_mode<synchronous>, transform_indices = @transform_5, window_bounds = array<i64: 1, 1>}, {transform_indices = @transform_6, window_bounds = array<i64: 1024, 1>}, {transform_indices = @transform_7, window_bounds = array<i64: 1024, 128>}, {transform_indices = @transform_8, window_bounds = array<i64: 1024, 1>}]} {
    %get3A = arith.constant 0 : index
    %get3A_0 = arith.constant 0 : index
    %get3A_1 = vector.load %arg1[%get3A, %get3A_0] : memref<1024x128xf32, #tpu.memory_space<vmem>>, vector<1024x128xf32>
    %get3A_2 = arith.constant 0 : index
    %get3A_3 = arith.constant 0 : index
    %get3A_4 = vector.load %arg2[%get3A_2, %get3A_3] : memref<128x256xf32, #tpu.memory_space<vmem>>, vector<128x256xf32>
    %dot_general3A = arith.constant dense<0.000000e+00> : vector<1024x256xf32>
    %dot_general3A_5 = tpu.matmul %get3A_1, %get3A_4, %dot_general3A {dimension_numbers = #tpu.dot_dimension_numbers<[1], [0], [0], [1], [0, 0, 1, 1], [], []>, transpose_lhs_hint = false} : vector<1024x128xf32>, vector<128x256xf32>, vector<1024x256xf32> -> vector<1024x256xf32>
    %get3A_6 = arith.constant 0 : index
    %get3A_7 = arith.constant 0 : index
    %get3A_8 = vector.load %arg3[%get3A_6, %get3A_7] : memref<1x256xf32, #tpu.memory_space<vmem>>, vector<1x256xf32>
    %add3A = vector.broadcast %get3A_8 : vector<1x256xf32> to vector<1024x256xf32>
    %add3A_9 = arith.addf %dot_general3A_5, %add3A : vector<1024x256xf32>
    %get3A_10 = arith.constant 0 : index
    %get3A_11 = arith.constant 0 : index
    %get3A_12 = vector.load %arg7[%get3A_10, %get3A_11] : memref<1024x1xf32, #tpu.memory_space<vmem>>, vector<1024x1xf32>
    %get3A_13 = arith.constant 0 : index
    %get3A_14 = arith.constant 0 : index
    %get3A_15 = vector.load %arg4[%get3A_13, %get3A_14] : memref<256x128xf32, #tpu.memory_space<vmem>>, vector<256x128xf32>
    %dot_general3A_16 = arith.constant dense<0.000000e+00> : vector<1024x128xf32>
    %dot_general3A_17 = tpu.matmul %add3A_9, %get3A_15, %dot_general3A_16 {dimension_numbers = #tpu.dot_dimension_numbers<[1], [0], [0], [1], [0, 0, 1, 1], [], []>, transpose_lhs_hint = false} : vector<1024x256xf32>, vector<256x128xf32>, vector<1024x128xf32> -> vector<1024x128xf32>
    %mul3A = vector.broadcast %get3A_12 : vector<1024x1xf32> to vector<1024x128xf32>
    %mul3A_18 = arith.mulf %mul3A, %dot_general3A_17 : vector<1024x128xf32>
    %swap3A = arith.constant 0 : index
    %swap3A_19 = arith.constant 0 : index
    %swap3A_20 = vector.load %arg8[%swap3A, %swap3A_19] : memref<1024x128xf32, #tpu.memory_space<vmem>>, vector<1024x128xf32>
    tpu.vector_store %arg8[%swap3A, %swap3A_19], %mul3A_18 {strides = array<i32>} : memref<1024x128xf32, #tpu.memory_space<vmem>>, vector<1024x128xf32>,
    %get3A_21 = arith.constant 0 : index
    %get3A_22 = arith.constant 0 : index
    %get3A_23 = vector.load %arg5[%get3A_21, %get3A_22] : memref<1x256xf32, #tpu.memory_space<vmem>>, vector<1x256xf32>
    %mul3A_24 = vector.broadcast %get3A_23 : vector<1x256xf32> to vector<1024x256xf32>
    %mul3A_25 = arith.mulf %add3A_9, %mul3A_24 : vector<1024x256xf32>
    %reduce_sum3A = arith.constant dense<0.000000e+00> : vector<1024xf32>
    %reduce_sum3A_26 = vector.multi_reduction <add>, %mul3A_25, %reduce_sum3A [1] : vector<1024x256xf32> to vector<1024xf32>
    %broadcast_in_dim3A = vector.shape_cast %reduce_sum3A_26 : vector<1024xf32> to vector<1024x1xf32>
    %get3A_27 = arith.constant 0 : index
    %get3A_28 = arith.constant 0 : index
    %get3A_29 = vector.load %arg6[%get3A_27, %get3A_28] : memref<1x1xf32, #tpu.memory_space<vmem>>, vector<1x1xf32>
    %add3A_30 = vector.broadcast %get3A_29 : vector<1x1xf32> to vector<1024x1xf32>
    %add3A_31 = arith.addf %broadcast_in_dim3A, %add3A_30 : vector<1024x1xf32>
    %swap3A_32 = arith.constant 0 : index
    %swap3A_33 = arith.constant 0 : index
    %swap3A_34 = vector.load %arg9[%swap3A_32, %swap3A_33] : memref<1024x1xf32, #tpu.memory_space<vmem>>, vector<1024x1xf32>
    tpu.vector_store %arg9[%swap3A_32, %swap3A_33], %add3A_31 {strides = array<i32>} : memref<1024x1xf32, #tpu.memory_space<vmem>>, vector<1024x1xf32>,
    return
  }
  func.func @transform_0(%arg0: i32) -> (i32, i32) {
    %c0_i32 = arith.constant 0 : i32
    %c0_i32_0 = arith.constant 0 : i32
    return %arg0, %c0_i32 : i32, i32
  }
  func.func @transform_1(%arg0: i32) -> (i32, i32) {
    %c0_i32 = arith.constant 0 : i32
    %c0_i32_0 = arith.constant 0 : i32
    %c0_i32_1 = arith.constant 0 : i32
    return %c0_i32, %c0_i32_0 : i32, i32
  }
  func.func @transform_2(%arg0: i32) -> (i32, i32) {
    %c0_i32 = arith.constant 0 : i32
    %c0_i32_0 = arith.constant 0 : i32
    %c0_i32_1 = arith.constant 0 : i32
    return %c0_i32, %c0_i32_0 : i32, i32
  }
  func.func @transform_3(%arg0: i32) -> (i32, i32) {
    %c0_i32 = arith.constant 0 : i32
    %c0_i32_0 = arith.constant 0 : i32
    %c0_i32_1 = arith.constant 0 : i32
    return %c0_i32, %c0_i32_0 : i32, i32
  }
  func.func @transform_4(%arg0: i32) -> (i32, i32) {
    %c0_i32 = arith.constant 0 : i32
    %c0_i32_0 = arith.constant 0 : i32
    %c0_i32_1 = arith.constant 0 : i32
    return %c0_i32, %c0_i32_0 : i32, i32
  }
  func.func @transform_5(%arg0: i32) -> (i32, i32) {
    %c0_i32 = arith.constant 0 : i32
    %c0_i32_0 = arith.constant 0 : i32
    %c0_i32_1 = arith.constant 0 : i32
    return %c0_i32, %c0_i32_0 : i32, i32
  }
  func.func @transform_6(%arg0: i32) -> (i32, i32) {
    %c0_i32 = arith.constant 0 : i32
    %c0_i32_0 = arith.constant 0 : i32
    return %arg0, %c0_i32 : i32, i32
  }
  func.func @transform_7(%arg0: i32) -> (i32, i32) {
    %c0_i32 = arith.constant 0 : i32
    %c0_i32_0 = arith.constant 0 : i32
    return %arg0, %c0_i32 : i32, i32
  }
  func.func @transform_8(%arg0: i32) -> (i32, i32) {
    %c0_i32 = arith.constant 0 : i32
    %c0_i32_0 = arith.constant 0 : i32
    return %arg0, %c0_i32 : i32, i32
  }
}

module attributes {stable_mosaic.version = 14 : i64} {
  func.func @_post1_body(%arg0: i32, %arg1: memref<2x1024x128xf32, #tpu.memory_space<vmem>>, %arg2: memref<1024x128xf32, #tpu.memory_space<vmem>>, %arg3: memref<1024x1xf32, #tpu.memory_space<vmem>>, %arg4: memref<1x128xf32, #tpu.memory_space<vmem>>, %arg5: memref<1x128xf32, #tpu.memory_space<vmem>>, %arg6: memref<1024x1xf32, #tpu.memory_space<vmem>>) attributes {dimension_semantics = [#tpu.dimension_semantics<arbitrary>], iteration_bounds = array<i64: 10>, scalar_prefetch = 0 : i64, scratch_operands = 0 : i64, tpu.core_type = #tpu.core_type<tc>, window_params = [{transform_indices = @transform_0, window_bounds = array<i64: 2, 1024, 128>}, {transform_indices = @transform_1, window_bounds = array<i64: 1024, 128>}, {transform_indices = @transform_2, window_bounds = array<i64: 1024, 1>}, {pipeline_mode = #tpu.pipeline_mode<synchronous>, transform_indices = @transform_3, window_bounds = array<i64: 1, 128>}, {pipeline_mode = #tpu.pipeline_mode<synchronous>, transform_indices = @transform_4, window_bounds = array<i64: 1, 128>}, {transform_indices = @transform_5, window_bounds = array<i64: 1024, 1>}]} {
    %get3A = arith.constant 0 : index
    %get3A_0 = arith.constant 0 : index
    %get3A_1 = arith.constant 0 : index
    %get3A_2 = vector.load %arg1[%get3A, %get3A_0, %get3A_1] : memref<2x1024x128xf32, #tpu.memory_space<vmem>>, vector<1x1024x128xf32>
    %get3A_3 = vector.shape_cast %get3A_2 : vector<1x1024x128xf32> to vector<1024x128xf32>
    %get3A_4 = arith.constant 1 : index
    %get3A_5 = arith.constant 0 : index
    %get3A_6 = arith.constant 0 : index
    %get3A_7 = vector.load %arg1[%get3A_4, %get3A_5, %get3A_6] : memref<2x1024x128xf32, #tpu.memory_space<vmem>>, vector<1x1024x128xf32>
    %get3A_8 = vector.shape_cast %get3A_7 : vector<1x1024x128xf32> to vector<1024x128xf32>
    %add3A = arith.addf %get3A_3, %get3A_8 : vector<1024x128xf32>
    %get3A_9 = arith.constant 0 : index
    %get3A_10 = arith.constant 0 : index
    %get3A_11 = vector.load %arg3[%get3A_9, %get3A_10] : memref<1024x1xf32, #tpu.memory_space<vmem>>, vector<1024x1xf32>
    %get3A_12 = arith.constant 0 : index
    %get3A_13 = arith.constant 0 : index
    %get3A_14 = vector.load %arg2[%get3A_12, %get3A_13] : memref<1024x128xf32, #tpu.memory_space<vmem>>, vector<1024x128xf32>
    %add3A_15 = arith.addf %add3A, %get3A_14 : vector<1024x128xf32>
    %mul3A = vector.broadcast %get3A_11 : vector<1024x1xf32> to vector<1024x128xf32>
    %mul3A_16 = arith.mulf %mul3A, %add3A_15 : vector<1024x128xf32>
    %get3A_17 = arith.constant 0 : index
    %get3A_18 = arith.constant 0 : index
    %get3A_19 = vector.load %arg4[%get3A_17, %get3A_18] : memref<1x128xf32, #tpu.memory_space<vmem>>, vector<1x128xf32>
    %add3A_20 = vector.broadcast %get3A_19 : vector<1x128xf32> to vector<1024x128xf32>
    %add3A_21 = arith.addf %mul3A_16, %add3A_20 : vector<1024x128xf32>
    %max3A = arith.constant 0.000000e+00 : f32
    %max3A_22 = vector.broadcast %max3A : f32 to vector<1024x128xf32>
    %max3A_23 = arith.maximumf %add3A_21, %max3A_22 : vector<1024x128xf32>
    %get3A_24 = arith.constant 0 : index
    %get3A_25 = arith.constant 0 : index
    %get3A_26 = vector.load %arg5[%get3A_24, %get3A_25] : memref<1x128xf32, #tpu.memory_space<vmem>>, vector<1x128xf32>
    %mul3A_27 = vector.broadcast %get3A_26 : vector<1x128xf32> to vector<1024x128xf32>
    %mul3A_28 = arith.mulf %max3A_23, %mul3A_27 : vector<1024x128xf32>
    %reduce_sum3A = arith.constant dense<0.000000e+00> : vector<1024xf32>
    %reduce_sum3A_29 = vector.multi_reduction <add>, %mul3A_28, %reduce_sum3A [1] : vector<1024x128xf32> to vector<1024xf32>
    %broadcast_in_dim3A = vector.shape_cast %reduce_sum3A_29 : vector<1024xf32> to vector<1024x1xf32>
    %mul3A_30 = arith.mulf %get3A_11, %broadcast_in_dim3A : vector<1024x1xf32>
    %swap3A = arith.constant 0 : index
    %swap3A_31 = arith.constant 0 : index
    %swap3A_32 = vector.load %arg6[%swap3A, %swap3A_31] : memref<1024x1xf32, #tpu.memory_space<vmem>>, vector<1024x1xf32>
    tpu.vector_store %arg6[%swap3A, %swap3A_31], %mul3A_30 {strides = array<i32>} : memref<1024x1xf32, #tpu.memory_space<vmem>>, vector<1024x1xf32>,
    return
  }
  func.func @transform_0(%arg0: i32) -> (i32, i32, i32) {
    %c0_i32 = arith.constant 0 : i32
    %c0_i32_0 = arith.constant 0 : i32
    %c0_i32_1 = arith.constant 0 : i32
    return %c0_i32, %arg0, %c0_i32_0 : i32, i32, i32
  }
  func.func @transform_1(%arg0: i32) -> (i32, i32) {
    %c0_i32 = arith.constant 0 : i32
    %c0_i32_0 = arith.constant 0 : i32
    return %arg0, %c0_i32 : i32, i32
  }
  func.func @transform_2(%arg0: i32) -> (i32, i32) {
    %c0_i32 = arith.constant 0 : i32
    %c0_i32_0 = arith.constant 0 : i32
    return %arg0, %c0_i32 : i32, i32
  }
  func.func @transform_3(%arg0: i32) -> (i32, i32) {
    %c0_i32 = arith.constant 0 : i32
    %c0_i32_0 = arith.constant 0 : i32
    %c0_i32_1 = arith.constant 0 : i32
    return %c0_i32, %c0_i32_0 : i32, i32
  }
  func.func @transform_4(%arg0: i32) -> (i32, i32) {
    %c0_i32 = arith.constant 0 : i32
    %c0_i32_0 = arith.constant 0 : i32
    %c0_i32_1 = arith.constant 0 : i32
    return %c0_i32, %c0_i32_0 : i32, i32
  }
  func.func @transform_5(%arg0: i32) -> (i32, i32) {
    %c0_i32 = arith.constant 0 : i32
    %c0_i32_0 = arith.constant 0 : i32
    return %arg0, %c0_i32 : i32, i32
  }
}

module attributes {stable_mosaic.version = 14 : i64} {
  func.func @_final_body(%arg0: i32, %arg1: memref<2x1024x1xf32, #tpu.memory_space<vmem>>, %arg2: memref<1024x1xf32, #tpu.memory_space<vmem>>, %arg3: memref<1024x1xf32, #tpu.memory_space<vmem>>, %arg4: memref<1024x1xf32, #tpu.memory_space<vmem>>, %arg5: memref<1x1xf32, #tpu.memory_space<vmem>>, %arg6: memref<1024x1xf32, #tpu.memory_space<vmem>>) attributes {dimension_semantics = [#tpu.dimension_semantics<arbitrary>], iteration_bounds = array<i64: 10>, scalar_prefetch = 0 : i64, scratch_operands = 0 : i64, tpu.core_type = #tpu.core_type<tc>, window_params = [{transform_indices = @transform_0, window_bounds = array<i64: 2, 1024, 1>}, {transform_indices = @transform_1, window_bounds = array<i64: 1024, 1>}, {transform_indices = @transform_2, window_bounds = array<i64: 1024, 1>}, {transform_indices = @transform_3, window_bounds = array<i64: 1024, 1>}, {pipeline_mode = #tpu.pipeline_mode<synchronous>, transform_indices = @transform_4, window_bounds = array<i64: 1, 1>}, {transform_indices = @transform_5, window_bounds = array<i64: 1024, 1>}]} {
    %get3A = arith.constant 0 : index
    %get3A_0 = arith.constant 0 : index
    %get3A_1 = arith.constant 0 : index
    %get3A_2 = vector.load %arg1[%get3A, %get3A_0, %get3A_1] : memref<2x1024x1xf32, #tpu.memory_space<vmem>>, vector<1x1024x1xf32>
    %get3A_3 = vector.shape_cast %get3A_2 : vector<1x1024x1xf32> to vector<1024x1xf32>
    %get3A_4 = arith.constant 1 : index
    %get3A_5 = arith.constant 0 : index
    %get3A_6 = arith.constant 0 : index
    %get3A_7 = vector.load %arg1[%get3A_4, %get3A_5, %get3A_6] : memref<2x1024x1xf32, #tpu.memory_space<vmem>>, vector<1x1024x1xf32>
    %get3A_8 = vector.shape_cast %get3A_7 : vector<1x1024x1xf32> to vector<1024x1xf32>
    %add3A = arith.addf %get3A_3, %get3A_8 : vector<1024x1xf32>
    %get3A_9 = arith.constant 0 : index
    %get3A_10 = arith.constant 0 : index
    %get3A_11 = vector.load %arg3[%get3A_9, %get3A_10] : memref<1024x1xf32, #tpu.memory_space<vmem>>, vector<1024x1xf32>
    %get3A_12 = arith.constant 0 : index
    %get3A_13 = arith.constant 0 : index
    %get3A_14 = vector.load %arg2[%get3A_12, %get3A_13] : memref<1024x1xf32, #tpu.memory_space<vmem>>, vector<1024x1xf32>
    %add3A_15 = arith.addf %add3A, %get3A_14 : vector<1024x1xf32>
    %mul3A = arith.mulf %get3A_11, %add3A_15 : vector<1024x1xf32>
    %get3A_16 = arith.constant 0 : index
    %get3A_17 = arith.constant 0 : index
    %get3A_18 = vector.load %arg5[%get3A_16, %get3A_17] : memref<1x1xf32, #tpu.memory_space<vmem>>, vector<1x1xf32>
    %add3A_19 = vector.broadcast %get3A_18 : vector<1x1xf32> to vector<1024x1xf32>
    %add3A_20 = arith.addf %mul3A, %add3A_19 : vector<1024x1xf32>
    %max3A = arith.constant 0.000000e+00 : f32
    %max3A_21 = vector.broadcast %max3A : f32 to vector<1024x1xf32>
    %max3A_22 = arith.maximumf %add3A_20, %max3A_21 : vector<1024x1xf32>
    %get3A_23 = arith.constant 0 : index
    %get3A_24 = arith.constant 0 : index
    %get3A_25 = vector.load %arg4[%get3A_23, %get3A_24] : memref<1024x1xf32, #tpu.memory_space<vmem>>, vector<1024x1xf32>
    %add3A_26 = arith.addf %max3A_22, %get3A_25 : vector<1024x1xf32>
    %swap3A = arith.constant 0 : index
    %swap3A_27 = arith.constant 0 : index
    %swap3A_28 = vector.load %arg6[%swap3A, %swap3A_27] : memref<1024x1xf32, #tpu.memory_space<vmem>>, vector<1024x1xf32>
    tpu.vector_store %arg6[%swap3A, %swap3A_27], %add3A_26 {strides = array<i32>} : memref<1024x1xf32, #tpu.memory_space<vmem>>, vector<1024x1xf32>,
    return
  }
  func.func @transform_0(%arg0: i32) -> (i32, i32, i32) {
    %c0_i32 = arith.constant 0 : i32
    %c0_i32_0 = arith.constant 0 : i32
    %c0_i32_1 = arith.constant 0 : i32
    return %c0_i32, %arg0, %c0_i32_0 : i32, i32, i32
  }
  func.func @transform_1(%arg0: i32) -> (i32, i32) {
    %c0_i32 = arith.constant 0 : i32
    %c0_i32_0 = arith.constant 0 : i32
    return %arg0, %c0_i32 : i32, i32
  }
  func.func @transform_2(%arg0: i32) -> (i32, i32) {
    %c0_i32 = arith.constant 0 : i32
    %c0_i32_0 = arith.constant 0 : i32
    return %arg0, %c0_i32 : i32, i32
  }
  func.func @transform_3(%arg0: i32) -> (i32, i32) {
    %c0_i32 = arith.constant 0 : i32
    %c0_i32_0 = arith.constant 0 : i32
    return %arg0, %c0_i32 : i32, i32
  }
  func.func @transform_4(%arg0: i32) -> (i32, i32) {
    %c0_i32 = arith.constant 0 : i32
    %c0_i32_0 = arith.constant 0 : i32
    %c0_i32_1 = arith.constant 0 : i32
    return %c0_i32, %c0_i32_0 : i32, i32
  }
  func.func @transform_5(%arg0: i32) -> (i32, i32) {
    %c0_i32 = arith.constant 0 : i32
    %c0_i32_0 = arith.constant 0 : i32
    return %arg0, %c0_i32 : i32, i32
  }
}

</mosaic_0001>

<sc_bundles>
// kernel: kernel.12.cloned.1.call-start
scs
__scs_entry_jumppad:
0x0: {  	(pc) =	sbr.rel $0x88, $3  }
0x1: {  	(tag) =	ssettag $0x0;
	lr =	simm.s32 $0x1  }
0x2: {  	[smem:$0x3F94] =	sst lr;
	_ =	strace $0xD0000000  }
0x3: {  	_ = 	snop  }
0x4: {  	_ = 	snop  }
0x5: {  	_ = 	snop  }
0x6: {  	_ = 	snop  }
0x7: {  	_ = 	snop  }
__scs_overlays_trampoline_lowered:
0x8: {  	[smem:$0x3FA3] =	sst s0  }
0x9: {  	[smem:$0x3FA4] =	sst s1  }
0xa: {  	[smem:$0x3FA5] =	sst s2  }
0xb: {  	[smem:$0x3FA6] =	sst s3  }
0xc: {  	[smem:$0x3FA7] =	sst s4  }
0xd: {  	[smem:$0x3FA8] =	sst s5  }
0xe: {  	[smem:$0x3FA9] =	sst s6  }
0xf: {  	[smem:$0x3FAA] =	sst s7  }
0x10: {  	[smem:$0x3FAB] =	sst s8  }
0x11: {  	[smem:$0x3FAC] =	sst s9;
	s0 =	simm.s32 @!p0 $0x0  }
0x12: {  	s1 =	sld [smem:$0x3F92];
	s0 =	simm.s32 @p0 $0x1  }
0x13: {  	[smem:$0x3FAD] =	sst s0;
	s0 =	simm.s32 @!p1 $0x0  }
0x14: {  	s2 =	sld [smem:$0x3F91];
	s0 =	simm.s32 @p1 $0x1  }
0x15: {  	[smem:$0x3FAE] =	sst s0;
	s0 =	simm.s32 @!p2 $0x0  }
0x16: {  	s3 =	sld [smem:$0x3FDB];
	s0 =	simm.s32 @p2 $0x1  }
0x17: {  	s4 =	simm.s32 $0x1BF5;
	[smem:$0x3FB0] =	sst s0  }
0x18: {  	s0 =	sld [smem:$0x3F93];
	_ =	swait.ge [sflag:s4], $0x0  }
0x19: {  	s7 =	sld [smem:$0x3F94]  }
0x1a: {  	s8 =	sadd.s32 $0xFFFFE003, lr  }
0x1b: {  	s9 =	sadd.s32 $0xFFFFFEF7, lr;
	s5 =	simm.s32 $0xFFFFFFFF;
	p2 =	slt.u32 s8, $0xFFFFF086  }
0x1c: {  	p1 =	slt.u32 s9, $0xF7A;
	s5 =	simm.s32 @!p2 $0x0  }
0x1d: {  	s5 =	simm.s32 @p1 $0x1;
	p0 =	seq.s32 s7, s2  }
0x1e: {  	s7 =	smul.u32 @!p0 $0xF7A, s2;
	p2 =	seq.s32 @!p0 s5, $0x0  }
0x1f: {  	s9 =	smul.u32 $0xF7A, s1;
	s8 =	simm.s32 @!p0 $0x1BF5;
	p2 =	por !p2, p0  }
0x20: {  	[sflag:s8] =	ssyncset.s32 @!p0 $0xFFFFF086;
	s6 =	sadd.s32 @!p0 s3, s7;
	s7 =	simm.s32 @!p0 $0x108  }
0x21: {  	s3 =	sadd.s32 s3, s9;
	s6 =	sadd.s32 @!p0 $0x88, s6;
	s7 =	simm.s32 @p2 $0x1082  }
0x22: {  	[simem:s7], [sflag:s8] =	dma.local @!p0 [hbm:s6], $0xF7A  }
0x23: {  	s9 =	sor.u32 $0xD0000000, s2;
	s6 =	simm.s32 $0x108;
	_ =	swait.ge @!p0 [sflag:s8], $0x0  }
0x24: {  	s3 =	sadd.s32 $0x88, s3;
	s6 =	simm.s32 @!p1 $0x1082;
	[sflag:s4] =	ssyncset.s32 $0xFFFFF086  }
0x25: {  	[simem:s6], [sflag:s4] =	dma.local [hbm:s3], $0xF7A  }
0x26: {  	[smem:$0x3F94] =	sst s1;
	(tag) =	ssettag s2;
	_ =	strace s9  }
0x27: {  	s1 =	sld [smem:$0x3FA4]  }
0x28: {  	s2 =	sld [smem:$0x3FA5]  }
0x29: {  	s4 =	sld [smem:$0x3FA7]  }
0x2a: {  	p0 =	seq.s32 s5, $0x0;
	s5 =	sld [smem:$0x3FA8]  }
0x2b: {  	s6 =	sld [smem:$0x3FA9]  }
0x2c: {  	s7 =	sld [smem:$0x3FAA]  }
0x2d: {  	s3 =	simm.s32 $0x108;
	s8 =	sld [smem:$0x3FAB]  }
0x2e: {  	s3 =	simm.s32 @!p0 $0x1082;
	s9 =	sld [smem:$0x3FAC]  }
0x2f: {  	lr =	sadd.s32 s0, s3;
	s0 =	sld [smem:$0x3FA3]  }
0x30: {  	s3 =	sld [smem:$0x3FA6]  }
0x31: {  	[smem:$0x3FAF] =	sst s10  }
0x32: {  	s10 =	sld [smem:$0x3FAD];
	_ =	sdelay $0x3  }
0x33: {  	p0 =	seq.s32 s10, $0x1;
	s10 =	sld [smem:$0x3FAF];
	_ =	sdelay $0x3  }
0x34: {  	[smem:$0x3FAF] =	sst s10  }
0x35: {  	s10 =	sld [smem:$0x3FAE];
	_ =	sdelay $0x3  }
0x36: {  	p1 =	seq.s32 s10, $0x1;
	s10 =	sld [smem:$0x3FAF];
	_ =	sdelay $0x3  }
0x37: {  	[smem:$0x3FAF] =	sst s10  }
0x38: {  	s10 =	sld [smem:$0x3FB0]  }
0x39: {  	_ = 	snop;
	(pc) =	sbr.ind lr, $3  }
0x3a: {  	_ = 	snop  }
0x3b: {  	_ = 	snop  }
0x3c: {  	p2 =	seq.s32 s10, $0x1;
	s10 =	sld [smem:$0x3FAF]  }
0x3d: {  	_ =	shalt  }
0x3e: {  	_ =	shalt  }
0x3f: {  	_ =	shalt  }
0x40: {  	_ =	shalt  }
0x41: {  	_ =	shalt  }
0x42: {  	_ =	shalt  }
0x43: {  	_ =	shalt  }
0x44: {  	_ =	shalt  }
0x45: {  	_ =	shalt  }
0x46: {  	_ =	shalt  }
0x47: {  	_ =	shalt  }
0x48: {  	_ =	shalt  }
0x49: {  	_ =	shalt  }
0x4a: {  	_ =	shalt  }
0x4b: {  	_ =	shalt  }
0x4c: {  	_ =	shalt  }
0x4d: {  	_ =	shalt  }
0x4e: {  	_ =	shalt  }
0x4f: {  	_ =	shalt  }
0x50: {  	_ =	shalt  }
0x51: {  	_ =	shalt  }
0x52: {  	_ =	shalt  }
0x53: {  	_ =	shalt  }
0x54: {  	_ =	shalt  }
0x55: {  	_ =	shalt  }
0x56: {  	_ =	shalt  }
0x57: {  	_ =	shalt  }
0x58: {  	_ =	shalt  }
0x59: {  	_ =	shalt  }
0x5a: {  	_ =	shalt  }
0x5b: {  	_ =	shalt  }
0x5c: {  	_ =	shalt  }
0x5d: {  	_ =	shalt  }
0x5e: {  	_ =	shalt  }
0x5f: {  	_ =	shalt  }
0x60: {  	_ =	shalt  }
0x61: {  	_ =	shalt  }
0x62: {  	_ =	shalt  }
0x63: {  	_ =	shalt  }
0x64: {  	_ =	shalt  }
0x65: {  	_ =	shalt  }
0x66: {  	_ =	shalt  }
0x67: {  	_ =	shalt  }
0x68: {  	_ =	shalt  }
0x69: {  	_ =	shalt  }
0x6a: {  	_ =	shalt  }
0x6b: {  	_ =	shalt  }
0x6c: {  	_ =	shalt  }
0x6d: {  	_ =	shalt  }
0x6e: {  	_ =	shalt  }
0x6f: {  	_ =	shalt  }
0x70: {  	_ =	shalt  }
0x71: {  	_ =	shalt  }
0x72: {  	_ =	shalt  }
0x73: {  	_ =	shalt  }
0x74: {  	_ =	shalt  }
0x75: {  	_ =	shalt  }
0x76: {  	_ =	shalt  }
0x77: {  	_ =	shalt  }
0x78: {  	_ =	shalt  }
0x79: {  	_ =	shalt  }
0x7a: {  	_ =	shalt  }
0x7b: {  	_ =	shalt  }
0x7c: {  	_ =	shalt  }
0x7d: {  	_ =	shalt  }
0x7e: {  	_ =	shalt  }
0x7f: {  	_ =	shalt  }
0x80: {  	_ =	shalt  }
0x81: {  	_ =	shalt  }
0x82: {  	_ =	shalt  }
0x83: {  	_ =	shalt  }
0x84: {  	_ =	shalt  }
0x85: {  	_ =	shalt  }
0x86: {  	_ =	shalt  }
0x87: {  	_ =	shalt  }
.Lfunc_end0:
.L_simem_size_0:
called_computation.1_lowered:
.L_overlay_start_0:
0x88: {  	s2 =	sld [smem:$0x3FD9]  }
0x89: {  	s3 =	sld [smem:$0x3FFE];
	_ =	sdelay $0x1  }
0x8a: {  	s1 =	srdreg.scid  }
0x8b: {  	s0 =	sand.u32 $0x1, s1  }
0x8c: {  	s16 =	sshll.u32 s0, $0xA;
	s2 =	sadd.s32 s3, s2  }
0x8d: {  	s2 =	sadd.s32 s2, s16  }
0x8e: {  	[smem:$0x3FBB] =	sst s2  }
0x8f: {  	_ = 	snop  }
0x90: {  	(tm) =	ssettm $0x1  }
0x91: {  	s17 =	sld [smem:$0x3FFB];
	_ =	sdelay $0x3  }
0x92: {  	_ =	strace s17  }
0x93: {  	s2 =	sld [smem:$0x3FFC];
	_ =	sdelay $0x3  }
0x94: {  	_ =	strace s2  }
0x95: {  	s2 =	sld [smem:$0x3FFD];
	_ =	sdelay $0x3  }
0x96: {  	_ =	strace s2  }
0x97: {  	_ =	strace $0x8FFFFFFF  }
0x98: {  	s18 =	sld [smem:$0x3FDB];
	_ =	sdelay $0x1  }
0x99: {  	s19 =	simm.s32 $_scs_section_size  }
0x9a: {  	s4 =	simm.s32 $_size__tile_overlayer_lowered;
	s5 =	simm.s32 $_tile_overlayer_lowered  }
0x9b: {  	s22 =	simm.s32 $0x1BFF;
	s21 =	sshll.u32 s5, $0x1;
	s2 =	sadd.s32 s19, s18  }
0x9c: {  	s6 =	simm.s32 $0x0;
	s20 =	sshll.u32 s4, $0x1;
	s4 =	sadd.s32 s21, s2  }
0x9d: {  	[timem:s6], [sflag:s22] =	dma.local [hbm:s4], s20  }
0x9e: {  	_ =	swait.ge [sflag:s22], s20  }
0x9f: {  	s3 =	ssub.s32 $0x0, s20;
	[sflag:s22] =	ssyncset.done $0x0  }
0xa0: {  	[sflag:s22] =	ssyncadd.s32 s3;
	_ =	sdelay $0x1  }
0xa1: {  	s23 =	simm.s32 $0x1B8B  }
0xa2: {  	_ =	swait.ge [sflag:s23], $0x1  }
0xa3: {  	[sflag:s23] =	ssyncset.done $0x0  }
0xa4: {  	s25 =	simm.s32 $0x1B8E;
	s24 =	sld [smem:$0x3FFE];
	[sflag:s23] =	ssyncadd.s32 $0xFFFFFFFF  }
0xa5: {  	s26 =	simm.s32 $execute0_lowered;
	[smem:$0x3FD2] =	sst s25  }
0xa6: {  	s4 =	sshll.u32 s26, $0x1;
	_ =	strace $0x80000049;
	[dreg:$0x1] =	wrdreg $0xFFFFFFFF  }
0xa7: {  	s28 =	simm.s32 $_size_execute0_lowered;
	s2 =	sadd.s32 s2, s4;
	[dreg:$0x0] =	wrdreg $0x0  }
0xa8: {  	s4 =	sshll.u32 s28, $0x1;
	[dreg:$0x2] =	wrdreg s2  }
0xa9: {  	[dreg:$0x3] =	wrdreg s4  }
0xaa: {  	[dreg:$0x4] =	wrdreg $0xC0  }
0xab: {  	_ =	task [dreg:s6], $0x5FFFF  }
0xac: {  	[dreg:$0x1] =	wrdreg $0xFFFFFFFF  }
0xad: {  	[dreg:$0x0] =	wrdreg $0x60  }
0xae: {  	[dreg:$0x2] =	wrdreg s24  }
0xaf: {  	[dreg:$0x3] =	wrdreg $0x0  }
0xb0: {  	[dreg:$0x4] =	wrdreg $0x9  }
0xb1: {  	_ =	task.clear_ibuf [dreg:s6], $0x5FFFF;
	_ =	strace $0x90000049  }
0xb2: {  	s29 =	simm.s32 $0x9;
	_ =	strace $0x8000004B  }
0xb3: {  	_ =	swait.ge [sflag:s29], $0x1  }
0xb4: {  	[sflag:s29] =	ssyncadd.s32 $0xFFFFFFFF  }
0xb5: {  	_ =	strace $0x9000004B  }
0xb6: {  	_ =	sfence  }
0xb7: {  	s30 =	sld [smem:$0x0];
	_ =	sdelay $0x2  }
0xb8: {  	s31 =	sshll.u32 s1, $0xD;
	s1 =	sshrl.u32 s1, $0x2  }
0xb9: {  	s3 =	sand.u32 $0x4000, s31;
	s1 =	sadd.s32 s1, s30  }
0xba: {  	s0 =	sor.u32 s3, s0;
	s1 =	sshll.u32 s1, $0x11  }
0xbb: {  	s0 =	sor.u32 s1, s0  }
0xbc: {  	s0 =	sadd.s32 $0x8F2B, s0  }
0xbd: {  	[sflag:s0] =	ssyncadd.remote.s32 $0x1  }
0xbe: {  	_ =	sfence.sel $0xFFFF  }
0xbf: {  	[dreg:$0x0] =	wrdreg $0xFFFFFFFF;
	(pc) =	sbr.abs _section_cstart, $3  }
0xc0: {  	[dreg:$0x1] =	wrdreg $0xFFFFFFFF  }
0xc1: {  	_ =	task.clear_ibuf [dreg:s6], $0x2FFFF;
	_ =	strace $0x9FFFFFFF  }
0xc2: {  	(tm) =	ssettm $0x7FFFFFFF  }
0xc3: {  	_ =	shalt  }
tec
execute0_lowered:
.L_overlay_start_1:
0x0: {  	(tag) =	ssettag $0x1  }
0x1: {  	s0 =	rddreg [dreg:$0x0]  }
0x2: {  	s1 =	rddreg [dreg:$0x1];
	s2 =	srdreg.scid  }
0x3: {  	s3 =	simm.s32 $0x0;
	s11 =	stileid.u32;
	s19 =	simm.s32 $0x14C00  }
0x4: {  	s20 =	simm.s32 $0x3;
	s21 =	simm.s32 $0x14000;
	s22 =	simm.s32 $0x14400  }
0x5: {  	s23 =	simm.s32 $0x14800;
	s28 =	simm.s32 $0x2;
	s29 =	simm.s32 $0x0  }
0x6: {  	s2 =	sand.u32 $0x1, s2;
	[smem:$0x7FF] =	sst s3;
	s7 =	smul.u32 $0x14000, s11  }
0x7: {  	s4 =	sadd.s32 $0x54A00, s0;
	s5 =	sadd.s32 $0x15A00, s0;
	s9 =	smul.u32 $0x50000, s11  }
0x8: {  	s6 =	smul.u32 $0x140000, s2;
	_ =	strace $0x8000004A;
	s10 =	ssub.s32 $0x2, s2  }
0x9: {  	s2 =	sshll.u32 s2, $0x4;
	s24 =	sshrl.u32 s9, $0x2;
	s25 =	sshrl.u32 s10, $0x1  }
0xa: {  	s2 =	sor.u32 s11, s2;
	s8 =	sadd.s32 s7, s6;
	s6 =	sadd.s32 $0x2AA00, s0  }
0xb: {  	s7 =	sadd.s32 $0x3FA00, s0;
	s9 =	ssub.s32 s10, s25;
	s16 =	smul.u32 $0x5400, s2  }
0xc: {  	v0 =	vimm.f32 $0.0e+00;
	v1 =	vimm.s32 $0x0;
	s25 =	simm.s32 $0x17400;
	s8 =	sshrl.u32 s8, $0x3;
	s18 =	smax.u32 s9, $0x1  }
0xd: {  	v2 =	vimm.s32 $0x1;
	v3 =	vimm.s32 $0x2;
	v4 =	vimm.s32 $0x3;
	s0 =	sadd.s32 s8, s0;
	s8 =	sadd.s32 s24, s1;
	s24 =	simm.s32 $0x50  }
0xe: {  	v5 =	vimm.s32 $0x4;
	v6 =	vimm.s32 $0x5;
	v7 =	vimm.s32 $0x6;
	s26 =	sadd.s32 $0x2800, s8;
	s30 =	sadd.s32 $0x5000, s8;
	s31 =	sadd.s32 $0x7800, s8  }
0xf: {  	v8 =	vimm.s32 $0x7;
	v9 =	vimm.s32 $0x8;
	v10 =	vimm.s32 $0x9;
	s12 =	sadd.s32 $0xA000, s8;
	s13 =	sadd.s32 $0xC800, s8;
	[dreg:$0x3] =	wrdreg s26  }
0x10: {  	v11 =	vimm.s32 $0xA;
	v12 =	vimm.s32 $0xB;
	v13 =	vimm.s32 $0xC;
	s14 =	sadd.s32 $0xF000, s8;
	s15 =	sadd.s32 $0x11800, s8;
	[dreg:$0x4] =	wrdreg s30  }
0x11: {  	v14 =	vimm.s32 $0xD;
	v15 =	vimm.s32 $0xE;
	v16 =	vimm.s32 $0xF;
	s17 =	sadd.s32 $0x7CA00, s0;
	[dreg:$0x5] =	wrdreg s31;
	s26 =	simm.s32 $0x1  }
.LBB2_1:
0x12: {  	s0 =	simm.s32 $0x0;
	s2 =	simm.s32 $0x200  }
.LBB2_2:
0x13: {  	p0 =	sne.s32 s2, $0x9E00;
	[tilespmem:s0+$0x14C70] =	vst v0  }
0x14: {  	[tilespmem:s0+$0x14C00] =	vst v0  }
0x15: {  	[tilespmem:s0+$0x14C10] =	vst v0  }
.Ltmp0:
0x16: {  	[tilespmem:s0+$0x14C20] =	vst v0;
	(pc) =	sbr.rel @p0 .LBB2_2-.Ltmp0, $4  }
0x17: {  	[tilespmem:s0+$0x14C30] =	vst v0  }
0x18: {  	[tilespmem:s0+$0x14C40] =	vst v0  }
0x19: {  	[tilespmem:s0+$0x14C50] =	vst v0  }
0x1a: {  	[tilespmem:s0+$0x14C60] =	vst v0;
	s0 =	sshra.s32 s2, $0x2;
	s2 =	sadd.s32 $0x200, s2  }
0x1b: {  	[tilespmem:s0+$0x14C70] =	vst v0  }
0x1c: {  	[tilespmem:s0+$0x14C00] =	vst v0  }
0x1d: {  	[tilespmem:s0+$0x14C10] =	vst v0  }
0x1e: {  	[tilespmem:s0+$0x14C20] =	vst v0  }
0x1f: {  	[tilespmem:s0+$0x14C30] =	vst v0  }
0x20: {  	[tilespmem:s0+$0x14C40] =	vst v0  }
0x21: {  	[tilespmem:s0+$0x14C50] =	vst v0  }
0x22: {  	[tilespmem:s0+$0x14C60] =	vst v0  }
0x23: {  	[spmem:s8] =	stream.linear.scatter [tilespmem:s19], [sflag:$0x3], $0x2800, $0x38;
	[tilespmem:$0x19C00] =	vst v63  }
0x24: {  	_ =	swait.ge [sflag:s20], $0x2800  }
0x25: {  	[sflag:s20] =	ssyncset.done $0x0  }
0x26: {  	s10 =	rddreg [dreg:$0x3];
	[sflag:s20] =	ssyncadd.s32 $0xFFFFD800  }
0x27: {  	[spmem:s10] =	stream.linear.scatter [tilespmem:s19], [sflag:$0x3], $0x2800, $0x38;
	[tilespmem:$0x19C00] =	vst v63  }
0x28: {  	_ =	swait.ge [sflag:s20], $0x2800  }
0x29: {  	[sflag:s20] =	ssyncset.done $0x0  }
0x2a: {  	s11 =	rddreg [dreg:$0x4];
	[sflag:s20] =	ssyncadd.s32 $0xFFFFD800  }
0x2b: {  	[spmem:s11] =	stream.linear.scatter [tilespmem:s19], [sflag:$0x3], $0x2800, $0x38;
	[tilespmem:$0x19C00] =	vst v63  }
0x2c: {  	_ =	swait.ge [sflag:s20], $0x2800  }
0x2d: {  	[sflag:s20] =	ssyncset.done $0x0  }
0x2e: {  	s31 =	rddreg [dreg:$0x5];
	[sflag:s20] =	ssyncadd.s32 $0xFFFFD800  }
0x2f: {  	[spmem:s31] =	stream.linear.scatter [tilespmem:s19], [sflag:$0x3], $0x2800, $0x38;
	[tilespmem:$0x19C00] =	vst v63  }
0x30: {  	_ =	swait.ge [sflag:s20], $0x2800  }
0x31: {  	[sflag:s20] =	ssyncset.done $0x0  }
0x32: {  	[sflag:s20] =	ssyncadd.s32 $0xFFFFD800  }
0x33: {  	[spmem:s12] =	stream.linear.scatter [tilespmem:s19], [sflag:$0x3], $0x2800, $0x38;
	[tilespmem:$0x19C00] =	vst v63  }
0x34: {  	_ =	swait.ge [sflag:s20], $0x2800  }
0x35: {  	[sflag:s20] =	ssyncset.done $0x0  }
0x36: {  	[sflag:s20] =	ssyncadd.s32 $0xFFFFD800  }
0x37: {  	[spmem:s13] =	stream.linear.scatter [tilespmem:s19], [sflag:$0x3], $0x2800, $0x38;
	[tilespmem:$0x19C00] =	vst v63  }
0x38: {  	_ =	swait.ge [sflag:s20], $0x2800  }
0x39: {  	[sflag:s20] =	ssyncset.done $0x0  }
0x3a: {  	[sflag:s20] =	ssyncadd.s32 $0xFFFFD800  }
0x3b: {  	[spmem:s14] =	stream.linear.scatter [tilespmem:s19], [sflag:$0x3], $0x2800, $0x38;
	[tilespmem:$0x19C00] =	vst v63  }
0x3c: {  	_ =	swait.ge [sflag:s20], $0x2800  }
0x3d: {  	[sflag:s20] =	ssyncset.done $0x0  }
0x3e: {  	[sflag:s20] =	ssyncadd.s32 $0xFFFFD800  }
0x3f: {  	[spmem:s15] =	stream.linear.scatter [tilespmem:s19], [sflag:$0x3], $0x2800, $0x38;
	[tilespmem:$0x19C00] =	vst v63  }
0x40: {  	_ =	swait.ge [sflag:s20], $0x2800  }
0x41: {  	[sflag:s20] =	ssyncset.done $0x0  }
0x42: {  	[sflag:s20] =	ssyncadd.s32 $0xFFFFD800  }
0x43: {  	s30 =	simm.s32 $0x0;
	[bflag:$0x0] =	sbarrier.arrive $0xFFFF  }
.LBB2_4:
0x44: {  	s0 =	sshll.u32 s30, $0xA  }
0x45: {  	s0 =	sadd.s32 s16, s0  }
0x46: {  	s0 =	sshrl.u32 s0, $0x3  }
0x47: {  	s2 =	sadd.s32 s5, s0  }
0x48: {  	[tilespmem:s21], [sflag:$0x3] =	stream.linear.gather [hbm4b:s2+s29], $0x300, $0x38;
	[tilespmem:$0x19C00] =	vst v63  }
0x49: {  	_ =	swait.ge [sflag:s20], $0x300  }
0x4a: {  	[sflag:s20] =	ssyncset.done $0x0  }
0x4b: {  	s11 =	sadd.s32 s6, s0;
	[sflag:s20] =	ssyncadd.s32 $0xFFFFFD00  }
0x4c: {  	[tilespmem:s22], [sflag:$0x3] =	stream.linear.gather [hbm4b:s11+s29], $0x300, $0x38;
	[tilespmem:$0x19C00] =	vst v63  }
0x4d: {  	_ =	swait.ge [sflag:s20], $0x300  }
0x4e: {  	[sflag:s20] =	ssyncset.done $0x0  }
0x4f: {  	s0 =	sadd.s32 s7, s0;
	[sflag:s20] =	ssyncadd.s32 $0xFFFFFD00  }
0x50: {  	[tilespmem:s23], [sflag:$0x3] =	stream.linear.gather [hbm4b:s0+s29], $0x300, $0x38;
	[tilespmem:$0x19C00] =	vst v63  }
0x51: {  	_ =	swait.ge [sflag:s20], $0x300  }
0x52: {  	[sflag:s20] =	ssyncset.done $0x0  }
0x53: {  	s31 =	simm.s32 $0x0;
	[sflag:s20] =	ssyncadd.s32 $0xFFFFFD00  }
0x54: {  	[tilespmem:s19], [sflag:$0x1] =	stream.indirect.gather [hbm4b:s4+s24], $0x80, s21, s24, $0xb8;
	[tilespmem:$0x19C00] =	vst v63  }
.LBB2_5:
0x55: {  	s0 =	sshll.u32 s31, $0x8  }
0x56: {  	s2 =	sadd.s32 $0x14080, s0  }
0x57: {  	[tilespmem:s25], [sflag:$0x2] =	stream.indirect.gather [hbm4b:s4+s24], $0x80, s2, s24, $0xb8;
	[tilespmem:$0x19C00] =	vst v63  }
0x58: {  	s2 =	sshll.u32 s31, $0xA  }
0x59: {  	s9 =	sshrl.u32 s2, $0x2  }
0x5a: {  	s11 =	sadd.s32 $0x14800, s9  }
0x5b: {  	_ =	swait.ge [sflag:s26], $0x2800;
	v17 =	vmov s11  }
0x5c: {  	[sflag:s26] =	ssyncset.done $0x0  }
0x5d: {  	s10 =	simm.s32 $0x0;
	s0 =	sor.u32 $0x80, s0;
	[sflag:s26] =	ssyncadd.s32 $0xFFFFD800  }
.LBB2_6:
0x5e: {  	s11 =	sshll.u32 s10, $0x4  }
0x5f: {  	s11 =	sand.u32 $0x3FFFFFF0, s11  }
0x60: {  	v18 =	vld.idx.msk [tilespmem:v17+s11+$0x0 ss:$0x1], $0xffff;
	s11 =	sshll.u32 s10, $0xB  }
0x61: {  	s11 =	sand.u32 $0x3FFFF800, s11  }
0x62: {  	v19 =	vld [tilespmem:s11+$0x14C00]  }
0x63: {  	v20 =	vld [tilespmem:s11+$0x14C10]  }
0x64: {  	v21 =	vld [tilespmem:s11+$0x14C20]  }
0x65: {  	v23 =	vld [tilespmem:s11+$0x14C30];
	v22 =	vperm.xlane v18, v1  }
0x66: {  	v24 =	vld [tilespmem:s11+$0x14C40]  }
0x67: {  	v25 =	vld [tilespmem:s11+$0x14C50];
	v19 =	vmul.f32 v19, v22  }
0x68: {  	v26 =	vld [tilespmem:s11+$0x14C60];
	v20 =	vmul.f32 v20, v22  }
0x69: {  	v43 =	vld [tilespmem:s11+$0x14C70];
	[tilespmem:s11+$0x14C00] =	vst v19;
	v19 =	vmul.f32 v21, v22  }
0x6a: {  	v45 =	vld [tilespmem:s11+$0x14C80];
	v44 =	vmul.f32 v23, v22;
	[tilespmem:s11+$0x14C10] =	vst v20  }
0x6b: {  	v46 =	vld [tilespmem:s11+$0x14C90];
	[tilespmem:s11+$0x14C20] =	vst v19;
	v19 =	vmul.f32 v24, v22  }
0x6c: {  	v48 =	vld [tilespmem:s11+$0x14CA0];
	v47 =	vmul.f32 v25, v22;
	[tilespmem:s11+$0x14C30] =	vst v44  }
0x6d: {  	v27 =	vld [tilespmem:s11+$0x14CB0];
	v49 =	vperm.xlane v18, v2;
	[tilespmem:s11+$0x14C40] =	vst v19;
	v19 =	vmul.f32 v26, v22  }
0x6e: {  	v51 =	vld [tilespmem:s11+$0x14CC0];
	v50 =	vmul.f32 v43, v22;
	[tilespmem:s11+$0x14C50] =	vst v47  }
0x6f: {  	v52 =	vld [tilespmem:s11+$0x14CD0];
	[tilespmem:s11+$0x14C60] =	vst v19;
	v19 =	vmul.f32 v45, v49  }
0x70: {  	v54 =	vld [tilespmem:s11+$0x14CE0];
	v53 =	vmul.f32 v46, v49;
	[tilespmem:s11+$0x14C70] =	vst v50  }
0x71: {  	v55 =	vld [tilespmem:s11+$0x14CF0];
	[tilespmem:s11+$0x14C80] =	vst v19;
	v19 =	vmul.f32 v48, v49  }
0x72: {  	v57 =	vld [tilespmem:s11+$0x14D00];
	v56 =	vmul.f32 v27, v49;
	[tilespmem:s11+$0x14C90] =	vst v53  }
0x73: {  	v58 =	vld [tilespmem:s11+$0x14D10];
	[tilespmem:s11+$0x14CA0] =	vst v19;
	v19 =	vmul.f32 v51, v49  }
0x74: {  	v60 =	vld [tilespmem:s11+$0x14D20];
	v59 =	vmul.f32 v52, v49;
	[tilespmem:s11+$0x14CB0] =	vst v56  }
0x75: {  	v62 =	vld [tilespmem:s11+$0x14D30];
	v61 =	vperm.xlane v18, v3;
	[tilespmem:s11+$0x14CC0] =	vst v19;
	v19 =	vmul.f32 v54, v49  }
0x76: {  	v28 =	vld [tilespmem:s11+$0x14D40];
	v63 =	vmul.f32 v55, v49;
	[tilespmem:s11+$0x14CD0] =	vst v59  }
0x77: {  	v29 =	vld [tilespmem:s11+$0x14D50];
	[tilespmem:s11+$0x14CE0] =	vst v19;
	v19 =	vmul.f32 v57, v61  }
0x78: {  	v31 =	vld [tilespmem:s11+$0x14D60];
	v30 =	vmul.f32 v58, v61;
	[tilespmem:s11+$0x14CF0] =	vst v63  }
0x79: {  	v32 =	vld [tilespmem:s11+$0x14D70];
	[tilespmem:s11+$0x14D00] =	vst v19;
	v19 =	vmul.f32 v60, v61  }
0x7a: {  	v34 =	vld [tilespmem:s11+$0x14D80];
	v33 =	vmul.f32 v62, v61;
	[tilespmem:s11+$0x14D10] =	vst v30  }
0x7b: {  	v35 =	vld [tilespmem:s11+$0x14D90];
	[tilespmem:s11+$0x14D20] =	vst v19;
	v19 =	vmul.f32 v28, v61  }
0x7c: {  	v37 =	vld [tilespmem:s11+$0x14DA0];
	v36 =	vmul.f32 v29, v61;
	[tilespmem:s11+$0x14D30] =	vst v33  }
0x7d: {  	v39 =	vld [tilespmem:s11+$0x14DB0];
	v38 =	vperm.xlane v18, v4;
	[tilespmem:s11+$0x14D40] =	vst v19;
	v19 =	vmul.f32 v31, v61  }
0x7e: {  	v41 =	vld [tilespmem:s11+$0x14DC0];
	v40 =	vmul.f32 v32, v61;
	[tilespmem:s11+$0x14D50] =	vst v36  }
0x7f: {  	v45 =	vld [tilespmem:s11+$0x14DF0];
	[tilespmem:s11+$0x14D60] =	vst v19;
	v19 =	vmul.f32 v34, v38  }
0x80: {  	v43 =	vmul.f32 v35, v38;
	[tilespmem:s11+$0x14D70] =	vst v40;
	v44 =	vld [tilespmem:s11+$0x14DE0]  }
0x81: {  	v42 =	vld [tilespmem:s11+$0x14DD0];
	[tilespmem:s11+$0x14D80] =	vst v19;
	v19 =	vmul.f32 v37, v38  }
0x82: {  	v46 =	vmul.f32 v39, v38;
	[tilespmem:s11+$0x14D90] =	vst v43;
	v47 =	vld [tilespmem:s11+$0x14E00]  }
0x83: {  	v52 =	vld [tilespmem:s11+$0x14E30];
	[tilespmem:s11+$0x14DA0] =	vst v19;
	v19 =	vmul.f32 v41, v38  }
0x84: {  	[tilespmem:s11+$0x14DB0] =	vst v46;
	v50 =	vld [tilespmem:s11+$0x14E20];
	v53 =	vmul.f32 v45, v38  }
0x85: {  	v55 =	vld [tilespmem:s11+$0x14E50];
	v51 =	vperm.xlane v18, v5;
	[tilespmem:s11+$0x14DC0] =	vst v19;
	v19 =	vmul.f32 v44, v38  }
0x86: {  	v49 =	vmul.f32 v42, v38;
	v54 =	vld [tilespmem:s11+$0x14E40];
	[tilespmem:s11+$0x14DF0] =	vst v53  }
0x87: {  	v58 =	vld [tilespmem:s11+$0x14E70];
	[tilespmem:s11+$0x14DE0] =	vst v19;
	v19 =	vmul.f32 v47, v51  }
0x88: {  	v59 =	vmul.f32 v52, v51;
	[tilespmem:s11+$0x14DD0] =	vst v49;
	v57 =	vld [tilespmem:s11+$0x14E60]  }
0x89: {  	v48 =	vld [tilespmem:s11+$0x14E10];
	[tilespmem:s11+$0x14E00] =	vst v19;
	v19 =	vmul.f32 v50, v51  }
0x8a: {  	v62 =	vmul.f32 v55, v51;
	[tilespmem:s11+$0x14E30] =	vst v59;
	v60 =	vld [tilespmem:s11+$0x14E80]  }
0x8b: {  	v40 =	vld [tilespmem:s11+$0x14F10];
	[tilespmem:s11+$0x14E20] =	vst v19;
	v19 =	vmul.f32 v54, v51  }
0x8c: {  	v63 =	vld [tilespmem:s11+$0x14EA0];
	v32 =	vmul.f32 v58, v51;
	[tilespmem:s11+$0x14E50] =	vst v62  }
0x8d: {  	v30 =	vperm.xlane v18, v6;
	v61 =	vld [tilespmem:s11+$0x14E90];
	[tilespmem:s11+$0x14E40] =	vst v19;
	v19 =	vmul.f32 v57, v51  }
0x8e: {  	v33 =	vld [tilespmem:s11+$0x14EC0];
	v43 =	vperm.xlane v18, v7;
	v56 =	vmul.f32 v48, v51;
	[tilespmem:s11+$0x14E70] =	vst v32  }
0x8f: {  	v53 =	vld [tilespmem:s11+$0x14F90];
	[tilespmem:s11+$0x14E60] =	vst v19;
	v19 =	vmul.f32 v60, v30  }
0x90: {  	v36 =	vld [tilespmem:s11+$0x14EE0];
	v48 =	vmul.f32 v40, v43;
	[tilespmem:s11+$0x14E10] =	vst v56  }
0x91: {  	v31 =	vld [tilespmem:s11+$0x14EB0];
	[tilespmem:s11+$0x14E80] =	vst v19;
	v19 =	vmul.f32 v63, v30  }
0x92: {  	v39 =	vld [tilespmem:s11+$0x14F00];
	[tilespmem:s11+$0x14F10] =	vst v48;
	v56 =	vperm.xlane v18, v8;
	v35 =	vmul.f32 v61, v30  }
0x93: {  	v34 =	vld [tilespmem:s11+$0x14ED0];
	[tilespmem:s11+$0x14EA0] =	vst v19;
	v19 =	vmul.f32 v33, v30  }
0x94: {  	v42 =	vld [tilespmem:s11+$0x14F20];
	v61 =	vmul.f32 v53, v56;
	[tilespmem:s11+$0x14E90] =	vst v35  }
0x95: {  	v37 =	vld [tilespmem:s11+$0x14EF0];
	[tilespmem:s11+$0x14EC0] =	vst v19;
	v19 =	vmul.f32 v36, v30  }
0x96: {  	v46 =	vld [tilespmem:s11+$0x14F40];
	[tilespmem:s11+$0x14F90] =	vst v61;
	v38 =	vmul.f32 v31, v30  }
0x97: {  	v47 =	vld [tilespmem:s11+$0x14F50];
	[tilespmem:s11+$0x14EE0] =	vst v19;
	v19 =	vmul.f32 v39, v43  }
0x98: {  	v49 =	vld [tilespmem:s11+$0x14F60];
	v41 =	vmul.f32 v34, v30;
	[tilespmem:s11+$0x14EB0] =	vst v38  }
0x99: {  	v38 =	vld [tilespmem:s11+$0x15050];
	[tilespmem:s11+$0x14F00] =	vst v19;
	v19 =	vmul.f32 v42, v43  }
0x9a: {  	v52 =	vld [tilespmem:s11+$0x14F80];
	[tilespmem:s11+$0x14ED0] =	vst v41;
	v45 =	vmul.f32 v37, v30  }
0x9b: {  	v44 =	vld [tilespmem:s11+$0x14F30];
	[tilespmem:s11+$0x14F20] =	vst v19;
	v19 =	vmul.f32 v46, v43  }
0x9c: {  	v55 =	vld [tilespmem:s11+$0x14FA0];
	v34 =	vperm.xlane v18, v9;
	[tilespmem:s11+$0x14EF0] =	vst v45;
	v54 =	vmul.f32 v47, v43  }
0x9d: {  	v50 =	vld [tilespmem:s11+$0x14F70];
	[tilespmem:s11+$0x14F40] =	vst v19;
	v19 =	vmul.f32 v49, v43  }
0x9e: {  	v59 =	vld [tilespmem:s11+$0x14FC0];
	v45 =	vmul.f32 v38, v34;
	[tilespmem:s11+$0x14F50] =	vst v54  }
0x9f: {  	v57 =	vld [tilespmem:s11+$0x14FB0];
	[tilespmem:s11+$0x14F60] =	vst v19;
	v19 =	vmul.f32 v52, v56  }
0xa0: {  	v62 =	vld [tilespmem:s11+$0x14FE0];
	v51 =	vmul.f32 v44, v43;
	[tilespmem:s11+$0x15050] =	vst v45  }
0xa1: {  	v60 =	vld [tilespmem:s11+$0x14FD0];
	[tilespmem:s11+$0x14F80] =	vst v19;
	v19 =	vmul.f32 v55, v56  }
0xa2: {  	v58 =	vmul.f32 v50, v43;
	[tilespmem:s11+$0x14F30] =	vst v51;
	v30 =	vld [tilespmem:s11+$0x15000]  }
0xa3: {  	v51 =	vld [tilespmem:s11+$0x150D0];
	[tilespmem:s11+$0x14FA0] =	vst v19;
	v19 =	vmul.f32 v59, v56  }
0xa4: {  	[tilespmem:s11+$0x14F70] =	vst v58;
	v29 =	vmul.f32 v57, v56;
	v33 =	vld [tilespmem:s11+$0x15020]  }
0xa5: {  	v63 =	vld [tilespmem:s11+$0x14FF0];
	[tilespmem:s11+$0x14FC0] =	vst v19;
	v19 =	vmul.f32 v62, v56  }
0xa6: {  	v37 =	vld [tilespmem:s11+$0x15040];
	v47 =	vperm.xlane v18, v10;
	[tilespmem:s11+$0x14FB0] =	vst v29;
	v32 =	vmul.f32 v60, v56  }
0xa7: {  	v61 =	vld [tilespmem:s11+$0x15130];
	[tilespmem:s11+$0x14FE0] =	vst v19;
	v19 =	vmul.f32 v30, v34  }
0xa8: {  	v40 =	vld [tilespmem:s11+$0x15060];
	v58 =	vmul.f32 v51, v47;
	[tilespmem:s11+$0x14FD0] =	vst v32  }
0xa9: {  	v31 =	vld [tilespmem:s11+$0x15010];
	[tilespmem:s11+$0x15000] =	vst v19;
	v19 =	vmul.f32 v33, v34  }
0xaa: {  	v60 =	vperm.xlane v18, v11;
	v36 =	vmul.f32 v63, v56;
	[tilespmem:s11+$0x150D0] =	vst v58;
	v43 =	vld [tilespmem:s11+$0x15080]  }
0xab: {  	v57 =	vld [tilespmem:s11+$0x15110];
	[tilespmem:s11+$0x15020] =	vst v19;
	v19 =	vmul.f32 v37, v34  }
0xac: {  	v32 =	vmul.f32 v61, v60;
	[tilespmem:s11+$0x14FF0] =	vst v36;
	v46 =	vld [tilespmem:s11+$0x150A0]  }
0xad: {  	v35 =	vld [tilespmem:s11+$0x15030];
	[tilespmem:s11+$0x15040] =	vst v19;
	v19 =	vmul.f32 v40, v34  }
0xae: {  	v50 =	vld [tilespmem:s11+$0x150C0];
	v39 =	vmul.f32 v31, v34;
	[tilespmem:s11+$0x15130] =	vst v32  }
0xaf: {  	v28 =	vld [tilespmem:s11+$0x15150];
	[tilespmem:s11+$0x15060] =	vst v19;
	v19 =	vmul.f32 v43, v47  }
0xb0: {  	v53 =	vld [tilespmem:s11+$0x150E0];
	v29 =	vmul.f32 v57, v60;
	[tilespmem:s11+$0x15010] =	vst v39  }
0xb1: {  	v31 =	vld [tilespmem:s11+$0x15170];
	[tilespmem:s11+$0x15080] =	vst v19;
	v19 =	vmul.f32 v46, v47  }
0xb2: {  	v42 =	vmul.f32 v35, v34;
	[tilespmem:s11+$0x15110] =	vst v29;
	v56 =	vld [tilespmem:s11+$0x15100]  }
0xb3: {  	v41 =	vld [tilespmem:s11+$0x15070];
	[tilespmem:s11+$0x150A0] =	vst v19;
	v19 =	vmul.f32 v50, v47  }
0xb4: {  	v35 =	vmul.f32 v28, v60;
	[tilespmem:s11+$0x15030] =	vst v42;
	v59 =	vld [tilespmem:s11+$0x15120]  }
0xb5: {  	v44 =	vld [tilespmem:s11+$0x15090];
	[tilespmem:s11+$0x150C0] =	vst v19;
	v19 =	vmul.f32 v53, v47  }
0xb6: {  	v63 =	vld [tilespmem:s11+$0x15140];
	[tilespmem:s11+$0x15150] =	vst v35;
	v39 =	vmul.f32 v31, v60  }
0xb7: {  	v48 =	vld [tilespmem:s11+$0x150B0];
	[tilespmem:s11+$0x150E0] =	vst v19;
	v19 =	vmul.f32 v56, v60  }
0xb8: {  	v49 =	vmul.f32 v41, v34;
	[tilespmem:s11+$0x15170] =	vst v39;
	v30 =	vld [tilespmem:s11+$0x15160]  }
0xb9: {  	v54 =	vld [tilespmem:s11+$0x150F0];
	[tilespmem:s11+$0x15100] =	vst v19;
	v19 =	vmul.f32 v59, v60  }
0xba: {  	[tilespmem:s11+$0x15070] =	vst v49;
	v52 =	vmul.f32 v44, v47;
	v33 =	vld [tilespmem:s11+$0x15180]  }
0xbb: {  	v38 =	vld [tilespmem:s11+$0x151B0];
	[tilespmem:s11+$0x15120] =	vst v19;
	v19 =	vmul.f32 v63, v60  }
0xbc: {  	v36 =	vld [tilespmem:s11+$0x151A0];
	[tilespmem:s11+$0x15090] =	vst v52;
	v55 =	vmul.f32 v48, v47  }
0xbd: {  	v41 =	vld [tilespmem:s11+$0x151D0];
	v37 =	vperm.xlane v18, v12;
	[tilespmem:s11+$0x15140] =	vst v19;
	v19 =	vmul.f32 v30, v60  }
0xbe: {  	[tilespmem:s11+$0x150B0] =	vst v55;
	v62 =	vmul.f32 v54, v47;
	v40 =	vld [tilespmem:s11+$0x151C0]  }
0xbf: {  	v44 =	vld [tilespmem:s11+$0x151F0];
	[tilespmem:s11+$0x15160] =	vst v19;
	v19 =	vmul.f32 v33, v37  }
0xc0: {  	[tilespmem:s11+$0x150F0] =	vst v62;
	v45 =	vmul.f32 v38, v37;
	v43 =	vld [tilespmem:s11+$0x151E0]  }
0xc1: {  	v34 =	vld [tilespmem:s11+$0x15190];
	[tilespmem:s11+$0x15180] =	vst v19;
	v19 =	vmul.f32 v36, v37  }
0xc2: {  	v48 =	vmul.f32 v41, v37;
	[tilespmem:s11+$0x151B0] =	vst v45;
	v46 =	vld [tilespmem:s11+$0x15200]  }
0xc3: {  	v51 =	vld [tilespmem:s11+$0x15230];
	[tilespmem:s11+$0x151A0] =	vst v19;
	v19 =	vmul.f32 v40, v37  }
0xc4: {  	v49 =	vld [tilespmem:s11+$0x15220];
	v52 =	vmul.f32 v44, v37;
	[tilespmem:s11+$0x151D0] =	vst v48  }
0xc5: {  	v54 =	vld [tilespmem:s11+$0x15250];
	v50 =	vperm.xlane v18, v13;
	[tilespmem:s11+$0x151C0] =	vst v19;
	v19 =	vmul.f32 v43, v37  }
0xc6: {  	[tilespmem:s11+$0x151F0] =	vst v52;
	v42 =	vmul.f32 v34, v37;
	v53 =	vld [tilespmem:s11+$0x15240]  }
0xc7: {  	v57 =	vld [tilespmem:s11+$0x15270];
	[tilespmem:s11+$0x151E0] =	vst v19;
	v19 =	vmul.f32 v46, v50  }
0xc8: {  	[tilespmem:s11+$0x15190] =	vst v42;
	v58 =	vmul.f32 v51, v50;
	v56 =	vld [tilespmem:s11+$0x15260]  }
0xc9: {  	v47 =	vld [tilespmem:s11+$0x15210];
	[tilespmem:s11+$0x15200] =	vst v19;
	v19 =	vmul.f32 v49, v50  }
0xca: {  	v61 =	vmul.f32 v54, v50;
	[tilespmem:s11+$0x15230] =	vst v58;
	v59 =	vld [tilespmem:s11+$0x15280]  }
0xcb: {  	v39 =	vld [tilespmem:s11+$0x15310];
	[tilespmem:s11+$0x15220] =	vst v19;
	v19 =	vmul.f32 v53, v50  }
0xcc: {  	v62 =	vld [tilespmem:s11+$0x152A0];
	v31 =	vmul.f32 v57, v50;
	[tilespmem:s11+$0x15250] =	vst v61  }
0xcd: {  	v63 =	vperm.xlane v18, v14;
	v60 =	vld [tilespmem:s11+$0x15290];
	[tilespmem:s11+$0x15240] =	vst v19;
	v19 =	vmul.f32 v56, v50  }
0xce: {  	v32 =	vld [tilespmem:s11+$0x152C0];
	v42 =	vperm.xlane v18, v15;
	[tilespmem:s11+$0x15270] =	vst v31;
	v55 =	vmul.f32 v47, v50  }
0xcf: {  	v33 =	vld [tilespmem:s11+$0x152D0];
	[tilespmem:s11+$0x15260] =	vst v19;
	v19 =	vmul.f32 v59, v63  }
0xd0: {  	v35 =	vld [tilespmem:s11+$0x152E0];
	v47 =	vmul.f32 v39, v42;
	[tilespmem:s11+$0x15210] =	vst v55  }
0xd1: {  	v30 =	vld [tilespmem:s11+$0x152B0];
	[tilespmem:s11+$0x15280] =	vst v19;
	v19 =	vmul.f32 v62, v63  }
0xd2: {  	v38 =	vld [tilespmem:s11+$0x15300];
	[tilespmem:s11+$0x15310] =	vst v47;
	v34 =	vmul.f32 v60, v63  }
0xd3: {  	v36 =	vld [tilespmem:s11+$0x152F0];
	[tilespmem:s11+$0x152A0] =	vst v19;
	v19 =	vmul.f32 v32, v63  }
0xd4: {  	v41 =	vld [tilespmem:s11+$0x15320];
	[tilespmem:s11+$0x15290] =	vst v34;
	v40 =	vmul.f32 v33, v63  }
0xd5: {  	v46 =	vld [tilespmem:s11+$0x15350];
	[tilespmem:s11+$0x152C0] =	vst v19;
	v19 =	vmul.f32 v35, v63  }
0xd6: {  	v45 =	vld [tilespmem:s11+$0x15340];
	v37 =	vmul.f32 v30, v63;
	[tilespmem:s11+$0x152D0] =	vst v40  }
0xd7: {  	v43 =	vld [tilespmem:s11+$0x15330];
	[tilespmem:s11+$0x152E0] =	vst v19;
	v19 =	vmul.f32 v38, v42  }
0xd8: {  	v48 =	vld [tilespmem:s11+$0x15360];
	v44 =	vmul.f32 v36, v63;
	[tilespmem:s11+$0x152B0] =	vst v37  }
0xd9: {  	v49 =	vld [tilespmem:s11+$0x15370];
	[tilespmem:s11+$0x15300] =	vst v19;
	v19 =	vmul.f32 v41, v42  }
0xda: {  	v51 =	vld [tilespmem:s11+$0x15380];
	[tilespmem:s11+$0x152F0] =	vst v44;
	v53 =	vmul.f32 v46, v42  }
0xdb: {  	v52 =	vld [tilespmem:s11+$0x15390];
	[tilespmem:s11+$0x15320] =	vst v19;
	v19 =	vmul.f32 v45, v42  }
0xdc: {  	v54 =	vld [tilespmem:s11+$0x153A0];
	v50 =	vmul.f32 v43, v42;
	[tilespmem:s11+$0x15350] =	vst v53  }
0xdd: {  	v18 =	vperm.xlane v18, v16;
	v55 =	vld [tilespmem:s11+$0x153B0];
	[tilespmem:s11+$0x15340] =	vst v19;
	v19 =	vmul.f32 v48, v42  }
0xde: {  	v57 =	vld [tilespmem:s11+$0x153C0];
	v56 =	vmul.f32 v49, v42;
	[tilespmem:s11+$0x15330] =	vst v50  }
0xdf: {  	v58 =	vld [tilespmem:s11+$0x153D0];
	[tilespmem:s11+$0x15360] =	vst v19;
	v19 =	vmul.f32 v51, v18  }
0xe0: {  	v60 =	vld [tilespmem:s11+$0x153E0];
	v59 =	vmul.f32 v52, v18;
	[tilespmem:s11+$0x15370] =	vst v56  }
0xe1: {  	v61 =	vld [tilespmem:s11+$0x153F0];
	[tilespmem:s11+$0x15380] =	vst v19;
	v19 =	vmul.f32 v54, v18  }
0xe2: {  	[tilespmem:s11+$0x15390] =	vst v59;
	v62 =	vmul.f32 v55, v18  }
0xe3: {  	p0 =	sne.s32 s10, $0x4;
	[tilespmem:s11+$0x153A0] =	vst v19;
	v19 =	vmul.f32 v57, v18  }
.Ltmp1:
0xe4: {  	[tilespmem:s11+$0x153B0] =	vst v62;
	v63 =	vmul.f32 v58, v18;
	(pc) =	sbr.rel @p0 .LBB2_6-.Ltmp1, $4  }
0xe5: {  	[tilespmem:s11+$0x153C0] =	vst v19;
	v19 =	vmul.f32 v60, v18  }
0xe6: {  	[tilespmem:s11+$0x153D0] =	vst v63;
	v18 =	vmul.f32 v61, v18  }
0xe7: {  	[tilespmem:s11+$0x153E0] =	vst v19  }
0xe8: {  	s10 =	sadd.s32 $0x1, s10;
	[tilespmem:s11+$0x153F0] =	vst v18  }
0xe9: {  	s9 =	sadd.s32 $0x14400, s9  }
0xea: {  	[spmem:s1] =	stream.indirect.scatter.add.f32 [tilespmem:s19], [sflag:$0x3], $0x80, s9, s24, $0xb8;
	[tilespmem:$0x19C00] =	vst v63  }
0xeb: {  	p0 =	seq.s32 s31, $0x2;
	s11 =	sadd.s32 $0x14800, s0;
	_ =	swait.ge [sflag:s20], $0x2800  }
0xec: {  	s2 =	sshrl.u32 @!p0 s2, $0x2;
	s9 =	simm.s32 @!p0 $0x50;
	[sflag:s20] =	ssyncset.done $0x0  }
0xed: {  	s10 =	simm.s32 @!p0 $0x14C00;
	s2 =	sadd.s32 @!p0 $0x14100, s2;
	[sflag:s20] =	ssyncadd.s32 $0xFFFFD800  }
0xee: {  	[tilespmem:s10], [sflag:$0x1] =	stream.indirect.gather @!p0 [hbm4b:s4+s9], $0x80, s2, s9, $0xb8;
	[tilespmem:$0x19C00] =	vst v63  }
0xef: {  	v17 =	vmov s11;
	_ =	swait.ge [sflag:s28], $0x2800  }
0xf0: {  	[sflag:s28] =	ssyncset.done $0x0  }
0xf1: {  	s2 =	simm.s32 $0x0;
	[sflag:s28] =	ssyncadd.s32 $0xFFFFD800  }
.LBB2_8:
0xf2: {  	s9 =	sshll.u32 s2, $0x4  }
0xf3: {  	s9 =	sand.u32 $0x3FFFFFF0, s9  }
0xf4: {  	s11 =	sshll.u32 s2, $0xB;
	v18 =	vld.idx.msk [tilespmem:v17+s9+$0x0 ss:$0x1], $0xffff  }
0xf5: {  	s9 =	sand.u32 $0x3FFFF800, s11  }
0xf6: {  	v19 =	vld [tilespmem:s9+$0x17400]  }
0xf7: {  	v20 =	vld [tilespmem:s9+$0x17410]  }
0xf8: {  	v21 =	vld [tilespmem:s9+$0x17420]  }
0xf9: {  	v23 =	vld [tilespmem:s9+$0x17430];
	v22 =	vperm.xlane v18, v1  }
0xfa: {  	v24 =	vld [tilespmem:s9+$0x17440]  }
0xfb: {  	v25 =	vld [tilespmem:s9+$0x17450];
	v19 =	vmul.f32 v19, v22  }
0xfc: {  	v26 =	vld [tilespmem:s9+$0x17460];
	v20 =	vmul.f32 v20, v22  }
0xfd: {  	v43 =	vld [tilespmem:s9+$0x17470];
	[tilespmem:s9+$0x17400] =	vst v19;
	v19 =	vmul.f32 v21, v22  }
0xfe: {  	v45 =	vld [tilespmem:s9+$0x17480];
	v44 =	vmul.f32 v23, v22;
	[tilespmem:s9+$0x17410] =	vst v20  }
0xff: {  	v46 =	vld [tilespmem:s9+$0x17490];
	[tilespmem:s9+$0x17420] =	vst v19;
	v19 =	vmul.f32 v24, v22  }
0x100: {  	v48 =	vld [tilespmem:s9+$0x174A0];
	v47 =	vmul.f32 v25, v22;
	[tilespmem:s9+$0x17430] =	vst v44  }
0x101: {  	v27 =	vld [tilespmem:s9+$0x174B0];
	v49 =	vperm.xlane v18, v2;
	[tilespmem:s9+$0x17440] =	vst v19;
	v19 =	vmul.f32 v26, v22  }
0x102: {  	v51 =	vld [tilespmem:s9+$0x174C0];
	v50 =	vmul.f32 v43, v22;
	[tilespmem:s9+$0x17450] =	vst v47  }
0x103: {  	v52 =	vld [tilespmem:s9+$0x174D0];
	[tilespmem:s9+$0x17460] =	vst v19;
	v19 =	vmul.f32 v45, v49  }
0x104: {  	v54 =	vld [tilespmem:s9+$0x174E0];
	v53 =	vmul.f32 v46, v49;
	[tilespmem:s9+$0x17470] =	vst v50  }
0x105: {  	v55 =	vld [tilespmem:s9+$0x174F0];
	[tilespmem:s9+$0x17480] =	vst v19;
	v19 =	vmul.f32 v48, v49  }
0x106: {  	v57 =	vld [tilespmem:s9+$0x17500];
	v56 =	vmul.f32 v27, v49;
	[tilespmem:s9+$0x17490] =	vst v53  }
0x107: {  	v58 =	vld [tilespmem:s9+$0x17510];
	[tilespmem:s9+$0x174A0] =	vst v19;
	v19 =	vmul.f32 v51, v49  }
0x108: {  	v60 =	vld [tilespmem:s9+$0x17520];
	v59 =	vmul.f32 v52, v49;
	[tilespmem:s9+$0x174B0] =	vst v56  }
0x109: {  	v62 =	vld [tilespmem:s9+$0x17530];
	v61 =	vperm.xlane v18, v3;
	[tilespmem:s9+$0x174C0] =	vst v19;
	v19 =	vmul.f32 v54, v49  }
0x10a: {  	v28 =	vld [tilespmem:s9+$0x17540];
	v63 =	vmul.f32 v55, v49;
	[tilespmem:s9+$0x174D0] =	vst v59  }
0x10b: {  	v29 =	vld [tilespmem:s9+$0x17550];
	[tilespmem:s9+$0x174E0] =	vst v19;
	v19 =	vmul.f32 v57, v61  }
0x10c: {  	v31 =	vld [tilespmem:s9+$0x17560];
	v30 =	vmul.f32 v58, v61;
	[tilespmem:s9+$0x174F0] =	vst v63  }
0x10d: {  	v32 =	vld [tilespmem:s9+$0x17570];
	[tilespmem:s9+$0x17500] =	vst v19;
	v19 =	vmul.f32 v60, v61  }
0x10e: {  	v34 =	vld [tilespmem:s9+$0x17580];
	v33 =	vmul.f32 v62, v61;
	[tilespmem:s9+$0x17510] =	vst v30  }
0x10f: {  	v35 =	vld [tilespmem:s9+$0x17590];
	[tilespmem:s9+$0x17520] =	vst v19;
	v19 =	vmul.f32 v28, v61  }
0x110: {  	v37 =	vld [tilespmem:s9+$0x175A0];
	v36 =	vmul.f32 v29, v61;
	[tilespmem:s9+$0x17530] =	vst v33  }
0x111: {  	v39 =	vld [tilespmem:s9+$0x175B0];
	v38 =	vperm.xlane v18, v4;
	[tilespmem:s9+$0x17540] =	vst v19;
	v19 =	vmul.f32 v31, v61  }
0x112: {  	v41 =	vld [tilespmem:s9+$0x175C0];
	v40 =	vmul.f32 v32, v61;
	[tilespmem:s9+$0x17550] =	vst v36  }
0x113: {  	v45 =	vld [tilespmem:s9+$0x175F0];
	[tilespmem:s9+$0x17560] =	vst v19;
	v19 =	vmul.f32 v34, v38  }
0x114: {  	v43 =	vmul.f32 v35, v38;
	[tilespmem:s9+$0x17570] =	vst v40;
	v44 =	vld [tilespmem:s9+$0x175E0]  }
0x115: {  	v42 =	vld [tilespmem:s9+$0x175D0];
	[tilespmem:s9+$0x17580] =	vst v19;
	v19 =	vmul.f32 v37, v38  }
0x116: {  	v46 =	vmul.f32 v39, v38;
	[tilespmem:s9+$0x17590] =	vst v43;
	v47 =	vld [tilespmem:s9+$0x17600]  }
0x117: {  	v52 =	vld [tilespmem:s9+$0x17630];
	[tilespmem:s9+$0x175A0] =	vst v19;
	v19 =	vmul.f32 v41, v38  }
0x118: {  	[tilespmem:s9+$0x175B0] =	vst v46;
	v50 =	vld [tilespmem:s9+$0x17620];
	v53 =	vmul.f32 v45, v38  }
0x119: {  	v55 =	vld [tilespmem:s9+$0x17650];
	v51 =	vperm.xlane v18, v5;
	[tilespmem:s9+$0x175C0] =	vst v19;
	v19 =	vmul.f32 v44, v38  }
0x11a: {  	v49 =	vmul.f32 v42, v38;
	v54 =	vld [tilespmem:s9+$0x17640];
	[tilespmem:s9+$0x175F0] =	vst v53  }
0x11b: {  	v58 =	vld [tilespmem:s9+$0x17670];
	[tilespmem:s9+$0x175E0] =	vst v19;
	v19 =	vmul.f32 v47, v51  }
0x11c: {  	v59 =	vmul.f32 v52, v51;
	[tilespmem:s9+$0x175D0] =	vst v49;
	v57 =	vld [tilespmem:s9+$0x17660]  }
0x11d: {  	v48 =	vld [tilespmem:s9+$0x17610];
	[tilespmem:s9+$0x17600] =	vst v19;
	v19 =	vmul.f32 v50, v51  }
0x11e: {  	v62 =	vmul.f32 v55, v51;
	[tilespmem:s9+$0x17630] =	vst v59;
	v60 =	vld [tilespmem:s9+$0x17680]  }
0x11f: {  	v40 =	vld [tilespmem:s9+$0x17710];
	[tilespmem:s9+$0x17620] =	vst v19;
	v19 =	vmul.f32 v54, v51  }
0x120: {  	v63 =	vld [tilespmem:s9+$0x176A0];
	v32 =	vmul.f32 v58, v51;
	[tilespmem:s9+$0x17650] =	vst v62  }
0x121: {  	v30 =	vperm.xlane v18, v6;
	v61 =	vld [tilespmem:s9+$0x17690];
	[tilespmem:s9+$0x17640] =	vst v19;
	v19 =	vmul.f32 v57, v51  }
0x122: {  	v33 =	vld [tilespmem:s9+$0x176C0];
	v43 =	vperm.xlane v18, v7;
	v56 =	vmul.f32 v48, v51;
	[tilespmem:s9+$0x17670] =	vst v32  }
0x123: {  	v53 =	vld [tilespmem:s9+$0x17790];
	[tilespmem:s9+$0x17660] =	vst v19;
	v19 =	vmul.f32 v60, v30  }
0x124: {  	v36 =	vld [tilespmem:s9+$0x176E0];
	v48 =	vmul.f32 v40, v43;
	[tilespmem:s9+$0x17610] =	vst v56  }
0x125: {  	v31 =	vld [tilespmem:s9+$0x176B0];
	[tilespmem:s9+$0x17680] =	vst v19;
	v19 =	vmul.f32 v63, v30  }
0x126: {  	v39 =	vld [tilespmem:s9+$0x17700];
	[tilespmem:s9+$0x17710] =	vst v48;
	v56 =	vperm.xlane v18, v8;
	v35 =	vmul.f32 v61, v30  }
0x127: {  	v34 =	vld [tilespmem:s9+$0x176D0];
	[tilespmem:s9+$0x176A0] =	vst v19;
	v19 =	vmul.f32 v33, v30  }
0x128: {  	v42 =	vld [tilespmem:s9+$0x17720];
	v61 =	vmul.f32 v53, v56;
	[tilespmem:s9+$0x17690] =	vst v35  }
0x129: {  	v37 =	vld [tilespmem:s9+$0x176F0];
	[tilespmem:s9+$0x176C0] =	vst v19;
	v19 =	vmul.f32 v36, v30  }
0x12a: {  	v46 =	vld [tilespmem:s9+$0x17740];
	[tilespmem:s9+$0x17790] =	vst v61;
	v38 =	vmul.f32 v31, v30  }
0x12b: {  	v47 =	vld [tilespmem:s9+$0x17750];
	[tilespmem:s9+$0x176E0] =	vst v19;
	v19 =	vmul.f32 v39, v43  }
0x12c: {  	v49 =	vld [tilespmem:s9+$0x17760];
	v41 =	vmul.f32 v34, v30;
	[tilespmem:s9+$0x176B0] =	vst v38  }
0x12d: {  	v38 =	vld [tilespmem:s9+$0x17850];
	[tilespmem:s9+$0x17700] =	vst v19;
	v19 =	vmul.f32 v42, v43  }
0x12e: {  	v52 =	vld [tilespmem:s9+$0x17780];
	[tilespmem:s9+$0x176D0] =	vst v41;
	v45 =	vmul.f32 v37, v30  }
0x12f: {  	v44 =	vld [tilespmem:s9+$0x17730];
	[tilespmem:s9+$0x17720] =	vst v19;
	v19 =	vmul.f32 v46, v43  }
0x130: {  	v55 =	vld [tilespmem:s9+$0x177A0];
	v34 =	vperm.xlane v18, v9;
	[tilespmem:s9+$0x176F0] =	vst v45;
	v54 =	vmul.f32 v47, v43  }
0x131: {  	v50 =	vld [tilespmem:s9+$0x17770];
	[tilespmem:s9+$0x17740] =	vst v19;
	v19 =	vmul.f32 v49, v43  }
0x132: {  	v59 =	vld [tilespmem:s9+$0x177C0];
	v45 =	vmul.f32 v38, v34;
	[tilespmem:s9+$0x17750] =	vst v54  }
0x133: {  	v57 =	vld [tilespmem:s9+$0x177B0];
	[tilespmem:s9+$0x17760] =	vst v19;
	v19 =	vmul.f32 v52, v56  }
0x134: {  	v62 =	vld [tilespmem:s9+$0x177E0];
	v51 =	vmul.f32 v44, v43;
	[tilespmem:s9+$0x17850] =	vst v45  }
0x135: {  	v60 =	vld [tilespmem:s9+$0x177D0];
	[tilespmem:s9+$0x17780] =	vst v19;
	v19 =	vmul.f32 v55, v56  }
0x136: {  	v58 =	vmul.f32 v50, v43;
	[tilespmem:s9+$0x17730] =	vst v51;
	v30 =	vld [tilespmem:s9+$0x17800]  }
0x137: {  	v51 =	vld [tilespmem:s9+$0x178D0];
	[tilespmem:s9+$0x177A0] =	vst v19;
	v19 =	vmul.f32 v59, v56  }
0x138: {  	[tilespmem:s9+$0x17770] =	vst v58;
	v29 =	vmul.f32 v57, v56;
	v33 =	vld [tilespmem:s9+$0x17820]  }
0x139: {  	v63 =	vld [tilespmem:s9+$0x177F0];
	[tilespmem:s9+$0x177C0] =	vst v19;
	v19 =	vmul.f32 v62, v56  }
0x13a: {  	v37 =	vld [tilespmem:s9+$0x17840];
	v47 =	vperm.xlane v18, v10;
	[tilespmem:s9+$0x177B0] =	vst v29;
	v32 =	vmul.f32 v60, v56  }
0x13b: {  	v61 =	vld [tilespmem:s9+$0x17930];
	[tilespmem:s9+$0x177E0] =	vst v19;
	v19 =	vmul.f32 v30, v34  }
0x13c: {  	v40 =	vld [tilespmem:s9+$0x17860];
	v58 =	vmul.f32 v51, v47;
	[tilespmem:s9+$0x177D0] =	vst v32  }
0x13d: {  	v31 =	vld [tilespmem:s9+$0x17810];
	[tilespmem:s9+$0x17800] =	vst v19;
	v19 =	vmul.f32 v33, v34  }
0x13e: {  	v60 =	vperm.xlane v18, v11;
	v36 =	vmul.f32 v63, v56;
	[tilespmem:s9+$0x178D0] =	vst v58;
	v43 =	vld [tilespmem:s9+$0x17880]  }
0x13f: {  	v57 =	vld [tilespmem:s9+$0x17910];
	[tilespmem:s9+$0x17820] =	vst v19;
	v19 =	vmul.f32 v37, v34  }
0x140: {  	v32 =	vmul.f32 v61, v60;
	[tilespmem:s9+$0x177F0] =	vst v36;
	v46 =	vld [tilespmem:s9+$0x178A0]  }
0x141: {  	v35 =	vld [tilespmem:s9+$0x17830];
	[tilespmem:s9+$0x17840] =	vst v19;
	v19 =	vmul.f32 v40, v34  }
0x142: {  	v50 =	vld [tilespmem:s9+$0x178C0];
	v39 =	vmul.f32 v31, v34;
	[tilespmem:s9+$0x17930] =	vst v32  }
0x143: {  	v28 =	vld [tilespmem:s9+$0x17950];
	[tilespmem:s9+$0x17860] =	vst v19;
	v19 =	vmul.f32 v43, v47  }
0x144: {  	v53 =	vld [tilespmem:s9+$0x178E0];
	v29 =	vmul.f32 v57, v60;
	[tilespmem:s9+$0x17810] =	vst v39  }
0x145: {  	v31 =	vld [tilespmem:s9+$0x17970];
	[tilespmem:s9+$0x17880] =	vst v19;
	v19 =	vmul.f32 v46, v47  }
0x146: {  	v42 =	vmul.f32 v35, v34;
	[tilespmem:s9+$0x17910] =	vst v29;
	v56 =	vld [tilespmem:s9+$0x17900]  }
0x147: {  	v41 =	vld [tilespmem:s9+$0x17870];
	[tilespmem:s9+$0x178A0] =	vst v19;
	v19 =	vmul.f32 v50, v47  }
0x148: {  	v35 =	vmul.f32 v28, v60;
	[tilespmem:s9+$0x17830] =	vst v42;
	v59 =	vld [tilespmem:s9+$0x17920]  }
0x149: {  	v44 =	vld [tilespmem:s9+$0x17890];
	[tilespmem:s9+$0x178C0] =	vst v19;
	v19 =	vmul.f32 v53, v47  }
0x14a: {  	v63 =	vld [tilespmem:s9+$0x17940];
	[tilespmem:s9+$0x17950] =	vst v35;
	v39 =	vmul.f32 v31, v60  }
0x14b: {  	v48 =	vld [tilespmem:s9+$0x178B0];
	[tilespmem:s9+$0x178E0] =	vst v19;
	v19 =	vmul.f32 v56, v60  }
0x14c: {  	v49 =	vmul.f32 v41, v34;
	[tilespmem:s9+$0x17970] =	vst v39;
	v30 =	vld [tilespmem:s9+$0x17960]  }
0x14d: {  	v54 =	vld [tilespmem:s9+$0x178F0];
	[tilespmem:s9+$0x17900] =	vst v19;
	v19 =	vmul.f32 v59, v60  }
0x14e: {  	[tilespmem:s9+$0x17870] =	vst v49;
	v52 =	vmul.f32 v44, v47;
	v33 =	vld [tilespmem:s9+$0x17980]  }
0x14f: {  	v38 =	vld [tilespmem:s9+$0x179B0];
	[tilespmem:s9+$0x17920] =	vst v19;
	v19 =	vmul.f32 v63, v60  }
0x150: {  	v36 =	vld [tilespmem:s9+$0x179A0];
	[tilespmem:s9+$0x17890] =	vst v52;
	v55 =	vmul.f32 v48, v47  }
0x151: {  	v41 =	vld [tilespmem:s9+$0x179D0];
	v37 =	vperm.xlane v18, v12;
	[tilespmem:s9+$0x17940] =	vst v19;
	v19 =	vmul.f32 v30, v60  }
0x152: {  	[tilespmem:s9+$0x178B0] =	vst v55;
	v62 =	vmul.f32 v54, v47;
	v40 =	vld [tilespmem:s9+$0x179C0]  }
0x153: {  	v44 =	vld [tilespmem:s9+$0x179F0];
	[tilespmem:s9+$0x17960] =	vst v19;
	v19 =	vmul.f32 v33, v37  }
0x154: {  	[tilespmem:s9+$0x178F0] =	vst v62;
	v45 =	vmul.f32 v38, v37;
	v43 =	vld [tilespmem:s9+$0x179E0]  }
0x155: {  	v34 =	vld [tilespmem:s9+$0x17990];
	[tilespmem:s9+$0x17980] =	vst v19;
	v19 =	vmul.f32 v36, v37  }
0x156: {  	v48 =	vmul.f32 v41, v37;
	[tilespmem:s9+$0x179B0] =	vst v45;
	v46 =	vld [tilespmem:s9+$0x17A00]  }
0x157: {  	v51 =	vld [tilespmem:s9+$0x17A30];
	[tilespmem:s9+$0x179A0] =	vst v19;
	v19 =	vmul.f32 v40, v37  }
0x158: {  	v49 =	vld [tilespmem:s9+$0x17A20];
	v52 =	vmul.f32 v44, v37;
	[tilespmem:s9+$0x179D0] =	vst v48  }
0x159: {  	v54 =	vld [tilespmem:s9+$0x17A50];
	v50 =	vperm.xlane v18, v13;
	[tilespmem:s9+$0x179C0] =	vst v19;
	v19 =	vmul.f32 v43, v37  }
0x15a: {  	[tilespmem:s9+$0x179F0] =	vst v52;
	v42 =	vmul.f32 v34, v37;
	v53 =	vld [tilespmem:s9+$0x17A40]  }
0x15b: {  	v57 =	vld [tilespmem:s9+$0x17A70];
	[tilespmem:s9+$0x179E0] =	vst v19;
	v19 =	vmul.f32 v46, v50  }
0x15c: {  	[tilespmem:s9+$0x17990] =	vst v42;
	v58 =	vmul.f32 v51, v50;
	v56 =	vld [tilespmem:s9+$0x17A60]  }
0x15d: {  	v47 =	vld [tilespmem:s9+$0x17A10];
	[tilespmem:s9+$0x17A00] =	vst v19;
	v19 =	vmul.f32 v49, v50  }
0x15e: {  	v61 =	vmul.f32 v54, v50;
	[tilespmem:s9+$0x17A30] =	vst v58;
	v59 =	vld [tilespmem:s9+$0x17A80]  }
0x15f: {  	v39 =	vld [tilespmem:s9+$0x17B10];
	[tilespmem:s9+$0x17A20] =	vst v19;
	v19 =	vmul.f32 v53, v50  }
0x160: {  	v62 =	vld [tilespmem:s9+$0x17AA0];
	v31 =	vmul.f32 v57, v50;
	[tilespmem:s9+$0x17A50] =	vst v61  }
0x161: {  	v63 =	vperm.xlane v18, v14;
	v60 =	vld [tilespmem:s9+$0x17A90];
	[tilespmem:s9+$0x17A40] =	vst v19;
	v19 =	vmul.f32 v56, v50  }
0x162: {  	v32 =	vld [tilespmem:s9+$0x17AC0];
	v42 =	vperm.xlane v18, v15;
	[tilespmem:s9+$0x17A70] =	vst v31;
	v55 =	vmul.f32 v47, v50  }
0x163: {  	v33 =	vld [tilespmem:s9+$0x17AD0];
	[tilespmem:s9+$0x17A60] =	vst v19;
	v19 =	vmul.f32 v59, v63  }
0x164: {  	v35 =	vld [tilespmem:s9+$0x17AE0];
	v47 =	vmul.f32 v39, v42;
	[tilespmem:s9+$0x17A10] =	vst v55  }
0x165: {  	v30 =	vld [tilespmem:s9+$0x17AB0];
	[tilespmem:s9+$0x17A80] =	vst v19;
	v19 =	vmul.f32 v62, v63  }
0x166: {  	v38 =	vld [tilespmem:s9+$0x17B00];
	[tilespmem:s9+$0x17B10] =	vst v47;
	v34 =	vmul.f32 v60, v63  }
0x167: {  	v36 =	vld [tilespmem:s9+$0x17AF0];
	[tilespmem:s9+$0x17AA0] =	vst v19;
	v19 =	vmul.f32 v32, v63  }
0x168: {  	v41 =	vld [tilespmem:s9+$0x17B20];
	[tilespmem:s9+$0x17A90] =	vst v34;
	v40 =	vmul.f32 v33, v63  }
0x169: {  	v46 =	vld [tilespmem:s9+$0x17B50];
	[tilespmem:s9+$0x17AC0] =	vst v19;
	v19 =	vmul.f32 v35, v63  }
0x16a: {  	v45 =	vld [tilespmem:s9+$0x17B40];
	v37 =	vmul.f32 v30, v63;
	[tilespmem:s9+$0x17AD0] =	vst v40  }
0x16b: {  	v43 =	vld [tilespmem:s9+$0x17B30];
	[tilespmem:s9+$0x17AE0] =	vst v19;
	v19 =	vmul.f32 v38, v42  }
0x16c: {  	v48 =	vld [tilespmem:s9+$0x17B60];
	v44 =	vmul.f32 v36, v63;
	[tilespmem:s9+$0x17AB0] =	vst v37  }
0x16d: {  	v49 =	vld [tilespmem:s9+$0x17B70];
	[tilespmem:s9+$0x17B00] =	vst v19;
	v19 =	vmul.f32 v41, v42  }
0x16e: {  	v51 =	vld [tilespmem:s9+$0x17B80];
	[tilespmem:s9+$0x17AF0] =	vst v44;
	v53 =	vmul.f32 v46, v42  }
0x16f: {  	v52 =	vld [tilespmem:s9+$0x17B90];
	[tilespmem:s9+$0x17B20] =	vst v19;
	v19 =	vmul.f32 v45, v42  }
0x170: {  	v54 =	vld [tilespmem:s9+$0x17BA0];
	v50 =	vmul.f32 v43, v42;
	[tilespmem:s9+$0x17B50] =	vst v53  }
0x171: {  	v18 =	vperm.xlane v18, v16;
	v55 =	vld [tilespmem:s9+$0x17BB0];
	[tilespmem:s9+$0x17B40] =	vst v19;
	v19 =	vmul.f32 v48, v42  }
0x172: {  	v57 =	vld [tilespmem:s9+$0x17BC0];
	v56 =	vmul.f32 v49, v42;
	[tilespmem:s9+$0x17B30] =	vst v50  }
0x173: {  	v58 =	vld [tilespmem:s9+$0x17BD0];
	[tilespmem:s9+$0x17B60] =	vst v19;
	v19 =	vmul.f32 v51, v18  }
0x174: {  	v60 =	vld [tilespmem:s9+$0x17BE0];
	v59 =	vmul.f32 v52, v18;
	[tilespmem:s9+$0x17B70] =	vst v56  }
0x175: {  	v61 =	vld [tilespmem:s9+$0x17BF0];
	[tilespmem:s9+$0x17B80] =	vst v19;
	v19 =	vmul.f32 v54, v18  }
0x176: {  	[tilespmem:s9+$0x17B90] =	vst v59;
	v62 =	vmul.f32 v55, v18  }
0x177: {  	p0 =	sne.s32 s2, $0x4;
	[tilespmem:s9+$0x17BA0] =	vst v19;
	v19 =	vmul.f32 v57, v18  }
.Ltmp2:
0x178: {  	[tilespmem:s9+$0x17BB0] =	vst v62;
	v63 =	vmul.f32 v58, v18;
	(pc) =	sbr.rel @p0 .LBB2_8-.Ltmp2, $4  }
0x179: {  	[tilespmem:s9+$0x17BC0] =	vst v19;
	v19 =	vmul.f32 v60, v18  }
0x17a: {  	[tilespmem:s9+$0x17BD0] =	vst v63;
	v18 =	vmul.f32 v61, v18  }
0x17b: {  	[tilespmem:s9+$0x17BE0] =	vst v19  }
0x17c: {  	s2 =	sadd.s32 $0x1, s2;
	[tilespmem:s9+$0x17BF0] =	vst v18  }
0x17d: {  	s31 =	sadd.s32 $0x1, s31  }
0x17e: {  	p0 =	sne.s32 s31, $0x3  }
.Ltmp3:
0x17f: {  	s0 =	sadd.s32 $0x14400, s0;
	(pc) =	sbr.rel @p0 .LBB2_5-.Ltmp3, $4  }
0x180: {  	[spmem:s1] =	stream.indirect.scatter.add.f32 [tilespmem:s25], [sflag:$0x3], $0x80, s0, s24, $0xb8;
	[tilespmem:$0x19C00] =	vst v63  }
0x181: {  	_ =	swait.ge [sflag:s20], $0x2800  }
0x182: {  	[sflag:s20] =	ssyncset.done $0x0  }
0x183: {  	[sflag:s20] =	ssyncadd.s32 $0xFFFFD800  }
0x184: {  	s30 =	sadd.s32 $0x1, s30  }
0x185: {  	p0 =	sne.s32 s30, $0x15  }
.Ltmp4:
0x186: {  	_ = 	snop;
	(pc) =	sbr.rel @p0 .LBB2_4-.Ltmp4, $1  }
0x187: {  	_ =	sdelay $0x3  }
0x188: {  	s0 =	stileid.u32;
	s3 =	sadd.s32 $0x1, s3  }
0x189: {  	[bflag:$0x0] =	sbarrier.arrive $0xFFFF;
	s0 =	sshll.u32 s0, $0x6;
	p0 =	sne.s32 s3, s18  }
.Ltmp5:
0x18a: {  	s2 =	sshrl.u32 s8, $0x3;
	s0 =	sor.u32 $0x1C03, s0;
	(pc) =	sbr.rel @p0 .LBB2_1-.Ltmp5, $4  }
0x18b: {  	[hbm:s17], [sflag:s0] =	dma.local [spmem:s2], $0x2800  }
0x18c: {  	_ =	swait.ge [sflag:s20], $0x2800  }
0x18d: {  	[sflag:s20] =	ssyncset.done $0x0  }
0x18e: {  	[sflag:s20] =	ssyncadd.s32 $0xFFFFD800  }
0x18f: {  	_ =	sfence.sel $0x180000  }
0x190: {  	[bflag:$0x0] =	sbarrier.arrive $0xFFFF  }
0x191: {  	_ =	strace $0x9000004A  }
0x192: {  	s0 =	stileid.u32;
	[bflag:$0x2] =	sbarrier.arrive $0xFFFF  }
0x193: {  	p0 =	sne.s32 s0, $0x0;
	s0 =	rddreg [dreg:$0x2]  }
0x194: {  	s0 =	sadd.s32 @!p0 $0x100000, s0  }
0x195: {  	[sflag:s0] =	ssyncadd.tile.s32 @!p0 $0x1;
	_ =	shalt  }
.Lfunc_end2:
_tile_overlayer_lowered:
.L_overlay_start_2:
0x196: {  	(tag) =	ssettag $0x2  }
0x197: {  	s0 =	rddreg [dreg:$0x0];
	s2 =	stileid.u32  }
0x198: {  	s1 =	rddreg [dreg:$0x1];
	p0 =	sne.s32 s2, $0x0  }
0x199: {  	s3 =	rddreg [dreg:$0x2];
	[bflag:$0x3] =	sbarrier.arrive $0xFFFF;
	s2 =	simm.s32 @!p0 $0x1C03  }
0x19a: {  	[timem:s3], [sflag:s2] =	dma.local @!p0 [hbm:s0], s1  }
0x19b: {  	s0 =	simm.s32 @!p0 $0x3  }
0x19c: {  	_ =	swait.ge @!p0 [sflag:s0], s1  }
0x19d: {  	s1 =	ssub.s32 @!p0 $0x0, s1;
	[sflag:s0] =	ssyncset.done @!p0 $0x0  }
0x19e: {  	[sflag:s0] =	ssyncadd.s32 @!p0 s1  }
0x19f: {  	[bflag:$0x3] =	sbarrier.arrive $0xFFFF  }
0x1a0: {  	_ =	shalt  }

// kernel: kernel.15.cloned.1.call-start
scs
__scs_entry_jumppad:
0x0: {  	(pc) =	sbr.rel $0x88, $3  }
0x1: {  	(tag) =	ssettag $0x0;
	lr =	simm.s32 $0x1  }
0x2: {  	[smem:$0x3F94] =	sst lr;
	_ =	strace $0xD0000000  }
0x3: {  	_ = 	snop  }
0x4: {  	_ = 	snop  }
0x5: {  	_ = 	snop  }
0x6: {  	_ = 	snop  }
0x7: {  	_ = 	snop  }
__scs_overlays_trampoline_lowered:
0x8: {  	[smem:$0x3FA3] =	sst s0  }
0x9: {  	[smem:$0x3FA4] =	sst s1  }
0xa: {  	[smem:$0x3FA5] =	sst s2  }
0xb: {  	[smem:$0x3FA6] =	sst s3  }
0xc: {  	[smem:$0x3FA7] =	sst s4  }
0xd: {  	[smem:$0x3FA8] =	sst s5  }
0xe: {  	[smem:$0x3FA9] =	sst s6  }
0xf: {  	[smem:$0x3FAA] =	sst s7  }
0x10: {  	[smem:$0x3FAB] =	sst s8  }
0x11: {  	[smem:$0x3FAC] =	sst s9;
	s0 =	simm.s32 @!p0 $0x0  }
0x12: {  	s1 =	sld [smem:$0x3F92];
	s0 =	simm.s32 @p0 $0x1  }
0x13: {  	[smem:$0x3FAD] =	sst s0;
	s0 =	simm.s32 @!p1 $0x0  }
0x14: {  	s2 =	sld [smem:$0x3F91];
	s0 =	simm.s32 @p1 $0x1  }
0x15: {  	[smem:$0x3FAE] =	sst s0;
	s0 =	simm.s32 @!p2 $0x0  }
0x16: {  	s3 =	sld [smem:$0x3FDB];
	s0 =	simm.s32 @p2 $0x1  }
0x17: {  	s4 =	simm.s32 $0x1BF5;
	[smem:$0x3FB0] =	sst s0  }
0x18: {  	s0 =	sld [smem:$0x3F93];
	_ =	swait.ge [sflag:s4], $0x0  }
0x19: {  	s7 =	sld [smem:$0x3F94]  }
0x1a: {  	s8 =	sadd.s32 $0xFFFFE003, lr  }
0x1b: {  	s9 =	sadd.s32 $0xFFFFFEF7, lr;
	s5 =	simm.s32 $0xFFFFFFFF;
	p2 =	slt.u32 s8, $0xFFFFF086  }
0x1c: {  	p1 =	slt.u32 s9, $0xF7A;
	s5 =	simm.s32 @!p2 $0x0  }
0x1d: {  	s5 =	simm.s32 @p1 $0x1;
	p0 =	seq.s32 s7, s2  }
0x1e: {  	s7 =	smul.u32 @!p0 $0xF7A, s2;
	p2 =	seq.s32 @!p0 s5, $0x0  }
0x1f: {  	s9 =	smul.u32 $0xF7A, s1;
	s8 =	simm.s32 @!p0 $0x1BF5;
	p2 =	por !p2, p0  }
0x20: {  	[sflag:s8] =	ssyncset.s32 @!p0 $0xFFFFF086;
	s6 =	sadd.s32 @!p0 s3, s7;
	s7 =	simm.s32 @!p0 $0x108  }
0x21: {  	s3 =	sadd.s32 s3, s9;
	s6 =	sadd.s32 @!p0 $0x88, s6;
	s7 =	simm.s32 @p2 $0x1082  }
0x22: {  	[simem:s7], [sflag:s8] =	dma.local @!p0 [hbm:s6], $0xF7A  }
0x23: {  	s9 =	sor.u32 $0xD0000000, s2;
	s6 =	simm.s32 $0x108;
	_ =	swait.ge @!p0 [sflag:s8], $0x0  }
0x24: {  	s3 =	sadd.s32 $0x88, s3;
	s6 =	simm.s32 @!p1 $0x1082;
	[sflag:s4] =	ssyncset.s32 $0xFFFFF086  }
0x25: {  	[simem:s6], [sflag:s4] =	dma.local [hbm:s3], $0xF7A  }
0x26: {  	[smem:$0x3F94] =	sst s1;
	(tag) =	ssettag s2;
	_ =	strace s9  }
0x27: {  	s1 =	sld [smem:$0x3FA4]  }
0x28: {  	s2 =	sld [smem:$0x3FA5]  }
0x29: {  	s4 =	sld [smem:$0x3FA7]  }
0x2a: {  	p0 =	seq.s32 s5, $0x0;
	s5 =	sld [smem:$0x3FA8]  }
0x2b: {  	s6 =	sld [smem:$0x3FA9]  }
0x2c: {  	s7 =	sld [smem:$0x3FAA]  }
0x2d: {  	s3 =	simm.s32 $0x108;
	s8 =	sld [smem:$0x3FAB]  }
0x2e: {  	s3 =	simm.s32 @!p0 $0x1082;
	s9 =	sld [smem:$0x3FAC]  }
0x2f: {  	lr =	sadd.s32 s0, s3;
	s0 =	sld [smem:$0x3FA3]  }
0x30: {  	s3 =	sld [smem:$0x3FA6]  }
0x31: {  	[smem:$0x3FAF] =	sst s10  }
0x32: {  	s10 =	sld [smem:$0x3FAD];
	_ =	sdelay $0x3  }
0x33: {  	p0 =	seq.s32 s10, $0x1;
	s10 =	sld [smem:$0x3FAF];
	_ =	sdelay $0x3  }
0x34: {  	[smem:$0x3FAF] =	sst s10  }
0x35: {  	s10 =	sld [smem:$0x3FAE];
	_ =	sdelay $0x3  }
0x36: {  	p1 =	seq.s32 s10, $0x1;
	s10 =	sld [smem:$0x3FAF];
	_ =	sdelay $0x3  }
0x37: {  	[smem:$0x3FAF] =	sst s10  }
0x38: {  	s10 =	sld [smem:$0x3FB0]  }
0x39: {  	_ = 	snop;
	(pc) =	sbr.ind lr, $3  }
0x3a: {  	_ = 	snop  }
0x3b: {  	_ = 	snop  }
0x3c: {  	p2 =	seq.s32 s10, $0x1;
	s10 =	sld [smem:$0x3FAF]  }
0x3d: {  	_ =	shalt  }
0x3e: {  	_ =	shalt  }
0x3f: {  	_ =	shalt  }
0x40: {  	_ =	shalt  }
0x41: {  	_ =	shalt  }
0x42: {  	_ =	shalt  }
0x43: {  	_ =	shalt  }
0x44: {  	_ =	shalt  }
0x45: {  	_ =	shalt  }
0x46: {  	_ =	shalt  }
0x47: {  	_ =	shalt  }
0x48: {  	_ =	shalt  }
0x49: {  	_ =	shalt  }
0x4a: {  	_ =	shalt  }
0x4b: {  	_ =	shalt  }
0x4c: {  	_ =	shalt  }
0x4d: {  	_ =	shalt  }
0x4e: {  	_ =	shalt  }
0x4f: {  	_ =	shalt  }
0x50: {  	_ =	shalt  }
0x51: {  	_ =	shalt  }
0x52: {  	_ =	shalt  }
0x53: {  	_ =	shalt  }
0x54: {  	_ =	shalt  }
0x55: {  	_ =	shalt  }
0x56: {  	_ =	shalt  }
0x57: {  	_ =	shalt  }
0x58: {  	_ =	shalt  }
0x59: {  	_ =	shalt  }
0x5a: {  	_ =	shalt  }
0x5b: {  	_ =	shalt  }
0x5c: {  	_ =	shalt  }
0x5d: {  	_ =	shalt  }
0x5e: {  	_ =	shalt  }
0x5f: {  	_ =	shalt  }
0x60: {  	_ =	shalt  }
0x61: {  	_ =	shalt  }
0x62: {  	_ =	shalt  }
0x63: {  	_ =	shalt  }
0x64: {  	_ =	shalt  }
0x65: {  	_ =	shalt  }
0x66: {  	_ =	shalt  }
0x67: {  	_ =	shalt  }
0x68: {  	_ =	shalt  }
0x69: {  	_ =	shalt  }
0x6a: {  	_ =	shalt  }
0x6b: {  	_ =	shalt  }
0x6c: {  	_ =	shalt  }
0x6d: {  	_ =	shalt  }
0x6e: {  	_ =	shalt  }
0x6f: {  	_ =	shalt  }
0x70: {  	_ =	shalt  }
0x71: {  	_ =	shalt  }
0x72: {  	_ =	shalt  }
0x73: {  	_ =	shalt  }
0x74: {  	_ =	shalt  }
0x75: {  	_ =	shalt  }
0x76: {  	_ =	shalt  }
0x77: {  	_ =	shalt  }
0x78: {  	_ =	shalt  }
0x79: {  	_ =	shalt  }
0x7a: {  	_ =	shalt  }
0x7b: {  	_ =	shalt  }
0x7c: {  	_ =	shalt  }
0x7d: {  	_ =	shalt  }
0x7e: {  	_ =	shalt  }
0x7f: {  	_ =	shalt  }
0x80: {  	_ =	shalt  }
0x81: {  	_ =	shalt  }
0x82: {  	_ =	shalt  }
0x83: {  	_ =	shalt  }
0x84: {  	_ =	shalt  }
0x85: {  	_ =	shalt  }
0x86: {  	_ =	shalt  }
0x87: {  	_ =	shalt  }
.Lfunc_end0:
.L_simem_size_0:
called_computation.2_lowered:
.L_overlay_start_0:
0x88: {  	s2 =	sld [smem:$0x3FD9]  }
0x89: {  	s3 =	sld [smem:$0x3FFE];
	_ =	sdelay $0x1  }
0x8a: {  	s1 =	srdreg.scid  }
0x8b: {  	s0 =	sand.u32 $0x1, s1  }
0x8c: {  	s17 =	sshll.u32 s0, $0xA;
	s2 =	sadd.s32 s3, s2  }
0x8d: {  	s2 =	sadd.s32 s2, s17  }
0x8e: {  	[smem:$0x3FBB] =	sst s2  }
0x8f: {  	_ = 	snop  }
0x90: {  	s2 =	sld [smem:$0x3FD0];
	(tm) =	ssettm $0x1  }
0x91: {  	s18 =	sld [smem:$0x3FFB];
	_ =	sdelay $0x3  }
0x92: {  	_ =	strace s18  }
0x93: {  	s3 =	sld [smem:$0x3FFC];
	_ =	sdelay $0x3  }
0x94: {  	_ =	strace s3  }
0x95: {  	s3 =	sld [smem:$0x3FFD];
	_ =	sdelay $0x3  }
0x96: {  	_ =	strace s3  }
0x97: {  	_ =	strace $0x8FFFFFFF  }
0x98: {  	s19 =	sld [smem:$0x3FDB];
	_ =	sdelay $0x1  }
0x99: {  	s4 =	simm.s32 $_scs_section_size  }
0x9a: {  	s5 =	simm.s32 $_size__tile_overlayer_lowered;
	s6 =	simm.s32 $_tile_overlayer_lowered  }
0x9b: {  	s22 =	simm.s32 $0x1BFF;
	s21 =	sshll.u32 s6, $0x1;
	s3 =	sadd.s32 s4, s19  }
0x9c: {  	s7 =	simm.s32 $0x0;
	s20 =	sshll.u32 s5, $0x1;
	s5 =	sadd.s32 s21, s3  }
0x9d: {  	[timem:s7], [sflag:s22] =	dma.local [hbm:s5], s20  }
0x9e: {  	_ =	swait.ge [sflag:s22], s20  }
0x9f: {  	s4 =	ssub.s32 $0x0, s20;
	[sflag:s22] =	ssyncset.done $0x0  }
0xa0: {  	[sflag:s22] =	ssyncadd.s32 s4;
	_ =	sdelay $0x1  }
0xa1: {  	s23 =	simm.s32 $0x1B8B  }
0xa2: {  	_ =	swait.ge [sflag:s23], $0x1  }
0xa3: {  	[sflag:s23] =	ssyncset.done $0x0  }
0xa4: {  	s25 =	simm.s32 $0x1B8E;
	s24 =	sld [smem:$0x3FFE];
	[sflag:s23] =	ssyncadd.s32 $0xFFFFFFFF  }
0xa5: {  	s26 =	simm.s32 $execute0_lowered;
	[smem:$0x3FD2] =	sst s25  }
0xa6: {  	s5 =	sshll.u32 s26, $0x1;
	_ =	strace $0x8000004C;
	[dreg:$0x1] =	wrdreg $0xFFFFFFFF  }
0xa7: {  	s28 =	simm.s32 $_size_execute0_lowered;
	s3 =	sadd.s32 s3, s5;
	[dreg:$0x0] =	wrdreg $0x0  }
0xa8: {  	s5 =	sshll.u32 s28, $0x1;
	[dreg:$0x2] =	wrdreg s3  }
0xa9: {  	[dreg:$0x3] =	wrdreg s5  }
0xaa: {  	[dreg:$0x4] =	wrdreg $0xC0  }
0xab: {  	_ =	task [dreg:s7], $0x5FFFF  }
0xac: {  	[dreg:$0x1] =	wrdreg $0xFFFFFFFF  }
0xad: {  	[dreg:$0x0] =	wrdreg $0x60  }
0xae: {  	[dreg:$0x2] =	wrdreg s2  }
0xaf: {  	[dreg:$0x3] =	wrdreg s24  }
0xb0: {  	[dreg:$0x4] =	wrdreg $0x0  }
0xb1: {  	[dreg:$0x5] =	wrdreg $0x9  }
0xb2: {  	_ =	task.clear_ibuf [dreg:s7], $0x6FFFF;
	_ =	strace $0x9000004C  }
0xb3: {  	s29 =	simm.s32 $0x9;
	_ =	strace $0x8000004E  }
0xb4: {  	_ =	swait.ge [sflag:s29], $0x1  }
0xb5: {  	[sflag:s29] =	ssyncadd.s32 $0xFFFFFFFF  }
0xb6: {  	_ =	strace $0x9000004E  }
0xb7: {  	_ =	sfence  }
0xb8: {  	s30 =	sld [smem:$0x0];
	_ =	sdelay $0x2  }
0xb9: {  	s31 =	sshll.u32 s1, $0xD;
	s1 =	sshrl.u32 s1, $0x2  }
0xba: {  	s3 =	sand.u32 $0x4000, s31;
	s1 =	sadd.s32 s1, s30  }
0xbb: {  	s0 =	sor.u32 s3, s0;
	s1 =	sshll.u32 s1, $0x11  }
0xbc: {  	s0 =	sor.u32 s1, s0  }
0xbd: {  	s0 =	sadd.s32 $0x8F2B, s0  }
0xbe: {  	[sflag:s0] =	ssyncadd.remote.s32 $0x1  }
0xbf: {  	_ =	sfence.sel $0xFFFF  }
0xc0: {  	[dreg:$0x0] =	wrdreg $0xFFFFFFFF;
	(pc) =	sbr.abs _section_cstart, $3  }
0xc1: {  	[dreg:$0x1] =	wrdreg $0xFFFFFFFF  }
0xc2: {  	_ =	task.clear_ibuf [dreg:s7], $0x2FFFF;
	_ =	strace $0x9FFFFFFF  }
0xc3: {  	(tm) =	ssettm $0x7FFFFFFF  }
tec
execute0_lowered:
.L_overlay_start_1:
0x0: {  	(tag) =	ssettag $0x1  }
0x1: {  	s1 =	rddreg [dreg:$0x0]  }
0x2: {  	s5 =	rddreg [dreg:$0x1];
	s0 =	srdreg.scid  }
0x3: {  	s3 =	rddreg [dreg:$0x2];
	s2 =	stileid.u32  }
0x4: {  	s4 =	simm.s32 $0x0;
	s13 =	simm.s32 $0x500;
	s14 =	simm.s32 $0x2D00  }
0x5: {  	s15 =	simm.s32 $0x5500;
	s16 =	simm.s32 $0x80;
	s17 =	simm.s32 $0x1  }
0x6: {  	s18 =	simm.s32 $0x2;
	s19 =	simm.s32 $0x20;
	s20 =	simm.s32 $0x10  }
0x7: {  	s6 =	sand.u32 $0x1, s0;
	s0 =	rddreg [dreg:$0x3];
	s8 =	smul.u32 $0x500, s2  }
0x8: {  	s21 =	simm.s32 $0x0;
	[smem:$0x7FF] =	sst s4;
	s28 =	smul.u32 $0xA00, s2  }
0x9: {  	s7 =	sshll.u32 s6, $0x4;
	s9 =	sshll.u32 s6, $0x7;
	_ =	strace $0x8000004D  }
0xa: {  	s6 =	ssub.s32 $0x2, s6;
	s7 =	sor.u32 s2, s7;
	s8 =	sor.u32 s9, s8  }
0xb: {  	s30 =	sshrl.u32 s6, $0x1;
	s7 =	smul.u32 $0x500, s7;
	s29 =	sshrl.u32 s8, $0x3  }
0xc: {  	s31 =	sshrl.u32 s28, $0x2;
	s12 =	ssub.s32 s6, s30;
	s11 =	sadd.s32 s29, s5  }
0xd: {  	s10 =	sadd.s32 s7, s5;
	s5 =	sadd.s32 s31, s3;
	s9 =	sadd.s32 $0x15000, s11  }
0xe: {  	s11 =	simm.s32 $0x280;
	s6 =	sadd.s32 $0xCCA00, s10;
	s7 =	sadd.s32 $0x1000, s10  }
0xf: {  	v0 =	vimm.f32 $0.0e+00;
	s8 =	sadd.s32 $0xB000, s10;
	s10 =	smax.u32 s12, $0x1;
	s12 =	simm.s32 $0x3  }
.LBB2_1:
0x10: {  	[tilespmem:$0x280] =	vst v0  }
0x11: {  	[tilespmem:$0x290] =	vst v0  }
0x12: {  	[tilespmem:$0x2A0] =	vst v0  }
0x13: {  	[tilespmem:$0x2B0] =	vst v0  }
0x14: {  	[tilespmem:$0x2C0] =	vst v0  }
0x15: {  	[tilespmem:$0x2D0] =	vst v0  }
0x16: {  	[tilespmem:$0x2E0] =	vst v0  }
0x17: {  	[tilespmem:$0x2F0] =	vst v0  }
0x18: {  	[tilespmem:$0x300] =	vst v0  }
0x19: {  	[tilespmem:$0x310] =	vst v0  }
0x1a: {  	[tilespmem:$0x320] =	vst v0  }
0x1b: {  	[tilespmem:$0x330] =	vst v0  }
0x1c: {  	[tilespmem:$0x340] =	vst v0  }
0x1d: {  	[tilespmem:$0x350] =	vst v0  }
0x1e: {  	[tilespmem:$0x360] =	vst v0  }
0x1f: {  	[tilespmem:$0x370] =	vst v0  }
0x20: {  	[tilespmem:$0x380] =	vst v0  }
0x21: {  	[tilespmem:$0x390] =	vst v0  }
0x22: {  	[tilespmem:$0x3A0] =	vst v0  }
0x23: {  	[tilespmem:$0x3B0] =	vst v0  }
0x24: {  	[tilespmem:$0x3C0] =	vst v0  }
0x25: {  	[tilespmem:$0x3D0] =	vst v0  }
0x26: {  	[tilespmem:$0x3E0] =	vst v0  }
0x27: {  	[tilespmem:$0x3F0] =	vst v0  }
0x28: {  	[tilespmem:$0x400] =	vst v0  }
0x29: {  	[tilespmem:$0x410] =	vst v0  }
0x2a: {  	[tilespmem:$0x420] =	vst v0  }
0x2b: {  	[tilespmem:$0x430] =	vst v0  }
0x2c: {  	[tilespmem:$0x440] =	vst v0  }
0x2d: {  	[tilespmem:$0x450] =	vst v0  }
0x2e: {  	[tilespmem:$0x460] =	vst v0  }
0x2f: {  	[tilespmem:$0x470] =	vst v0  }
0x30: {  	[tilespmem:$0x480] =	vst v0  }
0x31: {  	[tilespmem:$0x490] =	vst v0  }
0x32: {  	[tilespmem:$0x4A0] =	vst v0  }
0x33: {  	[tilespmem:$0x4B0] =	vst v0  }
0x34: {  	[tilespmem:$0x4C0] =	vst v0  }
0x35: {  	[tilespmem:$0x4D0] =	vst v0  }
0x36: {  	[tilespmem:$0x4E0] =	vst v0  }
0x37: {  	[tilespmem:$0x4F0] =	vst v0  }
0x38: {  	[spmem:s5] =	stream.linear.scatter [tilespmem:s11], [sflag:$0x3], $0x280, $0x38;
	[tilespmem:$0xCD00] =	vst v63  }
0x39: {  	_ =	swait.ge [sflag:s12], $0x280  }
0x3a: {  	[sflag:s12] =	ssyncset.done $0x0  }
0x3b: {  	[sflag:s12] =	ssyncadd.s32 $0xFFFFFD80  }
0x3c: {  	[bflag:$0x0] =	sbarrier.arrive $0xFFFF  }
0x3d: {  	[tilespmem:s13], [sflag:$0x3] =	stream.linear.gather [hbm4b:s6+s4], $0x2800, $0x38;
	[tilespmem:$0xCD00] =	vst v63  }
0x3e: {  	_ =	swait.ge [sflag:s12], $0x2800  }
0x3f: {  	[sflag:s12] =	ssyncset.done $0x0  }
0x40: {  	[sflag:s12] =	ssyncadd.s32 $0xFFFFD800  }
0x41: {  	[tilespmem:s14], [sflag:$0x3] =	stream.linear.gather [hbm4b:s7+s4], $0x2800, $0x38;
	[tilespmem:$0xCD00] =	vst v63  }
0x42: {  	_ =	swait.ge [sflag:s12], $0x2800  }
0x43: {  	[sflag:s12] =	ssyncset.done $0x0  }
0x44: {  	[sflag:s12] =	ssyncadd.s32 $0xFFFFD800  }
0x45: {  	[tilespmem:s15], [sflag:$0x3] =	stream.linear.gather [hbm4b:s8+s4], $0x2800, $0x38;
	[tilespmem:$0xCD00] =	vst v63  }
0x46: {  	_ =	swait.ge [sflag:s12], $0x2800  }
0x47: {  	[sflag:s12] =	ssyncset.done $0x0  }
0x48: {  	s22 =	simm.s32 $0x0;
	[sflag:s12] =	ssyncadd.s32 $0xFFFFD800  }
.LBB2_2:
0x49: {  	p0 =	sne.s32 s22, $0x9E00  }
.Ltmp0:
0x4a: {  	_ = 	snop;
	(pc) =	sbr.rel @p0 .LBB2_2-.Ltmp0, $4  }
0x4b: {  	_ = 	snop  }
0x4c: {  	s23 =	sshra.s32 s22, $0x2  }
0x4d: {  	s22 =	sadd.s32 $0x200, s22;
	s24 =	sadd.s32 $0x7D00, s23;
	s23 =	sadd.s32 $0x500, s23  }
0x4e: {  	[tilespmem:s24], [sflag:$0x1] =	stream.indirect.gather [hbm4b:s1+s16], $0x1, s23, s16, $0xb8;
	[tilespmem:$0xCD00] =	vst v63  }
0x4f: {  	_ =	swait.ge [sflag:s17], $0x80  }
0x50: {  	s23 =	simm.s32 $0x4F;
	[sflag:s17] =	ssyncset.done $0x0  }
.LBB2_4:
0x51: {  	p0 =	sne.s32 s23, $0x1;
	s23 =	sadd.s32 $0xFFFFFFFF, s23;
	[sflag:s17] =	ssyncadd.s32 $0xFFFFFF80  }
.Ltmp1:
0x52: {  	(pc) =	sbr.rel @p0 .LBB2_4-.Ltmp1, $3  }
0x53: {  	_ =	sdelay $0x1  }
0x54: {  	_ =	swait.ge [sflag:s17], $0x80  }
0x55: {  	s22 =	simm.s32 $0x0;
	[sflag:s17] =	ssyncset.done $0x0  }
0x56: {  	[sflag:s17] =	ssyncadd.s32 $0xFFFFFF80;
	s23 =	simm.s32 $0x0  }
0x57: {  	v1 =	vld [tilespmem:s23+$0x7D70]  }
0x58: {  	v2 =	vld [tilespmem:s23+$0x5570]  }
0x59: {  	v3 =	vld [tilespmem:s23+$0x7D00]  }
0x5a: {  	v4 =	vld [tilespmem:s23+$0x5500]  }
0x5b: {  	v5 =	vld [tilespmem:s23+$0x7D10]  }
0x5c: {  	v6 =	vld [tilespmem:s23+$0x5510]  }
0x5d: {  	v7 =	vld [tilespmem:s23+$0x7D20]  }
0x5e: {  	v8 =	vld [tilespmem:s23+$0x7D30]  }
0x5f: {  	v1 =	vmul.f32 v2, v1;
	v2 =	vld [tilespmem:s23+$0x5520]  }
0x60: {  	v9 =	vld [tilespmem:s23+$0x5530]  }
0x61: {  	v10 =	vld [tilespmem:s23+$0x5540];
	v3 =	vmul.f32 v4, v3  }
0x62: {  	[tilespmem:s23+$0xA570] =	vst v1;
	v1 =	vmul.f32 v6, v5;
	v6 =	vld [tilespmem:s23+$0x7D40]  }
0x63: {  	v4 =	vld [tilespmem:s23+$0x5550];
	[tilespmem:s23+$0xA500] =	vst v3  }
0x64: {  	v3 =	vld [tilespmem:s23+$0x7D50];
	[tilespmem:s23+$0xA510] =	vst v1;
	v1 =	vmul.f32 v2, v7  }
0x65: {  	v5 =	vld [tilespmem:s23+$0x5560];
	v7 =	vmul.f32 v9, v8  }
0x66: {  	s24 =	simm.s32 $0x80;
	[tilespmem:s23+$0xA520] =	vst v1;
	v1 =	vld [tilespmem:s23+$0x7D60]  }
0x67: {  	s25 =	simm.s32 $0x400;
	v6 =	vmul.f32 v10, v6;
	v2 =	vld [tilespmem:s24+$0x7D70];
	[tilespmem:s23+$0xA530] =	vst v7  }
.LBB2_6:
0x68: {  	p0 =	sne.s32 s25, $0x9E00;
	v7 =	vld [tilespmem:s24+$0x5570]  }
0x69: {  	v8 =	vld [tilespmem:s24+$0x7D00];
	[tilespmem:s23+$0xA540] =	vst v6;
	v3 =	vmul.f32 v4, v3  }
0x6a: {  	v4 =	vld [tilespmem:s24+$0x5500]  }
0x6b: {  	v6 =	vld [tilespmem:s24+$0x7D10];
	[tilespmem:s23+$0xA550] =	vst v3;
	v1 =	vmul.f32 v5, v1  }
0x6c: {  	v3 =	vld [tilespmem:s24+$0x5510]  }
0x6d: {  	v5 =	vld [tilespmem:s24+$0x7D20];
	v2 =	vmul.f32 v7, v2;
	[tilespmem:s23+$0xA560] =	vst v1;
	s23 =	smov.u32 s24  }
0x6e: {  	v1 =	vld [tilespmem:s23+$0x5520]  }
0x6f: {  	v4 =	vmul.f32 v4, v8;
	v7 =	vld [tilespmem:s23+$0x7D30];
	[tilespmem:s23+$0xA570] =	vst v2  }
0x70: {  	v2 =	vld [tilespmem:s23+$0x5530]  }
0x71: {  	[tilespmem:s23+$0xA500] =	vst v4;
	v3 =	vmul.f32 v3, v6;
	v6 =	vld [tilespmem:s23+$0x7D40]  }
0x72: {  	v8 =	vld [tilespmem:s23+$0x5540]  }
.Ltmp2:
0x73: {  	[tilespmem:s23+$0xA510] =	vst v3;
	v1 =	vmul.f32 v1, v5;
	v3 =	vld [tilespmem:s23+$0x7D50];
	(pc) =	sbr.rel @p0 .LBB2_6-.Ltmp2, $4  }
0x74: {  	v4 =	vld [tilespmem:s23+$0x5550]  }
0x75: {  	[tilespmem:s23+$0xA520] =	vst v1;
	v7 =	vmul.f32 v2, v7;
	v1 =	vld [tilespmem:s23+$0x7D60]  }
0x76: {  	s24 =	sshra.s32 s25, $0x2;
	v5 =	vld [tilespmem:s23+$0x5560]  }
0x77: {  	s25 =	sadd.s32 $0x200, s25;
	v2 =	vld [tilespmem:s24+$0x7D70];
	[tilespmem:s23+$0xA530] =	vst v7;
	v6 =	vmul.f32 v8, v6  }
0x78: {  	v7 =	vld [tilespmem:s24+$0x5570]  }
0x79: {  	v8 =	vld [tilespmem:s24+$0x7D00];
	[tilespmem:s23+$0xA540] =	vst v6;
	v3 =	vmul.f32 v4, v3  }
0x7a: {  	v57 =	vld [tilespmem:s24+$0x5500]  }
0x7b: {  	v6 =	vld [tilespmem:s24+$0x7D10];
	[tilespmem:s23+$0xA550] =	vst v3;
	v1 =	vmul.f32 v5, v1  }
0x7c: {  	v3 =	vld [tilespmem:s24+$0x5510]  }
0x7d: {  	v58 =	vld [tilespmem:s24+$0x7D20];
	[tilespmem:s23+$0xA560] =	vst v1  }
0x7e: {  	v1 =	vmul.f32 v7, v2;
	v2 =	vld [tilespmem:s24+$0x5520]  }
0x7f: {  	v59 =	vld [tilespmem:s24+$0x7D30]  }
0x80: {  	v60 =	vld [tilespmem:s24+$0x7D40]  }
0x81: {  	v61 =	vld [tilespmem:s24+$0x5540]  }
0x82: {  	v62 =	vld [tilespmem:s24+$0x5550]  }
0x83: {  	[tilespmem:s24+$0xA570] =	vst v1;
	v1 =	vld [tilespmem:s24+$0x5530];
	v3 =	vmul.f32 v3, v6  }
0x84: {  	v63 =	vld [tilespmem:s24+$0x5560];
	v2 =	vmul.f32 v2, v58  }
0x85: {  	[tilespmem:s24+$0xA510] =	vst v3;
	v3 =	vld [tilespmem:s24+$0x7D50]  }
0x86: {  	[tilespmem:s24+$0xA520] =	vst v2;
	v2 =	vld [tilespmem:s24+$0x7D60]  }
0x87: {  	v4 =	vmul.f32 v57, v8  }
0x88: {  	v1 =	vmul.f32 v1, v59  }
0x89: {  	[tilespmem:s24+$0xA500] =	vst v4;
	v4 =	vmul.f32 v61, v60  }
0x8a: {  	[tilespmem:s24+$0xA530] =	vst v1;
	v1 =	vmul.f32 v62, v3  }
0x8b: {  	[tilespmem:s24+$0xA540] =	vst v4;
	v2 =	vmul.f32 v63, v2  }
0x8c: {  	[tilespmem:s24+$0xA550] =	vst v1  }
0x8d: {  	[tilespmem:s24+$0xA560] =	vst v2  }
.LBB2_8:
0x8e: {  	p0 =	sne.s32 s22, $0x9E00  }
.Ltmp3:
0x8f: {  	_ = 	snop;
	(pc) =	sbr.rel @p0 .LBB2_8-.Ltmp3, $4  }
0x90: {  	_ = 	snop  }
0x91: {  	s23 =	sshra.s32 s22, $0x2  }
0x92: {  	s22 =	sadd.s32 $0x200, s22;
	s24 =	sadd.s32 $0xA500, s23;
	s23 =	sadd.s32 $0x2D00, s23  }
0x93: {  	[spmem:s3] =	stream.indirect.scatter.add.f32 [tilespmem:s24], [sflag:$0x2], $0x1, s23, s16, $0xb8;
	[tilespmem:$0xCD00] =	vst v63  }
0x94: {  	_ =	swait.ge [sflag:s18], $0x80  }
0x95: {  	s22 =	simm.s32 $0x4F;
	[sflag:s18] =	ssyncset.done $0x0  }
.LBB2_10:
0x96: {  	p0 =	sne.s32 s22, $0x1;
	s22 =	sadd.s32 $0xFFFFFFFF, s22;
	[sflag:s18] =	ssyncadd.s32 $0xFFFFFF80  }
.Ltmp4:
0x97: {  	(pc) =	sbr.rel @p0 .LBB2_10-.Ltmp4, $3  }
0x98: {  	_ =	sdelay $0x1  }
0x99: {  	_ =	swait.ge [sflag:s18], $0x80  }
0x9a: {  	[sflag:s18] =	ssyncset.done $0x0  }
0x9b: {  	[sflag:s18] =	ssyncadd.s32 $0xFFFFFF80;
	s21 =	sadd.s32 $0x1, s21  }
0x9c: {  	s22 =	sshll.u32 s2, $0x6;
	s23 =	sshrl.u32 s5, $0x3;
	p0 =	sne.s32 s21, s10  }
.Ltmp5:
0x9d: {  	[bflag:$0x0] =	sbarrier.arrive $0xFFFF;
	s22 =	sor.u32 $0x1C03, s22;
	(pc) =	sbr.rel @p0 .LBB2_1-.Ltmp5, $4  }
0x9e: {  	[hbm:s9@s19], [sflag:s22] =	dma.strided [spmem:s23@s20], $0x50, s17, $0x10   }
0x9f: {  	_ =	swait.ge [sflag:s12], $0x50  }
0xa0: {  	[sflag:s12] =	ssyncset.done $0x0  }
0xa1: {  	[sflag:s12] =	ssyncadd.s32 $0xFFFFFFB0  }
0xa2: {  	_ =	sfence.sel $0x180000  }
0xa3: {  	[bflag:$0x0] =	sbarrier.arrive $0xFFFF  }
0xa4: {  	p0 =	sne.s32 s2, $0x0;
	_ =	strace $0x9000004D  }
0xa5: {  	s0 =	sadd.s32 @!p0 $0x100000, s0;
	[bflag:$0x2] =	sbarrier.arrive $0xFFFF  }
0xa6: {  	[sflag:s0] =	ssyncadd.tile.s32 @!p0 $0x1;
	_ =	shalt  }
.Lfunc_end2:
_tile_overlayer_lowered:
.L_overlay_start_2:
0xa7: {  	(tag) =	ssettag $0x2  }
0xa8: {  	s0 =	rddreg [dreg:$0x0];
	s2 =	stileid.u32  }
0xa9: {  	s1 =	rddreg [dreg:$0x1];
	p0 =	sne.s32 s2, $0x0  }
0xaa: {  	s3 =	rddreg [dreg:$0x2];
	[bflag:$0x3] =	sbarrier.arrive $0xFFFF;
	s2 =	simm.s32 @!p0 $0x1C03  }
0xab: {  	[timem:s3], [sflag:s2] =	dma.local @!p0 [hbm:s0], s1  }
0xac: {  	s0 =	simm.s32 @!p0 $0x3  }
0xad: {  	_ =	swait.ge @!p0 [sflag:s0], s1  }
0xae: {  	s1 =	ssub.s32 @!p0 $0x0, s1;
	[sflag:s0] =	ssyncset.done @!p0 $0x0  }
0xaf: {  	[sflag:s0] =	ssyncadd.s32 @!p0 s1  }
0xb0: {  	[bflag:$0x3] =	sbarrier.arrive $0xFFFF  }
0xb1: {  	_ =	shalt  }

// kernel: kernel.9.cloned.1.call-start
scs
__scs_entry_jumppad:
0x0: {  	(pc) =	sbr.rel $0x88, $3  }
0x1: {  	(tag) =	ssettag $0x0;
	lr =	simm.s32 $0x1  }
0x2: {  	[smem:$0x3F94] =	sst lr;
	_ =	strace $0xD0000000  }
0x3: {  	_ = 	snop  }
0x4: {  	_ = 	snop  }
0x5: {  	_ = 	snop  }
0x6: {  	_ = 	snop  }
0x7: {  	_ = 	snop  }
__scs_overlays_trampoline_lowered:
0x8: {  	[smem:$0x3FA3] =	sst s0  }
0x9: {  	[smem:$0x3FA4] =	sst s1  }
0xa: {  	[smem:$0x3FA5] =	sst s2  }
0xb: {  	[smem:$0x3FA6] =	sst s3  }
0xc: {  	[smem:$0x3FA7] =	sst s4  }
0xd: {  	[smem:$0x3FA8] =	sst s5  }
0xe: {  	[smem:$0x3FA9] =	sst s6  }
0xf: {  	[smem:$0x3FAA] =	sst s7  }
0x10: {  	[smem:$0x3FAB] =	sst s8  }
0x11: {  	[smem:$0x3FAC] =	sst s9;
	s0 =	simm.s32 @!p0 $0x0  }
0x12: {  	s1 =	sld [smem:$0x3F92];
	s0 =	simm.s32 @p0 $0x1  }
0x13: {  	[smem:$0x3FAD] =	sst s0;
	s0 =	simm.s32 @!p1 $0x0  }
0x14: {  	s2 =	sld [smem:$0x3F91];
	s0 =	simm.s32 @p1 $0x1  }
0x15: {  	[smem:$0x3FAE] =	sst s0;
	s0 =	simm.s32 @!p2 $0x0  }
0x16: {  	s3 =	sld [smem:$0x3FDB];
	s0 =	simm.s32 @p2 $0x1  }
0x17: {  	s4 =	simm.s32 $0x1BF5;
	[smem:$0x3FB0] =	sst s0  }
0x18: {  	s0 =	sld [smem:$0x3F93];
	_ =	swait.ge [sflag:s4], $0x0  }
0x19: {  	s7 =	sld [smem:$0x3F94]  }
0x1a: {  	s8 =	sadd.s32 $0xFFFFE003, lr  }
0x1b: {  	s9 =	sadd.s32 $0xFFFFFEF7, lr;
	s5 =	simm.s32 $0xFFFFFFFF;
	p2 =	slt.u32 s8, $0xFFFFF086  }
0x1c: {  	p1 =	slt.u32 s9, $0xF7A;
	s5 =	simm.s32 @!p2 $0x0  }
0x1d: {  	s5 =	simm.s32 @p1 $0x1;
	p0 =	seq.s32 s7, s2  }
0x1e: {  	s7 =	smul.u32 @!p0 $0xF7A, s2;
	p2 =	seq.s32 @!p0 s5, $0x0  }
0x1f: {  	s9 =	smul.u32 $0xF7A, s1;
	s8 =	simm.s32 @!p0 $0x1BF5;
	p2 =	por !p2, p0  }
0x20: {  	[sflag:s8] =	ssyncset.s32 @!p0 $0xFFFFF086;
	s6 =	sadd.s32 @!p0 s3, s7;
	s7 =	simm.s32 @!p0 $0x108  }
0x21: {  	s3 =	sadd.s32 s3, s9;
	s6 =	sadd.s32 @!p0 $0x88, s6;
	s7 =	simm.s32 @p2 $0x1082  }
0x22: {  	[simem:s7], [sflag:s8] =	dma.local @!p0 [hbm:s6], $0xF7A  }
0x23: {  	s9 =	sor.u32 $0xD0000000, s2;
	s6 =	simm.s32 $0x108;
	_ =	swait.ge @!p0 [sflag:s8], $0x0  }
0x24: {  	s3 =	sadd.s32 $0x88, s3;
	s6 =	simm.s32 @!p1 $0x1082;
	[sflag:s4] =	ssyncset.s32 $0xFFFFF086  }
0x25: {  	[simem:s6], [sflag:s4] =	dma.local [hbm:s3], $0xF7A  }
0x26: {  	[smem:$0x3F94] =	sst s1;
	(tag) =	ssettag s2;
	_ =	strace s9  }
0x27: {  	s1 =	sld [smem:$0x3FA4]  }
0x28: {  	s2 =	sld [smem:$0x3FA5]  }
0x29: {  	s4 =	sld [smem:$0x3FA7]  }
0x2a: {  	p0 =	seq.s32 s5, $0x0;
	s5 =	sld [smem:$0x3FA8]  }
0x2b: {  	s6 =	sld [smem:$0x3FA9]  }
0x2c: {  	s7 =	sld [smem:$0x3FAA]  }
0x2d: {  	s3 =	simm.s32 $0x108;
	s8 =	sld [smem:$0x3FAB]  }
0x2e: {  	s3 =	simm.s32 @!p0 $0x1082;
	s9 =	sld [smem:$0x3FAC]  }
0x2f: {  	lr =	sadd.s32 s0, s3;
	s0 =	sld [smem:$0x3FA3]  }
0x30: {  	s3 =	sld [smem:$0x3FA6]  }
0x31: {  	[smem:$0x3FAF] =	sst s10  }
0x32: {  	s10 =	sld [smem:$0x3FAD];
	_ =	sdelay $0x3  }
0x33: {  	p0 =	seq.s32 s10, $0x1;
	s10 =	sld [smem:$0x3FAF];
	_ =	sdelay $0x3  }
0x34: {  	[smem:$0x3FAF] =	sst s10  }
0x35: {  	s10 =	sld [smem:$0x3FAE];
	_ =	sdelay $0x3  }
0x36: {  	p1 =	seq.s32 s10, $0x1;
	s10 =	sld [smem:$0x3FAF];
	_ =	sdelay $0x3  }
0x37: {  	[smem:$0x3FAF] =	sst s10  }
0x38: {  	s10 =	sld [smem:$0x3FB0]  }
0x39: {  	_ = 	snop;
	(pc) =	sbr.ind lr, $3  }
0x3a: {  	_ = 	snop  }
0x3b: {  	_ = 	snop  }
0x3c: {  	p2 =	seq.s32 s10, $0x1;
	s10 =	sld [smem:$0x3FAF]  }
0x3d: {  	_ =	shalt  }
0x3e: {  	_ =	shalt  }
0x3f: {  	_ =	shalt  }
0x40: {  	_ =	shalt  }
0x41: {  	_ =	shalt  }
0x42: {  	_ =	shalt  }
0x43: {  	_ =	shalt  }
0x44: {  	_ =	shalt  }
0x45: {  	_ =	shalt  }
0x46: {  	_ =	shalt  }
0x47: {  	_ =	shalt  }
0x48: {  	_ =	shalt  }
0x49: {  	_ =	shalt  }
0x4a: {  	_ =	shalt  }
0x4b: {  	_ =	shalt  }
0x4c: {  	_ =	shalt  }
0x4d: {  	_ =	shalt  }
0x4e: {  	_ =	shalt  }
0x4f: {  	_ =	shalt  }
0x50: {  	_ =	shalt  }
0x51: {  	_ =	shalt  }
0x52: {  	_ =	shalt  }
0x53: {  	_ =	shalt  }
0x54: {  	_ =	shalt  }
0x55: {  	_ =	shalt  }
0x56: {  	_ =	shalt  }
0x57: {  	_ =	shalt  }
0x58: {  	_ =	shalt  }
0x59: {  	_ =	shalt  }
0x5a: {  	_ =	shalt  }
0x5b: {  	_ =	shalt  }
0x5c: {  	_ =	shalt  }
0x5d: {  	_ =	shalt  }
0x5e: {  	_ =	shalt  }
0x5f: {  	_ =	shalt  }
0x60: {  	_ =	shalt  }
0x61: {  	_ =	shalt  }
0x62: {  	_ =	shalt  }
0x63: {  	_ =	shalt  }
0x64: {  	_ =	shalt  }
0x65: {  	_ =	shalt  }
0x66: {  	_ =	shalt  }
0x67: {  	_ =	shalt  }
0x68: {  	_ =	shalt  }
0x69: {  	_ =	shalt  }
0x6a: {  	_ =	shalt  }
0x6b: {  	_ =	shalt  }
0x6c: {  	_ =	shalt  }
0x6d: {  	_ =	shalt  }
0x6e: {  	_ =	shalt  }
0x6f: {  	_ =	shalt  }
0x70: {  	_ =	shalt  }
0x71: {  	_ =	shalt  }
0x72: {  	_ =	shalt  }
0x73: {  	_ =	shalt  }
0x74: {  	_ =	shalt  }
0x75: {  	_ =	shalt  }
0x76: {  	_ =	shalt  }
0x77: {  	_ =	shalt  }
0x78: {  	_ =	shalt  }
0x79: {  	_ =	shalt  }
0x7a: {  	_ =	shalt  }
0x7b: {  	_ =	shalt  }
0x7c: {  	_ =	shalt  }
0x7d: {  	_ =	shalt  }
0x7e: {  	_ =	shalt  }
0x7f: {  	_ =	shalt  }
0x80: {  	_ =	shalt  }
0x81: {  	_ =	shalt  }
0x82: {  	_ =	shalt  }
0x83: {  	_ =	shalt  }
0x84: {  	_ =	shalt  }
0x85: {  	_ =	shalt  }
0x86: {  	_ =	shalt  }
0x87: {  	_ =	shalt  }
.Lfunc_end0:
.L_simem_size_0:
called_computation_lowered:
.L_overlay_start_0:
0x88: {  	s2 =	sld [smem:$0x3FD9]  }
0x89: {  	s3 =	sld [smem:$0x3FFE];
	_ =	sdelay $0x1  }
0x8a: {  	s1 =	srdreg.scid  }
0x8b: {  	s0 =	sand.u32 $0x1, s1  }
0x8c: {  	s16 =	sshll.u32 s0, $0xA;
	s2 =	sadd.s32 s3, s2  }
0x8d: {  	s2 =	sadd.s32 s2, s16  }
0x8e: {  	[smem:$0x3FBB] =	sst s2  }
0x8f: {  	_ = 	snop  }
0x90: {  	(tm) =	ssettm $0x1  }
0x91: {  	s17 =	sld [smem:$0x3FFB];
	_ =	sdelay $0x3  }
0x92: {  	_ =	strace s17  }
0x93: {  	s2 =	sld [smem:$0x3FFC];
	_ =	sdelay $0x3  }
0x94: {  	_ =	strace s2  }
0x95: {  	s2 =	sld [smem:$0x3FFD];
	_ =	sdelay $0x3  }
0x96: {  	_ =	strace s2  }
0x97: {  	_ =	strace $0x8FFFFFFF  }
0x98: {  	s18 =	sld [smem:$0x3FDB];
	_ =	sdelay $0x1  }
0x99: {  	s19 =	simm.s32 $_scs_section_size  }
0x9a: {  	s4 =	simm.s32 $_size__tile_overlayer_lowered;
	s5 =	simm.s32 $_tile_overlayer_lowered  }
0x9b: {  	s22 =	simm.s32 $0x1BFF;
	s21 =	sshll.u32 s5, $0x1;
	s2 =	sadd.s32 s19, s18  }
0x9c: {  	s6 =	simm.s32 $0x0;
	s20 =	sshll.u32 s4, $0x1;
	s4 =	sadd.s32 s21, s2  }
0x9d: {  	[timem:s6], [sflag:s22] =	dma.local [hbm:s4], s20  }
0x9e: {  	_ =	swait.ge [sflag:s22], s20  }
0x9f: {  	s3 =	ssub.s32 $0x0, s20;
	[sflag:s22] =	ssyncset.done $0x0  }
0xa0: {  	[sflag:s22] =	ssyncadd.s32 s3;
	_ =	sdelay $0x1  }
0xa1: {  	s23 =	simm.s32 $0x1B8B  }
0xa2: {  	_ =	swait.ge [sflag:s23], $0x1  }
0xa3: {  	[sflag:s23] =	ssyncset.done $0x0  }
0xa4: {  	s25 =	simm.s32 $0x1B8E;
	s24 =	sld [smem:$0x3FFE];
	[sflag:s23] =	ssyncadd.s32 $0xFFFFFFFF  }
0xa5: {  	s26 =	simm.s32 $execute0_lowered;
	[smem:$0x3FD2] =	sst s25  }
0xa6: {  	s4 =	sshll.u32 s26, $0x1;
	_ =	strace $0x80000046;
	[dreg:$0x1] =	wrdreg $0xFFFFFFFF  }
0xa7: {  	s28 =	simm.s32 $_size_execute0_lowered;
	s2 =	sadd.s32 s2, s4;
	[dreg:$0x0] =	wrdreg $0x0  }
0xa8: {  	s4 =	sshll.u32 s28, $0x1;
	[dreg:$0x2] =	wrdreg s2  }
0xa9: {  	[dreg:$0x3] =	wrdreg s4  }
0xaa: {  	[dreg:$0x4] =	wrdreg $0xC0  }
0xab: {  	_ =	task [dreg:s6], $0x5FFFF  }
0xac: {  	[dreg:$0x1] =	wrdreg $0xFFFFFFFF  }
0xad: {  	[dreg:$0x0] =	wrdreg $0x60  }
0xae: {  	[dreg:$0x2] =	wrdreg s24  }
0xaf: {  	[dreg:$0x3] =	wrdreg $0x0  }
0xb0: {  	[dreg:$0x4] =	wrdreg $0x9  }
0xb1: {  	_ =	task.clear_ibuf [dreg:s6], $0x5FFFF;
	_ =	strace $0x90000046  }
0xb2: {  	s29 =	simm.s32 $0x9;
	_ =	strace $0x80000048  }
0xb3: {  	_ =	swait.ge [sflag:s29], $0x1  }
0xb4: {  	[sflag:s29] =	ssyncadd.s32 $0xFFFFFFFF  }
0xb5: {  	_ =	strace $0x90000048  }
0xb6: {  	_ =	sfence  }
0xb7: {  	s30 =	sld [smem:$0x0];
	_ =	sdelay $0x2  }
0xb8: {  	s31 =	sshll.u32 s1, $0xD;
	s1 =	sshrl.u32 s1, $0x2  }
0xb9: {  	s3 =	sand.u32 $0x4000, s31;
	s1 =	sadd.s32 s1, s30  }
0xba: {  	s0 =	sor.u32 s3, s0;
	s1 =	sshll.u32 s1, $0x11  }
0xbb: {  	s0 =	sor.u32 s1, s0  }
0xbc: {  	s0 =	sadd.s32 $0x8F2B, s0  }
0xbd: {  	[sflag:s0] =	ssyncadd.remote.s32 $0x1  }
0xbe: {  	_ =	sfence.sel $0xFFFF  }
0xbf: {  	[dreg:$0x0] =	wrdreg $0xFFFFFFFF;
	(pc) =	sbr.abs _section_cstart, $3  }
0xc0: {  	[dreg:$0x1] =	wrdreg $0xFFFFFFFF  }
0xc1: {  	_ =	task.clear_ibuf [dreg:s6], $0x2FFFF;
	_ =	strace $0x9FFFFFFF  }
0xc2: {  	(tm) =	ssettm $0x7FFFFFFF  }
0xc3: {  	_ =	shalt  }
tec
execute0_lowered:
.L_overlay_start_1:
0x0: {  	(tag) =	ssettag $0x1  }
0x1: {  	s4 =	rddreg [dreg:$0x0];
	s0 =	srdreg.scid  }
0x2: {  	s2 =	rddreg [dreg:$0x1];
	s1 =	stileid.u32  }
0x3: {  	s3 =	simm.s32 $0x0;
	s10 =	simm.s32 $0x2;
	s11 =	simm.s32 $0x500  }
0x4: {  	s12 =	simm.s32 $0x2D00;
	s13 =	simm.s32 $0x80;
	s14 =	simm.s32 $0x1  }
0x5: {  	s17 =	simm.s32 $0x20;
	s18 =	simm.s32 $0x10;
	s19 =	simm.s32 $0x0  }
0x6: {  	s5 =	sand.u32 $0x1, s0;
	s0 =	rddreg [dreg:$0x2];
	s7 =	smul.u32 $0x500, s1  }
0x7: {  	[smem:$0x7FF] =	sst s3;
	s30 =	smul.u32 $0xA00, s1;
	s15 =	sshll.u32 s1, $0x6  }
0x8: {  	s6 =	sshll.u32 s5, $0x4;
	s8 =	sshll.u32 s5, $0x7;
	_ =	strace $0x80000047  }
0x9: {  	s5 =	ssub.s32 $0x2, s5;
	s15 =	sor.u32 $0x1C02, s15;
	s6 =	sor.u32 s1, s6  }
0xa: {  	s7 =	sor.u32 s8, s7;
	s31 =	sshrl.u32 s5, $0x1;
	s6 =	smul.u32 $0x500, s6  }
0xb: {  	s8 =	sshrl.u32 s30, $0x2;
	s7 =	sshrl.u32 s7, $0x3;
	s9 =	ssub.s32 s5, s31  }
0xc: {  	s7 =	sadd.s32 s7, s4;
	s6 =	sadd.s32 s6, s4;
	s4 =	sadd.s32 s8, s2  }
0xd: {  	s7 =	sadd.s32 $0x15000, s7;
	s8 =	smax.u32 s9, $0x1;
	s9 =	simm.s32 $0x280  }
0xe: {  	v0 =	vimm.f32 $0.0e+00;
	s5 =	sadd.s32 $0x1000, s6;
	s6 =	sadd.s32 $0xB000, s6;
	s16 =	sshrl.u32 s4, $0x3  }
.LBB2_1:
0xf: {  	[tilespmem:$0x280] =	vst v0  }
0x10: {  	[tilespmem:$0x290] =	vst v0  }
0x11: {  	[tilespmem:$0x2A0] =	vst v0  }
0x12: {  	[tilespmem:$0x2B0] =	vst v0  }
0x13: {  	[tilespmem:$0x2C0] =	vst v0  }
0x14: {  	[tilespmem:$0x2D0] =	vst v0  }
0x15: {  	[tilespmem:$0x2E0] =	vst v0  }
0x16: {  	[tilespmem:$0x2F0] =	vst v0  }
0x17: {  	[tilespmem:$0x300] =	vst v0  }
0x18: {  	[tilespmem:$0x310] =	vst v0  }
0x19: {  	[tilespmem:$0x320] =	vst v0  }
0x1a: {  	[tilespmem:$0x330] =	vst v0  }
0x1b: {  	[tilespmem:$0x340] =	vst v0  }
0x1c: {  	[tilespmem:$0x350] =	vst v0  }
0x1d: {  	[tilespmem:$0x360] =	vst v0  }
0x1e: {  	[tilespmem:$0x370] =	vst v0  }
0x1f: {  	[tilespmem:$0x380] =	vst v0  }
0x20: {  	[tilespmem:$0x390] =	vst v0  }
0x21: {  	[tilespmem:$0x3A0] =	vst v0  }
0x22: {  	[tilespmem:$0x3B0] =	vst v0  }
0x23: {  	[tilespmem:$0x3C0] =	vst v0  }
0x24: {  	[tilespmem:$0x3D0] =	vst v0  }
0x25: {  	[tilespmem:$0x3E0] =	vst v0  }
0x26: {  	[tilespmem:$0x3F0] =	vst v0  }
0x27: {  	[tilespmem:$0x400] =	vst v0  }
0x28: {  	[tilespmem:$0x410] =	vst v0  }
0x29: {  	[tilespmem:$0x420] =	vst v0  }
0x2a: {  	[tilespmem:$0x430] =	vst v0  }
0x2b: {  	[tilespmem:$0x440] =	vst v0  }
0x2c: {  	[tilespmem:$0x450] =	vst v0  }
0x2d: {  	[tilespmem:$0x460] =	vst v0  }
0x2e: {  	[tilespmem:$0x470] =	vst v0  }
0x2f: {  	[tilespmem:$0x480] =	vst v0  }
0x30: {  	[tilespmem:$0x490] =	vst v0  }
0x31: {  	[tilespmem:$0x4A0] =	vst v0  }
0x32: {  	[tilespmem:$0x4B0] =	vst v0  }
0x33: {  	[tilespmem:$0x4C0] =	vst v0  }
0x34: {  	[tilespmem:$0x4D0] =	vst v0  }
0x35: {  	[tilespmem:$0x4E0] =	vst v0  }
0x36: {  	[tilespmem:$0x4F0] =	vst v0  }
0x37: {  	[spmem:s4] =	stream.linear.scatter [tilespmem:s9], [sflag:$0x2], $0x280, $0x38;
	[tilespmem:$0x5500] =	vst v63  }
0x38: {  	_ =	swait.ge [sflag:s10], $0x280  }
0x39: {  	[sflag:s10] =	ssyncset.done $0x0  }
0x3a: {  	[sflag:s10] =	ssyncadd.s32 $0xFFFFFD80  }
0x3b: {  	[bflag:$0x0] =	sbarrier.arrive $0xFFFF  }
0x3c: {  	[tilespmem:s11], [sflag:$0x2] =	stream.linear.gather [hbm4b:s5+s3], $0x2800, $0x38;
	[tilespmem:$0x5500] =	vst v63  }
0x3d: {  	_ =	swait.ge [sflag:s10], $0x2800  }
0x3e: {  	[sflag:s10] =	ssyncset.done $0x0  }
0x3f: {  	[sflag:s10] =	ssyncadd.s32 $0xFFFFD800  }
0x40: {  	[tilespmem:s12], [sflag:$0x2] =	stream.linear.gather [hbm4b:s6+s3], $0x2800, $0x38;
	[tilespmem:$0x5500] =	vst v63  }
0x41: {  	_ =	swait.ge [sflag:s10], $0x2800  }
0x42: {  	[sflag:s10] =	ssyncset.done $0x0  }
0x43: {  	s20 =	simm.s32 $0x0;
	[sflag:s10] =	ssyncadd.s32 $0xFFFFD800  }
.LBB2_2:
0x44: {  	p0 =	sne.s32 s20, $0x9E00  }
.Ltmp0:
0x45: {  	_ = 	snop;
	(pc) =	sbr.rel @p0 .LBB2_2-.Ltmp0, $4  }
0x46: {  	_ = 	snop  }
0x47: {  	s21 =	sshra.s32 s20, $0x2  }
0x48: {  	s20 =	sadd.s32 $0x200, s20;
	s22 =	sadd.s32 $0x2D00, s21;
	s21 =	sadd.s32 $0x500, s21  }
0x49: {  	[spmem:s2] =	stream.indirect.scatter.add.f32 [tilespmem:s22], [sflag:$0x1], $0x1, s21, s13, $0xb8;
	[tilespmem:$0x5500] =	vst v63  }
0x4a: {  	_ =	swait.ge [sflag:s14], $0x80  }
0x4b: {  	s20 =	simm.s32 $0x4F;
	[sflag:s14] =	ssyncset.done $0x0  }
.LBB2_4:
0x4c: {  	p0 =	sne.s32 s20, $0x1;
	s20 =	sadd.s32 $0xFFFFFFFF, s20;
	[sflag:s14] =	ssyncadd.s32 $0xFFFFFF80  }
.Ltmp1:
0x4d: {  	(pc) =	sbr.rel @p0 .LBB2_4-.Ltmp1, $3  }
0x4e: {  	_ =	sdelay $0x1  }
0x4f: {  	_ =	swait.ge [sflag:s14], $0x80  }
0x50: {  	[sflag:s14] =	ssyncset.done $0x0  }
0x51: {  	s19 =	sadd.s32 $0x1, s19  }
0x52: {  	[sflag:s14] =	ssyncadd.s32 $0xFFFFFF80;
	p0 =	sne.s32 s19, s8  }
.Ltmp2:
0x53: {  	[bflag:$0x0] =	sbarrier.arrive $0xFFFF;
	(pc) =	sbr.rel @p0 .LBB2_1-.Ltmp2, $4  }
0x54: {  	[hbm:s7@s17], [sflag:s15] =	dma.strided [spmem:s16@s18], $0x50, s14, $0x10   }
0x55: {  	_ =	swait.ge [sflag:s10], $0x50  }
0x56: {  	[sflag:s10] =	ssyncset.done $0x0  }
0x57: {  	[sflag:s10] =	ssyncadd.s32 $0xFFFFFFB0  }
0x58: {  	_ =	sfence.sel $0x180000  }
0x59: {  	[bflag:$0x0] =	sbarrier.arrive $0xFFFF  }
0x5a: {  	p0 =	sne.s32 s1, $0x0;
	_ =	strace $0x90000047  }
0x5b: {  	s0 =	sadd.s32 @!p0 $0x100000, s0;
	[bflag:$0x2] =	sbarrier.arrive $0xFFFF  }
0x5c: {  	[sflag:s0] =	ssyncadd.tile.s32 @!p0 $0x1;
	_ =	shalt  }
.Lfunc_end2:
_tile_overlayer_lowered:
.L_overlay_start_2:
0x5d: {  	(tag) =	ssettag $0x2  }
0x5e: {  	s0 =	rddreg [dreg:$0x0];
	s2 =	stileid.u32  }
0x5f: {  	s1 =	rddreg [dreg:$0x1];
	p0 =	sne.s32 s2, $0x0  }
0x60: {  	s3 =	rddreg [dreg:$0x2];
	[bflag:$0x3] =	sbarrier.arrive $0xFFFF;
	s2 =	simm.s32 @!p0 $0x1C02  }
0x61: {  	[timem:s3], [sflag:s2] =	dma.local @!p0 [hbm:s0], s1  }
0x62: {  	s0 =	simm.s32 @!p0 $0x2  }
0x63: {  	_ =	swait.ge @!p0 [sflag:s0], s1  }
0x64: {  	s1 =	ssub.s32 @!p0 $0x0, s1;
	[sflag:s0] =	ssyncset.done @!p0 $0x0  }
0x65: {  	[sflag:s0] =	ssyncadd.s32 @!p0 s1  }
0x66: {  	[bflag:$0x3] =	sbarrier.arrive $0xFFFF  }
0x67: {  	_ =	shalt  }

</sc_bundles>
